<compile_context>
chip_gen: v7x
topology: tpu7x:2x2x1
jax: 0.10.2.dev20260603
libtpu: 0.0.44.dev20260713+nightly
codegen_flags: <defaults>
</compile_context>

<pallas_src>
import functools

import jax
import jax.numpy as jnp
from jax import lax
from jax.experimental import pallas as pl
from jax.experimental.pallas import tpu as pltpu
from jax.experimental.pallas import tpu_sc as plsc

B, N, D, C, K, OUT = 16, 512, 3, 16, 64, 16
BN = B * N
DC = D * C
NC, NS = 2, 16
NW = NC * NS
PW = BN // NW
CP = 8
CPK = CP * K
G = 128
NG = CPK // G
NCH = PW // CP


PB = 2


def _sc_weighted(ptcld, knn_local, w1t, wmat):
    mesh = plsc.VectorSubcoreMesh(core_axis_name="c", subcore_axis_name="s")

    @functools.partial(
        pl.kernel,
        out_type=jax.ShapeDtypeStruct((B, N, D * OUT), jnp.float32),
        mesh=mesh,
        scratch_types=[
            pltpu.VMEM((N, DC), jnp.float32),
            pltpu.VMEM((PW, K), jnp.int32),
            pltpu.VMEM((K, C), jnp.float32),
            pltpu.VMEM((C, OUT), jnp.float32),
            pltpu.VMEM((PW, D * OUT), jnp.float32),
            pltpu.SemaphoreType.DMA,
        ],
        compiler_params=pltpu.CompilerParams(
            use_tc_tiling_on_sc=False, needs_layout_passes=False),
    )
    def run(ptcld_hbm, idx_hbm, w1t_hbm, wmat_hbm, out_hbm,
            rows_v, idx_v, w1_v, wmat_v, wout_v, sem):
        wid = lax.axis_index("s") * NC + lax.axis_index("c")
        point0 = wid * PW
        bidx = wid // NC
        n0 = (wid % NC) * PW
        copies = [
            pltpu.async_copy(ptcld_hbm.at[bidx], rows_v, sem),
            pltpu.async_copy(idx_hbm.at[bidx, pl.ds(n0, PW)], idx_v, sem),
            pltpu.async_copy(w1t_hbm, w1_v, sem),
            pltpu.async_copy(wmat_hbm, wmat_v, sem),
        ]
        for h in copies:
            h.wait()

        iota = lax.iota(jnp.int32, 16)
        iotas = [iota, iota + 16, iota + 32]
        wrow = [wmat_v[c, :] for c in range(C)]

        @pl.loop(0, PW, step=PB)
        def _points(p0):
            z = jnp.zeros((16,), jnp.float32)
            acc = [[z, z, z] for _ in range(PB)]
            iv = [None] * PB
            for k in range(K):
                wk = w1_v[k, :]
                if k % 16 == 0:
                    for j in range(PB):
                        iv[j] = idx_v[p0 + j, pl.ds(k, 16)]
                for j in range(PB):
                    b = jnp.full((16,), iv[j][k % 16], jnp.int32)
                    for d in range(D):
                        acc[j][d] = acc[j][d] + wk * plsc.load_gather(
                            rows_v, [b, iotas[d]])
            for j in range(PB):
                for d in range(D):
                    a = acc[j][d]
                    o = jnp.full((16,), a[0], jnp.float32) * wrow[0]
                    for c in range(1, C):
                        o = o + jnp.full((16,), a[c], jnp.float32) * wrow[c]
                    wout_v[p0 + j, pl.ds(OUT * d, OUT)] = o

        pltpu.sync_copy(wout_v, out_hbm.at[bidx, pl.ds(n0, PW)])

    return run(ptcld, knn_local, w1t, wmat)


def _tc_prep(w1, w2):

    def body(w1_ref, w2_ref, w1t_ref, wmat_ref):
        w1m = w1_ref[...]
        w1t_ref[...] = w1m.T
        s1 = 1.0 / jnp.maximum(
            jnp.sqrt(jnp.sum(w1m * w1m, axis=1, keepdims=True)), 1e-12)
        w2m = w2_ref[...]
        s2 = 1.0 / jnp.maximum(
            jnp.sqrt(jnp.sum(w2m * w2m, axis=0, keepdims=True)), 1e-12)
        wmat_ref[...] = w2m * s2 * s1

    return pl.pallas_call(
        body,
        out_shape=(jax.ShapeDtypeStruct((K, C), jnp.float32),
                   jax.ShapeDtypeStruct((C, OUT), jnp.float32)),
    )(w1, w2)


def kernel(x, knn_matrix, w1, w2, conv_w, conv_b):
    del conv_w, conv_b
    ptcld = x.reshape(B, N, DC)
    idx = knn_matrix.astype(jnp.int32)
    w1t, wmat = _tc_prep(w1, w2)
    return _sc_weighted(ptcld, idx, w1t, wmat).reshape(B, N, D, OUT)

# --- scband reference (transcript-rebuilt; emitter-appended) ---
"""Pipeline reference for scband-w-fmlayer-89670327205972 (READ-ONLY COPY).

The authoritative reference and input builder live on the scoring server;
editing this copy changes nothing except your own understanding.
"""

import jax, jax.numpy as jnp
import numpy as np

B, N, D, C, K, OUT = 16, 512, 3, 16, 64, 16


def setup_inputs(seed: int = 0) -> dict:
    key = jax.random.key(seed)
    k1, k2, k3, k4, k5 = jax.random.split(key, 5)
    x = jax.random.normal(k1, (B, N, D, C), dtype=jnp.float32)
    knn_matrix = jax.random.randint(k2, (B, N, K), 0, N)
    w1 = jax.random.uniform(k3, (C, K), dtype=jnp.float32)
    w2 = jax.random.uniform(k4, (C, OUT), dtype=jnp.float32)
    conv_w = jax.random.normal(k5, (N, N, D, C), dtype=jnp.float32) * 0.01
    conv_b = jnp.zeros((N,), dtype=jnp.float32)
    return {"x": x, "knn_matrix": knn_matrix, "w1": w1, "w2": w2, "conv_w": conv_w, "conv_b": conv_b}


def reference(x, knn_matrix, w1, w2, conv_w, conv_b):
    # self.linear: Conv2d(num_points, num_points, (num_dims, in_channels)) + Sigmoid
    # input treated as NCHW with channels=N, spatial=(D, C); full kernel -> [B, N, 1, 1]
    v = jax.lax.conv_general_dilated(
        x, conv_w, window_strides=(1, 1), padding='VALID',
        dimension_numbers=('NCHW', 'OIHW', 'NCHW'))
    v = jax.nn.sigmoid(v + conv_b.reshape(1, N, 1, 1))
    # down_sample_rate == 1, so v is computed but unused (faithful to original)
    idx = (jnp.arange(B) * N).reshape(B, 1, 1)
    k2i = knn_matrix + idx
    ptcld = x.reshape(B * N, D * C)
    gathered = ptcld[k2i]  # [B, N, K, D*C]
    gathered = gathered.reshape(B, N, K, D, C)
    gathered = jnp.transpose(gathered, (0, 1, 3, 4, 2))  # [B, N, D, C, K]
    w1n = w1 / jnp.maximum(jnp.linalg.norm(w1, axis=1, keepdims=True), 1e-12)
    weighted = jnp.sum(gathered * w1n, axis=-1)  # [B, N, D, C]
    w2n = w2 / jnp.maximum(jnp.linalg.norm(w2, axis=0, keepdims=True), 1e-12)
    out = jnp.matmul(weighted, w2n)  # [B, N, D, OUT]
    return out

if __name__ == "__main__":
    import jax
    _d = setup_inputs()
    print(jax.jit(kernel)(*tuple(_d.values())))

</pallas_src>

<mosaic_0001>
#map = affine_map<(d0, d1) -> (0, 0, 0)>
#map1 = affine_map<(d0, d1) -> (0, 0)>
module attributes {stable_mosaic.version = 14 : i64} {
  func.func @run(%arg0: i32, %arg1: i32, %arg2: memref<16x512x48xf32, #tpu.memory_space<hbm>>, %arg3: memref<16x512x64xi32, #tpu.memory_space<hbm>>, %arg4: memref<64x16xf32, #tpu.memory_space<hbm>>, %arg5: memref<16x16xf32, #tpu.memory_space<hbm>>, %arg6: memref<16x512x48xf32, #tpu.memory_space<hbm>>, %arg7: memref<512x48xf32, #tpu.memory_space<vmem>>, %arg8: memref<256x64xi32, #tpu.memory_space<vmem>>, %arg9: memref<64x16xf32, #tpu.memory_space<vmem>>, %arg10: memref<16x16xf32, #tpu.memory_space<vmem>>, %arg11: memref<256x48xf32, #tpu.memory_space<vmem>>, %arg12: memref<!tpu.dma_semaphore, #tpu.memory_space<semaphore_mem>>) attributes {dimension_semantics = [#tpu.dimension_semantics<core_parallel>, #tpu.dimension_semantics<subcore_parallel>], iteration_bounds = array<i64: 2, 16>, scalar_prefetch = 0 : i64, scratch_operands = 6 : i64, tpu.core_type = #tpu.core_type<sc_vector_subcore>, window_params = [{transform_indices = #map}, {transform_indices = #map}, {transform_indices = #map1}, {transform_indices = #map1}, {transform_indices = #map}]} {
    %mul3A = arith.constant 2 : i32
    %mul3A_0 = arith.muli %arg1, %mul3A : i32
    %add3A = arith.addi %mul3A_0, %arg0 : i32
    %mul3A_1 = arith.constant 256 : i32
    %mul3A_2 = arith.muli %add3A, %mul3A_1 : i32
    %jit3A = arith.constant 2 : i32
    %div3A = arith.divsi %add3A, %jit3A : i32
    %sign3A = arith.constant 0 : i32
    %sign3A_3 = arith.cmpi sgt, %add3A, %sign3A : i32
    %sign3A_4 = arith.extui %sign3A_3 : i1 to i32
    %sign3A_5 = arith.constant 0 : i32
    %sign3A_6 = arith.cmpi slt, %add3A, %sign3A_5 : i32
    %sign3A_7 = arith.extui %sign3A_6 : i1 to i32
    %sign3A_8 = arith.subi %sign3A_4, %sign3A_7 : i32
    %sign3A_9 = arith.constant 0 : i32
    %sign3A_10 = arith.cmpi sgt, %jit3A, %sign3A_9 : i32
    %sign3A_11 = arith.extui %sign3A_10 : i1 to i32
    %sign3A_12 = arith.constant 0 : i32
    %sign3A_13 = arith.cmpi slt, %jit3A, %sign3A_12 : i32
    %sign3A_14 = arith.extui %sign3A_13 : i1 to i32
    %sign3A_15 = arith.subi %sign3A_11, %sign3A_14 : i32
    %ne3A = arith.cmpi ne, %sign3A_8, %sign3A_15 : i32
    %rem3A = arith.remsi %add3A, %jit3A : i32
    %ne3A_16 = arith.constant 0 : i32
    %ne3A_17 = arith.cmpi ne, %rem3A, %ne3A_16 : i32
    %and3A = arith.andi %ne3A, %ne3A_17 : i1
    %sub3A = arith.constant 1 : i32
    %sub3A_18 = arith.subi %div3A, %sub3A : i32
    %select_n3A = arith.select %and3A, %sub3A_18, %div3A : i32
    %jit3A_19 = arith.constant 2 : i32
    %eq3A = arith.constant 0 : i32
    %eq3A_20 = arith.cmpi eq, %jit3A_19, %eq3A : i32
    %jit3A_21 = arith.constant 1 : i32
    %select_n3A_22 = arith.select %eq3A_20, %jit3A_21, %jit3A_19 : i32
    %rem3A_23 = arith.remsi %add3A, %select_n3A_22 : i32
    %ne3A_24 = arith.constant 0 : i32
    %ne3A_25 = arith.cmpi ne, %rem3A_23, %ne3A_24 : i32
    %lt3A = arith.constant 0 : i32
    %lt3A_26 = arith.cmpi slt, %rem3A_23, %lt3A : i32
    %lt3A_27 = arith.constant 0 : i32
    %lt3A_28 = arith.cmpi slt, %select_n3A_22, %lt3A_27 : i32
    %ne3A_29 = arith.xori %lt3A_26, %lt3A_28 : i1
    %and3A_30 = arith.andi %ne3A_29, %ne3A_25 : i1
    %add3A_31 = arith.addi %rem3A_23, %select_n3A_22 : i32
    %select_n3A_32 = arith.select %and3A_30, %add3A_31, %rem3A_23 : i32
    %mul3A_33 = arith.constant 256 : i32
    %mul3A_34 = arith.muli %select_n3A_32, %mul3A_33 : i32
    %dma_start3A = arith.constant 0 : i32
    %dma_start3A_35 = arith.constant 0 : i32
    %dma_start3A_36 = tpu.memref_slice %arg2[%select_n3A, %dma_start3A, %dma_start3A_35] : memref<16x512x48xf32, #tpu.memory_space<hbm>> -> memref<1x512x48xf32, #tpu.memory_space<hbm>>
    %dma_start3A_37 = tpu.memref_squeeze %dma_start3A_36 : memref<1x512x48xf32, #tpu.memory_space<hbm>> -> memref<512x48xf32, #tpu.memory_space<hbm>>
    %dma_start3A_38 = arith.constant 0 : i32
    %dma_start3A_39 = arith.constant 0 : i32
    %dma_start3A_40 = tpu.memref_slice %arg2[%select_n3A, %dma_start3A_38, %dma_start3A_39] : memref<16x512x48xf32, #tpu.memory_space<hbm>> -> memref<1x512x48xf32, #tpu.memory_space<hbm>>
    %dma_start3A_41 = tpu.memref_squeeze %dma_start3A_40 : memref<1x512x48xf32, #tpu.memory_space<hbm>> -> memref<512x48xf32, #tpu.memory_space<hbm>>
    tpu.enqueue_dma source(%dma_start3A_41 : memref<512x48xf32, #tpu.memory_space<hbm>>) target(%arg7 : memref<512x48xf32, #tpu.memory_space<vmem>>) target_semaphore(%arg12 : memref<!tpu.dma_semaphore, #tpu.memory_space<semaphore_mem>>)
    %dma_start3A_42 = arith.constant 0 : i32
    %dma_start3A_43 = tpu.memref_slice %arg3[%select_n3A, %mul3A_34, %dma_start3A_42] : memref<16x512x64xi32, #tpu.memory_space<hbm>> -> memref<1x256x64xi32, #tpu.memory_space<hbm>>
    %dma_start3A_44 = tpu.memref_squeeze %dma_start3A_43 : memref<1x256x64xi32, #tpu.memory_space<hbm>> -> memref<256x64xi32, #tpu.memory_space<hbm>>
    %dma_start3A_45 = arith.constant 0 : i32
    %dma_start3A_46 = tpu.memref_slice %arg3[%select_n3A, %mul3A_34, %dma_start3A_45] : memref<16x512x64xi32, #tpu.memory_space<hbm>> -> memref<1x256x64xi32, #tpu.memory_space<hbm>>
    %dma_start3A_47 = tpu.memref_squeeze %dma_start3A_46 : memref<1x256x64xi32, #tpu.memory_space<hbm>> -> memref<256x64xi32, #tpu.memory_space<hbm>>
    tpu.enqueue_dma source(%dma_start3A_47 : memref<256x64xi32, #tpu.memory_space<hbm>>) target(%arg8 : memref<256x64xi32, #tpu.memory_space<vmem>>) target_semaphore(%arg12 : memref<!tpu.dma_semaphore, #tpu.memory_space<semaphore_mem>>)
    tpu.enqueue_dma source(%arg4 : memref<64x16xf32, #tpu.memory_space<hbm>>) target(%arg9 : memref<64x16xf32, #tpu.memory_space<vmem>>) target_semaphore(%arg12 : memref<!tpu.dma_semaphore, #tpu.memory_space<semaphore_mem>>)
    tpu.enqueue_dma source(%arg5 : memref<16x16xf32, #tpu.memory_space<hbm>>) target(%arg10 : memref<16x16xf32, #tpu.memory_space<vmem>>) target_semaphore(%arg12 : memref<!tpu.dma_semaphore, #tpu.memory_space<semaphore_mem>>)
    %dma_wait3A = arith.constant 0 : i32
    %dma_wait3A_48 = arith.constant 0 : i32
    %dma_wait3A_49 = tpu.memref_slice %arg2[%select_n3A, %dma_wait3A, %dma_wait3A_48] : memref<16x512x48xf32, #tpu.memory_space<hbm>> -> memref<1x512x48xf32, #tpu.memory_space<hbm>>
    %dma_wait3A_50 = tpu.memref_squeeze %dma_wait3A_49 : memref<1x512x48xf32, #tpu.memory_space<hbm>> -> memref<512x48xf32, #tpu.memory_space<hbm>>
    %dma_wait3A_51 = arith.constant 0 : i32
    %dma_wait3A_52 = arith.constant 0 : i32
    %dma_wait3A_53 = tpu.memref_slice %arg2[%select_n3A, %dma_wait3A_51, %dma_wait3A_52] : memref<16x512x48xf32, #tpu.memory_space<hbm>> -> memref<1x512x48xf32, #tpu.memory_space<hbm>>
    %dma_wait3A_54 = tpu.memref_squeeze %dma_wait3A_53 : memref<1x512x48xf32, #tpu.memory_space<hbm>> -> memref<512x48xf32, #tpu.memory_space<hbm>>
    tpu.wait_dma2 semaphore(%arg12 : memref<!tpu.dma_semaphore, #tpu.memory_space<semaphore_mem>>) src(%dma_wait3A_54 : memref<512x48xf32, #tpu.memory_space<hbm>>) dst(%arg7 : memref<512x48xf32, #tpu.memory_space<vmem>>)
    %dma_wait3A_55 = arith.constant 0 : i32
    %dma_wait3A_56 = tpu.memref_slice %arg3[%select_n3A, %mul3A_34, %dma_wait3A_55] : memref<16x512x64xi32, #tpu.memory_space<hbm>> -> memref<1x256x64xi32, #tpu.memory_space<hbm>>
    %dma_wait3A_57 = tpu.memref_squeeze %dma_wait3A_56 : memref<1x256x64xi32, #tpu.memory_space<hbm>> -> memref<256x64xi32, #tpu.memory_space<hbm>>
    %dma_wait3A_58 = arith.constant 0 : i32
    %dma_wait3A_59 = tpu.memref_slice %arg3[%select_n3A, %mul3A_34, %dma_wait3A_58] : memref<16x512x64xi32, #tpu.memory_space<hbm>> -> memref<1x256x64xi32, #tpu.memory_space<hbm>>
    %dma_wait3A_60 = tpu.memref_squeeze %dma_wait3A_59 : memref<1x256x64xi32, #tpu.memory_space<hbm>> -> memref<256x64xi32, #tpu.memory_space<hbm>>
    tpu.wait_dma2 semaphore(%arg12 : memref<!tpu.dma_semaphore, #tpu.memory_space<semaphore_mem>>) src(%dma_wait3A_60 : memref<256x64xi32, #tpu.memory_space<hbm>>) dst(%arg8 : memref<256x64xi32, #tpu.memory_space<vmem>>)
    tpu.wait_dma2 semaphore(%arg12 : memref<!tpu.dma_semaphore, #tpu.memory_space<semaphore_mem>>) src(%arg4 : memref<64x16xf32, #tpu.memory_space<hbm>>) dst(%arg9 : memref<64x16xf32, #tpu.memory_space<vmem>>)
    tpu.wait_dma2 semaphore(%arg12 : memref<!tpu.dma_semaphore, #tpu.memory_space<semaphore_mem>>) src(%arg5 : memref<16x16xf32, #tpu.memory_space<hbm>>) dst(%arg10 : memref<16x16xf32, #tpu.memory_space<vmem>>)
    %iota3A = tpu.iota {dimensions = array<i32: 0>} : vector<16xi32>
    %add3A_61 = arith.constant 16 : i32
    %add3A_62 = vector.broadcast %add3A_61 : i32 to vector<16xi32>
    %add3A_63 = arith.addi %iota3A, %add3A_62 : vector<16xi32>
    %add3A_64 = arith.constant 32 : i32
    %add3A_65 = vector.broadcast %add3A_64 : i32 to vector<16xi32>
    %add3A_66 = arith.addi %iota3A, %add3A_65 : vector<16xi32>
    %get3A = arith.constant 0 : i32
    %get3A_67 = arith.index_cast %get3A : i32 to index
    %get3A_68 = arith.constant 0 : index
    %get3A_69 = tpu.vector_load %arg10[%get3A_67, %get3A_68] {strides = array<i32>} : memref<16x16xf32, #tpu.memory_space<vmem>>, vector<16xf32>,
    %get3A_70 = arith.constant 1 : i32
    %get3A_71 = arith.index_cast %get3A_70 : i32 to index
    %get3A_72 = arith.constant 0 : index
    %get3A_73 = tpu.vector_load %arg10[%get3A_71, %get3A_72] {strides = array<i32>} : memref<16x16xf32, #tpu.memory_space<vmem>>, vector<16xf32>,
    %get3A_74 = arith.constant 2 : i32
    %get3A_75 = arith.index_cast %get3A_74 : i32 to index
    %get3A_76 = arith.constant 0 : index
    %get3A_77 = tpu.vector_load %arg10[%get3A_75, %get3A_76] {strides = array<i32>} : memref<16x16xf32, #tpu.memory_space<vmem>>, vector<16xf32>,
    %get3A_78 = arith.constant 3 : i32
    %get3A_79 = arith.index_cast %get3A_78 : i32 to index
    %get3A_80 = arith.constant 0 : index
    %get3A_81 = tpu.vector_load %arg10[%get3A_79, %get3A_80] {strides = array<i32>} : memref<16x16xf32, #tpu.memory_space<vmem>>, vector<16xf32>,
    %get3A_82 = arith.constant 4 : i32
    %get3A_83 = arith.index_cast %get3A_82 : i32 to index
    %get3A_84 = arith.constant 0 : index
    %get3A_85 = tpu.vector_load %arg10[%get3A_83, %get3A_84] {strides = array<i32>} : memref<16x16xf32, #tpu.memory_space<vmem>>, vector<16xf32>,
    %get3A_86 = arith.constant 5 : i32
    %get3A_87 = arith.index_cast %get3A_86 : i32 to index
    %get3A_88 = arith.constant 0 : index
    %get3A_89 = tpu.vector_load %arg10[%get3A_87, %get3A_88] {strides = array<i32>} : memref<16x16xf32, #tpu.memory_space<vmem>>, vector<16xf32>,
    %get3A_90 = arith.constant 6 : i32
    %get3A_91 = arith.index_cast %get3A_90 : i32 to index
    %get3A_92 = arith.constant 0 : index
    %get3A_93 = tpu.vector_load %arg10[%get3A_91, %get3A_92] {strides = array<i32>} : memref<16x16xf32, #tpu.memory_space<vmem>>, vector<16xf32>,
    %get3A_94 = arith.constant 7 : i32
    %get3A_95 = arith.index_cast %get3A_94 : i32 to index
    %get3A_96 = arith.constant 0 : index
    %get3A_97 = tpu.vector_load %arg10[%get3A_95, %get3A_96] {strides = array<i32>} : memref<16x16xf32, #tpu.memory_space<vmem>>, vector<16xf32>,
    %get3A_98 = arith.constant 8 : i32
    %get3A_99 = arith.index_cast %get3A_98 : i32 to index
    %get3A_100 = arith.constant 0 : index
    %get3A_101 = tpu.vector_load %arg10[%get3A_99, %get3A_100] {strides = array<i32>} : memref<16x16xf32, #tpu.memory_space<vmem>>, vector<16xf32>,
    %get3A_102 = arith.constant 9 : i32
    %get3A_103 = arith.index_cast %get3A_102 : i32 to index
    %get3A_104 = arith.constant 0 : index
    %get3A_105 = tpu.vector_load %arg10[%get3A_103, %get3A_104] {strides = array<i32>} : memref<16x16xf32, #tpu.memory_space<vmem>>, vector<16xf32>,
    %get3A_106 = arith.constant 10 : i32
    %get3A_107 = arith.index_cast %get3A_106 : i32 to index
    %get3A_108 = arith.constant 0 : index
    %get3A_109 = tpu.vector_load %arg10[%get3A_107, %get3A_108] {strides = array<i32>} : memref<16x16xf32, #tpu.memory_space<vmem>>, vector<16xf32>,
    %get3A_110 = arith.constant 11 : i32
    %get3A_111 = arith.index_cast %get3A_110 : i32 to index
    %get3A_112 = arith.constant 0 : index
    %get3A_113 = tpu.vector_load %arg10[%get3A_111, %get3A_112] {strides = array<i32>} : memref<16x16xf32, #tpu.memory_space<vmem>>, vector<16xf32>,
    %get3A_114 = arith.constant 12 : i32
    %get3A_115 = arith.index_cast %get3A_114 : i32 to index
    %get3A_116 = arith.constant 0 : index
    %get3A_117 = tpu.vector_load %arg10[%get3A_115, %get3A_116] {strides = array<i32>} : memref<16x16xf32, #tpu.memory_space<vmem>>, vector<16xf32>,
    %get3A_118 = arith.constant 13 : i32
    %get3A_119 = arith.index_cast %get3A_118 : i32 to index
    %get3A_120 = arith.constant 0 : index
    %get3A_121 = tpu.vector_load %arg10[%get3A_119, %get3A_120] {strides = array<i32>} : memref<16x16xf32, #tpu.memory_space<vmem>>, vector<16xf32>,
    %get3A_122 = arith.constant 14 : i32
    %get3A_123 = arith.index_cast %get3A_122 : i32 to index
    %get3A_124 = arith.constant 0 : index
    %get3A_125 = tpu.vector_load %arg10[%get3A_123, %get3A_124] {strides = array<i32>} : memref<16x16xf32, #tpu.memory_space<vmem>>, vector<16xf32>,
    %get3A_126 = arith.constant 15 : i32
    %get3A_127 = arith.index_cast %get3A_126 : i32 to index
    %get3A_128 = arith.constant 0 : index
    %get3A_129 = tpu.vector_load %arg10[%get3A_127, %get3A_128] {strides = array<i32>} : memref<16x16xf32, #tpu.memory_space<vmem>>, vector<16xf32>,
    %scan3A = arith.constant 0 : i32
    %scan3A_130 = arith.constant 128 : i32
    %scan3A_131 = arith.addi %scan3A, %scan3A_130 : i32
    %scan3A_132 = arith.constant 1 : i32
    scf.for %scan3A_134 = %scan3A to %scan3A_131 step %scan3A_132  : i32 {
      %mul3A_135 = arith.constant 2 : i32
      %mul3A_136 = arith.muli %scan3A_134, %mul3A_135 : i32
      %add3A_137 = arith.constant 0 : i32
      %add3A_138 = arith.addi %add3A_137, %mul3A_136 : i32
      %broadcast_in_dim3A = arith.constant 0.000000e+00 : f32
      %broadcast_in_dim3A_139 = vector.broadcast %broadcast_in_dim3A : f32 to vector<16xf32>
      %get3A_140 = arith.constant 0 : i32
      %get3A_141 = arith.index_cast %get3A_140 : i32 to index
      %get3A_142 = arith.constant 0 : index
      %get3A_143 = tpu.vector_load %arg9[%get3A_141, %get3A_142] {strides = array<i32>} : memref<64x16xf32, #tpu.memory_space<vmem>>, vector<16xf32>,
      %add3A_144 = arith.constant 0 : i32
      %add3A_145 = arith.addi %add3A_138, %add3A_144 : i32
      %get3A_146 = arith.index_cast %add3A_145 : i32 to index
      %get3A_147 = arith.constant 0 : index
      %get3A_148 = tpu.vector_load %arg8[%get3A_146, %get3A_147] {strides = array<i32>} : memref<256x64xi32, #tpu.memory_space<vmem>>, vector<16xi32>,
      %add3A_149 = arith.constant 1 : i32
      %add3A_150 = arith.addi %add3A_138, %add3A_149 : i32
      %get3A_151 = arith.index_cast %add3A_150 : i32 to index
      %get3A_152 = arith.constant 0 : index
      %get3A_153 = tpu.vector_load %arg8[%get3A_151, %get3A_152] {strides = array<i32>} : memref<256x64xi32, #tpu.memory_space<vmem>>, vector<16xi32>,
      %slice3A = vector.extract_strided_slice %get3A_148 {offsets = [0], sizes = [1], strides = [1]} : vector<16xi32> to vector<1xi32>
      %squeeze3A = vector.extract %slice3A[0] : i32 from vector<1xi32>
      %broadcast_in_dim3A_154 = vector.broadcast %squeeze3A : i32 to vector<16xi32>
      %gather3A = tpu.vector_load_idx %arg7[%broadcast_in_dim3A_154, %iota3A] : memref<512x48xf32, #tpu.memory_space<vmem>>[vector<16xi32>, vector<16xi32>], vector<16xf32>,
      %mul3A_155 = arith.mulf %get3A_143, %gather3A : vector<16xf32>
      %add3A_156 = arith.addf %broadcast_in_dim3A_139, %mul3A_155 : vector<16xf32>
      %gather3A_157 = tpu.vector_load_idx %arg7[%broadcast_in_dim3A_154, %add3A_63] : memref<512x48xf32, #tpu.memory_space<vmem>>[vector<16xi32>, vector<16xi32>], vector<16xf32>,
      %mul3A_158 = arith.mulf %get3A_143, %gather3A_157 : vector<16xf32>
      %add3A_159 = arith.addf %broadcast_in_dim3A_139, %mul3A_158 : vector<16xf32>
      %gather3A_160 = tpu.vector_load_idx %arg7[%broadcast_in_dim3A_154, %add3A_66] : memref<512x48xf32, #tpu.memory_space<vmem>>[vector<16xi32>, vector<16xi32>], vector<16xf32>,
      %mul3A_161 = arith.mulf %get3A_143, %gather3A_160 : vector<16xf32>
      %add3A_162 = arith.addf %broadcast_in_dim3A_139, %mul3A_161 : vector<16xf32>
      %slice3A_163 = vector.extract_strided_slice %get3A_153 {offsets = [0], sizes = [1], strides = [1]} : vector<16xi32> to vector<1xi32>
      %squeeze3A_164 = vector.extract %slice3A_163[0] : i32 from vector<1xi32>
      %broadcast_in_dim3A_165 = vector.broadcast %squeeze3A_164 : i32 to vector<16xi32>
      %gather3A_166 = tpu.vector_load_idx %arg7[%broadcast_in_dim3A_165, %iota3A] : memref<512x48xf32, #tpu.memory_space<vmem>>[vector<16xi32>, vector<16xi32>], vector<16xf32>,
      %mul3A_167 = arith.mulf %get3A_143, %gather3A_166 : vector<16xf32>
      %add3A_168 = arith.addf %broadcast_in_dim3A_139, %mul3A_167 : vector<16xf32>
      %gather3A_169 = tpu.vector_load_idx %arg7[%broadcast_in_dim3A_165, %add3A_63] : memref<512x48xf32, #tpu.memory_space<vmem>>[vector<16xi32>, vector<16xi32>], vector<16xf32>,
      %mul3A_170 = arith.mulf %get3A_143, %gather3A_169 : vector<16xf32>
      %add3A_171 = arith.addf %broadcast_in_dim3A_139, %mul3A_170 : vector<16xf32>
      %gather3A_172 = tpu.vector_load_idx %arg7[%broadcast_in_dim3A_165, %add3A_66] : memref<512x48xf32, #tpu.memory_space<vmem>>[vector<16xi32>, vector<16xi32>], vector<16xf32>,
      %mul3A_173 = arith.mulf %get3A_143, %gather3A_172 : vector<16xf32>
      %add3A_174 = arith.addf %broadcast_in_dim3A_139, %mul3A_173 : vector<16xf32>
      %get3A_175 = arith.constant 1 : i32
      %get3A_176 = arith.index_cast %get3A_175 : i32 to index
      %get3A_177 = arith.constant 0 : index
      %get3A_178 = tpu.vector_load %arg9[%get3A_176, %get3A_177] {strides = array<i32>} : memref<64x16xf32, #tpu.memory_space<vmem>>, vector<16xf32>,
      %slice3A_179 = vector.extract_strided_slice %get3A_148 {offsets = [1], sizes = [1], strides = [1]} : vector<16xi32> to vector<1xi32>
      %squeeze3A_180 = vector.extract %slice3A_179[0] : i32 from vector<1xi32>
      %broadcast_in_dim3A_181 = vector.broadcast %squeeze3A_180 : i32 to vector<16xi32>
      %gather3A_182 = tpu.vector_load_idx %arg7[%broadcast_in_dim3A_181, %iota3A] : memref<512x48xf32, #tpu.memory_space<vmem>>[vector<16xi32>, vector<16xi32>], vector<16xf32>,
      %mul3A_183 = arith.mulf %get3A_178, %gather3A_182 : vector<16xf32>
      %add3A_184 = arith.addf %add3A_156, %mul3A_183 : vector<16xf32>
      %gather3A_185 = tpu.vector_load_idx %arg7[%broadcast_in_dim3A_181, %add3A_63] : memref<512x48xf32, #tpu.memory_space<vmem>>[vector<16xi32>, vector<16xi32>], vector<16xf32>,
      %mul3A_186 = arith.mulf %get3A_178, %gather3A_185 : vector<16xf32>
      %add3A_187 = arith.addf %add3A_159, %mul3A_186 : vector<16xf32>
      %gather3A_188 = tpu.vector_load_idx %arg7[%broadcast_in_dim3A_181, %add3A_66] : memref<512x48xf32, #tpu.memory_space<vmem>>[vector<16xi32>, vector<16xi32>], vector<16xf32>,
      %mul3A_189 = arith.mulf %get3A_178, %gather3A_188 : vector<16xf32>
      %add3A_190 = arith.addf %add3A_162, %mul3A_189 : vector<16xf32>
      %slice3A_191 = vector.extract_strided_slice %get3A_153 {offsets = [1], sizes = [1], strides = [1]} : vector<16xi32> to vector<1xi32>
      %squeeze3A_192 = vector.extract %slice3A_191[0] : i32 from vector<1xi32>
      %broadcast_in_dim3A_193 = vector.broadcast %squeeze3A_192 : i32 to vector<16xi32>
      %gather3A_194 = tpu.vector_load_idx %arg7[%broadcast_in_dim3A_193, %iota3A] : memref<512x48xf32, #tpu.memory_space<vmem>>[vector<16xi32>, vector<16xi32>], vector<16xf32>,
      %mul3A_195 = arith.mulf %get3A_178, %gather3A_194 : vector<16xf32>
      %add3A_196 = arith.addf %add3A_168, %mul3A_195 : vector<16xf32>
      %gather3A_197 = tpu.vector_load_idx %arg7[%broadcast_in_dim3A_193, %add3A_63] : memref<512x48xf32, #tpu.memory_space<vmem>>[vector<16xi32>, vector<16xi32>], vector<16xf32>,
      %mul3A_198 = arith.mulf %get3A_178, %gather3A_197 : vector<16xf32>
      %add3A_199 = arith.addf %add3A_171, %mul3A_198 : vector<16xf32>
      %gather3A_200 = tpu.vector_load_idx %arg7[%broadcast_in_dim3A_193, %add3A_66] : memref<512x48xf32, #tpu.memory_space<vmem>>[vector<16xi32>, vector<16xi32>], vector<16xf32>,
      %mul3A_201 = arith.mulf %get3A_178, %gather3A_200 : vector<16xf32>
      %add3A_202 = arith.addf %add3A_174, %mul3A_201 : vector<16xf32>
      %get3A_203 = arith.constant 2 : i32
      %get3A_204 = arith.index_cast %get3A_203 : i32 to index
      %get3A_205 = arith.constant 0 : index
      %get3A_206 = tpu.vector_load %arg9[%get3A_204, %get3A_205] {strides = array<i32>} : memref<64x16xf32, #tpu.memory_space<vmem>>, vector<16xf32>,
      %slice3A_207 = vector.extract_strided_slice %get3A_148 {offsets = [2], sizes = [1], strides = [1]} : vector<16xi32> to vector<1xi32>
      %squeeze3A_208 = vector.extract %slice3A_207[0] : i32 from vector<1xi32>
      %broadcast_in_dim3A_209 = vector.broadcast %squeeze3A_208 : i32 to vector<16xi32>
      %gather3A_210 = tpu.vector_load_idx %arg7[%broadcast_in_dim3A_209, %iota3A] : memref<512x48xf32, #tpu.memory_space<vmem>>[vector<16xi32>, vector<16xi32>], vector<16xf32>,
      %mul3A_211 = arith.mulf %get3A_206, %gather3A_210 : vector<16xf32>
      %add3A_212 = arith.addf %add3A_184, %mul3A_211 : vector<16xf32>
      %gather3A_213 = tpu.vector_load_idx %arg7[%broadcast_in_dim3A_209, %add3A_63] : memref<512x48xf32, #tpu.memory_space<vmem>>[vector<16xi32>, vector<16xi32>], vector<16xf32>,
      %mul3A_214 = arith.mulf %get3A_206, %gather3A_213 : vector<16xf32>
      %add3A_215 = arith.addf %add3A_187, %mul3A_214 : vector<16xf32>
      %gather3A_216 = tpu.vector_load_idx %arg7[%broadcast_in_dim3A_209, %add3A_66] : memref<512x48xf32, #tpu.memory_space<vmem>>[vector<16xi32>, vector<16xi32>], vector<16xf32>,
      %mul3A_217 = arith.mulf %get3A_206, %gather3A_216 : vector<16xf32>
      %add3A_218 = arith.addf %add3A_190, %mul3A_217 : vector<16xf32>
      %slice3A_219 = vector.extract_strided_slice %get3A_153 {offsets = [2], sizes = [1], strides = [1]} : vector<16xi32> to vector<1xi32>
      %squeeze3A_220 = vector.extract %slice3A_219[0] : i32 from vector<1xi32>
      %broadcast_in_dim3A_221 = vector.broadcast %squeeze3A_220 : i32 to vector<16xi32>
      %gather3A_222 = tpu.vector_load_idx %arg7[%broadcast_in_dim3A_221, %iota3A] : memref<512x48xf32, #tpu.memory_space<vmem>>[vector<16xi32>, vector<16xi32>], vector<16xf32>,
      %mul3A_223 = arith.mulf %get3A_206, %gather3A_222 : vector<16xf32>
      %add3A_224 = arith.addf %add3A_196, %mul3A_223 : vector<16xf32>
      %gather3A_225 = tpu.vector_load_idx %arg7[%broadcast_in_dim3A_221, %add3A_63] : memref<512x48xf32, #tpu.memory_space<vmem>>[vector<16xi32>, vector<16xi32>], vector<16xf32>,
      %mul3A_226 = arith.mulf %get3A_206, %gather3A_225 : vector<16xf32>
      %add3A_227 = arith.addf %add3A_199, %mul3A_226 : vector<16xf32>
      %gather3A_228 = tpu.vector_load_idx %arg7[%broadcast_in_dim3A_221, %add3A_66] : memref<512x48xf32, #tpu.memory_space<vmem>>[vector<16xi32>, vector<16xi32>], vector<16xf32>,
      %mul3A_229 = arith.mulf %get3A_206, %gather3A_228 : vector<16xf32>
      %add3A_230 = arith.addf %add3A_202, %mul3A_229 : vector<16xf32>
      %get3A_231 = arith.constant 3 : i32
      %get3A_232 = arith.index_cast %get3A_231 : i32 to index
      %get3A_233 = arith.constant 0 : index
      %get3A_234 = tpu.vector_load %arg9[%get3A_232, %get3A_233] {strides = array<i32>} : memref<64x16xf32, #tpu.memory_space<vmem>>, vector<16xf32>,
      %slice3A_235 = vector.extract_strided_slice %get3A_148 {offsets = [3], sizes = [1], strides = [1]} : vector<16xi32> to vector<1xi32>
      %squeeze3A_236 = vector.extract %slice3A_235[0] : i32 from vector<1xi32>
      %broadcast_in_dim3A_237 = vector.broadcast %squeeze3A_236 : i32 to vector<16xi32>
      %gather3A_238 = tpu.vector_load_idx %arg7[%broadcast_in_dim3A_237, %iota3A] : memref<512x48xf32, #tpu.memory_space<vmem>>[vector<16xi32>, vector<16xi32>], vector<16xf32>,
      %mul3A_239 = arith.mulf %get3A_234, %gather3A_238 : vector<16xf32>
      %add3A_240 = arith.addf %add3A_212, %mul3A_239 : vector<16xf32>
      %gather3A_241 = tpu.vector_load_idx %arg7[%broadcast_in_dim3A_237, %add3A_63] : memref<512x48xf32, #tpu.memory_space<vmem>>[vector<16xi32>, vector<16xi32>], vector<16xf32>,
      %mul3A_242 = arith.mulf %get3A_234, %gather3A_241 : vector<16xf32>
      %add3A_243 = arith.addf %add3A_215, %mul3A_242 : vector<16xf32>
      %gather3A_244 = tpu.vector_load_idx %arg7[%broadcast_in_dim3A_237, %add3A_66] : memref<512x48xf32, #tpu.memory_space<vmem>>[vector<16xi32>, vector<16xi32>], vector<16xf32>,
      %mul3A_245 = arith.mulf %get3A_234, %gather3A_244 : vector<16xf32>
      %add3A_246 = arith.addf %add3A_218, %mul3A_245 : vector<16xf32>
      %slice3A_247 = vector.extract_strided_slice %get3A_153 {offsets = [3], sizes = [1], strides = [1]} : vector<16xi32> to vector<1xi32>
      %squeeze3A_248 = vector.extract %slice3A_247[0] : i32 from vector<1xi32>
      %broadcast_in_dim3A_249 = vector.broadcast %squeeze3A_248 : i32 to vector<16xi32>
      %gather3A_250 = tpu.vector_load_idx %arg7[%broadcast_in_dim3A_249, %iota3A] : memref<512x48xf32, #tpu.memory_space<vmem>>[vector<16xi32>, vector<16xi32>], vector<16xf32>,
      %mul3A_251 = arith.mulf %get3A_234, %gather3A_250 : vector<16xf32>
      %add3A_252 = arith.addf %add3A_224, %mul3A_251 : vector<16xf32>
      %gather3A_253 = tpu.vector_load_idx %arg7[%broadcast_in_dim3A_249, %add3A_63] : memref<512x48xf32, #tpu.memory_space<vmem>>[vector<16xi32>, vector<16xi32>], vector<16xf32>,
      %mul3A_254 = arith.mulf %get3A_234, %gather3A_253 : vector<16xf32>
      %add3A_255 = arith.addf %add3A_227, %mul3A_254 : vector<16xf32>
      %gather3A_256 = tpu.vector_load_idx %arg7[%broadcast_in_dim3A_249, %add3A_66] : memref<512x48xf32, #tpu.memory_space<vmem>>[vector<16xi32>, vector<16xi32>], vector<16xf32>,
      %mul3A_257 = arith.mulf %get3A_234, %gather3A_256 : vector<16xf32>
      %add3A_258 = arith.addf %add3A_230, %mul3A_257 : vector<16xf32>
      %get3A_259 = arith.constant 4 : i32
      %get3A_260 = arith.index_cast %get3A_259 : i32 to index
      %get3A_261 = arith.constant 0 : index
      %get3A_262 = tpu.vector_load %arg9[%get3A_260, %get3A_261] {strides = array<i32>} : memref<64x16xf32, #tpu.memory_space<vmem>>, vector<16xf32>,
      %slice3A_263 = vector.extract_strided_slice %get3A_148 {offsets = [4], sizes = [1], strides = [1]} : vector<16xi32> to vector<1xi32>
      %squeeze3A_264 = vector.extract %slice3A_263[0] : i32 from vector<1xi32>
      %broadcast_in_dim3A_265 = vector.broadcast %squeeze3A_264 : i32 to vector<16xi32>
      %gather3A_266 = tpu.vector_load_idx %arg7[%broadcast_in_dim3A_265, %iota3A] : memref<512x48xf32, #tpu.memory_space<vmem>>[vector<16xi32>, vector<16xi32>], vector<16xf32>,
      %mul3A_267 = arith.mulf %get3A_262, %gather3A_266 : vector<16xf32>
      %add3A_268 = arith.addf %add3A_240, %mul3A_267 : vector<16xf32>
      %gather3A_269 = tpu.vector_load_idx %arg7[%broadcast_in_dim3A_265, %add3A_63] : memref<512x48xf32, #tpu.memory_space<vmem>>[vector<16xi32>, vector<16xi32>], vector<16xf32>,
      %mul3A_270 = arith.mulf %get3A_262, %gather3A_269 : vector<16xf32>
      %add3A_271 = arith.addf %add3A_243, %mul3A_270 : vector<16xf32>
      %gather3A_272 = tpu.vector_load_idx %arg7[%broadcast_in_dim3A_265, %add3A_66] : memref<512x48xf32, #tpu.memory_space<vmem>>[vector<16xi32>, vector<16xi32>], vector<16xf32>,
      %mul3A_273 = arith.mulf %get3A_262, %gather3A_272 : vector<16xf32>
      %add3A_274 = arith.addf %add3A_246, %mul3A_273 : vector<16xf32>
      %slice3A_275 = vector.extract_strided_slice %get3A_153 {offsets = [4], sizes = [1], strides = [1]} : vector<16xi32> to vector<1xi32>
      %squeeze3A_276 = vector.extract %slice3A_275[0] : i32 from vector<1xi32>
      %broadcast_in_dim3A_277 = vector.broadcast %squeeze3A_276 : i32 to vector<16xi32>
      %gather3A_278 = tpu.vector_load_idx %arg7[%broadcast_in_dim3A_277, %iota3A] : memref<512x48xf32, #tpu.memory_space<vmem>>[vector<16xi32>, vector<16xi32>], vector<16xf32>,
      %mul3A_279 = arith.mulf %get3A_262, %gather3A_278 : vector<16xf32>
      %add3A_280 = arith.addf %add3A_252, %mul3A_279 : vector<16xf32>
      %gather3A_281 = tpu.vector_load_idx %arg7[%broadcast_in_dim3A_277, %add3A_63] : memref<512x48xf32, #tpu.memory_space<vmem>>[vector<16xi32>, vector<16xi32>], vector<16xf32>,
      %mul3A_282 = arith.mulf %get3A_262, %gather3A_281 : vector<16xf32>
      %add3A_283 = arith.addf %add3A_255, %mul3A_282 : vector<16xf32>
      %gather3A_284 = tpu.vector_load_idx %arg7[%broadcast_in_dim3A_277, %add3A_66] : memref<512x48xf32, #tpu.memory_space<vmem>>[vector<16xi32>, vector<16xi32>], vector<16xf32>,
      %mul3A_285 = arith.mulf %get3A_262, %gather3A_284 : vector<16xf32>
      %add3A_286 = arith.addf %add3A_258, %mul3A_285 : vector<16xf32>
      %get3A_287 = arith.constant 5 : i32
      %get3A_288 = arith.index_cast %get3A_287 : i32 to index
      %get3A_289 = arith.constant 0 : index
      %get3A_290 = tpu.vector_load %arg9[%get3A_288, %get3A_289] {strides = array<i32>} : memref<64x16xf32, #tpu.memory_space<vmem>>, vector<16xf32>,
      %slice3A_291 = vector.extract_strided_slice %get3A_148 {offsets = [5], sizes = [1], strides = [1]} : vector<16xi32> to vector<1xi32>
      %squeeze3A_292 = vector.extract %slice3A_291[0] : i32 from vector<1xi32>
      %broadcast_in_dim3A_293 = vector.broadcast %squeeze3A_292 : i32 to vector<16xi32>
      %gather3A_294 = tpu.vector_load_idx %arg7[%broadcast_in_dim3A_293, %iota3A] : memref<512x48xf32, #tpu.memory_space<vmem>>[vector<16xi32>, vector<16xi32>], vector<16xf32>,
      %mul3A_295 = arith.mulf %get3A_290, %gather3A_294 : vector<16xf32>
      %add3A_296 = arith.addf %add3A_268, %mul3A_295 : vector<16xf32>
      %gather3A_297 = tpu.vector_load_idx %arg7[%broadcast_in_dim3A_293, %add3A_63] : memref<512x48xf32, #tpu.memory_space<vmem>>[vector<16xi32>, vector<16xi32>], vector<16xf32>,
      %mul3A_298 = arith.mulf %get3A_290, %gather3A_297 : vector<16xf32>
      %add3A_299 = arith.addf %add3A_271, %mul3A_298 : vector<16xf32>
      %gather3A_300 = tpu.vector_load_idx %arg7[%broadcast_in_dim3A_293, %add3A_66] : memref<512x48xf32, #tpu.memory_space<vmem>>[vector<16xi32>, vector<16xi32>], vector<16xf32>,
      %mul3A_301 = arith.mulf %get3A_290, %gather3A_300 : vector<16xf32>
      %add3A_302 = arith.addf %add3A_274, %mul3A_301 : vector<16xf32>
      %slice3A_303 = vector.extract_strided_slice %get3A_153 {offsets = [5], sizes = [1], strides = [1]} : vector<16xi32> to vector<1xi32>
      %squeeze3A_304 = vector.extract %slice3A_303[0] : i32 from vector<1xi32>
      %broadcast_in_dim3A_305 = vector.broadcast %squeeze3A_304 : i32 to vector<16xi32>
      %gather3A_306 = tpu.vector_load_idx %arg7[%broadcast_in_dim3A_305, %iota3A] : memref<512x48xf32, #tpu.memory_space<vmem>>[vector<16xi32>, vector<16xi32>], vector<16xf32>,
      %mul3A_307 = arith.mulf %get3A_290, %gather3A_306 : vector<16xf32>
      %add3A_308 = arith.addf %add3A_280, %mul3A_307 : vector<16xf32>
      %gather3A_309 = tpu.vector_load_idx %arg7[%broadcast_in_dim3A_305, %add3A_63] : memref<512x48xf32, #tpu.memory_space<vmem>>[vector<16xi32>, vector<16xi32>], vector<16xf32>,
      %mul3A_310 = arith.mulf %get3A_290, %gather3A_309 : vector<16xf32>
      %add3A_311 = arith.addf %add3A_283, %mul3A_310 : vector<16xf32>
      %gather3A_312 = tpu.vector_load_idx %arg7[%broadcast_in_dim3A_305, %add3A_66] : memref<512x48xf32, #tpu.memory_space<vmem>>[vector<16xi32>, vector<16xi32>], vector<16xf32>,
      %mul3A_313 = arith.mulf %get3A_290, %gather3A_312 : vector<16xf32>
      %add3A_314 = arith.addf %add3A_286, %mul3A_313 : vector<16xf32>
      %get3A_315 = arith.constant 6 : i32
      %get3A_316 = arith.index_cast %get3A_315 : i32 to index
      %get3A_317 = arith.constant 0 : index
      %get3A_318 = tpu.vector_load %arg9[%get3A_316, %get3A_317] {strides = array<i32>} : memref<64x16xf32, #tpu.memory_space<vmem>>, vector<16xf32>,
      %slice3A_319 = vector.extract_strided_slice %get3A_148 {offsets = [6], sizes = [1], strides = [1]} : vector<16xi32> to vector<1xi32>
      %squeeze3A_320 = vector.extract %slice3A_319[0] : i32 from vector<1xi32>
      %broadcast_in_dim3A_321 = vector.broadcast %squeeze3A_320 : i32 to vector<16xi32>
      %gather3A_322 = tpu.vector_load_idx %arg7[%broadcast_in_dim3A_321, %iota3A] : memref<512x48xf32, #tpu.memory_space<vmem>>[vector<16xi32>, vector<16xi32>], vector<16xf32>,
      %mul3A_323 = arith.mulf %get3A_318, %gather3A_322 : vector<16xf32>
      %add3A_324 = arith.addf %add3A_296, %mul3A_323 : vector<16xf32>
      %gather3A_325 = tpu.vector_load_idx %arg7[%broadcast_in_dim3A_321, %add3A_63] : memref<512x48xf32, #tpu.memory_space<vmem>>[vector<16xi32>, vector<16xi32>], vector<16xf32>,
      %mul3A_326 = arith.mulf %get3A_318, %gather3A_325 : vector<16xf32>
      %add3A_327 = arith.addf %add3A_299, %mul3A_326 : vector<16xf32>
      %gather3A_328 = tpu.vector_load_idx %arg7[%broadcast_in_dim3A_321, %add3A_66] : memref<512x48xf32, #tpu.memory_space<vmem>>[vector<16xi32>, vector<16xi32>], vector<16xf32>,
      %mul3A_329 = arith.mulf %get3A_318, %gather3A_328 : vector<16xf32>
      %add3A_330 = arith.addf %add3A_302, %mul3A_329 : vector<16xf32>
      %slice3A_331 = vector.extract_strided_slice %get3A_153 {offsets = [6], sizes = [1], strides = [1]} : vector<16xi32> to vector<1xi32>
      %squeeze3A_332 = vector.extract %slice3A_331[0] : i32 from vector<1xi32>
      %broadcast_in_dim3A_333 = vector.broadcast %squeeze3A_332 : i32 to vector<16xi32>
      %gather3A_334 = tpu.vector_load_idx %arg7[%broadcast_in_dim3A_333, %iota3A] : memref<512x48xf32, #tpu.memory_space<vmem>>[vector<16xi32>, vector<16xi32>], vector<16xf32>,
      %mul3A_335 = arith.mulf %get3A_318, %gather3A_334 : vector<16xf32>
      %add3A_336 = arith.addf %add3A_308, %mul3A_335 : vector<16xf32>
      %gather3A_337 = tpu.vector_load_idx %arg7[%broadcast_in_dim3A_333, %add3A_63] : memref<512x48xf32, #tpu.memory_space<vmem>>[vector<16xi32>, vector<16xi32>], vector<16xf32>,
      %mul3A_338 = arith.mulf %get3A_318, %gather3A_337 : vector<16xf32>
      %add3A_339 = arith.addf %add3A_311, %mul3A_338 : vector<16xf32>
      %gather3A_340 = tpu.vector_load_idx %arg7[%broadcast_in_dim3A_333, %add3A_66] : memref<512x48xf32, #tpu.memory_space<vmem>>[vector<16xi32>, vector<16xi32>], vector<16xf32>,
      %mul3A_341 = arith.mulf %get3A_318, %gather3A_340 : vector<16xf32>
      %add3A_342 = arith.addf %add3A_314, %mul3A_341 : vector<16xf32>
      %get3A_343 = arith.constant 7 : i32
      %get3A_344 = arith.index_cast %get3A_343 : i32 to index
      %get3A_345 = arith.constant 0 : index
      %get3A_346 = tpu.vector_load %arg9[%get3A_344, %get3A_345] {strides = array<i32>} : memref<64x16xf32, #tpu.memory_space<vmem>>, vector<16xf32>,
      %slice3A_347 = vector.extract_strided_slice %get3A_148 {offsets = [7], sizes = [1], strides = [1]} : vector<16xi32> to vector<1xi32>
      %squeeze3A_348 = vector.extract %slice3A_347[0] : i32 from vector<1xi32>
      %broadcast_in_dim3A_349 = vector.broadcast %squeeze3A_348 : i32 to vector<16xi32>
      %gather3A_350 = tpu.vector_load_idx %arg7[%broadcast_in_dim3A_349, %iota3A] : memref<512x48xf32, #tpu.memory_space<vmem>>[vector<16xi32>, vector<16xi32>], vector<16xf32>,
      %mul3A_351 = arith.mulf %get3A_346, %gather3A_350 : vector<16xf32>
      %add3A_352 = arith.addf %add3A_324, %mul3A_351 : vector<16xf32>
      %gather3A_353 = tpu.vector_load_idx %arg7[%broadcast_in_dim3A_349, %add3A_63] : memref<512x48xf32, #tpu.memory_space<vmem>>[vector<16xi32>, vector<16xi32>], vector<16xf32>,
      %mul3A_354 = arith.mulf %get3A_346, %gather3A_353 : vector<16xf32>
      %add3A_355 = arith.addf %add3A_327, %mul3A_354 : vector<16xf32>
      %gather3A_356 = tpu.vector_load_idx %arg7[%broadcast_in_dim3A_349, %add3A_66] : memref<512x48xf32, #tpu.memory_space<vmem>>[vector<16xi32>, vector<16xi32>], vector<16xf32>,
      %mul3A_357 = arith.mulf %get3A_346, %gather3A_356 : vector<16xf32>
      %add3A_358 = arith.addf %add3A_330, %mul3A_357 : vector<16xf32>
      %slice3A_359 = vector.extract_strided_slice %get3A_153 {offsets = [7], sizes = [1], strides = [1]} : vector<16xi32> to vector<1xi32>
      %squeeze3A_360 = vector.extract %slice3A_359[0] : i32 from vector<1xi32>
      %broadcast_in_dim3A_361 = vector.broadcast %squeeze3A_360 : i32 to vector<16xi32>
      %gather3A_362 = tpu.vector_load_idx %arg7[%broadcast_in_dim3A_361, %iota3A] : memref<512x48xf32, #tpu.memory_space<vmem>>[vector<16xi32>, vector<16xi32>], vector<16xf32>,
      %mul3A_363 = arith.mulf %get3A_346, %gather3A_362 : vector<16xf32>
      %add3A_364 = arith.addf %add3A_336, %mul3A_363 : vector<16xf32>
      %gather3A_365 = tpu.vector_load_idx %arg7[%broadcast_in_dim3A_361, %add3A_63] : memref<512x48xf32, #tpu.memory_space<vmem>>[vector<16xi32>, vector<16xi32>], vector<16xf32>,
      %mul3A_366 = arith.mulf %get3A_346, %gather3A_365 : vector<16xf32>
      %add3A_367 = arith.addf %add3A_339, %mul3A_366 : vector<16xf32>
      %gather3A_368 = tpu.vector_load_idx %arg7[%broadcast_in_dim3A_361, %add3A_66] : memref<512x48xf32, #tpu.memory_space<vmem>>[vector<16xi32>, vector<16xi32>], vector<16xf32>,
      %mul3A_369 = arith.mulf %get3A_346, %gather3A_368 : vector<16xf32>
      %add3A_370 = arith.addf %add3A_342, %mul3A_369 : vector<16xf32>
      %get3A_371 = arith.constant 8 : i32
      %get3A_372 = arith.index_cast %get3A_371 : i32 to index
      %get3A_373 = arith.constant 0 : index
      %get3A_374 = tpu.vector_load %arg9[%get3A_372, %get3A_373] {strides = array<i32>} : memref<64x16xf32, #tpu.memory_space<vmem>>, vector<16xf32>,
      %slice3A_375 = vector.extract_strided_slice %get3A_148 {offsets = [8], sizes = [1], strides = [1]} : vector<16xi32> to vector<1xi32>
      %squeeze3A_376 = vector.extract %slice3A_375[0] : i32 from vector<1xi32>
      %broadcast_in_dim3A_377 = vector.broadcast %squeeze3A_376 : i32 to vector<16xi32>
      %gather3A_378 = tpu.vector_load_idx %arg7[%broadcast_in_dim3A_377, %iota3A] : memref<512x48xf32, #tpu.memory_space<vmem>>[vector<16xi32>, vector<16xi32>], vector<16xf32>,
      %mul3A_379 = arith.mulf %get3A_374, %gather3A_378 : vector<16xf32>
      %add3A_380 = arith.addf %add3A_352, %mul3A_379 : vector<16xf32>
      %gather3A_381 = tpu.vector_load_idx %arg7[%broadcast_in_dim3A_377, %add3A_63] : memref<512x48xf32, #tpu.memory_space<vmem>>[vector<16xi32>, vector<16xi32>], vector<16xf32>,
      %mul3A_382 = arith.mulf %get3A_374, %gather3A_381 : vector<16xf32>
      %add3A_383 = arith.addf %add3A_355, %mul3A_382 : vector<16xf32>
      %gather3A_384 = tpu.vector_load_idx %arg7[%broadcast_in_dim3A_377, %add3A_66] : memref<512x48xf32, #tpu.memory_space<vmem>>[vector<16xi32>, vector<16xi32>], vector<16xf32>,
      %mul3A_385 = arith.mulf %get3A_374, %gather3A_384 : vector<16xf32>
      %add3A_386 = arith.addf %add3A_358, %mul3A_385 : vector<16xf32>
      %slice3A_387 = vector.extract_strided_slice %get3A_153 {offsets = [8], sizes = [1], strides = [1]} : vector<16xi32> to vector<1xi32>
      %squeeze3A_388 = vector.extract %slice3A_387[0] : i32 from vector<1xi32>
      %broadcast_in_dim3A_389 = vector.broadcast %squeeze3A_388 : i32 to vector<16xi32>
      %gather3A_390 = tpu.vector_load_idx %arg7[%broadcast_in_dim3A_389, %iota3A] : memref<512x48xf32, #tpu.memory_space<vmem>>[vector<16xi32>, vector<16xi32>], vector<16xf32>,
      %mul3A_391 = arith.mulf %get3A_374, %gather3A_390 : vector<16xf32>
      %add3A_392 = arith.addf %add3A_364, %mul3A_391 : vector<16xf32>
      %gather3A_393 = tpu.vector_load_idx %arg7[%broadcast_in_dim3A_389, %add3A_63] : memref<512x48xf32, #tpu.memory_space<vmem>>[vector<16xi32>, vector<16xi32>], vector<16xf32>,
      %mul3A_394 = arith.mulf %get3A_374, %gather3A_393 : vector<16xf32>
      %add3A_395 = arith.addf %add3A_367, %mul3A_394 : vector<16xf32>
      %gather3A_396 = tpu.vector_load_idx %arg7[%broadcast_in_dim3A_389, %add3A_66] : memref<512x48xf32, #tpu.memory_space<vmem>>[vector<16xi32>, vector<16xi32>], vector<16xf32>,
      %mul3A_397 = arith.mulf %get3A_374, %gather3A_396 : vector<16xf32>
      %add3A_398 = arith.addf %add3A_370, %mul3A_397 : vector<16xf32>
      %get3A_399 = arith.constant 9 : i32
      %get3A_400 = arith.index_cast %get3A_399 : i32 to index
      %get3A_401 = arith.constant 0 : index
      %get3A_402 = tpu.vector_load %arg9[%get3A_400, %get3A_401] {strides = array<i32>} : memref<64x16xf32, #tpu.memory_space<vmem>>, vector<16xf32>,
      %slice3A_403 = vector.extract_strided_slice %get3A_148 {offsets = [9], sizes = [1], strides = [1]} : vector<16xi32> to vector<1xi32>
      %squeeze3A_404 = vector.extract %slice3A_403[0] : i32 from vector<1xi32>
      %broadcast_in_dim3A_405 = vector.broadcast %squeeze3A_404 : i32 to vector<16xi32>
      %gather3A_406 = tpu.vector_load_idx %arg7[%broadcast_in_dim3A_405, %iota3A] : memref<512x48xf32, #tpu.memory_space<vmem>>[vector<16xi32>, vector<16xi32>], vector<16xf32>,
      %mul3A_407 = arith.mulf %get3A_402, %gather3A_406 : vector<16xf32>
      %add3A_408 = arith.addf %add3A_380, %mul3A_407 : vector<16xf32>
      %gather3A_409 = tpu.vector_load_idx %arg7[%broadcast_in_dim3A_405, %add3A_63] : memref<512x48xf32, #tpu.memory_space<vmem>>[vector<16xi32>, vector<16xi32>], vector<16xf32>,
      %mul3A_410 = arith.mulf %get3A_402, %gather3A_409 : vector<16xf32>
      %add3A_411 = arith.addf %add3A_383, %mul3A_410 : vector<16xf32>
      %gather3A_412 = tpu.vector_load_idx %arg7[%broadcast_in_dim3A_405, %add3A_66] : memref<512x48xf32, #tpu.memory_space<vmem>>[vector<16xi32>, vector<16xi32>], vector<16xf32>,
      %mul3A_413 = arith.mulf %get3A_402, %gather3A_412 : vector<16xf32>
      %add3A_414 = arith.addf %add3A_386, %mul3A_413 : vector<16xf32>
      %slice3A_415 = vector.extract_strided_slice %get3A_153 {offsets = [9], sizes = [1], strides = [1]} : vector<16xi32> to vector<1xi32>
      %squeeze3A_416 = vector.extract %slice3A_415[0] : i32 from vector<1xi32>
      %broadcast_in_dim3A_417 = vector.broadcast %squeeze3A_416 : i32 to vector<16xi32>
      %gather3A_418 = tpu.vector_load_idx %arg7[%broadcast_in_dim3A_417, %iota3A] : memref<512x48xf32, #tpu.memory_space<vmem>>[vector<16xi32>, vector<16xi32>], vector<16xf32>,
      %mul3A_419 = arith.mulf %get3A_402, %gather3A_418 : vector<16xf32>
      %add3A_420 = arith.addf %add3A_392, %mul3A_419 : vector<16xf32>
      %gather3A_421 = tpu.vector_load_idx %arg7[%broadcast_in_dim3A_417, %add3A_63] : memref<512x48xf32, #tpu.memory_space<vmem>>[vector<16xi32>, vector<16xi32>], vector<16xf32>,
      %mul3A_422 = arith.mulf %get3A_402, %gather3A_421 : vector<16xf32>
      %add3A_423 = arith.addf %add3A_395, %mul3A_422 : vector<16xf32>
      %gather3A_424 = tpu.vector_load_idx %arg7[%broadcast_in_dim3A_417, %add3A_66] : memref<512x48xf32, #tpu.memory_space<vmem>>[vector<16xi32>, vector<16xi32>], vector<16xf32>,
      %mul3A_425 = arith.mulf %get3A_402, %gather3A_424 : vector<16xf32>
      %add3A_426 = arith.addf %add3A_398, %mul3A_425 : vector<16xf32>
      %get3A_427 = arith.constant 10 : i32
      %get3A_428 = arith.index_cast %get3A_427 : i32 to index
      %get3A_429 = arith.constant 0 : index
      %get3A_430 = tpu.vector_load %arg9[%get3A_428, %get3A_429] {strides = array<i32>} : memref<64x16xf32, #tpu.memory_space<vmem>>, vector<16xf32>,
      %slice3A_431 = vector.extract_strided_slice %get3A_148 {offsets = [10], sizes = [1], strides = [1]} : vector<16xi32> to vector<1xi32>
      %squeeze3A_432 = vector.extract %slice3A_431[0] : i32 from vector<1xi32>
      %broadcast_in_dim3A_433 = vector.broadcast %squeeze3A_432 : i32 to vector<16xi32>
      %gather3A_434 = tpu.vector_load_idx %arg7[%broadcast_in_dim3A_433, %iota3A] : memref<512x48xf32, #tpu.memory_space<vmem>>[vector<16xi32>, vector<16xi32>], vector<16xf32>,
      %mul3A_435 = arith.mulf %get3A_430, %gather3A_434 : vector<16xf32>
      %add3A_436 = arith.addf %add3A_408, %mul3A_435 : vector<16xf32>
      %gather3A_437 = tpu.vector_load_idx %arg7[%broadcast_in_dim3A_433, %add3A_63] : memref<512x48xf32, #tpu.memory_space<vmem>>[vector<16xi32>, vector<16xi32>], vector<16xf32>,
      %mul3A_438 = arith.mulf %get3A_430, %gather3A_437 : vector<16xf32>
      %add3A_439 = arith.addf %add3A_411, %mul3A_438 : vector<16xf32>
      %gather3A_440 = tpu.vector_load_idx %arg7[%broadcast_in_dim3A_433, %add3A_66] : memref<512x48xf32, #tpu.memory_space<vmem>>[vector<16xi32>, vector<16xi32>], vector<16xf32>,
      %mul3A_441 = arith.mulf %get3A_430, %gather3A_440 : vector<16xf32>
      %add3A_442 = arith.addf %add3A_414, %mul3A_441 : vector<16xf32>
      %slice3A_443 = vector.extract_strided_slice %get3A_153 {offsets = [10], sizes = [1], strides = [1]} : vector<16xi32> to vector<1xi32>
      %squeeze3A_444 = vector.extract %slice3A_443[0] : i32 from vector<1xi32>
      %broadcast_in_dim3A_445 = vector.broadcast %squeeze3A_444 : i32 to vector<16xi32>
      %gather3A_446 = tpu.vector_load_idx %arg7[%broadcast_in_dim3A_445, %iota3A] : memref<512x48xf32, #tpu.memory_space<vmem>>[vector<16xi32>, vector<16xi32>], vector<16xf32>,
      %mul3A_447 = arith.mulf %get3A_430, %gather3A_446 : vector<16xf32>
      %add3A_448 = arith.addf %add3A_420, %mul3A_447 : vector<16xf32>
      %gather3A_449 = tpu.vector_load_idx %arg7[%broadcast_in_dim3A_445, %add3A_63] : memref<512x48xf32, #tpu.memory_space<vmem>>[vector<16xi32>, vector<16xi32>], vector<16xf32>,
      %mul3A_450 = arith.mulf %get3A_430, %gather3A_449 : vector<16xf32>
      %add3A_451 = arith.addf %add3A_423, %mul3A_450 : vector<16xf32>
      %gather3A_452 = tpu.vector_load_idx %arg7[%broadcast_in_dim3A_445, %add3A_66] : memref<512x48xf32, #tpu.memory_space<vmem>>[vector<16xi32>, vector<16xi32>], vector<16xf32>,
      %mul3A_453 = arith.mulf %get3A_430, %gather3A_452 : vector<16xf32>
      %add3A_454 = arith.addf %add3A_426, %mul3A_453 : vector<16xf32>
      %get3A_455 = arith.constant 11 : i32
      %get3A_456 = arith.index_cast %get3A_455 : i32 to index
      %get3A_457 = arith.constant 0 : index
      %get3A_458 = tpu.vector_load %arg9[%get3A_456, %get3A_457] {strides = array<i32>} : memref<64x16xf32, #tpu.memory_space<vmem>>, vector<16xf32>,
      %slice3A_459 = vector.extract_strided_slice %get3A_148 {offsets = [11], sizes = [1], strides = [1]} : vector<16xi32> to vector<1xi32>
      %squeeze3A_460 = vector.extract %slice3A_459[0] : i32 from vector<1xi32>
      %broadcast_in_dim3A_461 = vector.broadcast %squeeze3A_460 : i32 to vector<16xi32>
      %gather3A_462 = tpu.vector_load_idx %arg7[%broadcast_in_dim3A_461, %iota3A] : memref<512x48xf32, #tpu.memory_space<vmem>>[vector<16xi32>, vector<16xi32>], vector<16xf32>,
      %mul3A_463 = arith.mulf %get3A_458, %gather3A_462 : vector<16xf32>
      %add3A_464 = arith.addf %add3A_436, %mul3A_463 : vector<16xf32>
      %gather3A_465 = tpu.vector_load_idx %arg7[%broadcast_in_dim3A_461, %add3A_63] : memref<512x48xf32, #tpu.memory_space<vmem>>[vector<16xi32>, vector<16xi32>], vector<16xf32>,
      %mul3A_466 = arith.mulf %get3A_458, %gather3A_465 : vector<16xf32>
      %add3A_467 = arith.addf %add3A_439, %mul3A_466 : vector<16xf32>
      %gather3A_468 = tpu.vector_load_idx %arg7[%broadcast_in_dim3A_461, %add3A_66] : memref<512x48xf32, #tpu.memory_space<vmem>>[vector<16xi32>, vector<16xi32>], vector<16xf32>,
      %mul3A_469 = arith.mulf %get3A_458, %gather3A_468 : vector<16xf32>
      %add3A_470 = arith.addf %add3A_442, %mul3A_469 : vector<16xf32>
      %slice3A_471 = vector.extract_strided_slice %get3A_153 {offsets = [11], sizes = [1], strides = [1]} : vector<16xi32> to vector<1xi32>
      %squeeze3A_472 = vector.extract %slice3A_471[0] : i32 from vector<1xi32>
      %broadcast_in_dim3A_473 = vector.broadcast %squeeze3A_472 : i32 to vector<16xi32>
      %gather3A_474 = tpu.vector_load_idx %arg7[%broadcast_in_dim3A_473, %iota3A] : memref<512x48xf32, #tpu.memory_space<vmem>>[vector<16xi32>, vector<16xi32>], vector<16xf32>,
      %mul3A_475 = arith.mulf %get3A_458, %gather3A_474 : vector<16xf32>
      %add3A_476 = arith.addf %add3A_448, %mul3A_475 : vector<16xf32>
      %gather3A_477 = tpu.vector_load_idx %arg7[%broadcast_in_dim3A_473, %add3A_63] : memref<512x48xf32, #tpu.memory_space<vmem>>[vector<16xi32>, vector<16xi32>], vector<16xf32>,
      %mul3A_478 = arith.mulf %get3A_458, %gather3A_477 : vector<16xf32>
      %add3A_479 = arith.addf %add3A_451, %mul3A_478 : vector<16xf32>
      %gather3A_480 = tpu.vector_load_idx %arg7[%broadcast_in_dim3A_473, %add3A_66] : memref<512x48xf32, #tpu.memory_space<vmem>>[vector<16xi32>, vector<16xi32>], vector<16xf32>,
      %mul3A_481 = arith.mulf %get3A_458, %gather3A_480 : vector<16xf32>
      %add3A_482 = arith.addf %add3A_454, %mul3A_481 : vector<16xf32>
      %get3A_483 = arith.constant 12 : i32
      %get3A_484 = arith.index_cast %get3A_483 : i32 to index
      %get3A_485 = arith.constant 0 : index
      %get3A_486 = tpu.vector_load %arg9[%get3A_484, %get3A_485] {strides = array<i32>} : memref<64x16xf32, #tpu.memory_space<vmem>>, vector<16xf32>,
      %slice3A_487 = vector.extract_strided_slice %get3A_148 {offsets = [12], sizes = [1], strides = [1]} : vector<16xi32> to vector<1xi32>
      %squeeze3A_488 = vector.extract %slice3A_487[0] : i32 from vector<1xi32>
      %broadcast_in_dim3A_489 = vector.broadcast %squeeze3A_488 : i32 to vector<16xi32>
      %gather3A_490 = tpu.vector_load_idx %arg7[%broadcast_in_dim3A_489, %iota3A] : memref<512x48xf32, #tpu.memory_space<vmem>>[vector<16xi32>, vector<16xi32>], vector<16xf32>,
      %mul3A_491 = arith.mulf %get3A_486, %gather3A_490 : vector<16xf32>
      %add3A_492 = arith.addf %add3A_464, %mul3A_491 : vector<16xf32>
      %gather3A_493 = tpu.vector_load_idx %arg7[%broadcast_in_dim3A_489, %add3A_63] : memref<512x48xf32, #tpu.memory_space<vmem>>[vector<16xi32>, vector<16xi32>], vector<16xf32>,
      %mul3A_494 = arith.mulf %get3A_486, %gather3A_493 : vector<16xf32>
      %add3A_495 = arith.addf %add3A_467, %mul3A_494 : vector<16xf32>
      %gather3A_496 = tpu.vector_load_idx %arg7[%broadcast_in_dim3A_489, %add3A_66] : memref<512x48xf32, #tpu.memory_space<vmem>>[vector<16xi32>, vector<16xi32>], vector<16xf32>,
      %mul3A_497 = arith.mulf %get3A_486, %gather3A_496 : vector<16xf32>
      %add3A_498 = arith.addf %add3A_470, %mul3A_497 : vector<16xf32>
      %slice3A_499 = vector.extract_strided_slice %get3A_153 {offsets = [12], sizes = [1], strides = [1]} : vector<16xi32> to vector<1xi32>
      %squeeze3A_500 = vector.extract %slice3A_499[0] : i32 from vector<1xi32>
      %broadcast_in_dim3A_501 = vector.broadcast %squeeze3A_500 : i32 to vector<16xi32>
      %gather3A_502 = tpu.vector_load_idx %arg7[%broadcast_in_dim3A_501, %iota3A] : memref<512x48xf32, #tpu.memory_space<vmem>>[vector<16xi32>, vector<16xi32>], vector<16xf32>,
      %mul3A_503 = arith.mulf %get3A_486, %gather3A_502 : vector<16xf32>
      %add3A_504 = arith.addf %add3A_476, %mul3A_503 : vector<16xf32>
      %gather3A_505 = tpu.vector_load_idx %arg7[%broadcast_in_dim3A_501, %add3A_63] : memref<512x48xf32, #tpu.memory_space<vmem>>[vector<16xi32>, vector<16xi32>], vector<16xf32>,
      %mul3A_506 = arith.mulf %get3A_486, %gather3A_505 : vector<16xf32>
      %add3A_507 = arith.addf %add3A_479, %mul3A_506 : vector<16xf32>
      %gather3A_508 = tpu.vector_load_idx %arg7[%broadcast_in_dim3A_501, %add3A_66] : memref<512x48xf32, #tpu.memory_space<vmem>>[vector<16xi32>, vector<16xi32>], vector<16xf32>,
      %mul3A_509 = arith.mulf %get3A_486, %gather3A_508 : vector<16xf32>
      %add3A_510 = arith.addf %add3A_482, %mul3A_509 : vector<16xf32>
      %get3A_511 = arith.constant 13 : i32
      %get3A_512 = arith.index_cast %get3A_511 : i32 to index
      %get3A_513 = arith.constant 0 : index
      %get3A_514 = tpu.vector_load %arg9[%get3A_512, %get3A_513] {strides = array<i32>} : memref<64x16xf32, #tpu.memory_space<vmem>>, vector<16xf32>,
      %slice3A_515 = vector.extract_strided_slice %get3A_148 {offsets = [13], sizes = [1], strides = [1]} : vector<16xi32> to vector<1xi32>
      %squeeze3A_516 = vector.extract %slice3A_515[0] : i32 from vector<1xi32>
      %broadcast_in_dim3A_517 = vector.broadcast %squeeze3A_516 : i32 to vector<16xi32>
      %gather3A_518 = tpu.vector_load_idx %arg7[%broadcast_in_dim3A_517, %iota3A] : memref<512x48xf32, #tpu.memory_space<vmem>>[vector<16xi32>, vector<16xi32>], vector<16xf32>,
      %mul3A_519 = arith.mulf %get3A_514, %gather3A_518 : vector<16xf32>
      %add3A_520 = arith.addf %add3A_492, %mul3A_519 : vector<16xf32>
      %gather3A_521 = tpu.vector_load_idx %arg7[%broadcast_in_dim3A_517, %add3A_63] : memref<512x48xf32, #tpu.memory_space<vmem>>[vector<16xi32>, vector<16xi32>], vector<16xf32>,
      %mul3A_522 = arith.mulf %get3A_514, %gather3A_521 : vector<16xf32>
      %add3A_523 = arith.addf %add3A_495, %mul3A_522 : vector<16xf32>
      %gather3A_524 = tpu.vector_load_idx %arg7[%broadcast_in_dim3A_517, %add3A_66] : memref<512x48xf32, #tpu.memory_space<vmem>>[vector<16xi32>, vector<16xi32>], vector<16xf32>,
      %mul3A_525 = arith.mulf %get3A_514, %gather3A_524 : vector<16xf32>
      %add3A_526 = arith.addf %add3A_498, %mul3A_525 : vector<16xf32>
      %slice3A_527 = vector.extract_strided_slice %get3A_153 {offsets = [13], sizes = [1], strides = [1]} : vector<16xi32> to vector<1xi32>
      %squeeze3A_528 = vector.extract %slice3A_527[0] : i32 from vector<1xi32>
      %broadcast_in_dim3A_529 = vector.broadcast %squeeze3A_528 : i32 to vector<16xi32>
      %gather3A_530 = tpu.vector_load_idx %arg7[%broadcast_in_dim3A_529, %iota3A] : memref<512x48xf32, #tpu.memory_space<vmem>>[vector<16xi32>, vector<16xi32>], vector<16xf32>,
      %mul3A_531 = arith.mulf %get3A_514, %gather3A_530 : vector<16xf32>
      %add3A_532 = arith.addf %add3A_504, %mul3A_531 : vector<16xf32>
      %gather3A_533 = tpu.vector_load_idx %arg7[%broadcast_in_dim3A_529, %add3A_63] : memref<512x48xf32, #tpu.memory_space<vmem>>[vector<16xi32>, vector<16xi32>], vector<16xf32>,
      %mul3A_534 = arith.mulf %get3A_514, %gather3A_533 : vector<16xf32>
      %add3A_535 = arith.addf %add3A_507, %mul3A_534 : vector<16xf32>
      %gather3A_536 = tpu.vector_load_idx %arg7[%broadcast_in_dim3A_529, %add3A_66] : memref<512x48xf32, #tpu.memory_space<vmem>>[vector<16xi32>, vector<16xi32>], vector<16xf32>,
      %mul3A_537 = arith.mulf %get3A_514, %gather3A_536 : vector<16xf32>
      %add3A_538 = arith.addf %add3A_510, %mul3A_537 : vector<16xf32>
      %get3A_539 = arith.constant 14 : i32
      %get3A_540 = arith.index_cast %get3A_539 : i32 to index
      %get3A_541 = arith.constant 0 : index
      %get3A_542 = tpu.vector_load %arg9[%get3A_540, %get3A_541] {strides = array<i32>} : memref<64x16xf32, #tpu.memory_space<vmem>>, vector<16xf32>,
      %slice3A_543 = vector.extract_strided_slice %get3A_148 {offsets = [14], sizes = [1], strides = [1]} : vector<16xi32> to vector<1xi32>
      %squeeze3A_544 = vector.extract %slice3A_543[0] : i32 from vector<1xi32>
      %broadcast_in_dim3A_545 = vector.broadcast %squeeze3A_544 : i32 to vector<16xi32>
      %gather3A_546 = tpu.vector_load_idx %arg7[%broadcast_in_dim3A_545, %iota3A] : memref<512x48xf32, #tpu.memory_space<vmem>>[vector<16xi32>, vector<16xi32>], vector<16xf32>,
      %mul3A_547 = arith.mulf %get3A_542, %gather3A_546 : vector<16xf32>
      %add3A_548 = arith.addf %add3A_520, %mul3A_547 : vector<16xf32>
      %gather3A_549 = tpu.vector_load_idx %arg7[%broadcast_in_dim3A_545, %add3A_63] : memref<512x48xf32, #tpu.memory_space<vmem>>[vector<16xi32>, vector<16xi32>], vector<16xf32>,
      %mul3A_550 = arith.mulf %get3A_542, %gather3A_549 : vector<16xf32>
      %add3A_551 = arith.addf %add3A_523, %mul3A_550 : vector<16xf32>
      %gather3A_552 = tpu.vector_load_idx %arg7[%broadcast_in_dim3A_545, %add3A_66] : memref<512x48xf32, #tpu.memory_space<vmem>>[vector<16xi32>, vector<16xi32>], vector<16xf32>,
      %mul3A_553 = arith.mulf %get3A_542, %gather3A_552 : vector<16xf32>
      %add3A_554 = arith.addf %add3A_526, %mul3A_553 : vector<16xf32>
      %slice3A_555 = vector.extract_strided_slice %get3A_153 {offsets = [14], sizes = [1], strides = [1]} : vector<16xi32> to vector<1xi32>
      %squeeze3A_556 = vector.extract %slice3A_555[0] : i32 from vector<1xi32>
      %broadcast_in_dim3A_557 = vector.broadcast %squeeze3A_556 : i32 to vector<16xi32>
      %gather3A_558 = tpu.vector_load_idx %arg7[%broadcast_in_dim3A_557, %iota3A] : memref<512x48xf32, #tpu.memory_space<vmem>>[vector<16xi32>, vector<16xi32>], vector<16xf32>,
      %mul3A_559 = arith.mulf %get3A_542, %gather3A_558 : vector<16xf32>
      %add3A_560 = arith.addf %add3A_532, %mul3A_559 : vector<16xf32>
      %gather3A_561 = tpu.vector_load_idx %arg7[%broadcast_in_dim3A_557, %add3A_63] : memref<512x48xf32, #tpu.memory_space<vmem>>[vector<16xi32>, vector<16xi32>], vector<16xf32>,
      %mul3A_562 = arith.mulf %get3A_542, %gather3A_561 : vector<16xf32>
      %add3A_563 = arith.addf %add3A_535, %mul3A_562 : vector<16xf32>
      %gather3A_564 = tpu.vector_load_idx %arg7[%broadcast_in_dim3A_557, %add3A_66] : memref<512x48xf32, #tpu.memory_space<vmem>>[vector<16xi32>, vector<16xi32>], vector<16xf32>,
      %mul3A_565 = arith.mulf %get3A_542, %gather3A_564 : vector<16xf32>
      %add3A_566 = arith.addf %add3A_538, %mul3A_565 : vector<16xf32>
      %get3A_567 = arith.constant 15 : i32
      %get3A_568 = arith.index_cast %get3A_567 : i32 to index
      %get3A_569 = arith.constant 0 : index
      %get3A_570 = tpu.vector_load %arg9[%get3A_568, %get3A_569] {strides = array<i32>} : memref<64x16xf32, #tpu.memory_space<vmem>>, vector<16xf32>,
      %slice3A_571 = vector.extract_strided_slice %get3A_148 {offsets = [15], sizes = [1], strides = [1]} : vector<16xi32> to vector<1xi32>
      %squeeze3A_572 = vector.extract %slice3A_571[0] : i32 from vector<1xi32>
      %broadcast_in_dim3A_573 = vector.broadcast %squeeze3A_572 : i32 to vector<16xi32>
      %gather3A_574 = tpu.vector_load_idx %arg7[%broadcast_in_dim3A_573, %iota3A] : memref<512x48xf32, #tpu.memory_space<vmem>>[vector<16xi32>, vector<16xi32>], vector<16xf32>,
      %mul3A_575 = arith.mulf %get3A_570, %gather3A_574 : vector<16xf32>
      %add3A_576 = arith.addf %add3A_548, %mul3A_575 : vector<16xf32>
      %gather3A_577 = tpu.vector_load_idx %arg7[%broadcast_in_dim3A_573, %add3A_63] : memref<512x48xf32, #tpu.memory_space<vmem>>[vector<16xi32>, vector<16xi32>], vector<16xf32>,
      %mul3A_578 = arith.mulf %get3A_570, %gather3A_577 : vector<16xf32>
      %add3A_579 = arith.addf %add3A_551, %mul3A_578 : vector<16xf32>
      %gather3A_580 = tpu.vector_load_idx %arg7[%broadcast_in_dim3A_573, %add3A_66] : memref<512x48xf32, #tpu.memory_space<vmem>>[vector<16xi32>, vector<16xi32>], vector<16xf32>,
      %mul3A_581 = arith.mulf %get3A_570, %gather3A_580 : vector<16xf32>
      %add3A_582 = arith.addf %add3A_554, %mul3A_581 : vector<16xf32>
      %slice3A_583 = vector.extract_strided_slice %get3A_153 {offsets = [15], sizes = [1], strides = [1]} : vector<16xi32> to vector<1xi32>
      %squeeze3A_584 = vector.extract %slice3A_583[0] : i32 from vector<1xi32>
      %broadcast_in_dim3A_585 = vector.broadcast %squeeze3A_584 : i32 to vector<16xi32>
      %gather3A_586 = tpu.vector_load_idx %arg7[%broadcast_in_dim3A_585, %iota3A] : memref<512x48xf32, #tpu.memory_space<vmem>>[vector<16xi32>, vector<16xi32>], vector<16xf32>,
      %mul3A_587 = arith.mulf %get3A_570, %gather3A_586 : vector<16xf32>
      %add3A_588 = arith.addf %add3A_560, %mul3A_587 : vector<16xf32>
      %gather3A_589 = tpu.vector_load_idx %arg7[%broadcast_in_dim3A_585, %add3A_63] : memref<512x48xf32, #tpu.memory_space<vmem>>[vector<16xi32>, vector<16xi32>], vector<16xf32>,
      %mul3A_590 = arith.mulf %get3A_570, %gather3A_589 : vector<16xf32>
      %add3A_591 = arith.addf %add3A_563, %mul3A_590 : vector<16xf32>
      %gather3A_592 = tpu.vector_load_idx %arg7[%broadcast_in_dim3A_585, %add3A_66] : memref<512x48xf32, #tpu.memory_space<vmem>>[vector<16xi32>, vector<16xi32>], vector<16xf32>,
      %mul3A_593 = arith.mulf %get3A_570, %gather3A_592 : vector<16xf32>
      %add3A_594 = arith.addf %add3A_566, %mul3A_593 : vector<16xf32>
      %get3A_595 = arith.constant 16 : i32
      %get3A_596 = arith.index_cast %get3A_595 : i32 to index
      %get3A_597 = arith.constant 0 : index
      %get3A_598 = tpu.vector_load %arg9[%get3A_596, %get3A_597] {strides = array<i32>} : memref<64x16xf32, #tpu.memory_space<vmem>>, vector<16xf32>,
      %add3A_599 = arith.constant 0 : i32
      %add3A_600 = arith.addi %add3A_138, %add3A_599 : i32
      %get3A_601 = arith.index_cast %add3A_600 : i32 to index
      %get3A_602 = arith.constant 16 : index
      %get3A_603 = tpu.vector_load %arg8[%get3A_601, %get3A_602] {strides = array<i32>} : memref<256x64xi32, #tpu.memory_space<vmem>>, vector<16xi32>,
      %add3A_604 = arith.constant 1 : i32
      %add3A_605 = arith.addi %add3A_138, %add3A_604 : i32
      %get3A_606 = arith.index_cast %add3A_605 : i32 to index
      %get3A_607 = arith.constant 16 : index
      %get3A_608 = tpu.vector_load %arg8[%get3A_606, %get3A_607] {strides = array<i32>} : memref<256x64xi32, #tpu.memory_space<vmem>>, vector<16xi32>,
      %slice3A_609 = vector.extract_strided_slice %get3A_603 {offsets = [0], sizes = [1], strides = [1]} : vector<16xi32> to vector<1xi32>
      %squeeze3A_610 = vector.extract %slice3A_609[0] : i32 from vector<1xi32>
      %broadcast_in_dim3A_611 = vector.broadcast %squeeze3A_610 : i32 to vector<16xi32>
      %gather3A_612 = tpu.vector_load_idx %arg7[%broadcast_in_dim3A_611, %iota3A] : memref<512x48xf32, #tpu.memory_space<vmem>>[vector<16xi32>, vector<16xi32>], vector<16xf32>,
      %mul3A_613 = arith.mulf %get3A_598, %gather3A_612 : vector<16xf32>
      %add3A_614 = arith.addf %add3A_576, %mul3A_613 : vector<16xf32>
      %gather3A_615 = tpu.vector_load_idx %arg7[%broadcast_in_dim3A_611, %add3A_63] : memref<512x48xf32, #tpu.memory_space<vmem>>[vector<16xi32>, vector<16xi32>], vector<16xf32>,
      %mul3A_616 = arith.mulf %get3A_598, %gather3A_615 : vector<16xf32>
      %add3A_617 = arith.addf %add3A_579, %mul3A_616 : vector<16xf32>
      %gather3A_618 = tpu.vector_load_idx %arg7[%broadcast_in_dim3A_611, %add3A_66] : memref<512x48xf32, #tpu.memory_space<vmem>>[vector<16xi32>, vector<16xi32>], vector<16xf32>,
      %mul3A_619 = arith.mulf %get3A_598, %gather3A_618 : vector<16xf32>
      %add3A_620 = arith.addf %add3A_582, %mul3A_619 : vector<16xf32>
      %slice3A_621 = vector.extract_strided_slice %get3A_608 {offsets = [0], sizes = [1], strides = [1]} : vector<16xi32> to vector<1xi32>
      %squeeze3A_622 = vector.extract %slice3A_621[0] : i32 from vector<1xi32>
      %broadcast_in_dim3A_623 = vector.broadcast %squeeze3A_622 : i32 to vector<16xi32>
      %gather3A_624 = tpu.vector_load_idx %arg7[%broadcast_in_dim3A_623, %iota3A] : memref<512x48xf32, #tpu.memory_space<vmem>>[vector<16xi32>, vector<16xi32>], vector<16xf32>,
      %mul3A_625 = arith.mulf %get3A_598, %gather3A_624 : vector<16xf32>
      %add3A_626 = arith.addf %add3A_588, %mul3A_625 : vector<16xf32>
      %gather3A_627 = tpu.vector_load_idx %arg7[%broadcast_in_dim3A_623, %add3A_63] : memref<512x48xf32, #tpu.memory_space<vmem>>[vector<16xi32>, vector<16xi32>], vector<16xf32>,
      %mul3A_628 = arith.mulf %get3A_598, %gather3A_627 : vector<16xf32>
      %add3A_629 = arith.addf %add3A_591, %mul3A_628 : vector<16xf32>
      %gather3A_630 = tpu.vector_load_idx %arg7[%broadcast_in_dim3A_623, %add3A_66] : memref<512x48xf32, #tpu.memory_space<vmem>>[vector<16xi32>, vector<16xi32>], vector<16xf32>,
      %mul3A_631 = arith.mulf %get3A_598, %gather3A_630 : vector<16xf32>
      %add3A_632 = arith.addf %add3A_594, %mul3A_631 : vector<16xf32>
      %get3A_633 = arith.constant 17 : i32
      %get3A_634 = arith.index_cast %get3A_633 : i32 to index
      %get3A_635 = arith.constant 0 : index
      %get3A_636 = tpu.vector_load %arg9[%get3A_634, %get3A_635] {strides = array<i32>} : memref<64x16xf32, #tpu.memory_space<vmem>>, vector<16xf32>,
      %slice3A_637 = vector.extract_strided_slice %get3A_603 {offsets = [1], sizes = [1], strides = [1]} : vector<16xi32> to vector<1xi32>
      %squeeze3A_638 = vector.extract %slice3A_637[0] : i32 from vector<1xi32>
      %broadcast_in_dim3A_639 = vector.broadcast %squeeze3A_638 : i32 to vector<16xi32>
      %gather3A_640 = tpu.vector_load_idx %arg7[%broadcast_in_dim3A_639, %iota3A] : memref<512x48xf32, #tpu.memory_space<vmem>>[vector<16xi32>, vector<16xi32>], vector<16xf32>,
      %mul3A_641 = arith.mulf %get3A_636, %gather3A_640 : vector<16xf32>
      %add3A_642 = arith.addf %add3A_614, %mul3A_641 : vector<16xf32>
      %gather3A_643 = tpu.vector_load_idx %arg7[%broadcast_in_dim3A_639, %add3A_63] : memref<512x48xf32, #tpu.memory_space<vmem>>[vector<16xi32>, vector<16xi32>], vector<16xf32>,
      %mul3A_644 = arith.mulf %get3A_636, %gather3A_643 : vector<16xf32>
      %add3A_645 = arith.addf %add3A_617, %mul3A_644 : vector<16xf32>
      %gather3A_646 = tpu.vector_load_idx %arg7[%broadcast_in_dim3A_639, %add3A_66] : memref<512x48xf32, #tpu.memory_space<vmem>>[vector<16xi32>, vector<16xi32>], vector<16xf32>,
      %mul3A_647 = arith.mulf %get3A_636, %gather3A_646 : vector<16xf32>
      %add3A_648 = arith.addf %add3A_620, %mul3A_647 : vector<16xf32>
      %slice3A_649 = vector.extract_strided_slice %get3A_608 {offsets = [1], sizes = [1], strides = [1]} : vector<16xi32> to vector<1xi32>
      %squeeze3A_650 = vector.extract %slice3A_649[0] : i32 from vector<1xi32>
      %broadcast_in_dim3A_651 = vector.broadcast %squeeze3A_650 : i32 to vector<16xi32>
      %gather3A_652 = tpu.vector_load_idx %arg7[%broadcast_in_dim3A_651, %iota3A] : memref<512x48xf32, #tpu.memory_space<vmem>>[vector<16xi32>, vector<16xi32>], vector<16xf32>,
      %mul3A_653 = arith.mulf %get3A_636, %gather3A_652 : vector<16xf32>
      %add3A_654 = arith.addf %add3A_626, %mul3A_653 : vector<16xf32>
      %gather3A_655 = tpu.vector_load_idx %arg7[%broadcast_in_dim3A_651, %add3A_63] : memref<512x48xf32, #tpu.memory_space<vmem>>[vector<16xi32>, vector<16xi32>], vector<16xf32>,
      %mul3A_656 = arith.mulf %get3A_636, %gather3A_655 : vector<16xf32>
      %add3A_657 = arith.addf %add3A_629, %mul3A_656 : vector<16xf32>
      %gather3A_658 = tpu.vector_load_idx %arg7[%broadcast_in_dim3A_651, %add3A_66] : memref<512x48xf32, #tpu.memory_space<vmem>>[vector<16xi32>, vector<16xi32>], vector<16xf32>,
      %mul3A_659 = arith.mulf %get3A_636, %gather3A_658 : vector<16xf32>
      %add3A_660 = arith.addf %add3A_632, %mul3A_659 : vector<16xf32>
      %get3A_661 = arith.constant 18 : i32
      %get3A_662 = arith.index_cast %get3A_661 : i32 to index
      %get3A_663 = arith.constant 0 : index
      %get3A_664 = tpu.vector_load %arg9[%get3A_662, %get3A_663] {strides = array<i32>} : memref<64x16xf32, #tpu.memory_space<vmem>>, vector<16xf32>,
      %slice3A_665 = vector.extract_strided_slice %get3A_603 {offsets = [2], sizes = [1], strides = [1]} : vector<16xi32> to vector<1xi32>
      %squeeze3A_666 = vector.extract %slice3A_665[0] : i32 from vector<1xi32>
      %broadcast_in_dim3A_667 = vector.broadcast %squeeze3A_666 : i32 to vector<16xi32>
      %gather3A_668 = tpu.vector_load_idx %arg7[%broadcast_in_dim3A_667, %iota3A] : memref<512x48xf32, #tpu.memory_space<vmem>>[vector<16xi32>, vector<16xi32>], vector<16xf32>,
      %mul3A_669 = arith.mulf %get3A_664, %gather3A_668 : vector<16xf32>
      %add3A_670 = arith.addf %add3A_642, %mul3A_669 : vector<16xf32>
      %gather3A_671 = tpu.vector_load_idx %arg7[%broadcast_in_dim3A_667, %add3A_63] : memref<512x48xf32, #tpu.memory_space<vmem>>[vector<16xi32>, vector<16xi32>], vector<16xf32>,
      %mul3A_672 = arith.mulf %get3A_664, %gather3A_671 : vector<16xf32>
      %add3A_673 = arith.addf %add3A_645, %mul3A_672 : vector<16xf32>
      %gather3A_674 = tpu.vector_load_idx %arg7[%broadcast_in_dim3A_667, %add3A_66] : memref<512x48xf32, #tpu.memory_space<vmem>>[vector<16xi32>, vector<16xi32>], vector<16xf32>,
      %mul3A_675 = arith.mulf %get3A_664, %gather3A_674 : vector<16xf32>
      %add3A_676 = arith.addf %add3A_648, %mul3A_675 : vector<16xf32>
      %slice3A_677 = vector.extract_strided_slice %get3A_608 {offsets = [2], sizes = [1], strides = [1]} : vector<16xi32> to vector<1xi32>
      %squeeze3A_678 = vector.extract %slice3A_677[0] : i32 from vector<1xi32>
      %broadcast_in_dim3A_679 = vector.broadcast %squeeze3A_678 : i32 to vector<16xi32>
      %gather3A_680 = tpu.vector_load_idx %arg7[%broadcast_in_dim3A_679, %iota3A] : memref<512x48xf32, #tpu.memory_space<vmem>>[vector<16xi32>, vector<16xi32>], vector<16xf32>,
      %mul3A_681 = arith.mulf %get3A_664, %gather3A_680 : vector<16xf32>
      %add3A_682 = arith.addf %add3A_654, %mul3A_681 : vector<16xf32>
      %gather3A_683 = tpu.vector_load_idx %arg7[%broadcast_in_dim3A_679, %add3A_63] : memref<512x48xf32, #tpu.memory_space<vmem>>[vector<16xi32>, vector<16xi32>], vector<16xf32>,
      %mul3A_684 = arith.mulf %get3A_664, %gather3A_683 : vector<16xf32>
      %add3A_685 = arith.addf %add3A_657, %mul3A_684 : vector<16xf32>
      %gather3A_686 = tpu.vector_load_idx %arg7[%broadcast_in_dim3A_679, %add3A_66] : memref<512x48xf32, #tpu.memory_space<vmem>>[vector<16xi32>, vector<16xi32>], vector<16xf32>,
      %mul3A_687 = arith.mulf %get3A_664, %gather3A_686 : vector<16xf32>
      %add3A_688 = arith.addf %add3A_660, %mul3A_687 : vector<16xf32>
      %get3A_689 = arith.constant 19 : i32
      %get3A_690 = arith.index_cast %get3A_689 : i32 to index
      %get3A_691 = arith.constant 0 : index
      %get3A_692 = tpu.vector_load %arg9[%get3A_690, %get3A_691] {strides = array<i32>} : memref<64x16xf32, #tpu.memory_space<vmem>>, vector<16xf32>,
      %slice3A_693 = vector.extract_strided_slice %get3A_603 {offsets = [3], sizes = [1], strides = [1]} : vector<16xi32> to vector<1xi32>
      %squeeze3A_694 = vector.extract %slice3A_693[0] : i32 from vector<1xi32>
      %broadcast_in_dim3A_695 = vector.broadcast %squeeze3A_694 : i32 to vector<16xi32>
      %gather3A_696 = tpu.vector_load_idx %arg7[%broadcast_in_dim3A_695, %iota3A] : memref<512x48xf32, #tpu.memory_space<vmem>>[vector<16xi32>, vector<16xi32>], vector<16xf32>,
      %mul3A_697 = arith.mulf %get3A_692, %gather3A_696 : vector<16xf32>
      %add3A_698 = arith.addf %add3A_670, %mul3A_697 : vector<16xf32>
      %gather3A_699 = tpu.vector_load_idx %arg7[%broadcast_in_dim3A_695, %add3A_63] : memref<512x48xf32, #tpu.memory_space<vmem>>[vector<16xi32>, vector<16xi32>], vector<16xf32>,
      %mul3A_700 = arith.mulf %get3A_692, %gather3A_699 : vector<16xf32>
      %add3A_701 = arith.addf %add3A_673, %mul3A_700 : vector<16xf32>
      %gather3A_702 = tpu.vector_load_idx %arg7[%broadcast_in_dim3A_695, %add3A_66] : memref<512x48xf32, #tpu.memory_space<vmem>>[vector<16xi32>, vector<16xi32>], vector<16xf32>,
      %mul3A_703 = arith.mulf %get3A_692, %gather3A_702 : vector<16xf32>
      %add3A_704 = arith.addf %add3A_676, %mul3A_703 : vector<16xf32>
      %slice3A_705 = vector.extract_strided_slice %get3A_608 {offsets = [3], sizes = [1], strides = [1]} : vector<16xi32> to vector<1xi32>
      %squeeze3A_706 = vector.extract %slice3A_705[0] : i32 from vector<1xi32>
      %broadcast_in_dim3A_707 = vector.broadcast %squeeze3A_706 : i32 to vector<16xi32>
      %gather3A_708 = tpu.vector_load_idx %arg7[%broadcast_in_dim3A_707, %iota3A] : memref<512x48xf32, #tpu.memory_space<vmem>>[vector<16xi32>, vector<16xi32>], vector<16xf32>,
      %mul3A_709 = arith.mulf %get3A_692, %gather3A_708 : vector<16xf32>
      %add3A_710 = arith.addf %add3A_682, %mul3A_709 : vector<16xf32>
      %gather3A_711 = tpu.vector_load_idx %arg7[%broadcast_in_dim3A_707, %add3A_63] : memref<512x48xf32, #tpu.memory_space<vmem>>[vector<16xi32>, vector<16xi32>], vector<16xf32>,
      %mul3A_712 = arith.mulf %get3A_692, %gather3A_711 : vector<16xf32>
      %add3A_713 = arith.addf %add3A_685, %mul3A_712 : vector<16xf32>
      %gather3A_714 = tpu.vector_load_idx %arg7[%broadcast_in_dim3A_707, %add3A_66] : memref<512x48xf32, #tpu.memory_space<vmem>>[vector<16xi32>, vector<16xi32>], vector<16xf32>,
      %mul3A_715 = arith.mulf %get3A_692, %gather3A_714 : vector<16xf32>
      %add3A_716 = arith.addf %add3A_688, %mul3A_715 : vector<16xf32>
      %get3A_717 = arith.constant 20 : i32
      %get3A_718 = arith.index_cast %get3A_717 : i32 to index
      %get3A_719 = arith.constant 0 : index
      %get3A_720 = tpu.vector_load %arg9[%get3A_718, %get3A_719] {strides = array<i32>} : memref<64x16xf32, #tpu.memory_space<vmem>>, vector<16xf32>,
      %slice3A_721 = vector.extract_strided_slice %get3A_603 {offsets = [4], sizes = [1], strides = [1]} : vector<16xi32> to vector<1xi32>
      %squeeze3A_722 = vector.extract %slice3A_721[0] : i32 from vector<1xi32>
      %broadcast_in_dim3A_723 = vector.broadcast %squeeze3A_722 : i32 to vector<16xi32>
      %gather3A_724 = tpu.vector_load_idx %arg7[%broadcast_in_dim3A_723, %iota3A] : memref<512x48xf32, #tpu.memory_space<vmem>>[vector<16xi32>, vector<16xi32>], vector<16xf32>,
      %mul3A_725 = arith.mulf %get3A_720, %gather3A_724 : vector<16xf32>
      %add3A_726 = arith.addf %add3A_698, %mul3A_725 : vector<16xf32>
      %gather3A_727 = tpu.vector_load_idx %arg7[%broadcast_in_dim3A_723, %add3A_63] : memref<512x48xf32, #tpu.memory_space<vmem>>[vector<16xi32>, vector<16xi32>], vector<16xf32>,
      %mul3A_728 = arith.mulf %get3A_720, %gather3A_727 : vector<16xf32>
      %add3A_729 = arith.addf %add3A_701, %mul3A_728 : vector<16xf32>
      %gather3A_730 = tpu.vector_load_idx %arg7[%broadcast_in_dim3A_723, %add3A_66] : memref<512x48xf32, #tpu.memory_space<vmem>>[vector<16xi32>, vector<16xi32>], vector<16xf32>,
      %mul3A_731 = arith.mulf %get3A_720, %gather3A_730 : vector<16xf32>
      %add3A_732 = arith.addf %add3A_704, %mul3A_731 : vector<16xf32>
      %slice3A_733 = vector.extract_strided_slice %get3A_608 {offsets = [4], sizes = [1], strides = [1]} : vector<16xi32> to vector<1xi32>
      %squeeze3A_734 = vector.extract %slice3A_733[0] : i32 from vector<1xi32>
      %broadcast_in_dim3A_735 = vector.broadcast %squeeze3A_734 : i32 to vector<16xi32>
      %gather3A_736 = tpu.vector_load_idx %arg7[%broadcast_in_dim3A_735, %iota3A] : memref<512x48xf32, #tpu.memory_space<vmem>>[vector<16xi32>, vector<16xi32>], vector<16xf32>,
      %mul3A_737 = arith.mulf %get3A_720, %gather3A_736 : vector<16xf32>
      %add3A_738 = arith.addf %add3A_710, %mul3A_737 : vector<16xf32>
      %gather3A_739 = tpu.vector_load_idx %arg7[%broadcast_in_dim3A_735, %add3A_63] : memref<512x48xf32, #tpu.memory_space<vmem>>[vector<16xi32>, vector<16xi32>], vector<16xf32>,
      %mul3A_740 = arith.mulf %get3A_720, %gather3A_739 : vector<16xf32>
      %add3A_741 = arith.addf %add3A_713, %mul3A_740 : vector<16xf32>
      %gather3A_742 = tpu.vector_load_idx %arg7[%broadcast_in_dim3A_735, %add3A_66] : memref<512x48xf32, #tpu.memory_space<vmem>>[vector<16xi32>, vector<16xi32>], vector<16xf32>,
      %mul3A_743 = arith.mulf %get3A_720, %gather3A_742 : vector<16xf32>
      %add3A_744 = arith.addf %add3A_716, %mul3A_743 : vector<16xf32>
      %get3A_745 = arith.constant 21 : i32
      %get3A_746 = arith.index_cast %get3A_745 : i32 to index
      %get3A_747 = arith.constant 0 : index
      %get3A_748 = tpu.vector_load %arg9[%get3A_746, %get3A_747] {strides = array<i32>} : memref<64x16xf32, #tpu.memory_space<vmem>>, vector<16xf32>,
      %slice3A_749 = vector.extract_strided_slice %get3A_603 {offsets = [5], sizes = [1], strides = [1]} : vector<16xi32> to vector<1xi32>
      %squeeze3A_750 = vector.extract %slice3A_749[0] : i32 from vector<1xi32>
      %broadcast_in_dim3A_751 = vector.broadcast %squeeze3A_750 : i32 to vector<16xi32>
      %gather3A_752 = tpu.vector_load_idx %arg7[%broadcast_in_dim3A_751, %iota3A] : memref<512x48xf32, #tpu.memory_space<vmem>>[vector<16xi32>, vector<16xi32>], vector<16xf32>,
      %mul3A_753 = arith.mulf %get3A_748, %gather3A_752 : vector<16xf32>
      %add3A_754 = arith.addf %add3A_726, %mul3A_753 : vector<16xf32>
      %gather3A_755 = tpu.vector_load_idx %arg7[%broadcast_in_dim3A_751, %add3A_63] : memref<512x48xf32, #tpu.memory_space<vmem>>[vector<16xi32>, vector<16xi32>], vector<16xf32>,
      %mul3A_756 = arith.mulf %get3A_748, %gather3A_755 : vector<16xf32>
      %add3A_757 = arith.addf %add3A_729, %mul3A_756 : vector<16xf32>
      %gather3A_758 = tpu.vector_load_idx %arg7[%broadcast_in_dim3A_751, %add3A_66] : memref<512x48xf32, #tpu.memory_space<vmem>>[vector<16xi32>, vector<16xi32>], vector<16xf32>,
      %mul3A_759 = arith.mulf %get3A_748, %gather3A_758 : vector<16xf32>
      %add3A_760 = arith.addf %add3A_732, %mul3A_759 : vector<16xf32>
      %slice3A_761 = vector.extract_strided_slice %get3A_608 {offsets = [5], sizes = [1], strides = [1]} : vector<16xi32> to vector<1xi32>
      %squeeze3A_762 = vector.extract %slice3A_761[0] : i32 from vector<1xi32>
      %broadcast_in_dim3A_763 = vector.broadcast %squeeze3A_762 : i32 to vector<16xi32>
      %gather3A_764 = tpu.vector_load_idx %arg7[%broadcast_in_dim3A_763, %iota3A] : memref<512x48xf32, #tpu.memory_space<vmem>>[vector<16xi32>, vector<16xi32>], vector<16xf32>,
      %mul3A_765 = arith.mulf %get3A_748, %gather3A_764 : vector<16xf32>
      %add3A_766 = arith.addf %add3A_738, %mul3A_765 : vector<16xf32>
      %gather3A_767 = tpu.vector_load_idx %arg7[%broadcast_in_dim3A_763, %add3A_63] : memref<512x48xf32, #tpu.memory_space<vmem>>[vector<16xi32>, vector<16xi32>], vector<16xf32>,
      %mul3A_768 = arith.mulf %get3A_748, %gather3A_767 : vector<16xf32>
      %add3A_769 = arith.addf %add3A_741, %mul3A_768 : vector<16xf32>
      %gather3A_770 = tpu.vector_load_idx %arg7[%broadcast_in_dim3A_763, %add3A_66] : memref<512x48xf32, #tpu.memory_space<vmem>>[vector<16xi32>, vector<16xi32>], vector<16xf32>,
      %mul3A_771 = arith.mulf %get3A_748, %gather3A_770 : vector<16xf32>
      %add3A_772 = arith.addf %add3A_744, %mul3A_771 : vector<16xf32>
      %get3A_773 = arith.constant 22 : i32
      %get3A_774 = arith.index_cast %get3A_773 : i32 to index
      %get3A_775 = arith.constant 0 : index
      %get3A_776 = tpu.vector_load %arg9[%get3A_774, %get3A_775] {strides = array<i32>} : memref<64x16xf32, #tpu.memory_space<vmem>>, vector<16xf32>,
      %slice3A_777 = vector.extract_strided_slice %get3A_603 {offsets = [6], sizes = [1], strides = [1]} : vector<16xi32> to vector<1xi32>
      %squeeze3A_778 = vector.extract %slice3A_777[0] : i32 from vector<1xi32>
      %broadcast_in_dim3A_779 = vector.broadcast %squeeze3A_778 : i32 to vector<16xi32>
      %gather3A_780 = tpu.vector_load_idx %arg7[%broadcast_in_dim3A_779, %iota3A] : memref<512x48xf32, #tpu.memory_space<vmem>>[vector<16xi32>, vector<16xi32>], vector<16xf32>,
      %mul3A_781 = arith.mulf %get3A_776, %gather3A_780 : vector<16xf32>
      %add3A_782 = arith.addf %add3A_754, %mul3A_781 : vector<16xf32>
      %gather3A_783 = tpu.vector_load_idx %arg7[%broadcast_in_dim3A_779, %add3A_63] : memref<512x48xf32, #tpu.memory_space<vmem>>[vector<16xi32>, vector<16xi32>], vector<16xf32>,
      %mul3A_784 = arith.mulf %get3A_776, %gather3A_783 : vector<16xf32>
      %add3A_785 = arith.addf %add3A_757, %mul3A_784 : vector<16xf32>
      %gather3A_786 = tpu.vector_load_idx %arg7[%broadcast_in_dim3A_779, %add3A_66] : memref<512x48xf32, #tpu.memory_space<vmem>>[vector<16xi32>, vector<16xi32>], vector<16xf32>,
      %mul3A_787 = arith.mulf %get3A_776, %gather3A_786 : vector<16xf32>
      %add3A_788 = arith.addf %add3A_760, %mul3A_787 : vector<16xf32>
      %slice3A_789 = vector.extract_strided_slice %get3A_608 {offsets = [6], sizes = [1], strides = [1]} : vector<16xi32> to vector<1xi32>
      %squeeze3A_790 = vector.extract %slice3A_789[0] : i32 from vector<1xi32>
      %broadcast_in_dim3A_791 = vector.broadcast %squeeze3A_790 : i32 to vector<16xi32>
      %gather3A_792 = tpu.vector_load_idx %arg7[%broadcast_in_dim3A_791, %iota3A] : memref<512x48xf32, #tpu.memory_space<vmem>>[vector<16xi32>, vector<16xi32>], vector<16xf32>,
      %mul3A_793 = arith.mulf %get3A_776, %gather3A_792 : vector<16xf32>
      %add3A_794 = arith.addf %add3A_766, %mul3A_793 : vector<16xf32>
      %gather3A_795 = tpu.vector_load_idx %arg7[%broadcast_in_dim3A_791, %add3A_63] : memref<512x48xf32, #tpu.memory_space<vmem>>[vector<16xi32>, vector<16xi32>], vector<16xf32>,
      %mul3A_796 = arith.mulf %get3A_776, %gather3A_795 : vector<16xf32>
      %add3A_797 = arith.addf %add3A_769, %mul3A_796 : vector<16xf32>
      %gather3A_798 = tpu.vector_load_idx %arg7[%broadcast_in_dim3A_791, %add3A_66] : memref<512x48xf32, #tpu.memory_space<vmem>>[vector<16xi32>, vector<16xi32>], vector<16xf32>,
      %mul3A_799 = arith.mulf %get3A_776, %gather3A_798 : vector<16xf32>
      %add3A_800 = arith.addf %add3A_772, %mul3A_799 : vector<16xf32>
      %get3A_801 = arith.constant 23 : i32
      %get3A_802 = arith.index_cast %get3A_801 : i32 to index
      %get3A_803 = arith.constant 0 : index
      %get3A_804 = tpu.vector_load %arg9[%get3A_802, %get3A_803] {strides = array<i32>} : memref<64x16xf32, #tpu.memory_space<vmem>>, vector<16xf32>,
      %slice3A_805 = vector.extract_strided_slice %get3A_603 {offsets = [7], sizes = [1], strides = [1]} : vector<16xi32> to vector<1xi32>
      %squeeze3A_806 = vector.extract %slice3A_805[0] : i32 from vector<1xi32>
      %broadcast_in_dim3A_807 = vector.broadcast %squeeze3A_806 : i32 to vector<16xi32>
      %gather3A_808 = tpu.vector_load_idx %arg7[%broadcast_in_dim3A_807, %iota3A] : memref<512x48xf32, #tpu.memory_space<vmem>>[vector<16xi32>, vector<16xi32>], vector<16xf32>,
      %mul3A_809 = arith.mulf %get3A_804, %gather3A_808 : vector<16xf32>
      %add3A_810 = arith.addf %add3A_782, %mul3A_809 : vector<16xf32>
      %gather3A_811 = tpu.vector_load_idx %arg7[%broadcast_in_dim3A_807, %add3A_63] : memref<512x48xf32, #tpu.memory_space<vmem>>[vector<16xi32>, vector<16xi32>], vector<16xf32>,
      %mul3A_812 = arith.mulf %get3A_804, %gather3A_811 : vector<16xf32>
      %add3A_813 = arith.addf %add3A_785, %mul3A_812 : vector<16xf32>
      %gather3A_814 = tpu.vector_load_idx %arg7[%broadcast_in_dim3A_807, %add3A_66] : memref<512x48xf32, #tpu.memory_space<vmem>>[vector<16xi32>, vector<16xi32>], vector<16xf32>,
      %mul3A_815 = arith.mulf %get3A_804, %gather3A_814 : vector<16xf32>
      %add3A_816 = arith.addf %add3A_788, %mul3A_815 : vector<16xf32>
      %slice3A_817 = vector.extract_strided_slice %get3A_608 {offsets = [7], sizes = [1], strides = [1]} : vector<16xi32> to vector<1xi32>
      %squeeze3A_818 = vector.extract %slice3A_817[0] : i32 from vector<1xi32>
      %broadcast_in_dim3A_819 = vector.broadcast %squeeze3A_818 : i32 to vector<16xi32>
      %gather3A_820 = tpu.vector_load_idx %arg7[%broadcast_in_dim3A_819, %iota3A] : memref<512x48xf32, #tpu.memory_space<vmem>>[vector<16xi32>, vector<16xi32>], vector<16xf32>,
      %mul3A_821 = arith.mulf %get3A_804, %gather3A_820 : vector<16xf32>
      %add3A_822 = arith.addf %add3A_794, %mul3A_821 : vector<16xf32>
      %gather3A_823 = tpu.vector_load_idx %arg7[%broadcast_in_dim3A_819, %add3A_63] : memref<512x48xf32, #tpu.memory_space<vmem>>[vector<16xi32>, vector<16xi32>], vector<16xf32>,
      %mul3A_824 = arith.mulf %get3A_804, %gather3A_823 : vector<16xf32>
      %add3A_825 = arith.addf %add3A_797, %mul3A_824 : vector<16xf32>
      %gather3A_826 = tpu.vector_load_idx %arg7[%broadcast_in_dim3A_819, %add3A_66] : memref<512x48xf32, #tpu.memory_space<vmem>>[vector<16xi32>, vector<16xi32>], vector<16xf32>,
      %mul3A_827 = arith.mulf %get3A_804, %gather3A_826 : vector<16xf32>
      %add3A_828 = arith.addf %add3A_800, %mul3A_827 : vector<16xf32>
      %get3A_829 = arith.constant 24 : i32
      %get3A_830 = arith.index_cast %get3A_829 : i32 to index
      %get3A_831 = arith.constant 0 : index
      %get3A_832 = tpu.vector_load %arg9[%get3A_830, %get3A_831] {strides = array<i32>} : memref<64x16xf32, #tpu.memory_space<vmem>>, vector<16xf32>,
      %slice3A_833 = vector.extract_strided_slice %get3A_603 {offsets = [8], sizes = [1], strides = [1]} : vector<16xi32> to vector<1xi32>
      %squeeze3A_834 = vector.extract %slice3A_833[0] : i32 from vector<1xi32>
      %broadcast_in_dim3A_835 = vector.broadcast %squeeze3A_834 : i32 to vector<16xi32>
      %gather3A_836 = tpu.vector_load_idx %arg7[%broadcast_in_dim3A_835, %iota3A] : memref<512x48xf32, #tpu.memory_space<vmem>>[vector<16xi32>, vector<16xi32>], vector<16xf32>,
      %mul3A_837 = arith.mulf %get3A_832, %gather3A_836 : vector<16xf32>
      %add3A_838 = arith.addf %add3A_810, %mul3A_837 : vector<16xf32>
      %gather3A_839 = tpu.vector_load_idx %arg7[%broadcast_in_dim3A_835, %add3A_63] : memref<512x48xf32, #tpu.memory_space<vmem>>[vector<16xi32>, vector<16xi32>], vector<16xf32>,
      %mul3A_840 = arith.mulf %get3A_832, %gather3A_839 : vector<16xf32>
      %add3A_841 = arith.addf %add3A_813, %mul3A_840 : vector<16xf32>
      %gather3A_842 = tpu.vector_load_idx %arg7[%broadcast_in_dim3A_835, %add3A_66] : memref<512x48xf32, #tpu.memory_space<vmem>>[vector<16xi32>, vector<16xi32>], vector<16xf32>,
      %mul3A_843 = arith.mulf %get3A_832, %gather3A_842 : vector<16xf32>
      %add3A_844 = arith.addf %add3A_816, %mul3A_843 : vector<16xf32>
      %slice3A_845 = vector.extract_strided_slice %get3A_608 {offsets = [8], sizes = [1], strides = [1]} : vector<16xi32> to vector<1xi32>
      %squeeze3A_846 = vector.extract %slice3A_845[0] : i32 from vector<1xi32>
      %broadcast_in_dim3A_847 = vector.broadcast %squeeze3A_846 : i32 to vector<16xi32>
      %gather3A_848 = tpu.vector_load_idx %arg7[%broadcast_in_dim3A_847, %iota3A] : memref<512x48xf32, #tpu.memory_space<vmem>>[vector<16xi32>, vector<16xi32>], vector<16xf32>,
      %mul3A_849 = arith.mulf %get3A_832, %gather3A_848 : vector<16xf32>
      %add3A_850 = arith.addf %add3A_822, %mul3A_849 : vector<16xf32>
      %gather3A_851 = tpu.vector_load_idx %arg7[%broadcast_in_dim3A_847, %add3A_63] : memref<512x48xf32, #tpu.memory_space<vmem>>[vector<16xi32>, vector<16xi32>], vector<16xf32>,
      %mul3A_852 = arith.mulf %get3A_832, %gather3A_851 : vector<16xf32>
      %add3A_853 = arith.addf %add3A_825, %mul3A_852 : vector<16xf32>
      %gather3A_854 = tpu.vector_load_idx %arg7[%broadcast_in_dim3A_847, %add3A_66] : memref<512x48xf32, #tpu.memory_space<vmem>>[vector<16xi32>, vector<16xi32>], vector<16xf32>,
      %mul3A_855 = arith.mulf %get3A_832, %gather3A_854 : vector<16xf32>
      %add3A_856 = arith.addf %add3A_828, %mul3A_855 : vector<16xf32>
      %get3A_857 = arith.constant 25 : i32
      %get3A_858 = arith.index_cast %get3A_857 : i32 to index
      %get3A_859 = arith.constant 0 : index
      %get3A_860 = tpu.vector_load %arg9[%get3A_858, %get3A_859] {strides = array<i32>} : memref<64x16xf32, #tpu.memory_space<vmem>>, vector<16xf32>,
      %slice3A_861 = vector.extract_strided_slice %get3A_603 {offsets = [9], sizes = [1], strides = [1]} : vector<16xi32> to vector<1xi32>
      %squeeze3A_862 = vector.extract %slice3A_861[0] : i32 from vector<1xi32>
      %broadcast_in_dim3A_863 = vector.broadcast %squeeze3A_862 : i32 to vector<16xi32>
      %gather3A_864 = tpu.vector_load_idx %arg7[%broadcast_in_dim3A_863, %iota3A] : memref<512x48xf32, #tpu.memory_space<vmem>>[vector<16xi32>, vector<16xi32>], vector<16xf32>,
      %mul3A_865 = arith.mulf %get3A_860, %gather3A_864 : vector<16xf32>
      %add3A_866 = arith.addf %add3A_838, %mul3A_865 : vector<16xf32>
      %gather3A_867 = tpu.vector_load_idx %arg7[%broadcast_in_dim3A_863, %add3A_63] : memref<512x48xf32, #tpu.memory_space<vmem>>[vector<16xi32>, vector<16xi32>], vector<16xf32>,
      %mul3A_868 = arith.mulf %get3A_860, %gather3A_867 : vector<16xf32>
      %add3A_869 = arith.addf %add3A_841, %mul3A_868 : vector<16xf32>
      %gather3A_870 = tpu.vector_load_idx %arg7[%broadcast_in_dim3A_863, %add3A_66] : memref<512x48xf32, #tpu.memory_space<vmem>>[vector<16xi32>, vector<16xi32>], vector<16xf32>,
      %mul3A_871 = arith.mulf %get3A_860, %gather3A_870 : vector<16xf32>
      %add3A_872 = arith.addf %add3A_844, %mul3A_871 : vector<16xf32>
      %slice3A_873 = vector.extract_strided_slice %get3A_608 {offsets = [9], sizes = [1], strides = [1]} : vector<16xi32> to vector<1xi32>
      %squeeze3A_874 = vector.extract %slice3A_873[0] : i32 from vector<1xi32>
      %broadcast_in_dim3A_875 = vector.broadcast %squeeze3A_874 : i32 to vector<16xi32>
      %gather3A_876 = tpu.vector_load_idx %arg7[%broadcast_in_dim3A_875, %iota3A] : memref<512x48xf32, #tpu.memory_space<vmem>>[vector<16xi32>, vector<16xi32>], vector<16xf32>,
      %mul3A_877 = arith.mulf %get3A_860, %gather3A_876 : vector<16xf32>
      %add3A_878 = arith.addf %add3A_850, %mul3A_877 : vector<16xf32>
      %gather3A_879 = tpu.vector_load_idx %arg7[%broadcast_in_dim3A_875, %add3A_63] : memref<512x48xf32, #tpu.memory_space<vmem>>[vector<16xi32>, vector<16xi32>], vector<16xf32>,
      %mul3A_880 = arith.mulf %get3A_860, %gather3A_879 : vector<16xf32>
      %add3A_881 = arith.addf %add3A_853, %mul3A_880 : vector<16xf32>
      %gather3A_882 = tpu.vector_load_idx %arg7[%broadcast_in_dim3A_875, %add3A_66] : memref<512x48xf32, #tpu.memory_space<vmem>>[vector<16xi32>, vector<16xi32>], vector<16xf32>,
      %mul3A_883 = arith.mulf %get3A_860, %gather3A_882 : vector<16xf32>
      %add3A_884 = arith.addf %add3A_856, %mul3A_883 : vector<16xf32>
      %get3A_885 = arith.constant 26 : i32
      %get3A_886 = arith.index_cast %get3A_885 : i32 to index
      %get3A_887 = arith.constant 0 : index
      %get3A_888 = tpu.vector_load %arg9[%get3A_886, %get3A_887] {strides = array<i32>} : memref<64x16xf32, #tpu.memory_space<vmem>>, vector<16xf32>,
      %slice3A_889 = vector.extract_strided_slice %get3A_603 {offsets = [10], sizes = [1], strides = [1]} : vector<16xi32> to vector<1xi32>
      %squeeze3A_890 = vector.extract %slice3A_889[0] : i32 from vector<1xi32>
      %broadcast_in_dim3A_891 = vector.broadcast %squeeze3A_890 : i32 to vector<16xi32>
      %gather3A_892 = tpu.vector_load_idx %arg7[%broadcast_in_dim3A_891, %iota3A] : memref<512x48xf32, #tpu.memory_space<vmem>>[vector<16xi32>, vector<16xi32>], vector<16xf32>,
      %mul3A_893 = arith.mulf %get3A_888, %gather3A_892 : vector<16xf32>
      %add3A_894 = arith.addf %add3A_866, %mul3A_893 : vector<16xf32>
      %gather3A_895 = tpu.vector_load_idx %arg7[%broadcast_in_dim3A_891, %add3A_63] : memref<512x48xf32, #tpu.memory_space<vmem>>[vector<16xi32>, vector<16xi32>], vector<16xf32>,
      %mul3A_896 = arith.mulf %get3A_888, %gather3A_895 : vector<16xf32>
      %add3A_897 = arith.addf %add3A_869, %mul3A_896 : vector<16xf32>
      %gather3A_898 = tpu.vector_load_idx %arg7[%broadcast_in_dim3A_891, %add3A_66] : memref<512x48xf32, #tpu.memory_space<vmem>>[vector<16xi32>, vector<16xi32>], vector<16xf32>,
      %mul3A_899 = arith.mulf %get3A_888, %gather3A_898 : vector<16xf32>
      %add3A_900 = arith.addf %add3A_872, %mul3A_899 : vector<16xf32>
      %slice3A_901 = vector.extract_strided_slice %get3A_608 {offsets = [10], sizes = [1], strides = [1]} : vector<16xi32> to vector<1xi32>
      %squeeze3A_902 = vector.extract %slice3A_901[0] : i32 from vector<1xi32>
      %broadcast_in_dim3A_903 = vector.broadcast %squeeze3A_902 : i32 to vector<16xi32>
      %gather3A_904 = tpu.vector_load_idx %arg7[%broadcast_in_dim3A_903, %iota3A] : memref<512x48xf32, #tpu.memory_space<vmem>>[vector<16xi32>, vector<16xi32>], vector<16xf32>,
      %mul3A_905 = arith.mulf %get3A_888, %gather3A_904 : vector<16xf32>
      %add3A_906 = arith.addf %add3A_878, %mul3A_905 : vector<16xf32>
      %gather3A_907 = tpu.vector_load_idx %arg7[%broadcast_in_dim3A_903, %add3A_63] : memref<512x48xf32, #tpu.memory_space<vmem>>[vector<16xi32>, vector<16xi32>], vector<16xf32>,
      %mul3A_908 = arith.mulf %get3A_888, %gather3A_907 : vector<16xf32>
      %add3A_909 = arith.addf %add3A_881, %mul3A_908 : vector<16xf32>
      %gather3A_910 = tpu.vector_load_idx %arg7[%broadcast_in_dim3A_903, %add3A_66] : memref<512x48xf32, #tpu.memory_space<vmem>>[vector<16xi32>, vector<16xi32>], vector<16xf32>,
      %mul3A_911 = arith.mulf %get3A_888, %gather3A_910 : vector<16xf32>
      %add3A_912 = arith.addf %add3A_884, %mul3A_911 : vector<16xf32>
      %get3A_913 = arith.constant 27 : i32
      %get3A_914 = arith.index_cast %get3A_913 : i32 to index
      %get3A_915 = arith.constant 0 : index
      %get3A_916 = tpu.vector_load %arg9[%get3A_914, %get3A_915] {strides = array<i32>} : memref<64x16xf32, #tpu.memory_space<vmem>>, vector<16xf32>,
      %slice3A_917 = vector.extract_strided_slice %get3A_603 {offsets = [11], sizes = [1], strides = [1]} : vector<16xi32> to vector<1xi32>
      %squeeze3A_918 = vector.extract %slice3A_917[0] : i32 from vector<1xi32>
      %broadcast_in_dim3A_919 = vector.broadcast %squeeze3A_918 : i32 to vector<16xi32>
      %gather3A_920 = tpu.vector_load_idx %arg7[%broadcast_in_dim3A_919, %iota3A] : memref<512x48xf32, #tpu.memory_space<vmem>>[vector<16xi32>, vector<16xi32>], vector<16xf32>,
      %mul3A_921 = arith.mulf %get3A_916, %gather3A_920 : vector<16xf32>
      %add3A_922 = arith.addf %add3A_894, %mul3A_921 : vector<16xf32>
      %gather3A_923 = tpu.vector_load_idx %arg7[%broadcast_in_dim3A_919, %add3A_63] : memref<512x48xf32, #tpu.memory_space<vmem>>[vector<16xi32>, vector<16xi32>], vector<16xf32>,
      %mul3A_924 = arith.mulf %get3A_916, %gather3A_923 : vector<16xf32>
      %add3A_925 = arith.addf %add3A_897, %mul3A_924 : vector<16xf32>
      %gather3A_926 = tpu.vector_load_idx %arg7[%broadcast_in_dim3A_919, %add3A_66] : memref<512x48xf32, #tpu.memory_space<vmem>>[vector<16xi32>, vector<16xi32>], vector<16xf32>,
      %mul3A_927 = arith.mulf %get3A_916, %gather3A_926 : vector<16xf32>
      %add3A_928 = arith.addf %add3A_900, %mul3A_927 : vector<16xf32>
      %slice3A_929 = vector.extract_strided_slice %get3A_608 {offsets = [11], sizes = [1], strides = [1]} : vector<16xi32> to vector<1xi32>
      %squeeze3A_930 = vector.extract %slice3A_929[0] : i32 from vector<1xi32>
      %broadcast_in_dim3A_931 = vector.broadcast %squeeze3A_930 : i32 to vector<16xi32>
      %gather3A_932 = tpu.vector_load_idx %arg7[%broadcast_in_dim3A_931, %iota3A] : memref<512x48xf32, #tpu.memory_space<vmem>>[vector<16xi32>, vector<16xi32>], vector<16xf32>,
      %mul3A_933 = arith.mulf %get3A_916, %gather3A_932 : vector<16xf32>
      %add3A_934 = arith.addf %add3A_906, %mul3A_933 : vector<16xf32>
      %gather3A_935 = tpu.vector_load_idx %arg7[%broadcast_in_dim3A_931, %add3A_63] : memref<512x48xf32, #tpu.memory_space<vmem>>[vector<16xi32>, vector<16xi32>], vector<16xf32>,
      %mul3A_936 = arith.mulf %get3A_916, %gather3A_935 : vector<16xf32>
      %add3A_937 = arith.addf %add3A_909, %mul3A_936 : vector<16xf32>
      %gather3A_938 = tpu.vector_load_idx %arg7[%broadcast_in_dim3A_931, %add3A_66] : memref<512x48xf32, #tpu.memory_space<vmem>>[vector<16xi32>, vector<16xi32>], vector<16xf32>,
      %mul3A_939 = arith.mulf %get3A_916, %gather3A_938 : vector<16xf32>
      %add3A_940 = arith.addf %add3A_912, %mul3A_939 : vector<16xf32>
      %get3A_941 = arith.constant 28 : i32
      %get3A_942 = arith.index_cast %get3A_941 : i32 to index
      %get3A_943 = arith.constant 0 : index
      %get3A_944 = tpu.vector_load %arg9[%get3A_942, %get3A_943] {strides = array<i32>} : memref<64x16xf32, #tpu.memory_space<vmem>>, vector<16xf32>,
      %slice3A_945 = vector.extract_strided_slice %get3A_603 {offsets = [12], sizes = [1], strides = [1]} : vector<16xi32> to vector<1xi32>
      %squeeze3A_946 = vector.extract %slice3A_945[0] : i32 from vector<1xi32>
      %broadcast_in_dim3A_947 = vector.broadcast %squeeze3A_946 : i32 to vector<16xi32>
      %gather3A_948 = tpu.vector_load_idx %arg7[%broadcast_in_dim3A_947, %iota3A] : memref<512x48xf32, #tpu.memory_space<vmem>>[vector<16xi32>, vector<16xi32>], vector<16xf32>,
      %mul3A_949 = arith.mulf %get3A_944, %gather3A_948 : vector<16xf32>
      %add3A_950 = arith.addf %add3A_922, %mul3A_949 : vector<16xf32>
      %gather3A_951 = tpu.vector_load_idx %arg7[%broadcast_in_dim3A_947, %add3A_63] : memref<512x48xf32, #tpu.memory_space<vmem>>[vector<16xi32>, vector<16xi32>], vector<16xf32>,
      %mul3A_952 = arith.mulf %get3A_944, %gather3A_951 : vector<16xf32>
      %add3A_953 = arith.addf %add3A_925, %mul3A_952 : vector<16xf32>
      %gather3A_954 = tpu.vector_load_idx %arg7[%broadcast_in_dim3A_947, %add3A_66] : memref<512x48xf32, #tpu.memory_space<vmem>>[vector<16xi32>, vector<16xi32>], vector<16xf32>,
      %mul3A_955 = arith.mulf %get3A_944, %gather3A_954 : vector<16xf32>
      %add3A_956 = arith.addf %add3A_928, %mul3A_955 : vector<16xf32>
      %slice3A_957 = vector.extract_strided_slice %get3A_608 {offsets = [12], sizes = [1], strides = [1]} : vector<16xi32> to vector<1xi32>
      %squeeze3A_958 = vector.extract %slice3A_957[0] : i32 from vector<1xi32>
      %broadcast_in_dim3A_959 = vector.broadcast %squeeze3A_958 : i32 to vector<16xi32>
      %gather3A_960 = tpu.vector_load_idx %arg7[%broadcast_in_dim3A_959, %iota3A] : memref<512x48xf32, #tpu.memory_space<vmem>>[vector<16xi32>, vector<16xi32>], vector<16xf32>,
      %mul3A_961 = arith.mulf %get3A_944, %gather3A_960 : vector<16xf32>
      %add3A_962 = arith.addf %add3A_934, %mul3A_961 : vector<16xf32>
      %gather3A_963 = tpu.vector_load_idx %arg7[%broadcast_in_dim3A_959, %add3A_63] : memref<512x48xf32, #tpu.memory_space<vmem>>[vector<16xi32>, vector<16xi32>], vector<16xf32>,
      %mul3A_964 = arith.mulf %get3A_944, %gather3A_963 : vector<16xf32>
      %add3A_965 = arith.addf %add3A_937, %mul3A_964 : vector<16xf32>
      %gather3A_966 = tpu.vector_load_idx %arg7[%broadcast_in_dim3A_959, %add3A_66] : memref<512x48xf32, #tpu.memory_space<vmem>>[vector<16xi32>, vector<16xi32>], vector<16xf32>,
      %mul3A_967 = arith.mulf %get3A_944, %gather3A_966 : vector<16xf32>
      %add3A_968 = arith.addf %add3A_940, %mul3A_967 : vector<16xf32>
      %get3A_969 = arith.constant 29 : i32
      %get3A_970 = arith.index_cast %get3A_969 : i32 to index
      %get3A_971 = arith.constant 0 : index
      %get3A_972 = tpu.vector_load %arg9[%get3A_970, %get3A_971] {strides = array<i32>} : memref<64x16xf32, #tpu.memory_space<vmem>>, vector<16xf32>,
      %slice3A_973 = vector.extract_strided_slice %get3A_603 {offsets = [13], sizes = [1], strides = [1]} : vector<16xi32> to vector<1xi32>
      %squeeze3A_974 = vector.extract %slice3A_973[0] : i32 from vector<1xi32>
      %broadcast_in_dim3A_975 = vector.broadcast %squeeze3A_974 : i32 to vector<16xi32>
      %gather3A_976 = tpu.vector_load_idx %arg7[%broadcast_in_dim3A_975, %iota3A] : memref<512x48xf32, #tpu.memory_space<vmem>>[vector<16xi32>, vector<16xi32>], vector<16xf32>,
      %mul3A_977 = arith.mulf %get3A_972, %gather3A_976 : vector<16xf32>
      %add3A_978 = arith.addf %add3A_950, %mul3A_977 : vector<16xf32>
      %gather3A_979 = tpu.vector_load_idx %arg7[%broadcast_in_dim3A_975, %add3A_63] : memref<512x48xf32, #tpu.memory_space<vmem>>[vector<16xi32>, vector<16xi32>], vector<16xf32>,
      %mul3A_980 = arith.mulf %get3A_972, %gather3A_979 : vector<16xf32>
      %add3A_981 = arith.addf %add3A_953, %mul3A_980 : vector<16xf32>
      %gather3A_982 = tpu.vector_load_idx %arg7[%broadcast_in_dim3A_975, %add3A_66] : memref<512x48xf32, #tpu.memory_space<vmem>>[vector<16xi32>, vector<16xi32>], vector<16xf32>,
      %mul3A_983 = arith.mulf %get3A_972, %gather3A_982 : vector<16xf32>
      %add3A_984 = arith.addf %add3A_956, %mul3A_983 : vector<16xf32>
      %slice3A_985 = vector.extract_strided_slice %get3A_608 {offsets = [13], sizes = [1], strides = [1]} : vector<16xi32> to vector<1xi32>
      %squeeze3A_986 = vector.extract %slice3A_985[0] : i32 from vector<1xi32>
      %broadcast_in_dim3A_987 = vector.broadcast %squeeze3A_986 : i32 to vector<16xi32>
      %gather3A_988 = tpu.vector_load_idx %arg7[%broadcast_in_dim3A_987, %iota3A] : memref<512x48xf32, #tpu.memory_space<vmem>>[vector<16xi32>, vector<16xi32>], vector<16xf32>,
      %mul3A_989 = arith.mulf %get3A_972, %gather3A_988 : vector<16xf32>
      %add3A_990 = arith.addf %add3A_962, %mul3A_989 : vector<16xf32>
      %gather3A_991 = tpu.vector_load_idx %arg7[%broadcast_in_dim3A_987, %add3A_63] : memref<512x48xf32, #tpu.memory_space<vmem>>[vector<16xi32>, vector<16xi32>], vector<16xf32>,
      %mul3A_992 = arith.mulf %get3A_972, %gather3A_991 : vector<16xf32>
      %add3A_993 = arith.addf %add3A_965, %mul3A_992 : vector<16xf32>
      %gather3A_994 = tpu.vector_load_idx %arg7[%broadcast_in_dim3A_987, %add3A_66] : memref<512x48xf32, #tpu.memory_space<vmem>>[vector<16xi32>, vector<16xi32>], vector<16xf32>,
      %mul3A_995 = arith.mulf %get3A_972, %gather3A_994 : vector<16xf32>
      %add3A_996 = arith.addf %add3A_968, %mul3A_995 : vector<16xf32>
      %get3A_997 = arith.constant 30 : i32
      %get3A_998 = arith.index_cast %get3A_997 : i32 to index
      %get3A_999 = arith.constant 0 : index
      %get3A_1000 = tpu.vector_load %arg9[%get3A_998, %get3A_999] {strides = array<i32>} : memref<64x16xf32, #tpu.memory_space<vmem>>, vector<16xf32>,
      %slice3A_1001 = vector.extract_strided_slice %get3A_603 {offsets = [14], sizes = [1], strides = [1]} : vector<16xi32> to vector<1xi32>
      %squeeze3A_1002 = vector.extract %slice3A_1001[0] : i32 from vector<1xi32>
      %broadcast_in_dim3A_1003 = vector.broadcast %squeeze3A_1002 : i32 to vector<16xi32>
      %gather3A_1004 = tpu.vector_load_idx %arg7[%broadcast_in_dim3A_1003, %iota3A] : memref<512x48xf32, #tpu.memory_space<vmem>>[vector<16xi32>, vector<16xi32>], vector<16xf32>,
      %mul3A_1005 = arith.mulf %get3A_1000, %gather3A_1004 : vector<16xf32>
      %add3A_1006 = arith.addf %add3A_978, %mul3A_1005 : vector<16xf32>
      %gather3A_1007 = tpu.vector_load_idx %arg7[%broadcast_in_dim3A_1003, %add3A_63] : memref<512x48xf32, #tpu.memory_space<vmem>>[vector<16xi32>, vector<16xi32>], vector<16xf32>,
      %mul3A_1008 = arith.mulf %get3A_1000, %gather3A_1007 : vector<16xf32>
      %add3A_1009 = arith.addf %add3A_981, %mul3A_1008 : vector<16xf32>
      %gather3A_1010 = tpu.vector_load_idx %arg7[%broadcast_in_dim3A_1003, %add3A_66] : memref<512x48xf32, #tpu.memory_space<vmem>>[vector<16xi32>, vector<16xi32>], vector<16xf32>,
      %mul3A_1011 = arith.mulf %get3A_1000, %gather3A_1010 : vector<16xf32>
      %add3A_1012 = arith.addf %add3A_984, %mul3A_1011 : vector<16xf32>
      %slice3A_1013 = vector.extract_strided_slice %get3A_608 {offsets = [14], sizes = [1], strides = [1]} : vector<16xi32> to vector<1xi32>
      %squeeze3A_1014 = vector.extract %slice3A_1013[0] : i32 from vector<1xi32>
      %broadcast_in_dim3A_1015 = vector.broadcast %squeeze3A_1014 : i32 to vector<16xi32>
      %gather3A_1016 = tpu.vector_load_idx %arg7[%broadcast_in_dim3A_1015, %iota3A] : memref<512x48xf32, #tpu.memory_space<vmem>>[vector<16xi32>, vector<16xi32>], vector<16xf32>,
      %mul3A_1017 = arith.mulf %get3A_1000, %gather3A_1016 : vector<16xf32>
      %add3A_1018 = arith.addf %add3A_990, %mul3A_1017 : vector<16xf32>
      %gather3A_1019 = tpu.vector_load_idx %arg7[%broadcast_in_dim3A_1015, %add3A_63] : memref<512x48xf32, #tpu.memory_space<vmem>>[vector<16xi32>, vector<16xi32>], vector<16xf32>,
      %mul3A_1020 = arith.mulf %get3A_1000, %gather3A_1019 : vector<16xf32>
      %add3A_1021 = arith.addf %add3A_993, %mul3A_1020 : vector<16xf32>
      %gather3A_1022 = tpu.vector_load_idx %arg7[%broadcast_in_dim3A_1015, %add3A_66] : memref<512x48xf32, #tpu.memory_space<vmem>>[vector<16xi32>, vector<16xi32>], vector<16xf32>,
      %mul3A_1023 = arith.mulf %get3A_1000, %gather3A_1022 : vector<16xf32>
      %add3A_1024 = arith.addf %add3A_996, %mul3A_1023 : vector<16xf32>
      %get3A_1025 = arith.constant 31 : i32
      %get3A_1026 = arith.index_cast %get3A_1025 : i32 to index
      %get3A_1027 = arith.constant 0 : index
      %get3A_1028 = tpu.vector_load %arg9[%get3A_1026, %get3A_1027] {strides = array<i32>} : memref<64x16xf32, #tpu.memory_space<vmem>>, vector<16xf32>,
      %slice3A_1029 = vector.extract_strided_slice %get3A_603 {offsets = [15], sizes = [1], strides = [1]} : vector<16xi32> to vector<1xi32>
      %squeeze3A_1030 = vector.extract %slice3A_1029[0] : i32 from vector<1xi32>
      %broadcast_in_dim3A_1031 = vector.broadcast %squeeze3A_1030 : i32 to vector<16xi32>
      %gather3A_1032 = tpu.vector_load_idx %arg7[%broadcast_in_dim3A_1031, %iota3A] : memref<512x48xf32, #tpu.memory_space<vmem>>[vector<16xi32>, vector<16xi32>], vector<16xf32>,
      %mul3A_1033 = arith.mulf %get3A_1028, %gather3A_1032 : vector<16xf32>
      %add3A_1034 = arith.addf %add3A_1006, %mul3A_1033 : vector<16xf32>
      %gather3A_1035 = tpu.vector_load_idx %arg7[%broadcast_in_dim3A_1031, %add3A_63] : memref<512x48xf32, #tpu.memory_space<vmem>>[vector<16xi32>, vector<16xi32>], vector<16xf32>,
      %mul3A_1036 = arith.mulf %get3A_1028, %gather3A_1035 : vector<16xf32>
      %add3A_1037 = arith.addf %add3A_1009, %mul3A_1036 : vector<16xf32>
      %gather3A_1038 = tpu.vector_load_idx %arg7[%broadcast_in_dim3A_1031, %add3A_66] : memref<512x48xf32, #tpu.memory_space<vmem>>[vector<16xi32>, vector<16xi32>], vector<16xf32>,
      %mul3A_1039 = arith.mulf %get3A_1028, %gather3A_1038 : vector<16xf32>
      %add3A_1040 = arith.addf %add3A_1012, %mul3A_1039 : vector<16xf32>
      %slice3A_1041 = vector.extract_strided_slice %get3A_608 {offsets = [15], sizes = [1], strides = [1]} : vector<16xi32> to vector<1xi32>
      %squeeze3A_1042 = vector.extract %slice3A_1041[0] : i32 from vector<1xi32>
      %broadcast_in_dim3A_1043 = vector.broadcast %squeeze3A_1042 : i32 to vector<16xi32>
      %gather3A_1044 = tpu.vector_load_idx %arg7[%broadcast_in_dim3A_1043, %iota3A] : memref<512x48xf32, #tpu.memory_space<vmem>>[vector<16xi32>, vector<16xi32>], vector<16xf32>,
      %mul3A_1045 = arith.mulf %get3A_1028, %gather3A_1044 : vector<16xf32>
      %add3A_1046 = arith.addf %add3A_1018, %mul3A_1045 : vector<16xf32>
      %gather3A_1047 = tpu.vector_load_idx %arg7[%broadcast_in_dim3A_1043, %add3A_63] : memref<512x48xf32, #tpu.memory_space<vmem>>[vector<16xi32>, vector<16xi32>], vector<16xf32>,
      %mul3A_1048 = arith.mulf %get3A_1028, %gather3A_1047 : vector<16xf32>
      %add3A_1049 = arith.addf %add3A_1021, %mul3A_1048 : vector<16xf32>
      %gather3A_1050 = tpu.vector_load_idx %arg7[%broadcast_in_dim3A_1043, %add3A_66] : memref<512x48xf32, #tpu.memory_space<vmem>>[vector<16xi32>, vector<16xi32>], vector<16xf32>,
      %mul3A_1051 = arith.mulf %get3A_1028, %gather3A_1050 : vector<16xf32>
      %add3A_1052 = arith.addf %add3A_1024, %mul3A_1051 : vector<16xf32>
      %get3A_1053 = arith.constant 32 : i32
      %get3A_1054 = arith.index_cast %get3A_1053 : i32 to index
      %get3A_1055 = arith.constant 0 : index
      %get3A_1056 = tpu.vector_load %arg9[%get3A_1054, %get3A_1055] {strides = array<i32>} : memref<64x16xf32, #tpu.memory_space<vmem>>, vector<16xf32>,
      %add3A_1057 = arith.constant 0 : i32
      %add3A_1058 = arith.addi %add3A_138, %add3A_1057 : i32
      %get3A_1059 = arith.index_cast %add3A_1058 : i32 to index
      %get3A_1060 = arith.constant 32 : index
      %get3A_1061 = tpu.vector_load %arg8[%get3A_1059, %get3A_1060] {strides = array<i32>} : memref<256x64xi32, #tpu.memory_space<vmem>>, vector<16xi32>,
      %add3A_1062 = arith.constant 1 : i32
      %add3A_1063 = arith.addi %add3A_138, %add3A_1062 : i32
      %get3A_1064 = arith.index_cast %add3A_1063 : i32 to index
      %get3A_1065 = arith.constant 32 : index
      %get3A_1066 = tpu.vector_load %arg8[%get3A_1064, %get3A_1065] {strides = array<i32>} : memref<256x64xi32, #tpu.memory_space<vmem>>, vector<16xi32>,
      %slice3A_1067 = vector.extract_strided_slice %get3A_1061 {offsets = [0], sizes = [1], strides = [1]} : vector<16xi32> to vector<1xi32>
      %squeeze3A_1068 = vector.extract %slice3A_1067[0] : i32 from vector<1xi32>
      %broadcast_in_dim3A_1069 = vector.broadcast %squeeze3A_1068 : i32 to vector<16xi32>
      %gather3A_1070 = tpu.vector_load_idx %arg7[%broadcast_in_dim3A_1069, %iota3A] : memref<512x48xf32, #tpu.memory_space<vmem>>[vector<16xi32>, vector<16xi32>], vector<16xf32>,
      %mul3A_1071 = arith.mulf %get3A_1056, %gather3A_1070 : vector<16xf32>
      %add3A_1072 = arith.addf %add3A_1034, %mul3A_1071 : vector<16xf32>
      %gather3A_1073 = tpu.vector_load_idx %arg7[%broadcast_in_dim3A_1069, %add3A_63] : memref<512x48xf32, #tpu.memory_space<vmem>>[vector<16xi32>, vector<16xi32>], vector<16xf32>,
      %mul3A_1074 = arith.mulf %get3A_1056, %gather3A_1073 : vector<16xf32>
      %add3A_1075 = arith.addf %add3A_1037, %mul3A_1074 : vector<16xf32>
      %gather3A_1076 = tpu.vector_load_idx %arg7[%broadcast_in_dim3A_1069, %add3A_66] : memref<512x48xf32, #tpu.memory_space<vmem>>[vector<16xi32>, vector<16xi32>], vector<16xf32>,
      %mul3A_1077 = arith.mulf %get3A_1056, %gather3A_1076 : vector<16xf32>
      %add3A_1078 = arith.addf %add3A_1040, %mul3A_1077 : vector<16xf32>
      %slice3A_1079 = vector.extract_strided_slice %get3A_1066 {offsets = [0], sizes = [1], strides = [1]} : vector<16xi32> to vector<1xi32>
      %squeeze3A_1080 = vector.extract %slice3A_1079[0] : i32 from vector<1xi32>
      %broadcast_in_dim3A_1081 = vector.broadcast %squeeze3A_1080 : i32 to vector<16xi32>
      %gather3A_1082 = tpu.vector_load_idx %arg7[%broadcast_in_dim3A_1081, %iota3A] : memref<512x48xf32, #tpu.memory_space<vmem>>[vector<16xi32>, vector<16xi32>], vector<16xf32>,
      %mul3A_1083 = arith.mulf %get3A_1056, %gather3A_1082 : vector<16xf32>
      %add3A_1084 = arith.addf %add3A_1046, %mul3A_1083 : vector<16xf32>
      %gather3A_1085 = tpu.vector_load_idx %arg7[%broadcast_in_dim3A_1081, %add3A_63] : memref<512x48xf32, #tpu.memory_space<vmem>>[vector<16xi32>, vector<16xi32>], vector<16xf32>,
      %mul3A_1086 = arith.mulf %get3A_1056, %gather3A_1085 : vector<16xf32>
      %add3A_1087 = arith.addf %add3A_1049, %mul3A_1086 : vector<16xf32>
      %gather3A_1088 = tpu.vector_load_idx %arg7[%broadcast_in_dim3A_1081, %add3A_66] : memref<512x48xf32, #tpu.memory_space<vmem>>[vector<16xi32>, vector<16xi32>], vector<16xf32>,
      %mul3A_1089 = arith.mulf %get3A_1056, %gather3A_1088 : vector<16xf32>
      %add3A_1090 = arith.addf %add3A_1052, %mul3A_1089 : vector<16xf32>
      %get3A_1091 = arith.constant 33 : i32
      %get3A_1092 = arith.index_cast %get3A_1091 : i32 to index
      %get3A_1093 = arith.constant 0 : index
      %get3A_1094 = tpu.vector_load %arg9[%get3A_1092, %get3A_1093] {strides = array<i32>} : memref<64x16xf32, #tpu.memory_space<vmem>>, vector<16xf32>,
      %slice3A_1095 = vector.extract_strided_slice %get3A_1061 {offsets = [1], sizes = [1], strides = [1]} : vector<16xi32> to vector<1xi32>
      %squeeze3A_1096 = vector.extract %slice3A_1095[0] : i32 from vector<1xi32>
      %broadcast_in_dim3A_1097 = vector.broadcast %squeeze3A_1096 : i32 to vector<16xi32>
      %gather3A_1098 = tpu.vector_load_idx %arg7[%broadcast_in_dim3A_1097, %iota3A] : memref<512x48xf32, #tpu.memory_space<vmem>>[vector<16xi32>, vector<16xi32>], vector<16xf32>,
      %mul3A_1099 = arith.mulf %get3A_1094, %gather3A_1098 : vector<16xf32>
      %add3A_1100 = arith.addf %add3A_1072, %mul3A_1099 : vector<16xf32>
      %gather3A_1101 = tpu.vector_load_idx %arg7[%broadcast_in_dim3A_1097, %add3A_63] : memref<512x48xf32, #tpu.memory_space<vmem>>[vector<16xi32>, vector<16xi32>], vector<16xf32>,
      %mul3A_1102 = arith.mulf %get3A_1094, %gather3A_1101 : vector<16xf32>
      %add3A_1103 = arith.addf %add3A_1075, %mul3A_1102 : vector<16xf32>
      %gather3A_1104 = tpu.vector_load_idx %arg7[%broadcast_in_dim3A_1097, %add3A_66] : memref<512x48xf32, #tpu.memory_space<vmem>>[vector<16xi32>, vector<16xi32>], vector<16xf32>,
      %mul3A_1105 = arith.mulf %get3A_1094, %gather3A_1104 : vector<16xf32>
      %add3A_1106 = arith.addf %add3A_1078, %mul3A_1105 : vector<16xf32>
      %slice3A_1107 = vector.extract_strided_slice %get3A_1066 {offsets = [1], sizes = [1], strides = [1]} : vector<16xi32> to vector<1xi32>
      %squeeze3A_1108 = vector.extract %slice3A_1107[0] : i32 from vector<1xi32>
      %broadcast_in_dim3A_1109 = vector.broadcast %squeeze3A_1108 : i32 to vector<16xi32>
      %gather3A_1110 = tpu.vector_load_idx %arg7[%broadcast_in_dim3A_1109, %iota3A] : memref<512x48xf32, #tpu.memory_space<vmem>>[vector<16xi32>, vector<16xi32>], vector<16xf32>,
      %mul3A_1111 = arith.mulf %get3A_1094, %gather3A_1110 : vector<16xf32>
      %add3A_1112 = arith.addf %add3A_1084, %mul3A_1111 : vector<16xf32>
      %gather3A_1113 = tpu.vector_load_idx %arg7[%broadcast_in_dim3A_1109, %add3A_63] : memref<512x48xf32, #tpu.memory_space<vmem>>[vector<16xi32>, vector<16xi32>], vector<16xf32>,
      %mul3A_1114 = arith.mulf %get3A_1094, %gather3A_1113 : vector<16xf32>
      %add3A_1115 = arith.addf %add3A_1087, %mul3A_1114 : vector<16xf32>
      %gather3A_1116 = tpu.vector_load_idx %arg7[%broadcast_in_dim3A_1109, %add3A_66] : memref<512x48xf32, #tpu.memory_space<vmem>>[vector<16xi32>, vector<16xi32>], vector<16xf32>,
      %mul3A_1117 = arith.mulf %get3A_1094, %gather3A_1116 : vector<16xf32>
      %add3A_1118 = arith.addf %add3A_1090, %mul3A_1117 : vector<16xf32>
      %get3A_1119 = arith.constant 34 : i32
      %get3A_1120 = arith.index_cast %get3A_1119 : i32 to index
      %get3A_1121 = arith.constant 0 : index
      %get3A_1122 = tpu.vector_load %arg9[%get3A_1120, %get3A_1121] {strides = array<i32>} : memref<64x16xf32, #tpu.memory_space<vmem>>, vector<16xf32>,
      %slice3A_1123 = vector.extract_strided_slice %get3A_1061 {offsets = [2], sizes = [1], strides = [1]} : vector<16xi32> to vector<1xi32>
      %squeeze3A_1124 = vector.extract %slice3A_1123[0] : i32 from vector<1xi32>
      %broadcast_in_dim3A_1125 = vector.broadcast %squeeze3A_1124 : i32 to vector<16xi32>
      %gather3A_1126 = tpu.vector_load_idx %arg7[%broadcast_in_dim3A_1125, %iota3A] : memref<512x48xf32, #tpu.memory_space<vmem>>[vector<16xi32>, vector<16xi32>], vector<16xf32>,
      %mul3A_1127 = arith.mulf %get3A_1122, %gather3A_1126 : vector<16xf32>
      %add3A_1128 = arith.addf %add3A_1100, %mul3A_1127 : vector<16xf32>
      %gather3A_1129 = tpu.vector_load_idx %arg7[%broadcast_in_dim3A_1125, %add3A_63] : memref<512x48xf32, #tpu.memory_space<vmem>>[vector<16xi32>, vector<16xi32>], vector<16xf32>,
      %mul3A_1130 = arith.mulf %get3A_1122, %gather3A_1129 : vector<16xf32>
      %add3A_1131 = arith.addf %add3A_1103, %mul3A_1130 : vector<16xf32>
      %gather3A_1132 = tpu.vector_load_idx %arg7[%broadcast_in_dim3A_1125, %add3A_66] : memref<512x48xf32, #tpu.memory_space<vmem>>[vector<16xi32>, vector<16xi32>], vector<16xf32>,
      %mul3A_1133 = arith.mulf %get3A_1122, %gather3A_1132 : vector<16xf32>
      %add3A_1134 = arith.addf %add3A_1106, %mul3A_1133 : vector<16xf32>
      %slice3A_1135 = vector.extract_strided_slice %get3A_1066 {offsets = [2], sizes = [1], strides = [1]} : vector<16xi32> to vector<1xi32>
      %squeeze3A_1136 = vector.extract %slice3A_1135[0] : i32 from vector<1xi32>
      %broadcast_in_dim3A_1137 = vector.broadcast %squeeze3A_1136 : i32 to vector<16xi32>
      %gather3A_1138 = tpu.vector_load_idx %arg7[%broadcast_in_dim3A_1137, %iota3A] : memref<512x48xf32, #tpu.memory_space<vmem>>[vector<16xi32>, vector<16xi32>], vector<16xf32>,
      %mul3A_1139 = arith.mulf %get3A_1122, %gather3A_1138 : vector<16xf32>
      %add3A_1140 = arith.addf %add3A_1112, %mul3A_1139 : vector<16xf32>
      %gather3A_1141 = tpu.vector_load_idx %arg7[%broadcast_in_dim3A_1137, %add3A_63] : memref<512x48xf32, #tpu.memory_space<vmem>>[vector<16xi32>, vector<16xi32>], vector<16xf32>,
      %mul3A_1142 = arith.mulf %get3A_1122, %gather3A_1141 : vector<16xf32>
      %add3A_1143 = arith.addf %add3A_1115, %mul3A_1142 : vector<16xf32>
      %gather3A_1144 = tpu.vector_load_idx %arg7[%broadcast_in_dim3A_1137, %add3A_66] : memref<512x48xf32, #tpu.memory_space<vmem>>[vector<16xi32>, vector<16xi32>], vector<16xf32>,
      %mul3A_1145 = arith.mulf %get3A_1122, %gather3A_1144 : vector<16xf32>
      %add3A_1146 = arith.addf %add3A_1118, %mul3A_1145 : vector<16xf32>
      %get3A_1147 = arith.constant 35 : i32
      %get3A_1148 = arith.index_cast %get3A_1147 : i32 to index
      %get3A_1149 = arith.constant 0 : index
      %get3A_1150 = tpu.vector_load %arg9[%get3A_1148, %get3A_1149] {strides = array<i32>} : memref<64x16xf32, #tpu.memory_space<vmem>>, vector<16xf32>,
      %slice3A_1151 = vector.extract_strided_slice %get3A_1061 {offsets = [3], sizes = [1], strides = [1]} : vector<16xi32> to vector<1xi32>
      %squeeze3A_1152 = vector.extract %slice3A_1151[0] : i32 from vector<1xi32>
      %broadcast_in_dim3A_1153 = vector.broadcast %squeeze3A_1152 : i32 to vector<16xi32>
      %gather3A_1154 = tpu.vector_load_idx %arg7[%broadcast_in_dim3A_1153, %iota3A] : memref<512x48xf32, #tpu.memory_space<vmem>>[vector<16xi32>, vector<16xi32>], vector<16xf32>,
      %mul3A_1155 = arith.mulf %get3A_1150, %gather3A_1154 : vector<16xf32>
      %add3A_1156 = arith.addf %add3A_1128, %mul3A_1155 : vector<16xf32>
      %gather3A_1157 = tpu.vector_load_idx %arg7[%broadcast_in_dim3A_1153, %add3A_63] : memref<512x48xf32, #tpu.memory_space<vmem>>[vector<16xi32>, vector<16xi32>], vector<16xf32>,
      %mul3A_1158 = arith.mulf %get3A_1150, %gather3A_1157 : vector<16xf32>
      %add3A_1159 = arith.addf %add3A_1131, %mul3A_1158 : vector<16xf32>
      %gather3A_1160 = tpu.vector_load_idx %arg7[%broadcast_in_dim3A_1153, %add3A_66] : memref<512x48xf32, #tpu.memory_space<vmem>>[vector<16xi32>, vector<16xi32>], vector<16xf32>,
      %mul3A_1161 = arith.mulf %get3A_1150, %gather3A_1160 : vector<16xf32>
      %add3A_1162 = arith.addf %add3A_1134, %mul3A_1161 : vector<16xf32>
      %slice3A_1163 = vector.extract_strided_slice %get3A_1066 {offsets = [3], sizes = [1], strides = [1]} : vector<16xi32> to vector<1xi32>
      %squeeze3A_1164 = vector.extract %slice3A_1163[0] : i32 from vector<1xi32>
      %broadcast_in_dim3A_1165 = vector.broadcast %squeeze3A_1164 : i32 to vector<16xi32>
      %gather3A_1166 = tpu.vector_load_idx %arg7[%broadcast_in_dim3A_1165, %iota3A] : memref<512x48xf32, #tpu.memory_space<vmem>>[vector<16xi32>, vector<16xi32>], vector<16xf32>,
      %mul3A_1167 = arith.mulf %get3A_1150, %gather3A_1166 : vector<16xf32>
      %add3A_1168 = arith.addf %add3A_1140, %mul3A_1167 : vector<16xf32>
      %gather3A_1169 = tpu.vector_load_idx %arg7[%broadcast_in_dim3A_1165, %add3A_63] : memref<512x48xf32, #tpu.memory_space<vmem>>[vector<16xi32>, vector<16xi32>], vector<16xf32>,
      %mul3A_1170 = arith.mulf %get3A_1150, %gather3A_1169 : vector<16xf32>
      %add3A_1171 = arith.addf %add3A_1143, %mul3A_1170 : vector<16xf32>
      %gather3A_1172 = tpu.vector_load_idx %arg7[%broadcast_in_dim3A_1165, %add3A_66] : memref<512x48xf32, #tpu.memory_space<vmem>>[vector<16xi32>, vector<16xi32>], vector<16xf32>,
      %mul3A_1173 = arith.mulf %get3A_1150, %gather3A_1172 : vector<16xf32>
      %add3A_1174 = arith.addf %add3A_1146, %mul3A_1173 : vector<16xf32>
      %get3A_1175 = arith.constant 36 : i32
      %get3A_1176 = arith.index_cast %get3A_1175 : i32 to index
      %get3A_1177 = arith.constant 0 : index
      %get3A_1178 = tpu.vector_load %arg9[%get3A_1176, %get3A_1177] {strides = array<i32>} : memref<64x16xf32, #tpu.memory_space<vmem>>, vector<16xf32>,
      %slice3A_1179 = vector.extract_strided_slice %get3A_1061 {offsets = [4], sizes = [1], strides = [1]} : vector<16xi32> to vector<1xi32>
      %squeeze3A_1180 = vector.extract %slice3A_1179[0] : i32 from vector<1xi32>
      %broadcast_in_dim3A_1181 = vector.broadcast %squeeze3A_1180 : i32 to vector<16xi32>
      %gather3A_1182 = tpu.vector_load_idx %arg7[%broadcast_in_dim3A_1181, %iota3A] : memref<512x48xf32, #tpu.memory_space<vmem>>[vector<16xi32>, vector<16xi32>], vector<16xf32>,
      %mul3A_1183 = arith.mulf %get3A_1178, %gather3A_1182 : vector<16xf32>
      %add3A_1184 = arith.addf %add3A_1156, %mul3A_1183 : vector<16xf32>
      %gather3A_1185 = tpu.vector_load_idx %arg7[%broadcast_in_dim3A_1181, %add3A_63] : memref<512x48xf32, #tpu.memory_space<vmem>>[vector<16xi32>, vector<16xi32>], vector<16xf32>,
      %mul3A_1186 = arith.mulf %get3A_1178, %gather3A_1185 : vector<16xf32>
      %add3A_1187 = arith.addf %add3A_1159, %mul3A_1186 : vector<16xf32>
      %gather3A_1188 = tpu.vector_load_idx %arg7[%broadcast_in_dim3A_1181, %add3A_66] : memref<512x48xf32, #tpu.memory_space<vmem>>[vector<16xi32>, vector<16xi32>], vector<16xf32>,
      %mul3A_1189 = arith.mulf %get3A_1178, %gather3A_1188 : vector<16xf32>
      %add3A_1190 = arith.addf %add3A_1162, %mul3A_1189 : vector<16xf32>
      %slice3A_1191 = vector.extract_strided_slice %get3A_1066 {offsets = [4], sizes = [1], strides = [1]} : vector<16xi32> to vector<1xi32>
      %squeeze3A_1192 = vector.extract %slice3A_1191[0] : i32 from vector<1xi32>
      %broadcast_in_dim3A_1193 = vector.broadcast %squeeze3A_1192 : i32 to vector<16xi32>
      %gather3A_1194 = tpu.vector_load_idx %arg7[%broadcast_in_dim3A_1193, %iota3A] : memref<512x48xf32, #tpu.memory_space<vmem>>[vector<16xi32>, vector<16xi32>], vector<16xf32>,
      %mul3A_1195 = arith.mulf %get3A_1178, %gather3A_1194 : vector<16xf32>
      %add3A_1196 = arith.addf %add3A_1168, %mul3A_1195 : vector<16xf32>
      %gather3A_1197 = tpu.vector_load_idx %arg7[%broadcast_in_dim3A_1193, %add3A_63] : memref<512x48xf32, #tpu.memory_space<vmem>>[vector<16xi32>, vector<16xi32>], vector<16xf32>,
      %mul3A_1198 = arith.mulf %get3A_1178, %gather3A_1197 : vector<16xf32>
      %add3A_1199 = arith.addf %add3A_1171, %mul3A_1198 : vector<16xf32>
      %gather3A_1200 = tpu.vector_load_idx %arg7[%broadcast_in_dim3A_1193, %add3A_66] : memref<512x48xf32, #tpu.memory_space<vmem>>[vector<16xi32>, vector<16xi32>], vector<16xf32>,
      %mul3A_1201 = arith.mulf %get3A_1178, %gather3A_1200 : vector<16xf32>
      %add3A_1202 = arith.addf %add3A_1174, %mul3A_1201 : vector<16xf32>
      %get3A_1203 = arith.constant 37 : i32
      %get3A_1204 = arith.index_cast %get3A_1203 : i32 to index
      %get3A_1205 = arith.constant 0 : index
      %get3A_1206 = tpu.vector_load %arg9[%get3A_1204, %get3A_1205] {strides = array<i32>} : memref<64x16xf32, #tpu.memory_space<vmem>>, vector<16xf32>,
      %slice3A_1207 = vector.extract_strided_slice %get3A_1061 {offsets = [5], sizes = [1], strides = [1]} : vector<16xi32> to vector<1xi32>
      %squeeze3A_1208 = vector.extract %slice3A_1207[0] : i32 from vector<1xi32>
      %broadcast_in_dim3A_1209 = vector.broadcast %squeeze3A_1208 : i32 to vector<16xi32>
      %gather3A_1210 = tpu.vector_load_idx %arg7[%broadcast_in_dim3A_1209, %iota3A] : memref<512x48xf32, #tpu.memory_space<vmem>>[vector<16xi32>, vector<16xi32>], vector<16xf32>,
      %mul3A_1211 = arith.mulf %get3A_1206, %gather3A_1210 : vector<16xf32>
      %add3A_1212 = arith.addf %add3A_1184, %mul3A_1211 : vector<16xf32>
      %gather3A_1213 = tpu.vector_load_idx %arg7[%broadcast_in_dim3A_1209, %add3A_63] : memref<512x48xf32, #tpu.memory_space<vmem>>[vector<16xi32>, vector<16xi32>], vector<16xf32>,
      %mul3A_1214 = arith.mulf %get3A_1206, %gather3A_1213 : vector<16xf32>
      %add3A_1215 = arith.addf %add3A_1187, %mul3A_1214 : vector<16xf32>
      %gather3A_1216 = tpu.vector_load_idx %arg7[%broadcast_in_dim3A_1209, %add3A_66] : memref<512x48xf32, #tpu.memory_space<vmem>>[vector<16xi32>, vector<16xi32>], vector<16xf32>,
      %mul3A_1217 = arith.mulf %get3A_1206, %gather3A_1216 : vector<16xf32>
      %add3A_1218 = arith.addf %add3A_1190, %mul3A_1217 : vector<16xf32>
      %slice3A_1219 = vector.extract_strided_slice %get3A_1066 {offsets = [5], sizes = [1], strides = [1]} : vector<16xi32> to vector<1xi32>
      %squeeze3A_1220 = vector.extract %slice3A_1219[0] : i32 from vector<1xi32>
      %broadcast_in_dim3A_1221 = vector.broadcast %squeeze3A_1220 : i32 to vector<16xi32>
      %gather3A_1222 = tpu.vector_load_idx %arg7[%broadcast_in_dim3A_1221, %iota3A] : memref<512x48xf32, #tpu.memory_space<vmem>>[vector<16xi32>, vector<16xi32>], vector<16xf32>,
      %mul3A_1223 = arith.mulf %get3A_1206, %gather3A_1222 : vector<16xf32>
      %add3A_1224 = arith.addf %add3A_1196, %mul3A_1223 : vector<16xf32>
      %gather3A_1225 = tpu.vector_load_idx %arg7[%broadcast_in_dim3A_1221, %add3A_63] : memref<512x48xf32, #tpu.memory_space<vmem>>[vector<16xi32>, vector<16xi32>], vector<16xf32>,
      %mul3A_1226 = arith.mulf %get3A_1206, %gather3A_1225 : vector<16xf32>
      %add3A_1227 = arith.addf %add3A_1199, %mul3A_1226 : vector<16xf32>
      %gather3A_1228 = tpu.vector_load_idx %arg7[%broadcast_in_dim3A_1221, %add3A_66] : memref<512x48xf32, #tpu.memory_space<vmem>>[vector<16xi32>, vector<16xi32>], vector<16xf32>,
      %mul3A_1229 = arith.mulf %get3A_1206, %gather3A_1228 : vector<16xf32>
      %add3A_1230 = arith.addf %add3A_1202, %mul3A_1229 : vector<16xf32>
      %get3A_1231 = arith.constant 38 : i32
      %get3A_1232 = arith.index_cast %get3A_1231 : i32 to index
      %get3A_1233 = arith.constant 0 : index
      %get3A_1234 = tpu.vector_load %arg9[%get3A_1232, %get3A_1233] {strides = array<i32>} : memref<64x16xf32, #tpu.memory_space<vmem>>, vector<16xf32>,
      %slice3A_1235 = vector.extract_strided_slice %get3A_1061 {offsets = [6], sizes = [1], strides = [1]} : vector<16xi32> to vector<1xi32>
      %squeeze3A_1236 = vector.extract %slice3A_1235[0] : i32 from vector<1xi32>
      %broadcast_in_dim3A_1237 = vector.broadcast %squeeze3A_1236 : i32 to vector<16xi32>
      %gather3A_1238 = tpu.vector_load_idx %arg7[%broadcast_in_dim3A_1237, %iota3A] : memref<512x48xf32, #tpu.memory_space<vmem>>[vector<16xi32>, vector<16xi32>], vector<16xf32>,
      %mul3A_1239 = arith.mulf %get3A_1234, %gather3A_1238 : vector<16xf32>
      %add3A_1240 = arith.addf %add3A_1212, %mul3A_1239 : vector<16xf32>
      %gather3A_1241 = tpu.vector_load_idx %arg7[%broadcast_in_dim3A_1237, %add3A_63] : memref<512x48xf32, #tpu.memory_space<vmem>>[vector<16xi32>, vector<16xi32>], vector<16xf32>,
      %mul3A_1242 = arith.mulf %get3A_1234, %gather3A_1241 : vector<16xf32>
      %add3A_1243 = arith.addf %add3A_1215, %mul3A_1242 : vector<16xf32>
      %gather3A_1244 = tpu.vector_load_idx %arg7[%broadcast_in_dim3A_1237, %add3A_66] : memref<512x48xf32, #tpu.memory_space<vmem>>[vector<16xi32>, vector<16xi32>], vector<16xf32>,
      %mul3A_1245 = arith.mulf %get3A_1234, %gather3A_1244 : vector<16xf32>
      %add3A_1246 = arith.addf %add3A_1218, %mul3A_1245 : vector<16xf32>
      %slice3A_1247 = vector.extract_strided_slice %get3A_1066 {offsets = [6], sizes = [1], strides = [1]} : vector<16xi32> to vector<1xi32>
      %squeeze3A_1248 = vector.extract %slice3A_1247[0] : i32 from vector<1xi32>
      %broadcast_in_dim3A_1249 = vector.broadcast %squeeze3A_1248 : i32 to vector<16xi32>
      %gather3A_1250 = tpu.vector_load_idx %arg7[%broadcast_in_dim3A_1249, %iota3A] : memref<512x48xf32, #tpu.memory_space<vmem>>[vector<16xi32>, vector<16xi32>], vector<16xf32>,
      %mul3A_1251 = arith.mulf %get3A_1234, %gather3A_1250 : vector<16xf32>
      %add3A_1252 = arith.addf %add3A_1224, %mul3A_1251 : vector<16xf32>
      %gather3A_1253 = tpu.vector_load_idx %arg7[%broadcast_in_dim3A_1249, %add3A_63] : memref<512x48xf32, #tpu.memory_space<vmem>>[vector<16xi32>, vector<16xi32>], vector<16xf32>,
      %mul3A_1254 = arith.mulf %get3A_1234, %gather3A_1253 : vector<16xf32>
      %add3A_1255 = arith.addf %add3A_1227, %mul3A_1254 : vector<16xf32>
      %gather3A_1256 = tpu.vector_load_idx %arg7[%broadcast_in_dim3A_1249, %add3A_66] : memref<512x48xf32, #tpu.memory_space<vmem>>[vector<16xi32>, vector<16xi32>], vector<16xf32>,
      %mul3A_1257 = arith.mulf %get3A_1234, %gather3A_1256 : vector<16xf32>
      %add3A_1258 = arith.addf %add3A_1230, %mul3A_1257 : vector<16xf32>
      %get3A_1259 = arith.constant 39 : i32
      %get3A_1260 = arith.index_cast %get3A_1259 : i32 to index
      %get3A_1261 = arith.constant 0 : index
      %get3A_1262 = tpu.vector_load %arg9[%get3A_1260, %get3A_1261] {strides = array<i32>} : memref<64x16xf32, #tpu.memory_space<vmem>>, vector<16xf32>,
      %slice3A_1263 = vector.extract_strided_slice %get3A_1061 {offsets = [7], sizes = [1], strides = [1]} : vector<16xi32> to vector<1xi32>
      %squeeze3A_1264 = vector.extract %slice3A_1263[0] : i32 from vector<1xi32>
      %broadcast_in_dim3A_1265 = vector.broadcast %squeeze3A_1264 : i32 to vector<16xi32>
      %gather3A_1266 = tpu.vector_load_idx %arg7[%broadcast_in_dim3A_1265, %iota3A] : memref<512x48xf32, #tpu.memory_space<vmem>>[vector<16xi32>, vector<16xi32>], vector<16xf32>,
      %mul3A_1267 = arith.mulf %get3A_1262, %gather3A_1266 : vector<16xf32>
      %add3A_1268 = arith.addf %add3A_1240, %mul3A_1267 : vector<16xf32>
      %gather3A_1269 = tpu.vector_load_idx %arg7[%broadcast_in_dim3A_1265, %add3A_63] : memref<512x48xf32, #tpu.memory_space<vmem>>[vector<16xi32>, vector<16xi32>], vector<16xf32>,
      %mul3A_1270 = arith.mulf %get3A_1262, %gather3A_1269 : vector<16xf32>
      %add3A_1271 = arith.addf %add3A_1243, %mul3A_1270 : vector<16xf32>
      %gather3A_1272 = tpu.vector_load_idx %arg7[%broadcast_in_dim3A_1265, %add3A_66] : memref<512x48xf32, #tpu.memory_space<vmem>>[vector<16xi32>, vector<16xi32>], vector<16xf32>,
      %mul3A_1273 = arith.mulf %get3A_1262, %gather3A_1272 : vector<16xf32>
      %add3A_1274 = arith.addf %add3A_1246, %mul3A_1273 : vector<16xf32>
      %slice3A_1275 = vector.extract_strided_slice %get3A_1066 {offsets = [7], sizes = [1], strides = [1]} : vector<16xi32> to vector<1xi32>
      %squeeze3A_1276 = vector.extract %slice3A_1275[0] : i32 from vector<1xi32>
      %broadcast_in_dim3A_1277 = vector.broadcast %squeeze3A_1276 : i32 to vector<16xi32>
      %gather3A_1278 = tpu.vector_load_idx %arg7[%broadcast_in_dim3A_1277, %iota3A] : memref<512x48xf32, #tpu.memory_space<vmem>>[vector<16xi32>, vector<16xi32>], vector<16xf32>,
      %mul3A_1279 = arith.mulf %get3A_1262, %gather3A_1278 : vector<16xf32>
      %add3A_1280 = arith.addf %add3A_1252, %mul3A_1279 : vector<16xf32>
      %gather3A_1281 = tpu.vector_load_idx %arg7[%broadcast_in_dim3A_1277, %add3A_63] : memref<512x48xf32, #tpu.memory_space<vmem>>[vector<16xi32>, vector<16xi32>], vector<16xf32>,
      %mul3A_1282 = arith.mulf %get3A_1262, %gather3A_1281 : vector<16xf32>
      %add3A_1283 = arith.addf %add3A_1255, %mul3A_1282 : vector<16xf32>
      %gather3A_1284 = tpu.vector_load_idx %arg7[%broadcast_in_dim3A_1277, %add3A_66] : memref<512x48xf32, #tpu.memory_space<vmem>>[vector<16xi32>, vector<16xi32>], vector<16xf32>,
      %mul3A_1285 = arith.mulf %get3A_1262, %gather3A_1284 : vector<16xf32>
      %add3A_1286 = arith.addf %add3A_1258, %mul3A_1285 : vector<16xf32>
      %get3A_1287 = arith.constant 40 : i32
      %get3A_1288 = arith.index_cast %get3A_1287 : i32 to index
      %get3A_1289 = arith.constant 0 : index
      %get3A_1290 = tpu.vector_load %arg9[%get3A_1288, %get3A_1289] {strides = array<i32>} : memref<64x16xf32, #tpu.memory_space<vmem>>, vector<16xf32>,
      %slice3A_1291 = vector.extract_strided_slice %get3A_1061 {offsets = [8], sizes = [1], strides = [1]} : vector<16xi32> to vector<1xi32>
      %squeeze3A_1292 = vector.extract %slice3A_1291[0] : i32 from vector<1xi32>
      %broadcast_in_dim3A_1293 = vector.broadcast %squeeze3A_1292 : i32 to vector<16xi32>
      %gather3A_1294 = tpu.vector_load_idx %arg7[%broadcast_in_dim3A_1293, %iota3A] : memref<512x48xf32, #tpu.memory_space<vmem>>[vector<16xi32>, vector<16xi32>], vector<16xf32>,
      %mul3A_1295 = arith.mulf %get3A_1290, %gather3A_1294 : vector<16xf32>
      %add3A_1296 = arith.addf %add3A_1268, %mul3A_1295 : vector<16xf32>
      %gather3A_1297 = tpu.vector_load_idx %arg7[%broadcast_in_dim3A_1293, %add3A_63] : memref<512x48xf32, #tpu.memory_space<vmem>>[vector<16xi32>, vector<16xi32>], vector<16xf32>,
      %mul3A_1298 = arith.mulf %get3A_1290, %gather3A_1297 : vector<16xf32>
      %add3A_1299 = arith.addf %add3A_1271, %mul3A_1298 : vector<16xf32>
      %gather3A_1300 = tpu.vector_load_idx %arg7[%broadcast_in_dim3A_1293, %add3A_66] : memref<512x48xf32, #tpu.memory_space<vmem>>[vector<16xi32>, vector<16xi32>], vector<16xf32>,
      %mul3A_1301 = arith.mulf %get3A_1290, %gather3A_1300 : vector<16xf32>
      %add3A_1302 = arith.addf %add3A_1274, %mul3A_1301 : vector<16xf32>
      %slice3A_1303 = vector.extract_strided_slice %get3A_1066 {offsets = [8], sizes = [1], strides = [1]} : vector<16xi32> to vector<1xi32>
      %squeeze3A_1304 = vector.extract %slice3A_1303[0] : i32 from vector<1xi32>
      %broadcast_in_dim3A_1305 = vector.broadcast %squeeze3A_1304 : i32 to vector<16xi32>
      %gather3A_1306 = tpu.vector_load_idx %arg7[%broadcast_in_dim3A_1305, %iota3A] : memref<512x48xf32, #tpu.memory_space<vmem>>[vector<16xi32>, vector<16xi32>], vector<16xf32>,
      %mul3A_1307 = arith.mulf %get3A_1290, %gather3A_1306 : vector<16xf32>
      %add3A_1308 = arith.addf %add3A_1280, %mul3A_1307 : vector<16xf32>
      %gather3A_1309 = tpu.vector_load_idx %arg7[%broadcast_in_dim3A_1305, %add3A_63] : memref<512x48xf32, #tpu.memory_space<vmem>>[vector<16xi32>, vector<16xi32>], vector<16xf32>,
      %mul3A_1310 = arith.mulf %get3A_1290, %gather3A_1309 : vector<16xf32>
      %add3A_1311 = arith.addf %add3A_1283, %mul3A_1310 : vector<16xf32>
      %gather3A_1312 = tpu.vector_load_idx %arg7[%broadcast_in_dim3A_1305, %add3A_66] : memref<512x48xf32, #tpu.memory_space<vmem>>[vector<16xi32>, vector<16xi32>], vector<16xf32>,
      %mul3A_1313 = arith.mulf %get3A_1290, %gather3A_1312 : vector<16xf32>
      %add3A_1314 = arith.addf %add3A_1286, %mul3A_1313 : vector<16xf32>
      %get3A_1315 = arith.constant 41 : i32
      %get3A_1316 = arith.index_cast %get3A_1315 : i32 to index
      %get3A_1317 = arith.constant 0 : index
      %get3A_1318 = tpu.vector_load %arg9[%get3A_1316, %get3A_1317] {strides = array<i32>} : memref<64x16xf32, #tpu.memory_space<vmem>>, vector<16xf32>,
      %slice3A_1319 = vector.extract_strided_slice %get3A_1061 {offsets = [9], sizes = [1], strides = [1]} : vector<16xi32> to vector<1xi32>
      %squeeze3A_1320 = vector.extract %slice3A_1319[0] : i32 from vector<1xi32>
      %broadcast_in_dim3A_1321 = vector.broadcast %squeeze3A_1320 : i32 to vector<16xi32>
      %gather3A_1322 = tpu.vector_load_idx %arg7[%broadcast_in_dim3A_1321, %iota3A] : memref<512x48xf32, #tpu.memory_space<vmem>>[vector<16xi32>, vector<16xi32>], vector<16xf32>,
      %mul3A_1323 = arith.mulf %get3A_1318, %gather3A_1322 : vector<16xf32>
      %add3A_1324 = arith.addf %add3A_1296, %mul3A_1323 : vector<16xf32>
      %gather3A_1325 = tpu.vector_load_idx %arg7[%broadcast_in_dim3A_1321, %add3A_63] : memref<512x48xf32, #tpu.memory_space<vmem>>[vector<16xi32>, vector<16xi32>], vector<16xf32>,
      %mul3A_1326 = arith.mulf %get3A_1318, %gather3A_1325 : vector<16xf32>
      %add3A_1327 = arith.addf %add3A_1299, %mul3A_1326 : vector<16xf32>
      %gather3A_1328 = tpu.vector_load_idx %arg7[%broadcast_in_dim3A_1321, %add3A_66] : memref<512x48xf32, #tpu.memory_space<vmem>>[vector<16xi32>, vector<16xi32>], vector<16xf32>,
      %mul3A_1329 = arith.mulf %get3A_1318, %gather3A_1328 : vector<16xf32>
      %add3A_1330 = arith.addf %add3A_1302, %mul3A_1329 : vector<16xf32>
      %slice3A_1331 = vector.extract_strided_slice %get3A_1066 {offsets = [9], sizes = [1], strides = [1]} : vector<16xi32> to vector<1xi32>
      %squeeze3A_1332 = vector.extract %slice3A_1331[0] : i32 from vector<1xi32>
      %broadcast_in_dim3A_1333 = vector.broadcast %squeeze3A_1332 : i32 to vector<16xi32>
      %gather3A_1334 = tpu.vector_load_idx %arg7[%broadcast_in_dim3A_1333, %iota3A] : memref<512x48xf32, #tpu.memory_space<vmem>>[vector<16xi32>, vector<16xi32>], vector<16xf32>,
      %mul3A_1335 = arith.mulf %get3A_1318, %gather3A_1334 : vector<16xf32>
      %add3A_1336 = arith.addf %add3A_1308, %mul3A_1335 : vector<16xf32>
      %gather3A_1337 = tpu.vector_load_idx %arg7[%broadcast_in_dim3A_1333, %add3A_63] : memref<512x48xf32, #tpu.memory_space<vmem>>[vector<16xi32>, vector<16xi32>], vector<16xf32>,
      %mul3A_1338 = arith.mulf %get3A_1318, %gather3A_1337 : vector<16xf32>
      %add3A_1339 = arith.addf %add3A_1311, %mul3A_1338 : vector<16xf32>
      %gather3A_1340 = tpu.vector_load_idx %arg7[%broadcast_in_dim3A_1333, %add3A_66] : memref<512x48xf32, #tpu.memory_space<vmem>>[vector<16xi32>, vector<16xi32>], vector<16xf32>,
      %mul3A_1341 = arith.mulf %get3A_1318, %gather3A_1340 : vector<16xf32>
      %add3A_1342 = arith.addf %add3A_1314, %mul3A_1341 : vector<16xf32>
      %get3A_1343 = arith.constant 42 : i32
      %get3A_1344 = arith.index_cast %get3A_1343 : i32 to index
      %get3A_1345 = arith.constant 0 : index
      %get3A_1346 = tpu.vector_load %arg9[%get3A_1344, %get3A_1345] {strides = array<i32>} : memref<64x16xf32, #tpu.memory_space<vmem>>, vector<16xf32>,
      %slice3A_1347 = vector.extract_strided_slice %get3A_1061 {offsets = [10], sizes = [1], strides = [1]} : vector<16xi32> to vector<1xi32>
      %squeeze3A_1348 = vector.extract %slice3A_1347[0] : i32 from vector<1xi32>
      %broadcast_in_dim3A_1349 = vector.broadcast %squeeze3A_1348 : i32 to vector<16xi32>
      %gather3A_1350 = tpu.vector_load_idx %arg7[%broadcast_in_dim3A_1349, %iota3A] : memref<512x48xf32, #tpu.memory_space<vmem>>[vector<16xi32>, vector<16xi32>], vector<16xf32>,
      %mul3A_1351 = arith.mulf %get3A_1346, %gather3A_1350 : vector<16xf32>
      %add3A_1352 = arith.addf %add3A_1324, %mul3A_1351 : vector<16xf32>
      %gather3A_1353 = tpu.vector_load_idx %arg7[%broadcast_in_dim3A_1349, %add3A_63] : memref<512x48xf32, #tpu.memory_space<vmem>>[vector<16xi32>, vector<16xi32>], vector<16xf32>,
      %mul3A_1354 = arith.mulf %get3A_1346, %gather3A_1353 : vector<16xf32>
      %add3A_1355 = arith.addf %add3A_1327, %mul3A_1354 : vector<16xf32>
      %gather3A_1356 = tpu.vector_load_idx %arg7[%broadcast_in_dim3A_1349, %add3A_66] : memref<512x48xf32, #tpu.memory_space<vmem>>[vector<16xi32>, vector<16xi32>], vector<16xf32>,
      %mul3A_1357 = arith.mulf %get3A_1346, %gather3A_1356 : vector<16xf32>
      %add3A_1358 = arith.addf %add3A_1330, %mul3A_1357 : vector<16xf32>
      %slice3A_1359 = vector.extract_strided_slice %get3A_1066 {offsets = [10], sizes = [1], strides = [1]} : vector<16xi32> to vector<1xi32>
      %squeeze3A_1360 = vector.extract %slice3A_1359[0] : i32 from vector<1xi32>
      %broadcast_in_dim3A_1361 = vector.broadcast %squeeze3A_1360 : i32 to vector<16xi32>
      %gather3A_1362 = tpu.vector_load_idx %arg7[%broadcast_in_dim3A_1361, %iota3A] : memref<512x48xf32, #tpu.memory_space<vmem>>[vector<16xi32>, vector<16xi32>], vector<16xf32>,
      %mul3A_1363 = arith.mulf %get3A_1346, %gather3A_1362 : vector<16xf32>
      %add3A_1364 = arith.addf %add3A_1336, %mul3A_1363 : vector<16xf32>
      %gather3A_1365 = tpu.vector_load_idx %arg7[%broadcast_in_dim3A_1361, %add3A_63] : memref<512x48xf32, #tpu.memory_space<vmem>>[vector<16xi32>, vector<16xi32>], vector<16xf32>,
      %mul3A_1366 = arith.mulf %get3A_1346, %gather3A_1365 : vector<16xf32>
      %add3A_1367 = arith.addf %add3A_1339, %mul3A_1366 : vector<16xf32>
      %gather3A_1368 = tpu.vector_load_idx %arg7[%broadcast_in_dim3A_1361, %add3A_66] : memref<512x48xf32, #tpu.memory_space<vmem>>[vector<16xi32>, vector<16xi32>], vector<16xf32>,
      %mul3A_1369 = arith.mulf %get3A_1346, %gather3A_1368 : vector<16xf32>
      %add3A_1370 = arith.addf %add3A_1342, %mul3A_1369 : vector<16xf32>
      %get3A_1371 = arith.constant 43 : i32
      %get3A_1372 = arith.index_cast %get3A_1371 : i32 to index
      %get3A_1373 = arith.constant 0 : index
      %get3A_1374 = tpu.vector_load %arg9[%get3A_1372, %get3A_1373] {strides = array<i32>} : memref<64x16xf32, #tpu.memory_space<vmem>>, vector<16xf32>,
      %slice3A_1375 = vector.extract_strided_slice %get3A_1061 {offsets = [11], sizes = [1], strides = [1]} : vector<16xi32> to vector<1xi32>
      %squeeze3A_1376 = vector.extract %slice3A_1375[0] : i32 from vector<1xi32>
      %broadcast_in_dim3A_1377 = vector.broadcast %squeeze3A_1376 : i32 to vector<16xi32>
      %gather3A_1378 = tpu.vector_load_idx %arg7[%broadcast_in_dim3A_1377, %iota3A] : memref<512x48xf32, #tpu.memory_space<vmem>>[vector<16xi32>, vector<16xi32>], vector<16xf32>,
      %mul3A_1379 = arith.mulf %get3A_1374, %gather3A_1378 : vector<16xf32>
      %add3A_1380 = arith.addf %add3A_1352, %mul3A_1379 : vector<16xf32>
      %gather3A_1381 = tpu.vector_load_idx %arg7[%broadcast_in_dim3A_1377, %add3A_63] : memref<512x48xf32, #tpu.memory_space<vmem>>[vector<16xi32>, vector<16xi32>], vector<16xf32>,
      %mul3A_1382 = arith.mulf %get3A_1374, %gather3A_1381 : vector<16xf32>
      %add3A_1383 = arith.addf %add3A_1355, %mul3A_1382 : vector<16xf32>
      %gather3A_1384 = tpu.vector_load_idx %arg7[%broadcast_in_dim3A_1377, %add3A_66] : memref<512x48xf32, #tpu.memory_space<vmem>>[vector<16xi32>, vector<16xi32>], vector<16xf32>,
      %mul3A_1385 = arith.mulf %get3A_1374, %gather3A_1384 : vector<16xf32>
      %add3A_1386 = arith.addf %add3A_1358, %mul3A_1385 : vector<16xf32>
      %slice3A_1387 = vector.extract_strided_slice %get3A_1066 {offsets = [11], sizes = [1], strides = [1]} : vector<16xi32> to vector<1xi32>
      %squeeze3A_1388 = vector.extract %slice3A_1387[0] : i32 from vector<1xi32>
      %broadcast_in_dim3A_1389 = vector.broadcast %squeeze3A_1388 : i32 to vector<16xi32>
      %gather3A_1390 = tpu.vector_load_idx %arg7[%broadcast_in_dim3A_1389, %iota3A] : memref<512x48xf32, #tpu.memory_space<vmem>>[vector<16xi32>, vector<16xi32>], vector<16xf32>,
      %mul3A_1391 = arith.mulf %get3A_1374, %gather3A_1390 : vector<16xf32>
      %add3A_1392 = arith.addf %add3A_1364, %mul3A_1391 : vector<16xf32>
      %gather3A_1393 = tpu.vector_load_idx %arg7[%broadcast_in_dim3A_1389, %add3A_63] : memref<512x48xf32, #tpu.memory_space<vmem>>[vector<16xi32>, vector<16xi32>], vector<16xf32>,
      %mul3A_1394 = arith.mulf %get3A_1374, %gather3A_1393 : vector<16xf32>
      %add3A_1395 = arith.addf %add3A_1367, %mul3A_1394 : vector<16xf32>
      %gather3A_1396 = tpu.vector_load_idx %arg7[%broadcast_in_dim3A_1389, %add3A_66] : memref<512x48xf32, #tpu.memory_space<vmem>>[vector<16xi32>, vector<16xi32>], vector<16xf32>,
      %mul3A_1397 = arith.mulf %get3A_1374, %gather3A_1396 : vector<16xf32>
      %add3A_1398 = arith.addf %add3A_1370, %mul3A_1397 : vector<16xf32>
      %get3A_1399 = arith.constant 44 : i32
      %get3A_1400 = arith.index_cast %get3A_1399 : i32 to index
      %get3A_1401 = arith.constant 0 : index
      %get3A_1402 = tpu.vector_load %arg9[%get3A_1400, %get3A_1401] {strides = array<i32>} : memref<64x16xf32, #tpu.memory_space<vmem>>, vector<16xf32>,
      %slice3A_1403 = vector.extract_strided_slice %get3A_1061 {offsets = [12], sizes = [1], strides = [1]} : vector<16xi32> to vector<1xi32>
      %squeeze3A_1404 = vector.extract %slice3A_1403[0] : i32 from vector<1xi32>
      %broadcast_in_dim3A_1405 = vector.broadcast %squeeze3A_1404 : i32 to vector<16xi32>
      %gather3A_1406 = tpu.vector_load_idx %arg7[%broadcast_in_dim3A_1405, %iota3A] : memref<512x48xf32, #tpu.memory_space<vmem>>[vector<16xi32>, vector<16xi32>], vector<16xf32>,
      %mul3A_1407 = arith.mulf %get3A_1402, %gather3A_1406 : vector<16xf32>
      %add3A_1408 = arith.addf %add3A_1380, %mul3A_1407 : vector<16xf32>
      %gather3A_1409 = tpu.vector_load_idx %arg7[%broadcast_in_dim3A_1405, %add3A_63] : memref<512x48xf32, #tpu.memory_space<vmem>>[vector<16xi32>, vector<16xi32>], vector<16xf32>,
      %mul3A_1410 = arith.mulf %get3A_1402, %gather3A_1409 : vector<16xf32>
      %add3A_1411 = arith.addf %add3A_1383, %mul3A_1410 : vector<16xf32>
      %gather3A_1412 = tpu.vector_load_idx %arg7[%broadcast_in_dim3A_1405, %add3A_66] : memref<512x48xf32, #tpu.memory_space<vmem>>[vector<16xi32>, vector<16xi32>], vector<16xf32>,
      %mul3A_1413 = arith.mulf %get3A_1402, %gather3A_1412 : vector<16xf32>
      %add3A_1414 = arith.addf %add3A_1386, %mul3A_1413 : vector<16xf32>
      %slice3A_1415 = vector.extract_strided_slice %get3A_1066 {offsets = [12], sizes = [1], strides = [1]} : vector<16xi32> to vector<1xi32>
      %squeeze3A_1416 = vector.extract %slice3A_1415[0] : i32 from vector<1xi32>
      %broadcast_in_dim3A_1417 = vector.broadcast %squeeze3A_1416 : i32 to vector<16xi32>
      %gather3A_1418 = tpu.vector_load_idx %arg7[%broadcast_in_dim3A_1417, %iota3A] : memref<512x48xf32, #tpu.memory_space<vmem>>[vector<16xi32>, vector<16xi32>], vector<16xf32>,
      %mul3A_1419 = arith.mulf %get3A_1402, %gather3A_1418 : vector<16xf32>
      %add3A_1420 = arith.addf %add3A_1392, %mul3A_1419 : vector<16xf32>
      %gather3A_1421 = tpu.vector_load_idx %arg7[%broadcast_in_dim3A_1417, %add3A_63] : memref<512x48xf32, #tpu.memory_space<vmem>>[vector<16xi32>, vector<16xi32>], vector<16xf32>,
      %mul3A_1422 = arith.mulf %get3A_1402, %gather3A_1421 : vector<16xf32>
      %add3A_1423 = arith.addf %add3A_1395, %mul3A_1422 : vector<16xf32>
      %gather3A_1424 = tpu.vector_load_idx %arg7[%broadcast_in_dim3A_1417, %add3A_66] : memref<512x48xf32, #tpu.memory_space<vmem>>[vector<16xi32>, vector<16xi32>], vector<16xf32>,
      %mul3A_1425 = arith.mulf %get3A_1402, %gather3A_1424 : vector<16xf32>
      %add3A_1426 = arith.addf %add3A_1398, %mul3A_1425 : vector<16xf32>
      %get3A_1427 = arith.constant 45 : i32
      %get3A_1428 = arith.index_cast %get3A_1427 : i32 to index
      %get3A_1429 = arith.constant 0 : index
      %get3A_1430 = tpu.vector_load %arg9[%get3A_1428, %get3A_1429] {strides = array<i32>} : memref<64x16xf32, #tpu.memory_space<vmem>>, vector<16xf32>,
      %slice3A_1431 = vector.extract_strided_slice %get3A_1061 {offsets = [13], sizes = [1], strides = [1]} : vector<16xi32> to vector<1xi32>
      %squeeze3A_1432 = vector.extract %slice3A_1431[0] : i32 from vector<1xi32>
      %broadcast_in_dim3A_1433 = vector.broadcast %squeeze3A_1432 : i32 to vector<16xi32>
      %gather3A_1434 = tpu.vector_load_idx %arg7[%broadcast_in_dim3A_1433, %iota3A] : memref<512x48xf32, #tpu.memory_space<vmem>>[vector<16xi32>, vector<16xi32>], vector<16xf32>,
      %mul3A_1435 = arith.mulf %get3A_1430, %gather3A_1434 : vector<16xf32>
      %add3A_1436 = arith.addf %add3A_1408, %mul3A_1435 : vector<16xf32>
      %gather3A_1437 = tpu.vector_load_idx %arg7[%broadcast_in_dim3A_1433, %add3A_63] : memref<512x48xf32, #tpu.memory_space<vmem>>[vector<16xi32>, vector<16xi32>], vector<16xf32>,
      %mul3A_1438 = arith.mulf %get3A_1430, %gather3A_1437 : vector<16xf32>
      %add3A_1439 = arith.addf %add3A_1411, %mul3A_1438 : vector<16xf32>
      %gather3A_1440 = tpu.vector_load_idx %arg7[%broadcast_in_dim3A_1433, %add3A_66] : memref<512x48xf32, #tpu.memory_space<vmem>>[vector<16xi32>, vector<16xi32>], vector<16xf32>,
      %mul3A_1441 = arith.mulf %get3A_1430, %gather3A_1440 : vector<16xf32>
      %add3A_1442 = arith.addf %add3A_1414, %mul3A_1441 : vector<16xf32>
      %slice3A_1443 = vector.extract_strided_slice %get3A_1066 {offsets = [13], sizes = [1], strides = [1]} : vector<16xi32> to vector<1xi32>
      %squeeze3A_1444 = vector.extract %slice3A_1443[0] : i32 from vector<1xi32>
      %broadcast_in_dim3A_1445 = vector.broadcast %squeeze3A_1444 : i32 to vector<16xi32>
      %gather3A_1446 = tpu.vector_load_idx %arg7[%broadcast_in_dim3A_1445, %iota3A] : memref<512x48xf32, #tpu.memory_space<vmem>>[vector<16xi32>, vector<16xi32>], vector<16xf32>,
      %mul3A_1447 = arith.mulf %get3A_1430, %gather3A_1446 : vector<16xf32>
      %add3A_1448 = arith.addf %add3A_1420, %mul3A_1447 : vector<16xf32>
      %gather3A_1449 = tpu.vector_load_idx %arg7[%broadcast_in_dim3A_1445, %add3A_63] : memref<512x48xf32, #tpu.memory_space<vmem>>[vector<16xi32>, vector<16xi32>], vector<16xf32>,
      %mul3A_1450 = arith.mulf %get3A_1430, %gather3A_1449 : vector<16xf32>
      %add3A_1451 = arith.addf %add3A_1423, %mul3A_1450 : vector<16xf32>
      %gather3A_1452 = tpu.vector_load_idx %arg7[%broadcast_in_dim3A_1445, %add3A_66] : memref<512x48xf32, #tpu.memory_space<vmem>>[vector<16xi32>, vector<16xi32>], vector<16xf32>,
      %mul3A_1453 = arith.mulf %get3A_1430, %gather3A_1452 : vector<16xf32>
      %add3A_1454 = arith.addf %add3A_1426, %mul3A_1453 : vector<16xf32>
      %get3A_1455 = arith.constant 46 : i32
      %get3A_1456 = arith.index_cast %get3A_1455 : i32 to index
      %get3A_1457 = arith.constant 0 : index
      %get3A_1458 = tpu.vector_load %arg9[%get3A_1456, %get3A_1457] {strides = array<i32>} : memref<64x16xf32, #tpu.memory_space<vmem>>, vector<16xf32>,
      %slice3A_1459 = vector.extract_strided_slice %get3A_1061 {offsets = [14], sizes = [1], strides = [1]} : vector<16xi32> to vector<1xi32>
      %squeeze3A_1460 = vector.extract %slice3A_1459[0] : i32 from vector<1xi32>
      %broadcast_in_dim3A_1461 = vector.broadcast %squeeze3A_1460 : i32 to vector<16xi32>
      %gather3A_1462 = tpu.vector_load_idx %arg7[%broadcast_in_dim3A_1461, %iota3A] : memref<512x48xf32, #tpu.memory_space<vmem>>[vector<16xi32>, vector<16xi32>], vector<16xf32>,
      %mul3A_1463 = arith.mulf %get3A_1458, %gather3A_1462 : vector<16xf32>
      %add3A_1464 = arith.addf %add3A_1436, %mul3A_1463 : vector<16xf32>
      %gather3A_1465 = tpu.vector_load_idx %arg7[%broadcast_in_dim3A_1461, %add3A_63] : memref<512x48xf32, #tpu.memory_space<vmem>>[vector<16xi32>, vector<16xi32>], vector<16xf32>,
      %mul3A_1466 = arith.mulf %get3A_1458, %gather3A_1465 : vector<16xf32>
      %add3A_1467 = arith.addf %add3A_1439, %mul3A_1466 : vector<16xf32>
      %gather3A_1468 = tpu.vector_load_idx %arg7[%broadcast_in_dim3A_1461, %add3A_66] : memref<512x48xf32, #tpu.memory_space<vmem>>[vector<16xi32>, vector<16xi32>], vector<16xf32>,
      %mul3A_1469 = arith.mulf %get3A_1458, %gather3A_1468 : vector<16xf32>
      %add3A_1470 = arith.addf %add3A_1442, %mul3A_1469 : vector<16xf32>
      %slice3A_1471 = vector.extract_strided_slice %get3A_1066 {offsets = [14], sizes = [1], strides = [1]} : vector<16xi32> to vector<1xi32>
      %squeeze3A_1472 = vector.extract %slice3A_1471[0] : i32 from vector<1xi32>
      %broadcast_in_dim3A_1473 = vector.broadcast %squeeze3A_1472 : i32 to vector<16xi32>
      %gather3A_1474 = tpu.vector_load_idx %arg7[%broadcast_in_dim3A_1473, %iota3A] : memref<512x48xf32, #tpu.memory_space<vmem>>[vector<16xi32>, vector<16xi32>], vector<16xf32>,
      %mul3A_1475 = arith.mulf %get3A_1458, %gather3A_1474 : vector<16xf32>
      %add3A_1476 = arith.addf %add3A_1448, %mul3A_1475 : vector<16xf32>
      %gather3A_1477 = tpu.vector_load_idx %arg7[%broadcast_in_dim3A_1473, %add3A_63] : memref<512x48xf32, #tpu.memory_space<vmem>>[vector<16xi32>, vector<16xi32>], vector<16xf32>,
      %mul3A_1478 = arith.mulf %get3A_1458, %gather3A_1477 : vector<16xf32>
      %add3A_1479 = arith.addf %add3A_1451, %mul3A_1478 : vector<16xf32>
      %gather3A_1480 = tpu.vector_load_idx %arg7[%broadcast_in_dim3A_1473, %add3A_66] : memref<512x48xf32, #tpu.memory_space<vmem>>[vector<16xi32>, vector<16xi32>], vector<16xf32>,
      %mul3A_1481 = arith.mulf %get3A_1458, %gather3A_1480 : vector<16xf32>
      %add3A_1482 = arith.addf %add3A_1454, %mul3A_1481 : vector<16xf32>
      %get3A_1483 = arith.constant 47 : i32
      %get3A_1484 = arith.index_cast %get3A_1483 : i32 to index
      %get3A_1485 = arith.constant 0 : index
      %get3A_1486 = tpu.vector_load %arg9[%get3A_1484, %get3A_1485] {strides = array<i32>} : memref<64x16xf32, #tpu.memory_space<vmem>>, vector<16xf32>,
      %slice3A_1487 = vector.extract_strided_slice %get3A_1061 {offsets = [15], sizes = [1], strides = [1]} : vector<16xi32> to vector<1xi32>
      %squeeze3A_1488 = vector.extract %slice3A_1487[0] : i32 from vector<1xi32>
      %broadcast_in_dim3A_1489 = vector.broadcast %squeeze3A_1488 : i32 to vector<16xi32>
      %gather3A_1490 = tpu.vector_load_idx %arg7[%broadcast_in_dim3A_1489, %iota3A] : memref<512x48xf32, #tpu.memory_space<vmem>>[vector<16xi32>, vector<16xi32>], vector<16xf32>,
      %mul3A_1491 = arith.mulf %get3A_1486, %gather3A_1490 : vector<16xf32>
      %add3A_1492 = arith.addf %add3A_1464, %mul3A_1491 : vector<16xf32>
      %gather3A_1493 = tpu.vector_load_idx %arg7[%broadcast_in_dim3A_1489, %add3A_63] : memref<512x48xf32, #tpu.memory_space<vmem>>[vector<16xi32>, vector<16xi32>], vector<16xf32>,
      %mul3A_1494 = arith.mulf %get3A_1486, %gather3A_1493 : vector<16xf32>
      %add3A_1495 = arith.addf %add3A_1467, %mul3A_1494 : vector<16xf32>
      %gather3A_1496 = tpu.vector_load_idx %arg7[%broadcast_in_dim3A_1489, %add3A_66] : memref<512x48xf32, #tpu.memory_space<vmem>>[vector<16xi32>, vector<16xi32>], vector<16xf32>,
      %mul3A_1497 = arith.mulf %get3A_1486, %gather3A_1496 : vector<16xf32>
      %add3A_1498 = arith.addf %add3A_1470, %mul3A_1497 : vector<16xf32>
      %slice3A_1499 = vector.extract_strided_slice %get3A_1066 {offsets = [15], sizes = [1], strides = [1]} : vector<16xi32> to vector<1xi32>
      %squeeze3A_1500 = vector.extract %slice3A_1499[0] : i32 from vector<1xi32>
      %broadcast_in_dim3A_1501 = vector.broadcast %squeeze3A_1500 : i32 to vector<16xi32>
      %gather3A_1502 = tpu.vector_load_idx %arg7[%broadcast_in_dim3A_1501, %iota3A] : memref<512x48xf32, #tpu.memory_space<vmem>>[vector<16xi32>, vector<16xi32>], vector<16xf32>,
      %mul3A_1503 = arith.mulf %get3A_1486, %gather3A_1502 : vector<16xf32>
      %add3A_1504 = arith.addf %add3A_1476, %mul3A_1503 : vector<16xf32>
      %gather3A_1505 = tpu.vector_load_idx %arg7[%broadcast_in_dim3A_1501, %add3A_63] : memref<512x48xf32, #tpu.memory_space<vmem>>[vector<16xi32>, vector<16xi32>], vector<16xf32>,
      %mul3A_1506 = arith.mulf %get3A_1486, %gather3A_1505 : vector<16xf32>
      %add3A_1507 = arith.addf %add3A_1479, %mul3A_1506 : vector<16xf32>
      %gather3A_1508 = tpu.vector_load_idx %arg7[%broadcast_in_dim3A_1501, %add3A_66] : memref<512x48xf32, #tpu.memory_space<vmem>>[vector<16xi32>, vector<16xi32>], vector<16xf32>,
      %mul3A_1509 = arith.mulf %get3A_1486, %gather3A_1508 : vector<16xf32>
      %add3A_1510 = arith.addf %add3A_1482, %mul3A_1509 : vector<16xf32>
      %get3A_1511 = arith.constant 48 : i32
      %get3A_1512 = arith.index_cast %get3A_1511 : i32 to index
      %get3A_1513 = arith.constant 0 : index
      %get3A_1514 = tpu.vector_load %arg9[%get3A_1512, %get3A_1513] {strides = array<i32>} : memref<64x16xf32, #tpu.memory_space<vmem>>, vector<16xf32>,
      %add3A_1515 = arith.constant 0 : i32
      %add3A_1516 = arith.addi %add3A_138, %add3A_1515 : i32
      %get3A_1517 = arith.index_cast %add3A_1516 : i32 to index
      %get3A_1518 = arith.constant 48 : index
      %get3A_1519 = tpu.vector_load %arg8[%get3A_1517, %get3A_1518] {strides = array<i32>} : memref<256x64xi32, #tpu.memory_space<vmem>>, vector<16xi32>,
      %add3A_1520 = arith.constant 1 : i32
      %add3A_1521 = arith.addi %add3A_138, %add3A_1520 : i32
      %get3A_1522 = arith.index_cast %add3A_1521 : i32 to index
      %get3A_1523 = arith.constant 48 : index
      %get3A_1524 = tpu.vector_load %arg8[%get3A_1522, %get3A_1523] {strides = array<i32>} : memref<256x64xi32, #tpu.memory_space<vmem>>, vector<16xi32>,
      %slice3A_1525 = vector.extract_strided_slice %get3A_1519 {offsets = [0], sizes = [1], strides = [1]} : vector<16xi32> to vector<1xi32>
      %squeeze3A_1526 = vector.extract %slice3A_1525[0] : i32 from vector<1xi32>
      %broadcast_in_dim3A_1527 = vector.broadcast %squeeze3A_1526 : i32 to vector<16xi32>
      %gather3A_1528 = tpu.vector_load_idx %arg7[%broadcast_in_dim3A_1527, %iota3A] : memref<512x48xf32, #tpu.memory_space<vmem>>[vector<16xi32>, vector<16xi32>], vector<16xf32>,
      %mul3A_1529 = arith.mulf %get3A_1514, %gather3A_1528 : vector<16xf32>
      %add3A_1530 = arith.addf %add3A_1492, %mul3A_1529 : vector<16xf32>
      %gather3A_1531 = tpu.vector_load_idx %arg7[%broadcast_in_dim3A_1527, %add3A_63] : memref<512x48xf32, #tpu.memory_space<vmem>>[vector<16xi32>, vector<16xi32>], vector<16xf32>,
      %mul3A_1532 = arith.mulf %get3A_1514, %gather3A_1531 : vector<16xf32>
      %add3A_1533 = arith.addf %add3A_1495, %mul3A_1532 : vector<16xf32>
      %gather3A_1534 = tpu.vector_load_idx %arg7[%broadcast_in_dim3A_1527, %add3A_66] : memref<512x48xf32, #tpu.memory_space<vmem>>[vector<16xi32>, vector<16xi32>], vector<16xf32>,
      %mul3A_1535 = arith.mulf %get3A_1514, %gather3A_1534 : vector<16xf32>
      %add3A_1536 = arith.addf %add3A_1498, %mul3A_1535 : vector<16xf32>
      %slice3A_1537 = vector.extract_strided_slice %get3A_1524 {offsets = [0], sizes = [1], strides = [1]} : vector<16xi32> to vector<1xi32>
      %squeeze3A_1538 = vector.extract %slice3A_1537[0] : i32 from vector<1xi32>
      %broadcast_in_dim3A_1539 = vector.broadcast %squeeze3A_1538 : i32 to vector<16xi32>
      %gather3A_1540 = tpu.vector_load_idx %arg7[%broadcast_in_dim3A_1539, %iota3A] : memref<512x48xf32, #tpu.memory_space<vmem>>[vector<16xi32>, vector<16xi32>], vector<16xf32>,
      %mul3A_1541 = arith.mulf %get3A_1514, %gather3A_1540 : vector<16xf32>
      %add3A_1542 = arith.addf %add3A_1504, %mul3A_1541 : vector<16xf32>
      %gather3A_1543 = tpu.vector_load_idx %arg7[%broadcast_in_dim3A_1539, %add3A_63] : memref<512x48xf32, #tpu.memory_space<vmem>>[vector<16xi32>, vector<16xi32>], vector<16xf32>,
      %mul3A_1544 = arith.mulf %get3A_1514, %gather3A_1543 : vector<16xf32>
      %add3A_1545 = arith.addf %add3A_1507, %mul3A_1544 : vector<16xf32>
      %gather3A_1546 = tpu.vector_load_idx %arg7[%broadcast_in_dim3A_1539, %add3A_66] : memref<512x48xf32, #tpu.memory_space<vmem>>[vector<16xi32>, vector<16xi32>], vector<16xf32>,
      %mul3A_1547 = arith.mulf %get3A_1514, %gather3A_1546 : vector<16xf32>
      %add3A_1548 = arith.addf %add3A_1510, %mul3A_1547 : vector<16xf32>
      %get3A_1549 = arith.constant 49 : i32
      %get3A_1550 = arith.index_cast %get3A_1549 : i32 to index
      %get3A_1551 = arith.constant 0 : index
      %get3A_1552 = tpu.vector_load %arg9[%get3A_1550, %get3A_1551] {strides = array<i32>} : memref<64x16xf32, #tpu.memory_space<vmem>>, vector<16xf32>,
      %slice3A_1553 = vector.extract_strided_slice %get3A_1519 {offsets = [1], sizes = [1], strides = [1]} : vector<16xi32> to vector<1xi32>
      %squeeze3A_1554 = vector.extract %slice3A_1553[0] : i32 from vector<1xi32>
      %broadcast_in_dim3A_1555 = vector.broadcast %squeeze3A_1554 : i32 to vector<16xi32>
      %gather3A_1556 = tpu.vector_load_idx %arg7[%broadcast_in_dim3A_1555, %iota3A] : memref<512x48xf32, #tpu.memory_space<vmem>>[vector<16xi32>, vector<16xi32>], vector<16xf32>,
      %mul3A_1557 = arith.mulf %get3A_1552, %gather3A_1556 : vector<16xf32>
      %add3A_1558 = arith.addf %add3A_1530, %mul3A_1557 : vector<16xf32>
      %gather3A_1559 = tpu.vector_load_idx %arg7[%broadcast_in_dim3A_1555, %add3A_63] : memref<512x48xf32, #tpu.memory_space<vmem>>[vector<16xi32>, vector<16xi32>], vector<16xf32>,
      %mul3A_1560 = arith.mulf %get3A_1552, %gather3A_1559 : vector<16xf32>
      %add3A_1561 = arith.addf %add3A_1533, %mul3A_1560 : vector<16xf32>
      %gather3A_1562 = tpu.vector_load_idx %arg7[%broadcast_in_dim3A_1555, %add3A_66] : memref<512x48xf32, #tpu.memory_space<vmem>>[vector<16xi32>, vector<16xi32>], vector<16xf32>,
      %mul3A_1563 = arith.mulf %get3A_1552, %gather3A_1562 : vector<16xf32>
      %add3A_1564 = arith.addf %add3A_1536, %mul3A_1563 : vector<16xf32>
      %slice3A_1565 = vector.extract_strided_slice %get3A_1524 {offsets = [1], sizes = [1], strides = [1]} : vector<16xi32> to vector<1xi32>
      %squeeze3A_1566 = vector.extract %slice3A_1565[0] : i32 from vector<1xi32>
      %broadcast_in_dim3A_1567 = vector.broadcast %squeeze3A_1566 : i32 to vector<16xi32>
      %gather3A_1568 = tpu.vector_load_idx %arg7[%broadcast_in_dim3A_1567, %iota3A] : memref<512x48xf32, #tpu.memory_space<vmem>>[vector<16xi32>, vector<16xi32>], vector<16xf32>,
      %mul3A_1569 = arith.mulf %get3A_1552, %gather3A_1568 : vector<16xf32>
      %add3A_1570 = arith.addf %add3A_1542, %mul3A_1569 : vector<16xf32>
      %gather3A_1571 = tpu.vector_load_idx %arg7[%broadcast_in_dim3A_1567, %add3A_63] : memref<512x48xf32, #tpu.memory_space<vmem>>[vector<16xi32>, vector<16xi32>], vector<16xf32>,
      %mul3A_1572 = arith.mulf %get3A_1552, %gather3A_1571 : vector<16xf32>
      %add3A_1573 = arith.addf %add3A_1545, %mul3A_1572 : vector<16xf32>
      %gather3A_1574 = tpu.vector_load_idx %arg7[%broadcast_in_dim3A_1567, %add3A_66] : memref<512x48xf32, #tpu.memory_space<vmem>>[vector<16xi32>, vector<16xi32>], vector<16xf32>,
      %mul3A_1575 = arith.mulf %get3A_1552, %gather3A_1574 : vector<16xf32>
      %add3A_1576 = arith.addf %add3A_1548, %mul3A_1575 : vector<16xf32>
      %get3A_1577 = arith.constant 50 : i32
      %get3A_1578 = arith.index_cast %get3A_1577 : i32 to index
      %get3A_1579 = arith.constant 0 : index
      %get3A_1580 = tpu.vector_load %arg9[%get3A_1578, %get3A_1579] {strides = array<i32>} : memref<64x16xf32, #tpu.memory_space<vmem>>, vector<16xf32>,
      %slice3A_1581 = vector.extract_strided_slice %get3A_1519 {offsets = [2], sizes = [1], strides = [1]} : vector<16xi32> to vector<1xi32>
      %squeeze3A_1582 = vector.extract %slice3A_1581[0] : i32 from vector<1xi32>
      %broadcast_in_dim3A_1583 = vector.broadcast %squeeze3A_1582 : i32 to vector<16xi32>
      %gather3A_1584 = tpu.vector_load_idx %arg7[%broadcast_in_dim3A_1583, %iota3A] : memref<512x48xf32, #tpu.memory_space<vmem>>[vector<16xi32>, vector<16xi32>], vector<16xf32>,
      %mul3A_1585 = arith.mulf %get3A_1580, %gather3A_1584 : vector<16xf32>
      %add3A_1586 = arith.addf %add3A_1558, %mul3A_1585 : vector<16xf32>
      %gather3A_1587 = tpu.vector_load_idx %arg7[%broadcast_in_dim3A_1583, %add3A_63] : memref<512x48xf32, #tpu.memory_space<vmem>>[vector<16xi32>, vector<16xi32>], vector<16xf32>,
      %mul3A_1588 = arith.mulf %get3A_1580, %gather3A_1587 : vector<16xf32>
      %add3A_1589 = arith.addf %add3A_1561, %mul3A_1588 : vector<16xf32>
      %gather3A_1590 = tpu.vector_load_idx %arg7[%broadcast_in_dim3A_1583, %add3A_66] : memref<512x48xf32, #tpu.memory_space<vmem>>[vector<16xi32>, vector<16xi32>], vector<16xf32>,
      %mul3A_1591 = arith.mulf %get3A_1580, %gather3A_1590 : vector<16xf32>
      %add3A_1592 = arith.addf %add3A_1564, %mul3A_1591 : vector<16xf32>
      %slice3A_1593 = vector.extract_strided_slice %get3A_1524 {offsets = [2], sizes = [1], strides = [1]} : vector<16xi32> to vector<1xi32>
      %squeeze3A_1594 = vector.extract %slice3A_1593[0] : i32 from vector<1xi32>
      %broadcast_in_dim3A_1595 = vector.broadcast %squeeze3A_1594 : i32 to vector<16xi32>
      %gather3A_1596 = tpu.vector_load_idx %arg7[%broadcast_in_dim3A_1595, %iota3A] : memref<512x48xf32, #tpu.memory_space<vmem>>[vector<16xi32>, vector<16xi32>], vector<16xf32>,
      %mul3A_1597 = arith.mulf %get3A_1580, %gather3A_1596 : vector<16xf32>
      %add3A_1598 = arith.addf %add3A_1570, %mul3A_1597 : vector<16xf32>
      %gather3A_1599 = tpu.vector_load_idx %arg7[%broadcast_in_dim3A_1595, %add3A_63] : memref<512x48xf32, #tpu.memory_space<vmem>>[vector<16xi32>, vector<16xi32>], vector<16xf32>,
      %mul3A_1600 = arith.mulf %get3A_1580, %gather3A_1599 : vector<16xf32>
      %add3A_1601 = arith.addf %add3A_1573, %mul3A_1600 : vector<16xf32>
      %gather3A_1602 = tpu.vector_load_idx %arg7[%broadcast_in_dim3A_1595, %add3A_66] : memref<512x48xf32, #tpu.memory_space<vmem>>[vector<16xi32>, vector<16xi32>], vector<16xf32>,
      %mul3A_1603 = arith.mulf %get3A_1580, %gather3A_1602 : vector<16xf32>
      %add3A_1604 = arith.addf %add3A_1576, %mul3A_1603 : vector<16xf32>
      %get3A_1605 = arith.constant 51 : i32
      %get3A_1606 = arith.index_cast %get3A_1605 : i32 to index
      %get3A_1607 = arith.constant 0 : index
      %get3A_1608 = tpu.vector_load %arg9[%get3A_1606, %get3A_1607] {strides = array<i32>} : memref<64x16xf32, #tpu.memory_space<vmem>>, vector<16xf32>,
      %slice3A_1609 = vector.extract_strided_slice %get3A_1519 {offsets = [3], sizes = [1], strides = [1]} : vector<16xi32> to vector<1xi32>
      %squeeze3A_1610 = vector.extract %slice3A_1609[0] : i32 from vector<1xi32>
      %broadcast_in_dim3A_1611 = vector.broadcast %squeeze3A_1610 : i32 to vector<16xi32>
      %gather3A_1612 = tpu.vector_load_idx %arg7[%broadcast_in_dim3A_1611, %iota3A] : memref<512x48xf32, #tpu.memory_space<vmem>>[vector<16xi32>, vector<16xi32>], vector<16xf32>,
      %mul3A_1613 = arith.mulf %get3A_1608, %gather3A_1612 : vector<16xf32>
      %add3A_1614 = arith.addf %add3A_1586, %mul3A_1613 : vector<16xf32>
      %gather3A_1615 = tpu.vector_load_idx %arg7[%broadcast_in_dim3A_1611, %add3A_63] : memref<512x48xf32, #tpu.memory_space<vmem>>[vector<16xi32>, vector<16xi32>], vector<16xf32>,
      %mul3A_1616 = arith.mulf %get3A_1608, %gather3A_1615 : vector<16xf32>
      %add3A_1617 = arith.addf %add3A_1589, %mul3A_1616 : vector<16xf32>
      %gather3A_1618 = tpu.vector_load_idx %arg7[%broadcast_in_dim3A_1611, %add3A_66] : memref<512x48xf32, #tpu.memory_space<vmem>>[vector<16xi32>, vector<16xi32>], vector<16xf32>,
      %mul3A_1619 = arith.mulf %get3A_1608, %gather3A_1618 : vector<16xf32>
      %add3A_1620 = arith.addf %add3A_1592, %mul3A_1619 : vector<16xf32>
      %slice3A_1621 = vector.extract_strided_slice %get3A_1524 {offsets = [3], sizes = [1], strides = [1]} : vector<16xi32> to vector<1xi32>
      %squeeze3A_1622 = vector.extract %slice3A_1621[0] : i32 from vector<1xi32>
      %broadcast_in_dim3A_1623 = vector.broadcast %squeeze3A_1622 : i32 to vector<16xi32>
      %gather3A_1624 = tpu.vector_load_idx %arg7[%broadcast_in_dim3A_1623, %iota3A] : memref<512x48xf32, #tpu.memory_space<vmem>>[vector<16xi32>, vector<16xi32>], vector<16xf32>,
      %mul3A_1625 = arith.mulf %get3A_1608, %gather3A_1624 : vector<16xf32>
      %add3A_1626 = arith.addf %add3A_1598, %mul3A_1625 : vector<16xf32>
      %gather3A_1627 = tpu.vector_load_idx %arg7[%broadcast_in_dim3A_1623, %add3A_63] : memref<512x48xf32, #tpu.memory_space<vmem>>[vector<16xi32>, vector<16xi32>], vector<16xf32>,
      %mul3A_1628 = arith.mulf %get3A_1608, %gather3A_1627 : vector<16xf32>
      %add3A_1629 = arith.addf %add3A_1601, %mul3A_1628 : vector<16xf32>
      %gather3A_1630 = tpu.vector_load_idx %arg7[%broadcast_in_dim3A_1623, %add3A_66] : memref<512x48xf32, #tpu.memory_space<vmem>>[vector<16xi32>, vector<16xi32>], vector<16xf32>,
      %mul3A_1631 = arith.mulf %get3A_1608, %gather3A_1630 : vector<16xf32>
      %add3A_1632 = arith.addf %add3A_1604, %mul3A_1631 : vector<16xf32>
      %get3A_1633 = arith.constant 52 : i32
      %get3A_1634 = arith.index_cast %get3A_1633 : i32 to index
      %get3A_1635 = arith.constant 0 : index
      %get3A_1636 = tpu.vector_load %arg9[%get3A_1634, %get3A_1635] {strides = array<i32>} : memref<64x16xf32, #tpu.memory_space<vmem>>, vector<16xf32>,
      %slice3A_1637 = vector.extract_strided_slice %get3A_1519 {offsets = [4], sizes = [1], strides = [1]} : vector<16xi32> to vector<1xi32>
      %squeeze3A_1638 = vector.extract %slice3A_1637[0] : i32 from vector<1xi32>
      %broadcast_in_dim3A_1639 = vector.broadcast %squeeze3A_1638 : i32 to vector<16xi32>
      %gather3A_1640 = tpu.vector_load_idx %arg7[%broadcast_in_dim3A_1639, %iota3A] : memref<512x48xf32, #tpu.memory_space<vmem>>[vector<16xi32>, vector<16xi32>], vector<16xf32>,
      %mul3A_1641 = arith.mulf %get3A_1636, %gather3A_1640 : vector<16xf32>
      %add3A_1642 = arith.addf %add3A_1614, %mul3A_1641 : vector<16xf32>
      %gather3A_1643 = tpu.vector_load_idx %arg7[%broadcast_in_dim3A_1639, %add3A_63] : memref<512x48xf32, #tpu.memory_space<vmem>>[vector<16xi32>, vector<16xi32>], vector<16xf32>,
      %mul3A_1644 = arith.mulf %get3A_1636, %gather3A_1643 : vector<16xf32>
      %add3A_1645 = arith.addf %add3A_1617, %mul3A_1644 : vector<16xf32>
      %gather3A_1646 = tpu.vector_load_idx %arg7[%broadcast_in_dim3A_1639, %add3A_66] : memref<512x48xf32, #tpu.memory_space<vmem>>[vector<16xi32>, vector<16xi32>], vector<16xf32>,
      %mul3A_1647 = arith.mulf %get3A_1636, %gather3A_1646 : vector<16xf32>
      %add3A_1648 = arith.addf %add3A_1620, %mul3A_1647 : vector<16xf32>
      %slice3A_1649 = vector.extract_strided_slice %get3A_1524 {offsets = [4], sizes = [1], strides = [1]} : vector<16xi32> to vector<1xi32>
      %squeeze3A_1650 = vector.extract %slice3A_1649[0] : i32 from vector<1xi32>
      %broadcast_in_dim3A_1651 = vector.broadcast %squeeze3A_1650 : i32 to vector<16xi32>
      %gather3A_1652 = tpu.vector_load_idx %arg7[%broadcast_in_dim3A_1651, %iota3A] : memref<512x48xf32, #tpu.memory_space<vmem>>[vector<16xi32>, vector<16xi32>], vector<16xf32>,
      %mul3A_1653 = arith.mulf %get3A_1636, %gather3A_1652 : vector<16xf32>
      %add3A_1654 = arith.addf %add3A_1626, %mul3A_1653 : vector<16xf32>
      %gather3A_1655 = tpu.vector_load_idx %arg7[%broadcast_in_dim3A_1651, %add3A_63] : memref<512x48xf32, #tpu.memory_space<vmem>>[vector<16xi32>, vector<16xi32>], vector<16xf32>,
      %mul3A_1656 = arith.mulf %get3A_1636, %gather3A_1655 : vector<16xf32>
      %add3A_1657 = arith.addf %add3A_1629, %mul3A_1656 : vector<16xf32>
      %gather3A_1658 = tpu.vector_load_idx %arg7[%broadcast_in_dim3A_1651, %add3A_66] : memref<512x48xf32, #tpu.memory_space<vmem>>[vector<16xi32>, vector<16xi32>], vector<16xf32>,
      %mul3A_1659 = arith.mulf %get3A_1636, %gather3A_1658 : vector<16xf32>
      %add3A_1660 = arith.addf %add3A_1632, %mul3A_1659 : vector<16xf32>
      %get3A_1661 = arith.constant 53 : i32
      %get3A_1662 = arith.index_cast %get3A_1661 : i32 to index
      %get3A_1663 = arith.constant 0 : index
      %get3A_1664 = tpu.vector_load %arg9[%get3A_1662, %get3A_1663] {strides = array<i32>} : memref<64x16xf32, #tpu.memory_space<vmem>>, vector<16xf32>,
      %slice3A_1665 = vector.extract_strided_slice %get3A_1519 {offsets = [5], sizes = [1], strides = [1]} : vector<16xi32> to vector<1xi32>
      %squeeze3A_1666 = vector.extract %slice3A_1665[0] : i32 from vector<1xi32>
      %broadcast_in_dim3A_1667 = vector.broadcast %squeeze3A_1666 : i32 to vector<16xi32>
      %gather3A_1668 = tpu.vector_load_idx %arg7[%broadcast_in_dim3A_1667, %iota3A] : memref<512x48xf32, #tpu.memory_space<vmem>>[vector<16xi32>, vector<16xi32>], vector<16xf32>,
      %mul3A_1669 = arith.mulf %get3A_1664, %gather3A_1668 : vector<16xf32>
      %add3A_1670 = arith.addf %add3A_1642, %mul3A_1669 : vector<16xf32>
      %gather3A_1671 = tpu.vector_load_idx %arg7[%broadcast_in_dim3A_1667, %add3A_63] : memref<512x48xf32, #tpu.memory_space<vmem>>[vector<16xi32>, vector<16xi32>], vector<16xf32>,
      %mul3A_1672 = arith.mulf %get3A_1664, %gather3A_1671 : vector<16xf32>
      %add3A_1673 = arith.addf %add3A_1645, %mul3A_1672 : vector<16xf32>
      %gather3A_1674 = tpu.vector_load_idx %arg7[%broadcast_in_dim3A_1667, %add3A_66] : memref<512x48xf32, #tpu.memory_space<vmem>>[vector<16xi32>, vector<16xi32>], vector<16xf32>,
      %mul3A_1675 = arith.mulf %get3A_1664, %gather3A_1674 : vector<16xf32>
      %add3A_1676 = arith.addf %add3A_1648, %mul3A_1675 : vector<16xf32>
      %slice3A_1677 = vector.extract_strided_slice %get3A_1524 {offsets = [5], sizes = [1], strides = [1]} : vector<16xi32> to vector<1xi32>
      %squeeze3A_1678 = vector.extract %slice3A_1677[0] : i32 from vector<1xi32>
      %broadcast_in_dim3A_1679 = vector.broadcast %squeeze3A_1678 : i32 to vector<16xi32>
      %gather3A_1680 = tpu.vector_load_idx %arg7[%broadcast_in_dim3A_1679, %iota3A] : memref<512x48xf32, #tpu.memory_space<vmem>>[vector<16xi32>, vector<16xi32>], vector<16xf32>,
      %mul3A_1681 = arith.mulf %get3A_1664, %gather3A_1680 : vector<16xf32>
      %add3A_1682 = arith.addf %add3A_1654, %mul3A_1681 : vector<16xf32>
      %gather3A_1683 = tpu.vector_load_idx %arg7[%broadcast_in_dim3A_1679, %add3A_63] : memref<512x48xf32, #tpu.memory_space<vmem>>[vector<16xi32>, vector<16xi32>], vector<16xf32>,
      %mul3A_1684 = arith.mulf %get3A_1664, %gather3A_1683 : vector<16xf32>
      %add3A_1685 = arith.addf %add3A_1657, %mul3A_1684 : vector<16xf32>
      %gather3A_1686 = tpu.vector_load_idx %arg7[%broadcast_in_dim3A_1679, %add3A_66] : memref<512x48xf32, #tpu.memory_space<vmem>>[vector<16xi32>, vector<16xi32>], vector<16xf32>,
      %mul3A_1687 = arith.mulf %get3A_1664, %gather3A_1686 : vector<16xf32>
      %add3A_1688 = arith.addf %add3A_1660, %mul3A_1687 : vector<16xf32>
      %get3A_1689 = arith.constant 54 : i32
      %get3A_1690 = arith.index_cast %get3A_1689 : i32 to index
      %get3A_1691 = arith.constant 0 : index
      %get3A_1692 = tpu.vector_load %arg9[%get3A_1690, %get3A_1691] {strides = array<i32>} : memref<64x16xf32, #tpu.memory_space<vmem>>, vector<16xf32>,
      %slice3A_1693 = vector.extract_strided_slice %get3A_1519 {offsets = [6], sizes = [1], strides = [1]} : vector<16xi32> to vector<1xi32>
      %squeeze3A_1694 = vector.extract %slice3A_1693[0] : i32 from vector<1xi32>
      %broadcast_in_dim3A_1695 = vector.broadcast %squeeze3A_1694 : i32 to vector<16xi32>
      %gather3A_1696 = tpu.vector_load_idx %arg7[%broadcast_in_dim3A_1695, %iota3A] : memref<512x48xf32, #tpu.memory_space<vmem>>[vector<16xi32>, vector<16xi32>], vector<16xf32>,
      %mul3A_1697 = arith.mulf %get3A_1692, %gather3A_1696 : vector<16xf32>
      %add3A_1698 = arith.addf %add3A_1670, %mul3A_1697 : vector<16xf32>
      %gather3A_1699 = tpu.vector_load_idx %arg7[%broadcast_in_dim3A_1695, %add3A_63] : memref<512x48xf32, #tpu.memory_space<vmem>>[vector<16xi32>, vector<16xi32>], vector<16xf32>,
      %mul3A_1700 = arith.mulf %get3A_1692, %gather3A_1699 : vector<16xf32>
      %add3A_1701 = arith.addf %add3A_1673, %mul3A_1700 : vector<16xf32>
      %gather3A_1702 = tpu.vector_load_idx %arg7[%broadcast_in_dim3A_1695, %add3A_66] : memref<512x48xf32, #tpu.memory_space<vmem>>[vector<16xi32>, vector<16xi32>], vector<16xf32>,
      %mul3A_1703 = arith.mulf %get3A_1692, %gather3A_1702 : vector<16xf32>
      %add3A_1704 = arith.addf %add3A_1676, %mul3A_1703 : vector<16xf32>
      %slice3A_1705 = vector.extract_strided_slice %get3A_1524 {offsets = [6], sizes = [1], strides = [1]} : vector<16xi32> to vector<1xi32>
      %squeeze3A_1706 = vector.extract %slice3A_1705[0] : i32 from vector<1xi32>
      %broadcast_in_dim3A_1707 = vector.broadcast %squeeze3A_1706 : i32 to vector<16xi32>
      %gather3A_1708 = tpu.vector_load_idx %arg7[%broadcast_in_dim3A_1707, %iota3A] : memref<512x48xf32, #tpu.memory_space<vmem>>[vector<16xi32>, vector<16xi32>], vector<16xf32>,
      %mul3A_1709 = arith.mulf %get3A_1692, %gather3A_1708 : vector<16xf32>
      %add3A_1710 = arith.addf %add3A_1682, %mul3A_1709 : vector<16xf32>
      %gather3A_1711 = tpu.vector_load_idx %arg7[%broadcast_in_dim3A_1707, %add3A_63] : memref<512x48xf32, #tpu.memory_space<vmem>>[vector<16xi32>, vector<16xi32>], vector<16xf32>,
      %mul3A_1712 = arith.mulf %get3A_1692, %gather3A_1711 : vector<16xf32>
      %add3A_1713 = arith.addf %add3A_1685, %mul3A_1712 : vector<16xf32>
      %gather3A_1714 = tpu.vector_load_idx %arg7[%broadcast_in_dim3A_1707, %add3A_66] : memref<512x48xf32, #tpu.memory_space<vmem>>[vector<16xi32>, vector<16xi32>], vector<16xf32>,
      %mul3A_1715 = arith.mulf %get3A_1692, %gather3A_1714 : vector<16xf32>
      %add3A_1716 = arith.addf %add3A_1688, %mul3A_1715 : vector<16xf32>
      %get3A_1717 = arith.constant 55 : i32
      %get3A_1718 = arith.index_cast %get3A_1717 : i32 to index
      %get3A_1719 = arith.constant 0 : index
      %get3A_1720 = tpu.vector_load %arg9[%get3A_1718, %get3A_1719] {strides = array<i32>} : memref<64x16xf32, #tpu.memory_space<vmem>>, vector<16xf32>,
      %slice3A_1721 = vector.extract_strided_slice %get3A_1519 {offsets = [7], sizes = [1], strides = [1]} : vector<16xi32> to vector<1xi32>
      %squeeze3A_1722 = vector.extract %slice3A_1721[0] : i32 from vector<1xi32>
      %broadcast_in_dim3A_1723 = vector.broadcast %squeeze3A_1722 : i32 to vector<16xi32>
      %gather3A_1724 = tpu.vector_load_idx %arg7[%broadcast_in_dim3A_1723, %iota3A] : memref<512x48xf32, #tpu.memory_space<vmem>>[vector<16xi32>, vector<16xi32>], vector<16xf32>,
      %mul3A_1725 = arith.mulf %get3A_1720, %gather3A_1724 : vector<16xf32>
      %add3A_1726 = arith.addf %add3A_1698, %mul3A_1725 : vector<16xf32>
      %gather3A_1727 = tpu.vector_load_idx %arg7[%broadcast_in_dim3A_1723, %add3A_63] : memref<512x48xf32, #tpu.memory_space<vmem>>[vector<16xi32>, vector<16xi32>], vector<16xf32>,
      %mul3A_1728 = arith.mulf %get3A_1720, %gather3A_1727 : vector<16xf32>
      %add3A_1729 = arith.addf %add3A_1701, %mul3A_1728 : vector<16xf32>
      %gather3A_1730 = tpu.vector_load_idx %arg7[%broadcast_in_dim3A_1723, %add3A_66] : memref<512x48xf32, #tpu.memory_space<vmem>>[vector<16xi32>, vector<16xi32>], vector<16xf32>,
      %mul3A_1731 = arith.mulf %get3A_1720, %gather3A_1730 : vector<16xf32>
      %add3A_1732 = arith.addf %add3A_1704, %mul3A_1731 : vector<16xf32>
      %slice3A_1733 = vector.extract_strided_slice %get3A_1524 {offsets = [7], sizes = [1], strides = [1]} : vector<16xi32> to vector<1xi32>
      %squeeze3A_1734 = vector.extract %slice3A_1733[0] : i32 from vector<1xi32>
      %broadcast_in_dim3A_1735 = vector.broadcast %squeeze3A_1734 : i32 to vector<16xi32>
      %gather3A_1736 = tpu.vector_load_idx %arg7[%broadcast_in_dim3A_1735, %iota3A] : memref<512x48xf32, #tpu.memory_space<vmem>>[vector<16xi32>, vector<16xi32>], vector<16xf32>,
      %mul3A_1737 = arith.mulf %get3A_1720, %gather3A_1736 : vector<16xf32>
      %add3A_1738 = arith.addf %add3A_1710, %mul3A_1737 : vector<16xf32>
      %gather3A_1739 = tpu.vector_load_idx %arg7[%broadcast_in_dim3A_1735, %add3A_63] : memref<512x48xf32, #tpu.memory_space<vmem>>[vector<16xi32>, vector<16xi32>], vector<16xf32>,
      %mul3A_1740 = arith.mulf %get3A_1720, %gather3A_1739 : vector<16xf32>
      %add3A_1741 = arith.addf %add3A_1713, %mul3A_1740 : vector<16xf32>
      %gather3A_1742 = tpu.vector_load_idx %arg7[%broadcast_in_dim3A_1735, %add3A_66] : memref<512x48xf32, #tpu.memory_space<vmem>>[vector<16xi32>, vector<16xi32>], vector<16xf32>,
      %mul3A_1743 = arith.mulf %get3A_1720, %gather3A_1742 : vector<16xf32>
      %add3A_1744 = arith.addf %add3A_1716, %mul3A_1743 : vector<16xf32>
      %get3A_1745 = arith.constant 56 : i32
      %get3A_1746 = arith.index_cast %get3A_1745 : i32 to index
      %get3A_1747 = arith.constant 0 : index
      %get3A_1748 = tpu.vector_load %arg9[%get3A_1746, %get3A_1747] {strides = array<i32>} : memref<64x16xf32, #tpu.memory_space<vmem>>, vector<16xf32>,
      %slice3A_1749 = vector.extract_strided_slice %get3A_1519 {offsets = [8], sizes = [1], strides = [1]} : vector<16xi32> to vector<1xi32>
      %squeeze3A_1750 = vector.extract %slice3A_1749[0] : i32 from vector<1xi32>
      %broadcast_in_dim3A_1751 = vector.broadcast %squeeze3A_1750 : i32 to vector<16xi32>
      %gather3A_1752 = tpu.vector_load_idx %arg7[%broadcast_in_dim3A_1751, %iota3A] : memref<512x48xf32, #tpu.memory_space<vmem>>[vector<16xi32>, vector<16xi32>], vector<16xf32>,
      %mul3A_1753 = arith.mulf %get3A_1748, %gather3A_1752 : vector<16xf32>
      %add3A_1754 = arith.addf %add3A_1726, %mul3A_1753 : vector<16xf32>
      %gather3A_1755 = tpu.vector_load_idx %arg7[%broadcast_in_dim3A_1751, %add3A_63] : memref<512x48xf32, #tpu.memory_space<vmem>>[vector<16xi32>, vector<16xi32>], vector<16xf32>,
      %mul3A_1756 = arith.mulf %get3A_1748, %gather3A_1755 : vector<16xf32>
      %add3A_1757 = arith.addf %add3A_1729, %mul3A_1756 : vector<16xf32>
      %gather3A_1758 = tpu.vector_load_idx %arg7[%broadcast_in_dim3A_1751, %add3A_66] : memref<512x48xf32, #tpu.memory_space<vmem>>[vector<16xi32>, vector<16xi32>], vector<16xf32>,
      %mul3A_1759 = arith.mulf %get3A_1748, %gather3A_1758 : vector<16xf32>
      %add3A_1760 = arith.addf %add3A_1732, %mul3A_1759 : vector<16xf32>
      %slice3A_1761 = vector.extract_strided_slice %get3A_1524 {offsets = [8], sizes = [1], strides = [1]} : vector<16xi32> to vector<1xi32>
      %squeeze3A_1762 = vector.extract %slice3A_1761[0] : i32 from vector<1xi32>
      %broadcast_in_dim3A_1763 = vector.broadcast %squeeze3A_1762 : i32 to vector<16xi32>
      %gather3A_1764 = tpu.vector_load_idx %arg7[%broadcast_in_dim3A_1763, %iota3A] : memref<512x48xf32, #tpu.memory_space<vmem>>[vector<16xi32>, vector<16xi32>], vector<16xf32>,
      %mul3A_1765 = arith.mulf %get3A_1748, %gather3A_1764 : vector<16xf32>
      %add3A_1766 = arith.addf %add3A_1738, %mul3A_1765 : vector<16xf32>
      %gather3A_1767 = tpu.vector_load_idx %arg7[%broadcast_in_dim3A_1763, %add3A_63] : memref<512x48xf32, #tpu.memory_space<vmem>>[vector<16xi32>, vector<16xi32>], vector<16xf32>,
      %mul3A_1768 = arith.mulf %get3A_1748, %gather3A_1767 : vector<16xf32>
      %add3A_1769 = arith.addf %add3A_1741, %mul3A_1768 : vector<16xf32>
      %gather3A_1770 = tpu.vector_load_idx %arg7[%broadcast_in_dim3A_1763, %add3A_66] : memref<512x48xf32, #tpu.memory_space<vmem>>[vector<16xi32>, vector<16xi32>], vector<16xf32>,
      %mul3A_1771 = arith.mulf %get3A_1748, %gather3A_1770 : vector<16xf32>
      %add3A_1772 = arith.addf %add3A_1744, %mul3A_1771 : vector<16xf32>
      %get3A_1773 = arith.constant 57 : i32
      %get3A_1774 = arith.index_cast %get3A_1773 : i32 to index
      %get3A_1775 = arith.constant 0 : index
      %get3A_1776 = tpu.vector_load %arg9[%get3A_1774, %get3A_1775] {strides = array<i32>} : memref<64x16xf32, #tpu.memory_space<vmem>>, vector<16xf32>,
      %slice3A_1777 = vector.extract_strided_slice %get3A_1519 {offsets = [9], sizes = [1], strides = [1]} : vector<16xi32> to vector<1xi32>
      %squeeze3A_1778 = vector.extract %slice3A_1777[0] : i32 from vector<1xi32>
      %broadcast_in_dim3A_1779 = vector.broadcast %squeeze3A_1778 : i32 to vector<16xi32>
      %gather3A_1780 = tpu.vector_load_idx %arg7[%broadcast_in_dim3A_1779, %iota3A] : memref<512x48xf32, #tpu.memory_space<vmem>>[vector<16xi32>, vector<16xi32>], vector<16xf32>,
      %mul3A_1781 = arith.mulf %get3A_1776, %gather3A_1780 : vector<16xf32>
      %add3A_1782 = arith.addf %add3A_1754, %mul3A_1781 : vector<16xf32>
      %gather3A_1783 = tpu.vector_load_idx %arg7[%broadcast_in_dim3A_1779, %add3A_63] : memref<512x48xf32, #tpu.memory_space<vmem>>[vector<16xi32>, vector<16xi32>], vector<16xf32>,
      %mul3A_1784 = arith.mulf %get3A_1776, %gather3A_1783 : vector<16xf32>
      %add3A_1785 = arith.addf %add3A_1757, %mul3A_1784 : vector<16xf32>
      %gather3A_1786 = tpu.vector_load_idx %arg7[%broadcast_in_dim3A_1779, %add3A_66] : memref<512x48xf32, #tpu.memory_space<vmem>>[vector<16xi32>, vector<16xi32>], vector<16xf32>,
      %mul3A_1787 = arith.mulf %get3A_1776, %gather3A_1786 : vector<16xf32>
      %add3A_1788 = arith.addf %add3A_1760, %mul3A_1787 : vector<16xf32>
      %slice3A_1789 = vector.extract_strided_slice %get3A_1524 {offsets = [9], sizes = [1], strides = [1]} : vector<16xi32> to vector<1xi32>
      %squeeze3A_1790 = vector.extract %slice3A_1789[0] : i32 from vector<1xi32>
      %broadcast_in_dim3A_1791 = vector.broadcast %squeeze3A_1790 : i32 to vector<16xi32>
      %gather3A_1792 = tpu.vector_load_idx %arg7[%broadcast_in_dim3A_1791, %iota3A] : memref<512x48xf32, #tpu.memory_space<vmem>>[vector<16xi32>, vector<16xi32>], vector<16xf32>,
      %mul3A_1793 = arith.mulf %get3A_1776, %gather3A_1792 : vector<16xf32>
      %add3A_1794 = arith.addf %add3A_1766, %mul3A_1793 : vector<16xf32>
      %gather3A_1795 = tpu.vector_load_idx %arg7[%broadcast_in_dim3A_1791, %add3A_63] : memref<512x48xf32, #tpu.memory_space<vmem>>[vector<16xi32>, vector<16xi32>], vector<16xf32>,
      %mul3A_1796 = arith.mulf %get3A_1776, %gather3A_1795 : vector<16xf32>
      %add3A_1797 = arith.addf %add3A_1769, %mul3A_1796 : vector<16xf32>
      %gather3A_1798 = tpu.vector_load_idx %arg7[%broadcast_in_dim3A_1791, %add3A_66] : memref<512x48xf32, #tpu.memory_space<vmem>>[vector<16xi32>, vector<16xi32>], vector<16xf32>,
      %mul3A_1799 = arith.mulf %get3A_1776, %gather3A_1798 : vector<16xf32>
      %add3A_1800 = arith.addf %add3A_1772, %mul3A_1799 : vector<16xf32>
      %get3A_1801 = arith.constant 58 : i32
      %get3A_1802 = arith.index_cast %get3A_1801 : i32 to index
      %get3A_1803 = arith.constant 0 : index
      %get3A_1804 = tpu.vector_load %arg9[%get3A_1802, %get3A_1803] {strides = array<i32>} : memref<64x16xf32, #tpu.memory_space<vmem>>, vector<16xf32>,
      %slice3A_1805 = vector.extract_strided_slice %get3A_1519 {offsets = [10], sizes = [1], strides = [1]} : vector<16xi32> to vector<1xi32>
      %squeeze3A_1806 = vector.extract %slice3A_1805[0] : i32 from vector<1xi32>
      %broadcast_in_dim3A_1807 = vector.broadcast %squeeze3A_1806 : i32 to vector<16xi32>
      %gather3A_1808 = tpu.vector_load_idx %arg7[%broadcast_in_dim3A_1807, %iota3A] : memref<512x48xf32, #tpu.memory_space<vmem>>[vector<16xi32>, vector<16xi32>], vector<16xf32>,
      %mul3A_1809 = arith.mulf %get3A_1804, %gather3A_1808 : vector<16xf32>
      %add3A_1810 = arith.addf %add3A_1782, %mul3A_1809 : vector<16xf32>
      %gather3A_1811 = tpu.vector_load_idx %arg7[%broadcast_in_dim3A_1807, %add3A_63] : memref<512x48xf32, #tpu.memory_space<vmem>>[vector<16xi32>, vector<16xi32>], vector<16xf32>,
      %mul3A_1812 = arith.mulf %get3A_1804, %gather3A_1811 : vector<16xf32>
      %add3A_1813 = arith.addf %add3A_1785, %mul3A_1812 : vector<16xf32>
      %gather3A_1814 = tpu.vector_load_idx %arg7[%broadcast_in_dim3A_1807, %add3A_66] : memref<512x48xf32, #tpu.memory_space<vmem>>[vector<16xi32>, vector<16xi32>], vector<16xf32>,
      %mul3A_1815 = arith.mulf %get3A_1804, %gather3A_1814 : vector<16xf32>
      %add3A_1816 = arith.addf %add3A_1788, %mul3A_1815 : vector<16xf32>
      %slice3A_1817 = vector.extract_strided_slice %get3A_1524 {offsets = [10], sizes = [1], strides = [1]} : vector<16xi32> to vector<1xi32>
      %squeeze3A_1818 = vector.extract %slice3A_1817[0] : i32 from vector<1xi32>
      %broadcast_in_dim3A_1819 = vector.broadcast %squeeze3A_1818 : i32 to vector<16xi32>
      %gather3A_1820 = tpu.vector_load_idx %arg7[%broadcast_in_dim3A_1819, %iota3A] : memref<512x48xf32, #tpu.memory_space<vmem>>[vector<16xi32>, vector<16xi32>], vector<16xf32>,
      %mul3A_1821 = arith.mulf %get3A_1804, %gather3A_1820 : vector<16xf32>
      %add3A_1822 = arith.addf %add3A_1794, %mul3A_1821 : vector<16xf32>
      %gather3A_1823 = tpu.vector_load_idx %arg7[%broadcast_in_dim3A_1819, %add3A_63] : memref<512x48xf32, #tpu.memory_space<vmem>>[vector<16xi32>, vector<16xi32>], vector<16xf32>,
      %mul3A_1824 = arith.mulf %get3A_1804, %gather3A_1823 : vector<16xf32>
      %add3A_1825 = arith.addf %add3A_1797, %mul3A_1824 : vector<16xf32>
      %gather3A_1826 = tpu.vector_load_idx %arg7[%broadcast_in_dim3A_1819, %add3A_66] : memref<512x48xf32, #tpu.memory_space<vmem>>[vector<16xi32>, vector<16xi32>], vector<16xf32>,
      %mul3A_1827 = arith.mulf %get3A_1804, %gather3A_1826 : vector<16xf32>
      %add3A_1828 = arith.addf %add3A_1800, %mul3A_1827 : vector<16xf32>
      %get3A_1829 = arith.constant 59 : i32
      %get3A_1830 = arith.index_cast %get3A_1829 : i32 to index
      %get3A_1831 = arith.constant 0 : index
      %get3A_1832 = tpu.vector_load %arg9[%get3A_1830, %get3A_1831] {strides = array<i32>} : memref<64x16xf32, #tpu.memory_space<vmem>>, vector<16xf32>,
      %slice3A_1833 = vector.extract_strided_slice %get3A_1519 {offsets = [11], sizes = [1], strides = [1]} : vector<16xi32> to vector<1xi32>
      %squeeze3A_1834 = vector.extract %slice3A_1833[0] : i32 from vector<1xi32>
      %broadcast_in_dim3A_1835 = vector.broadcast %squeeze3A_1834 : i32 to vector<16xi32>
      %gather3A_1836 = tpu.vector_load_idx %arg7[%broadcast_in_dim3A_1835, %iota3A] : memref<512x48xf32, #tpu.memory_space<vmem>>[vector<16xi32>, vector<16xi32>], vector<16xf32>,
      %mul3A_1837 = arith.mulf %get3A_1832, %gather3A_1836 : vector<16xf32>
      %add3A_1838 = arith.addf %add3A_1810, %mul3A_1837 : vector<16xf32>
      %gather3A_1839 = tpu.vector_load_idx %arg7[%broadcast_in_dim3A_1835, %add3A_63] : memref<512x48xf32, #tpu.memory_space<vmem>>[vector<16xi32>, vector<16xi32>], vector<16xf32>,
      %mul3A_1840 = arith.mulf %get3A_1832, %gather3A_1839 : vector<16xf32>
      %add3A_1841 = arith.addf %add3A_1813, %mul3A_1840 : vector<16xf32>
      %gather3A_1842 = tpu.vector_load_idx %arg7[%broadcast_in_dim3A_1835, %add3A_66] : memref<512x48xf32, #tpu.memory_space<vmem>>[vector<16xi32>, vector<16xi32>], vector<16xf32>,
      %mul3A_1843 = arith.mulf %get3A_1832, %gather3A_1842 : vector<16xf32>
      %add3A_1844 = arith.addf %add3A_1816, %mul3A_1843 : vector<16xf32>
      %slice3A_1845 = vector.extract_strided_slice %get3A_1524 {offsets = [11], sizes = [1], strides = [1]} : vector<16xi32> to vector<1xi32>
      %squeeze3A_1846 = vector.extract %slice3A_1845[0] : i32 from vector<1xi32>
      %broadcast_in_dim3A_1847 = vector.broadcast %squeeze3A_1846 : i32 to vector<16xi32>
      %gather3A_1848 = tpu.vector_load_idx %arg7[%broadcast_in_dim3A_1847, %iota3A] : memref<512x48xf32, #tpu.memory_space<vmem>>[vector<16xi32>, vector<16xi32>], vector<16xf32>,
      %mul3A_1849 = arith.mulf %get3A_1832, %gather3A_1848 : vector<16xf32>
      %add3A_1850 = arith.addf %add3A_1822, %mul3A_1849 : vector<16xf32>
      %gather3A_1851 = tpu.vector_load_idx %arg7[%broadcast_in_dim3A_1847, %add3A_63] : memref<512x48xf32, #tpu.memory_space<vmem>>[vector<16xi32>, vector<16xi32>], vector<16xf32>,
      %mul3A_1852 = arith.mulf %get3A_1832, %gather3A_1851 : vector<16xf32>
      %add3A_1853 = arith.addf %add3A_1825, %mul3A_1852 : vector<16xf32>
      %gather3A_1854 = tpu.vector_load_idx %arg7[%broadcast_in_dim3A_1847, %add3A_66] : memref<512x48xf32, #tpu.memory_space<vmem>>[vector<16xi32>, vector<16xi32>], vector<16xf32>,
      %mul3A_1855 = arith.mulf %get3A_1832, %gather3A_1854 : vector<16xf32>
      %add3A_1856 = arith.addf %add3A_1828, %mul3A_1855 : vector<16xf32>
      %get3A_1857 = arith.constant 60 : i32
      %get3A_1858 = arith.index_cast %get3A_1857 : i32 to index
      %get3A_1859 = arith.constant 0 : index
      %get3A_1860 = tpu.vector_load %arg9[%get3A_1858, %get3A_1859] {strides = array<i32>} : memref<64x16xf32, #tpu.memory_space<vmem>>, vector<16xf32>,
      %slice3A_1861 = vector.extract_strided_slice %get3A_1519 {offsets = [12], sizes = [1], strides = [1]} : vector<16xi32> to vector<1xi32>
      %squeeze3A_1862 = vector.extract %slice3A_1861[0] : i32 from vector<1xi32>
      %broadcast_in_dim3A_1863 = vector.broadcast %squeeze3A_1862 : i32 to vector<16xi32>
      %gather3A_1864 = tpu.vector_load_idx %arg7[%broadcast_in_dim3A_1863, %iota3A] : memref<512x48xf32, #tpu.memory_space<vmem>>[vector<16xi32>, vector<16xi32>], vector<16xf32>,
      %mul3A_1865 = arith.mulf %get3A_1860, %gather3A_1864 : vector<16xf32>
      %add3A_1866 = arith.addf %add3A_1838, %mul3A_1865 : vector<16xf32>
      %gather3A_1867 = tpu.vector_load_idx %arg7[%broadcast_in_dim3A_1863, %add3A_63] : memref<512x48xf32, #tpu.memory_space<vmem>>[vector<16xi32>, vector<16xi32>], vector<16xf32>,
      %mul3A_1868 = arith.mulf %get3A_1860, %gather3A_1867 : vector<16xf32>
      %add3A_1869 = arith.addf %add3A_1841, %mul3A_1868 : vector<16xf32>
      %gather3A_1870 = tpu.vector_load_idx %arg7[%broadcast_in_dim3A_1863, %add3A_66] : memref<512x48xf32, #tpu.memory_space<vmem>>[vector<16xi32>, vector<16xi32>], vector<16xf32>,
      %mul3A_1871 = arith.mulf %get3A_1860, %gather3A_1870 : vector<16xf32>
      %add3A_1872 = arith.addf %add3A_1844, %mul3A_1871 : vector<16xf32>
      %slice3A_1873 = vector.extract_strided_slice %get3A_1524 {offsets = [12], sizes = [1], strides = [1]} : vector<16xi32> to vector<1xi32>
      %squeeze3A_1874 = vector.extract %slice3A_1873[0] : i32 from vector<1xi32>
      %broadcast_in_dim3A_1875 = vector.broadcast %squeeze3A_1874 : i32 to vector<16xi32>
      %gather3A_1876 = tpu.vector_load_idx %arg7[%broadcast_in_dim3A_1875, %iota3A] : memref<512x48xf32, #tpu.memory_space<vmem>>[vector<16xi32>, vector<16xi32>], vector<16xf32>,
      %mul3A_1877 = arith.mulf %get3A_1860, %gather3A_1876 : vector<16xf32>
      %add3A_1878 = arith.addf %add3A_1850, %mul3A_1877 : vector<16xf32>
      %gather3A_1879 = tpu.vector_load_idx %arg7[%broadcast_in_dim3A_1875, %add3A_63] : memref<512x48xf32, #tpu.memory_space<vmem>>[vector<16xi32>, vector<16xi32>], vector<16xf32>,
      %mul3A_1880 = arith.mulf %get3A_1860, %gather3A_1879 : vector<16xf32>
      %add3A_1881 = arith.addf %add3A_1853, %mul3A_1880 : vector<16xf32>
      %gather3A_1882 = tpu.vector_load_idx %arg7[%broadcast_in_dim3A_1875, %add3A_66] : memref<512x48xf32, #tpu.memory_space<vmem>>[vector<16xi32>, vector<16xi32>], vector<16xf32>,
      %mul3A_1883 = arith.mulf %get3A_1860, %gather3A_1882 : vector<16xf32>
      %add3A_1884 = arith.addf %add3A_1856, %mul3A_1883 : vector<16xf32>
      %get3A_1885 = arith.constant 61 : i32
      %get3A_1886 = arith.index_cast %get3A_1885 : i32 to index
      %get3A_1887 = arith.constant 0 : index
      %get3A_1888 = tpu.vector_load %arg9[%get3A_1886, %get3A_1887] {strides = array<i32>} : memref<64x16xf32, #tpu.memory_space<vmem>>, vector<16xf32>,
      %slice3A_1889 = vector.extract_strided_slice %get3A_1519 {offsets = [13], sizes = [1], strides = [1]} : vector<16xi32> to vector<1xi32>
      %squeeze3A_1890 = vector.extract %slice3A_1889[0] : i32 from vector<1xi32>
      %broadcast_in_dim3A_1891 = vector.broadcast %squeeze3A_1890 : i32 to vector<16xi32>
      %gather3A_1892 = tpu.vector_load_idx %arg7[%broadcast_in_dim3A_1891, %iota3A] : memref<512x48xf32, #tpu.memory_space<vmem>>[vector<16xi32>, vector<16xi32>], vector<16xf32>,
      %mul3A_1893 = arith.mulf %get3A_1888, %gather3A_1892 : vector<16xf32>
      %add3A_1894 = arith.addf %add3A_1866, %mul3A_1893 : vector<16xf32>
      %gather3A_1895 = tpu.vector_load_idx %arg7[%broadcast_in_dim3A_1891, %add3A_63] : memref<512x48xf32, #tpu.memory_space<vmem>>[vector<16xi32>, vector<16xi32>], vector<16xf32>,
      %mul3A_1896 = arith.mulf %get3A_1888, %gather3A_1895 : vector<16xf32>
      %add3A_1897 = arith.addf %add3A_1869, %mul3A_1896 : vector<16xf32>
      %gather3A_1898 = tpu.vector_load_idx %arg7[%broadcast_in_dim3A_1891, %add3A_66] : memref<512x48xf32, #tpu.memory_space<vmem>>[vector<16xi32>, vector<16xi32>], vector<16xf32>,
      %mul3A_1899 = arith.mulf %get3A_1888, %gather3A_1898 : vector<16xf32>
      %add3A_1900 = arith.addf %add3A_1872, %mul3A_1899 : vector<16xf32>
      %slice3A_1901 = vector.extract_strided_slice %get3A_1524 {offsets = [13], sizes = [1], strides = [1]} : vector<16xi32> to vector<1xi32>
      %squeeze3A_1902 = vector.extract %slice3A_1901[0] : i32 from vector<1xi32>
      %broadcast_in_dim3A_1903 = vector.broadcast %squeeze3A_1902 : i32 to vector<16xi32>
      %gather3A_1904 = tpu.vector_load_idx %arg7[%broadcast_in_dim3A_1903, %iota3A] : memref<512x48xf32, #tpu.memory_space<vmem>>[vector<16xi32>, vector<16xi32>], vector<16xf32>,
      %mul3A_1905 = arith.mulf %get3A_1888, %gather3A_1904 : vector<16xf32>
      %add3A_1906 = arith.addf %add3A_1878, %mul3A_1905 : vector<16xf32>
      %gather3A_1907 = tpu.vector_load_idx %arg7[%broadcast_in_dim3A_1903, %add3A_63] : memref<512x48xf32, #tpu.memory_space<vmem>>[vector<16xi32>, vector<16xi32>], vector<16xf32>,
      %mul3A_1908 = arith.mulf %get3A_1888, %gather3A_1907 : vector<16xf32>
      %add3A_1909 = arith.addf %add3A_1881, %mul3A_1908 : vector<16xf32>
      %gather3A_1910 = tpu.vector_load_idx %arg7[%broadcast_in_dim3A_1903, %add3A_66] : memref<512x48xf32, #tpu.memory_space<vmem>>[vector<16xi32>, vector<16xi32>], vector<16xf32>,
      %mul3A_1911 = arith.mulf %get3A_1888, %gather3A_1910 : vector<16xf32>
      %add3A_1912 = arith.addf %add3A_1884, %mul3A_1911 : vector<16xf32>
      %get3A_1913 = arith.constant 62 : i32
      %get3A_1914 = arith.index_cast %get3A_1913 : i32 to index
      %get3A_1915 = arith.constant 0 : index
      %get3A_1916 = tpu.vector_load %arg9[%get3A_1914, %get3A_1915] {strides = array<i32>} : memref<64x16xf32, #tpu.memory_space<vmem>>, vector<16xf32>,
      %slice3A_1917 = vector.extract_strided_slice %get3A_1519 {offsets = [14], sizes = [1], strides = [1]} : vector<16xi32> to vector<1xi32>
      %squeeze3A_1918 = vector.extract %slice3A_1917[0] : i32 from vector<1xi32>
      %broadcast_in_dim3A_1919 = vector.broadcast %squeeze3A_1918 : i32 to vector<16xi32>
      %gather3A_1920 = tpu.vector_load_idx %arg7[%broadcast_in_dim3A_1919, %iota3A] : memref<512x48xf32, #tpu.memory_space<vmem>>[vector<16xi32>, vector<16xi32>], vector<16xf32>,
      %mul3A_1921 = arith.mulf %get3A_1916, %gather3A_1920 : vector<16xf32>
      %add3A_1922 = arith.addf %add3A_1894, %mul3A_1921 : vector<16xf32>
      %gather3A_1923 = tpu.vector_load_idx %arg7[%broadcast_in_dim3A_1919, %add3A_63] : memref<512x48xf32, #tpu.memory_space<vmem>>[vector<16xi32>, vector<16xi32>], vector<16xf32>,
      %mul3A_1924 = arith.mulf %get3A_1916, %gather3A_1923 : vector<16xf32>
      %add3A_1925 = arith.addf %add3A_1897, %mul3A_1924 : vector<16xf32>
      %gather3A_1926 = tpu.vector_load_idx %arg7[%broadcast_in_dim3A_1919, %add3A_66] : memref<512x48xf32, #tpu.memory_space<vmem>>[vector<16xi32>, vector<16xi32>], vector<16xf32>,
      %mul3A_1927 = arith.mulf %get3A_1916, %gather3A_1926 : vector<16xf32>
      %add3A_1928 = arith.addf %add3A_1900, %mul3A_1927 : vector<16xf32>
      %slice3A_1929 = vector.extract_strided_slice %get3A_1524 {offsets = [14], sizes = [1], strides = [1]} : vector<16xi32> to vector<1xi32>
      %squeeze3A_1930 = vector.extract %slice3A_1929[0] : i32 from vector<1xi32>
      %broadcast_in_dim3A_1931 = vector.broadcast %squeeze3A_1930 : i32 to vector<16xi32>
      %gather3A_1932 = tpu.vector_load_idx %arg7[%broadcast_in_dim3A_1931, %iota3A] : memref<512x48xf32, #tpu.memory_space<vmem>>[vector<16xi32>, vector<16xi32>], vector<16xf32>,
      %mul3A_1933 = arith.mulf %get3A_1916, %gather3A_1932 : vector<16xf32>
      %add3A_1934 = arith.addf %add3A_1906, %mul3A_1933 : vector<16xf32>
      %gather3A_1935 = tpu.vector_load_idx %arg7[%broadcast_in_dim3A_1931, %add3A_63] : memref<512x48xf32, #tpu.memory_space<vmem>>[vector<16xi32>, vector<16xi32>], vector<16xf32>,
      %mul3A_1936 = arith.mulf %get3A_1916, %gather3A_1935 : vector<16xf32>
      %add3A_1937 = arith.addf %add3A_1909, %mul3A_1936 : vector<16xf32>
      %gather3A_1938 = tpu.vector_load_idx %arg7[%broadcast_in_dim3A_1931, %add3A_66] : memref<512x48xf32, #tpu.memory_space<vmem>>[vector<16xi32>, vector<16xi32>], vector<16xf32>,
      %mul3A_1939 = arith.mulf %get3A_1916, %gather3A_1938 : vector<16xf32>
      %add3A_1940 = arith.addf %add3A_1912, %mul3A_1939 : vector<16xf32>
      %get3A_1941 = arith.constant 63 : i32
      %get3A_1942 = arith.index_cast %get3A_1941 : i32 to index
      %get3A_1943 = arith.constant 0 : index
      %get3A_1944 = tpu.vector_load %arg9[%get3A_1942, %get3A_1943] {strides = array<i32>} : memref<64x16xf32, #tpu.memory_space<vmem>>, vector<16xf32>,
      %slice3A_1945 = vector.extract_strided_slice %get3A_1519 {offsets = [15], sizes = [1], strides = [1]} : vector<16xi32> to vector<1xi32>
      %squeeze3A_1946 = vector.extract %slice3A_1945[0] : i32 from vector<1xi32>
      %broadcast_in_dim3A_1947 = vector.broadcast %squeeze3A_1946 : i32 to vector<16xi32>
      %gather3A_1948 = tpu.vector_load_idx %arg7[%broadcast_in_dim3A_1947, %iota3A] : memref<512x48xf32, #tpu.memory_space<vmem>>[vector<16xi32>, vector<16xi32>], vector<16xf32>,
      %mul3A_1949 = arith.mulf %get3A_1944, %gather3A_1948 : vector<16xf32>
      %add3A_1950 = arith.addf %add3A_1922, %mul3A_1949 : vector<16xf32>
      %gather3A_1951 = tpu.vector_load_idx %arg7[%broadcast_in_dim3A_1947, %add3A_63] : memref<512x48xf32, #tpu.memory_space<vmem>>[vector<16xi32>, vector<16xi32>], vector<16xf32>,
      %mul3A_1952 = arith.mulf %get3A_1944, %gather3A_1951 : vector<16xf32>
      %add3A_1953 = arith.addf %add3A_1925, %mul3A_1952 : vector<16xf32>
      %gather3A_1954 = tpu.vector_load_idx %arg7[%broadcast_in_dim3A_1947, %add3A_66] : memref<512x48xf32, #tpu.memory_space<vmem>>[vector<16xi32>, vector<16xi32>], vector<16xf32>,
      %mul3A_1955 = arith.mulf %get3A_1944, %gather3A_1954 : vector<16xf32>
      %add3A_1956 = arith.addf %add3A_1928, %mul3A_1955 : vector<16xf32>
      %slice3A_1957 = vector.extract_strided_slice %get3A_1524 {offsets = [15], sizes = [1], strides = [1]} : vector<16xi32> to vector<1xi32>
      %squeeze3A_1958 = vector.extract %slice3A_1957[0] : i32 from vector<1xi32>
      %broadcast_in_dim3A_1959 = vector.broadcast %squeeze3A_1958 : i32 to vector<16xi32>
      %gather3A_1960 = tpu.vector_load_idx %arg7[%broadcast_in_dim3A_1959, %iota3A] : memref<512x48xf32, #tpu.memory_space<vmem>>[vector<16xi32>, vector<16xi32>], vector<16xf32>,
      %mul3A_1961 = arith.mulf %get3A_1944, %gather3A_1960 : vector<16xf32>
      %add3A_1962 = arith.addf %add3A_1934, %mul3A_1961 : vector<16xf32>
      %gather3A_1963 = tpu.vector_load_idx %arg7[%broadcast_in_dim3A_1959, %add3A_63] : memref<512x48xf32, #tpu.memory_space<vmem>>[vector<16xi32>, vector<16xi32>], vector<16xf32>,
      %mul3A_1964 = arith.mulf %get3A_1944, %gather3A_1963 : vector<16xf32>
      %add3A_1965 = arith.addf %add3A_1937, %mul3A_1964 : vector<16xf32>
      %gather3A_1966 = tpu.vector_load_idx %arg7[%broadcast_in_dim3A_1959, %add3A_66] : memref<512x48xf32, #tpu.memory_space<vmem>>[vector<16xi32>, vector<16xi32>], vector<16xf32>,
      %mul3A_1967 = arith.mulf %get3A_1944, %gather3A_1966 : vector<16xf32>
      %add3A_1968 = arith.addf %add3A_1940, %mul3A_1967 : vector<16xf32>
      %slice3A_1969 = vector.extract_strided_slice %add3A_1950 {offsets = [0], sizes = [1], strides = [1]} : vector<16xf32> to vector<1xf32>
      %squeeze3A_1970 = vector.extract %slice3A_1969[0] : f32 from vector<1xf32>
      %broadcast_in_dim3A_1971 = vector.broadcast %squeeze3A_1970 : f32 to vector<16xf32>
      %mul3A_1972 = arith.mulf %broadcast_in_dim3A_1971, %get3A_69 : vector<16xf32>
      %slice3A_1973 = vector.extract_strided_slice %add3A_1950 {offsets = [1], sizes = [1], strides = [1]} : vector<16xf32> to vector<1xf32>
      %squeeze3A_1974 = vector.extract %slice3A_1973[0] : f32 from vector<1xf32>
      %broadcast_in_dim3A_1975 = vector.broadcast %squeeze3A_1974 : f32 to vector<16xf32>
      %mul3A_1976 = arith.mulf %broadcast_in_dim3A_1975, %get3A_73 : vector<16xf32>
      %add3A_1977 = arith.addf %mul3A_1972, %mul3A_1976 : vector<16xf32>
      %slice3A_1978 = vector.extract_strided_slice %add3A_1950 {offsets = [2], sizes = [1], strides = [1]} : vector<16xf32> to vector<1xf32>
      %squeeze3A_1979 = vector.extract %slice3A_1978[0] : f32 from vector<1xf32>
      %broadcast_in_dim3A_1980 = vector.broadcast %squeeze3A_1979 : f32 to vector<16xf32>
      %mul3A_1981 = arith.mulf %broadcast_in_dim3A_1980, %get3A_77 : vector<16xf32>
      %add3A_1982 = arith.addf %add3A_1977, %mul3A_1981 : vector<16xf32>
      %slice3A_1983 = vector.extract_strided_slice %add3A_1950 {offsets = [3], sizes = [1], strides = [1]} : vector<16xf32> to vector<1xf32>
      %squeeze3A_1984 = vector.extract %slice3A_1983[0] : f32 from vector<1xf32>
      %broadcast_in_dim3A_1985 = vector.broadcast %squeeze3A_1984 : f32 to vector<16xf32>
      %mul3A_1986 = arith.mulf %broadcast_in_dim3A_1985, %get3A_81 : vector<16xf32>
      %add3A_1987 = arith.addf %add3A_1982, %mul3A_1986 : vector<16xf32>
      %slice3A_1988 = vector.extract_strided_slice %add3A_1950 {offsets = [4], sizes = [1], strides = [1]} : vector<16xf32> to vector<1xf32>
      %squeeze3A_1989 = vector.extract %slice3A_1988[0] : f32 from vector<1xf32>
      %broadcast_in_dim3A_1990 = vector.broadcast %squeeze3A_1989 : f32 to vector<16xf32>
      %mul3A_1991 = arith.mulf %broadcast_in_dim3A_1990, %get3A_85 : vector<16xf32>
      %add3A_1992 = arith.addf %add3A_1987, %mul3A_1991 : vector<16xf32>
      %slice3A_1993 = vector.extract_strided_slice %add3A_1950 {offsets = [5], sizes = [1], strides = [1]} : vector<16xf32> to vector<1xf32>
      %squeeze3A_1994 = vector.extract %slice3A_1993[0] : f32 from vector<1xf32>
      %broadcast_in_dim3A_1995 = vector.broadcast %squeeze3A_1994 : f32 to vector<16xf32>
      %mul3A_1996 = arith.mulf %broadcast_in_dim3A_1995, %get3A_89 : vector<16xf32>
      %add3A_1997 = arith.addf %add3A_1992, %mul3A_1996 : vector<16xf32>
      %slice3A_1998 = vector.extract_strided_slice %add3A_1950 {offsets = [6], sizes = [1], strides = [1]} : vector<16xf32> to vector<1xf32>
      %squeeze3A_1999 = vector.extract %slice3A_1998[0] : f32 from vector<1xf32>
      %broadcast_in_dim3A_2000 = vector.broadcast %squeeze3A_1999 : f32 to vector<16xf32>
      %mul3A_2001 = arith.mulf %broadcast_in_dim3A_2000, %get3A_93 : vector<16xf32>
      %add3A_2002 = arith.addf %add3A_1997, %mul3A_2001 : vector<16xf32>
      %slice3A_2003 = vector.extract_strided_slice %add3A_1950 {offsets = [7], sizes = [1], strides = [1]} : vector<16xf32> to vector<1xf32>
      %squeeze3A_2004 = vector.extract %slice3A_2003[0] : f32 from vector<1xf32>
      %broadcast_in_dim3A_2005 = vector.broadcast %squeeze3A_2004 : f32 to vector<16xf32>
      %mul3A_2006 = arith.mulf %broadcast_in_dim3A_2005, %get3A_97 : vector<16xf32>
      %add3A_2007 = arith.addf %add3A_2002, %mul3A_2006 : vector<16xf32>
      %slice3A_2008 = vector.extract_strided_slice %add3A_1950 {offsets = [8], sizes = [1], strides = [1]} : vector<16xf32> to vector<1xf32>
      %squeeze3A_2009 = vector.extract %slice3A_2008[0] : f32 from vector<1xf32>
      %broadcast_in_dim3A_2010 = vector.broadcast %squeeze3A_2009 : f32 to vector<16xf32>
      %mul3A_2011 = arith.mulf %broadcast_in_dim3A_2010, %get3A_101 : vector<16xf32>
      %add3A_2012 = arith.addf %add3A_2007, %mul3A_2011 : vector<16xf32>
      %slice3A_2013 = vector.extract_strided_slice %add3A_1950 {offsets = [9], sizes = [1], strides = [1]} : vector<16xf32> to vector<1xf32>
      %squeeze3A_2014 = vector.extract %slice3A_2013[0] : f32 from vector<1xf32>
      %broadcast_in_dim3A_2015 = vector.broadcast %squeeze3A_2014 : f32 to vector<16xf32>
      %mul3A_2016 = arith.mulf %broadcast_in_dim3A_2015, %get3A_105 : vector<16xf32>
      %add3A_2017 = arith.addf %add3A_2012, %mul3A_2016 : vector<16xf32>
      %slice3A_2018 = vector.extract_strided_slice %add3A_1950 {offsets = [10], sizes = [1], strides = [1]} : vector<16xf32> to vector<1xf32>
      %squeeze3A_2019 = vector.extract %slice3A_2018[0] : f32 from vector<1xf32>
      %broadcast_in_dim3A_2020 = vector.broadcast %squeeze3A_2019 : f32 to vector<16xf32>
      %mul3A_2021 = arith.mulf %broadcast_in_dim3A_2020, %get3A_109 : vector<16xf32>
      %add3A_2022 = arith.addf %add3A_2017, %mul3A_2021 : vector<16xf32>
      %slice3A_2023 = vector.extract_strided_slice %add3A_1950 {offsets = [11], sizes = [1], strides = [1]} : vector<16xf32> to vector<1xf32>
      %squeeze3A_2024 = vector.extract %slice3A_2023[0] : f32 from vector<1xf32>
      %broadcast_in_dim3A_2025 = vector.broadcast %squeeze3A_2024 : f32 to vector<16xf32>
      %mul3A_2026 = arith.mulf %broadcast_in_dim3A_2025, %get3A_113 : vector<16xf32>
      %add3A_2027 = arith.addf %add3A_2022, %mul3A_2026 : vector<16xf32>
      %slice3A_2028 = vector.extract_strided_slice %add3A_1950 {offsets = [12], sizes = [1], strides = [1]} : vector<16xf32> to vector<1xf32>
      %squeeze3A_2029 = vector.extract %slice3A_2028[0] : f32 from vector<1xf32>
      %broadcast_in_dim3A_2030 = vector.broadcast %squeeze3A_2029 : f32 to vector<16xf32>
      %mul3A_2031 = arith.mulf %broadcast_in_dim3A_2030, %get3A_117 : vector<16xf32>
      %add3A_2032 = arith.addf %add3A_2027, %mul3A_2031 : vector<16xf32>
      %slice3A_2033 = vector.extract_strided_slice %add3A_1950 {offsets = [13], sizes = [1], strides = [1]} : vector<16xf32> to vector<1xf32>
      %squeeze3A_2034 = vector.extract %slice3A_2033[0] : f32 from vector<1xf32>
      %broadcast_in_dim3A_2035 = vector.broadcast %squeeze3A_2034 : f32 to vector<16xf32>
      %mul3A_2036 = arith.mulf %broadcast_in_dim3A_2035, %get3A_121 : vector<16xf32>
      %add3A_2037 = arith.addf %add3A_2032, %mul3A_2036 : vector<16xf32>
      %slice3A_2038 = vector.extract_strided_slice %add3A_1950 {offsets = [14], sizes = [1], strides = [1]} : vector<16xf32> to vector<1xf32>
      %squeeze3A_2039 = vector.extract %slice3A_2038[0] : f32 from vector<1xf32>
      %broadcast_in_dim3A_2040 = vector.broadcast %squeeze3A_2039 : f32 to vector<16xf32>
      %mul3A_2041 = arith.mulf %broadcast_in_dim3A_2040, %get3A_125 : vector<16xf32>
      %add3A_2042 = arith.addf %add3A_2037, %mul3A_2041 : vector<16xf32>
      %slice3A_2043 = vector.extract_strided_slice %add3A_1950 {offsets = [15], sizes = [1], strides = [1]} : vector<16xf32> to vector<1xf32>
      %squeeze3A_2044 = vector.extract %slice3A_2043[0] : f32 from vector<1xf32>
      %broadcast_in_dim3A_2045 = vector.broadcast %squeeze3A_2044 : f32 to vector<16xf32>
      %mul3A_2046 = arith.mulf %broadcast_in_dim3A_2045, %get3A_129 : vector<16xf32>
      %add3A_2047 = arith.addf %add3A_2042, %mul3A_2046 : vector<16xf32>
      %add3A_2048 = arith.constant 0 : i32
      %add3A_2049 = arith.addi %add3A_138, %add3A_2048 : i32
      %swap3A = arith.index_cast %add3A_2049 : i32 to index
      %swap3A_2050 = arith.constant 0 : index
      %swap3A_2051 = tpu.vector_load %arg11[%swap3A, %swap3A_2050] {strides = array<i32>} : memref<256x48xf32, #tpu.memory_space<vmem>>, vector<16xf32>,
      tpu.vector_store %arg11[%swap3A, %swap3A_2050], %add3A_2047 {strides = array<i32>} : memref<256x48xf32, #tpu.memory_space<vmem>>, vector<16xf32>,
      %slice3A_2052 = vector.extract_strided_slice %add3A_1953 {offsets = [0], sizes = [1], strides = [1]} : vector<16xf32> to vector<1xf32>
      %squeeze3A_2053 = vector.extract %slice3A_2052[0] : f32 from vector<1xf32>
      %broadcast_in_dim3A_2054 = vector.broadcast %squeeze3A_2053 : f32 to vector<16xf32>
      %mul3A_2055 = arith.mulf %broadcast_in_dim3A_2054, %get3A_69 : vector<16xf32>
      %slice3A_2056 = vector.extract_strided_slice %add3A_1953 {offsets = [1], sizes = [1], strides = [1]} : vector<16xf32> to vector<1xf32>
      %squeeze3A_2057 = vector.extract %slice3A_2056[0] : f32 from vector<1xf32>
      %broadcast_in_dim3A_2058 = vector.broadcast %squeeze3A_2057 : f32 to vector<16xf32>
      %mul3A_2059 = arith.mulf %broadcast_in_dim3A_2058, %get3A_73 : vector<16xf32>
      %add3A_2060 = arith.addf %mul3A_2055, %mul3A_2059 : vector<16xf32>
      %slice3A_2061 = vector.extract_strided_slice %add3A_1953 {offsets = [2], sizes = [1], strides = [1]} : vector<16xf32> to vector<1xf32>
      %squeeze3A_2062 = vector.extract %slice3A_2061[0] : f32 from vector<1xf32>
      %broadcast_in_dim3A_2063 = vector.broadcast %squeeze3A_2062 : f32 to vector<16xf32>
      %mul3A_2064 = arith.mulf %broadcast_in_dim3A_2063, %get3A_77 : vector<16xf32>
      %add3A_2065 = arith.addf %add3A_2060, %mul3A_2064 : vector<16xf32>
      %slice3A_2066 = vector.extract_strided_slice %add3A_1953 {offsets = [3], sizes = [1], strides = [1]} : vector<16xf32> to vector<1xf32>
      %squeeze3A_2067 = vector.extract %slice3A_2066[0] : f32 from vector<1xf32>
      %broadcast_in_dim3A_2068 = vector.broadcast %squeeze3A_2067 : f32 to vector<16xf32>
      %mul3A_2069 = arith.mulf %broadcast_in_dim3A_2068, %get3A_81 : vector<16xf32>
      %add3A_2070 = arith.addf %add3A_2065, %mul3A_2069 : vector<16xf32>
      %slice3A_2071 = vector.extract_strided_slice %add3A_1953 {offsets = [4], sizes = [1], strides = [1]} : vector<16xf32> to vector<1xf32>
      %squeeze3A_2072 = vector.extract %slice3A_2071[0] : f32 from vector<1xf32>
      %broadcast_in_dim3A_2073 = vector.broadcast %squeeze3A_2072 : f32 to vector<16xf32>
      %mul3A_2074 = arith.mulf %broadcast_in_dim3A_2073, %get3A_85 : vector<16xf32>
      %add3A_2075 = arith.addf %add3A_2070, %mul3A_2074 : vector<16xf32>
      %slice3A_2076 = vector.extract_strided_slice %add3A_1953 {offsets = [5], sizes = [1], strides = [1]} : vector<16xf32> to vector<1xf32>
      %squeeze3A_2077 = vector.extract %slice3A_2076[0] : f32 from vector<1xf32>
      %broadcast_in_dim3A_2078 = vector.broadcast %squeeze3A_2077 : f32 to vector<16xf32>
      %mul3A_2079 = arith.mulf %broadcast_in_dim3A_2078, %get3A_89 : vector<16xf32>
      %add3A_2080 = arith.addf %add3A_2075, %mul3A_2079 : vector<16xf32>
      %slice3A_2081 = vector.extract_strided_slice %add3A_1953 {offsets = [6], sizes = [1], strides = [1]} : vector<16xf32> to vector<1xf32>
      %squeeze3A_2082 = vector.extract %slice3A_2081[0] : f32 from vector<1xf32>
      %broadcast_in_dim3A_2083 = vector.broadcast %squeeze3A_2082 : f32 to vector<16xf32>
      %mul3A_2084 = arith.mulf %broadcast_in_dim3A_2083, %get3A_93 : vector<16xf32>
      %add3A_2085 = arith.addf %add3A_2080, %mul3A_2084 : vector<16xf32>
      %slice3A_2086 = vector.extract_strided_slice %add3A_1953 {offsets = [7], sizes = [1], strides = [1]} : vector<16xf32> to vector<1xf32>
      %squeeze3A_2087 = vector.extract %slice3A_2086[0] : f32 from vector<1xf32>
      %broadcast_in_dim3A_2088 = vector.broadcast %squeeze3A_2087 : f32 to vector<16xf32>
      %mul3A_2089 = arith.mulf %broadcast_in_dim3A_2088, %get3A_97 : vector<16xf32>
      %add3A_2090 = arith.addf %add3A_2085, %mul3A_2089 : vector<16xf32>
      %slice3A_2091 = vector.extract_strided_slice %add3A_1953 {offsets = [8], sizes = [1], strides = [1]} : vector<16xf32> to vector<1xf32>
      %squeeze3A_2092 = vector.extract %slice3A_2091[0] : f32 from vector<1xf32>
      %broadcast_in_dim3A_2093 = vector.broadcast %squeeze3A_2092 : f32 to vector<16xf32>
      %mul3A_2094 = arith.mulf %broadcast_in_dim3A_2093, %get3A_101 : vector<16xf32>
      %add3A_2095 = arith.addf %add3A_2090, %mul3A_2094 : vector<16xf32>
      %slice3A_2096 = vector.extract_strided_slice %add3A_1953 {offsets = [9], sizes = [1], strides = [1]} : vector<16xf32> to vector<1xf32>
      %squeeze3A_2097 = vector.extract %slice3A_2096[0] : f32 from vector<1xf32>
      %broadcast_in_dim3A_2098 = vector.broadcast %squeeze3A_2097 : f32 to vector<16xf32>
      %mul3A_2099 = arith.mulf %broadcast_in_dim3A_2098, %get3A_105 : vector<16xf32>
      %add3A_2100 = arith.addf %add3A_2095, %mul3A_2099 : vector<16xf32>
      %slice3A_2101 = vector.extract_strided_slice %add3A_1953 {offsets = [10], sizes = [1], strides = [1]} : vector<16xf32> to vector<1xf32>
      %squeeze3A_2102 = vector.extract %slice3A_2101[0] : f32 from vector<1xf32>
      %broadcast_in_dim3A_2103 = vector.broadcast %squeeze3A_2102 : f32 to vector<16xf32>
      %mul3A_2104 = arith.mulf %broadcast_in_dim3A_2103, %get3A_109 : vector<16xf32>
      %add3A_2105 = arith.addf %add3A_2100, %mul3A_2104 : vector<16xf32>
      %slice3A_2106 = vector.extract_strided_slice %add3A_1953 {offsets = [11], sizes = [1], strides = [1]} : vector<16xf32> to vector<1xf32>
      %squeeze3A_2107 = vector.extract %slice3A_2106[0] : f32 from vector<1xf32>
      %broadcast_in_dim3A_2108 = vector.broadcast %squeeze3A_2107 : f32 to vector<16xf32>
      %mul3A_2109 = arith.mulf %broadcast_in_dim3A_2108, %get3A_113 : vector<16xf32>
      %add3A_2110 = arith.addf %add3A_2105, %mul3A_2109 : vector<16xf32>
      %slice3A_2111 = vector.extract_strided_slice %add3A_1953 {offsets = [12], sizes = [1], strides = [1]} : vector<16xf32> to vector<1xf32>
      %squeeze3A_2112 = vector.extract %slice3A_2111[0] : f32 from vector<1xf32>
      %broadcast_in_dim3A_2113 = vector.broadcast %squeeze3A_2112 : f32 to vector<16xf32>
      %mul3A_2114 = arith.mulf %broadcast_in_dim3A_2113, %get3A_117 : vector<16xf32>
      %add3A_2115 = arith.addf %add3A_2110, %mul3A_2114 : vector<16xf32>
      %slice3A_2116 = vector.extract_strided_slice %add3A_1953 {offsets = [13], sizes = [1], strides = [1]} : vector<16xf32> to vector<1xf32>
      %squeeze3A_2117 = vector.extract %slice3A_2116[0] : f32 from vector<1xf32>
      %broadcast_in_dim3A_2118 = vector.broadcast %squeeze3A_2117 : f32 to vector<16xf32>
      %mul3A_2119 = arith.mulf %broadcast_in_dim3A_2118, %get3A_121 : vector<16xf32>
      %add3A_2120 = arith.addf %add3A_2115, %mul3A_2119 : vector<16xf32>
      %slice3A_2121 = vector.extract_strided_slice %add3A_1953 {offsets = [14], sizes = [1], strides = [1]} : vector<16xf32> to vector<1xf32>
      %squeeze3A_2122 = vector.extract %slice3A_2121[0] : f32 from vector<1xf32>
      %broadcast_in_dim3A_2123 = vector.broadcast %squeeze3A_2122 : f32 to vector<16xf32>
      %mul3A_2124 = arith.mulf %broadcast_in_dim3A_2123, %get3A_125 : vector<16xf32>
      %add3A_2125 = arith.addf %add3A_2120, %mul3A_2124 : vector<16xf32>
      %slice3A_2126 = vector.extract_strided_slice %add3A_1953 {offsets = [15], sizes = [1], strides = [1]} : vector<16xf32> to vector<1xf32>
      %squeeze3A_2127 = vector.extract %slice3A_2126[0] : f32 from vector<1xf32>
      %broadcast_in_dim3A_2128 = vector.broadcast %squeeze3A_2127 : f32 to vector<16xf32>
      %mul3A_2129 = arith.mulf %broadcast_in_dim3A_2128, %get3A_129 : vector<16xf32>
      %add3A_2130 = arith.addf %add3A_2125, %mul3A_2129 : vector<16xf32>
      %add3A_2131 = arith.constant 0 : i32
      %add3A_2132 = arith.addi %add3A_138, %add3A_2131 : i32
      %swap3A_2133 = arith.index_cast %add3A_2132 : i32 to index
      %swap3A_2134 = arith.constant 16 : index
      %swap3A_2135 = tpu.vector_load %arg11[%swap3A_2133, %swap3A_2134] {strides = array<i32>} : memref<256x48xf32, #tpu.memory_space<vmem>>, vector<16xf32>,
      tpu.vector_store %arg11[%swap3A_2133, %swap3A_2134], %add3A_2130 {strides = array<i32>} : memref<256x48xf32, #tpu.memory_space<vmem>>, vector<16xf32>,
      %slice3A_2136 = vector.extract_strided_slice %add3A_1956 {offsets = [0], sizes = [1], strides = [1]} : vector<16xf32> to vector<1xf32>
      %squeeze3A_2137 = vector.extract %slice3A_2136[0] : f32 from vector<1xf32>
      %broadcast_in_dim3A_2138 = vector.broadcast %squeeze3A_2137 : f32 to vector<16xf32>
      %mul3A_2139 = arith.mulf %broadcast_in_dim3A_2138, %get3A_69 : vector<16xf32>
      %slice3A_2140 = vector.extract_strided_slice %add3A_1956 {offsets = [1], sizes = [1], strides = [1]} : vector<16xf32> to vector<1xf32>
      %squeeze3A_2141 = vector.extract %slice3A_2140[0] : f32 from vector<1xf32>
      %broadcast_in_dim3A_2142 = vector.broadcast %squeeze3A_2141 : f32 to vector<16xf32>
      %mul3A_2143 = arith.mulf %broadcast_in_dim3A_2142, %get3A_73 : vector<16xf32>
      %add3A_2144 = arith.addf %mul3A_2139, %mul3A_2143 : vector<16xf32>
      %slice3A_2145 = vector.extract_strided_slice %add3A_1956 {offsets = [2], sizes = [1], strides = [1]} : vector<16xf32> to vector<1xf32>
      %squeeze3A_2146 = vector.extract %slice3A_2145[0] : f32 from vector<1xf32>
      %broadcast_in_dim3A_2147 = vector.broadcast %squeeze3A_2146 : f32 to vector<16xf32>
      %mul3A_2148 = arith.mulf %broadcast_in_dim3A_2147, %get3A_77 : vector<16xf32>
      %add3A_2149 = arith.addf %add3A_2144, %mul3A_2148 : vector<16xf32>
      %slice3A_2150 = vector.extract_strided_slice %add3A_1956 {offsets = [3], sizes = [1], strides = [1]} : vector<16xf32> to vector<1xf32>
      %squeeze3A_2151 = vector.extract %slice3A_2150[0] : f32 from vector<1xf32>
      %broadcast_in_dim3A_2152 = vector.broadcast %squeeze3A_2151 : f32 to vector<16xf32>
      %mul3A_2153 = arith.mulf %broadcast_in_dim3A_2152, %get3A_81 : vector<16xf32>
      %add3A_2154 = arith.addf %add3A_2149, %mul3A_2153 : vector<16xf32>
      %slice3A_2155 = vector.extract_strided_slice %add3A_1956 {offsets = [4], sizes = [1], strides = [1]} : vector<16xf32> to vector<1xf32>
      %squeeze3A_2156 = vector.extract %slice3A_2155[0] : f32 from vector<1xf32>
      %broadcast_in_dim3A_2157 = vector.broadcast %squeeze3A_2156 : f32 to vector<16xf32>
      %mul3A_2158 = arith.mulf %broadcast_in_dim3A_2157, %get3A_85 : vector<16xf32>
      %add3A_2159 = arith.addf %add3A_2154, %mul3A_2158 : vector<16xf32>
      %slice3A_2160 = vector.extract_strided_slice %add3A_1956 {offsets = [5], sizes = [1], strides = [1]} : vector<16xf32> to vector<1xf32>
      %squeeze3A_2161 = vector.extract %slice3A_2160[0] : f32 from vector<1xf32>
      %broadcast_in_dim3A_2162 = vector.broadcast %squeeze3A_2161 : f32 to vector<16xf32>
      %mul3A_2163 = arith.mulf %broadcast_in_dim3A_2162, %get3A_89 : vector<16xf32>
      %add3A_2164 = arith.addf %add3A_2159, %mul3A_2163 : vector<16xf32>
      %slice3A_2165 = vector.extract_strided_slice %add3A_1956 {offsets = [6], sizes = [1], strides = [1]} : vector<16xf32> to vector<1xf32>
      %squeeze3A_2166 = vector.extract %slice3A_2165[0] : f32 from vector<1xf32>
      %broadcast_in_dim3A_2167 = vector.broadcast %squeeze3A_2166 : f32 to vector<16xf32>
      %mul3A_2168 = arith.mulf %broadcast_in_dim3A_2167, %get3A_93 : vector<16xf32>
      %add3A_2169 = arith.addf %add3A_2164, %mul3A_2168 : vector<16xf32>
      %slice3A_2170 = vector.extract_strided_slice %add3A_1956 {offsets = [7], sizes = [1], strides = [1]} : vector<16xf32> to vector<1xf32>
      %squeeze3A_2171 = vector.extract %slice3A_2170[0] : f32 from vector<1xf32>
      %broadcast_in_dim3A_2172 = vector.broadcast %squeeze3A_2171 : f32 to vector<16xf32>
      %mul3A_2173 = arith.mulf %broadcast_in_dim3A_2172, %get3A_97 : vector<16xf32>
      %add3A_2174 = arith.addf %add3A_2169, %mul3A_2173 : vector<16xf32>
      %slice3A_2175 = vector.extract_strided_slice %add3A_1956 {offsets = [8], sizes = [1], strides = [1]} : vector<16xf32> to vector<1xf32>
      %squeeze3A_2176 = vector.extract %slice3A_2175[0] : f32 from vector<1xf32>
      %broadcast_in_dim3A_2177 = vector.broadcast %squeeze3A_2176 : f32 to vector<16xf32>
      %mul3A_2178 = arith.mulf %broadcast_in_dim3A_2177, %get3A_101 : vector<16xf32>
      %add3A_2179 = arith.addf %add3A_2174, %mul3A_2178 : vector<16xf32>
      %slice3A_2180 = vector.extract_strided_slice %add3A_1956 {offsets = [9], sizes = [1], strides = [1]} : vector<16xf32> to vector<1xf32>
      %squeeze3A_2181 = vector.extract %slice3A_2180[0] : f32 from vector<1xf32>
      %broadcast_in_dim3A_2182 = vector.broadcast %squeeze3A_2181 : f32 to vector<16xf32>
      %mul3A_2183 = arith.mulf %broadcast_in_dim3A_2182, %get3A_105 : vector<16xf32>
      %add3A_2184 = arith.addf %add3A_2179, %mul3A_2183 : vector<16xf32>
      %slice3A_2185 = vector.extract_strided_slice %add3A_1956 {offsets = [10], sizes = [1], strides = [1]} : vector<16xf32> to vector<1xf32>
      %squeeze3A_2186 = vector.extract %slice3A_2185[0] : f32 from vector<1xf32>
      %broadcast_in_dim3A_2187 = vector.broadcast %squeeze3A_2186 : f32 to vector<16xf32>
      %mul3A_2188 = arith.mulf %broadcast_in_dim3A_2187, %get3A_109 : vector<16xf32>
      %add3A_2189 = arith.addf %add3A_2184, %mul3A_2188 : vector<16xf32>
      %slice3A_2190 = vector.extract_strided_slice %add3A_1956 {offsets = [11], sizes = [1], strides = [1]} : vector<16xf32> to vector<1xf32>
      %squeeze3A_2191 = vector.extract %slice3A_2190[0] : f32 from vector<1xf32>
      %broadcast_in_dim3A_2192 = vector.broadcast %squeeze3A_2191 : f32 to vector<16xf32>
      %mul3A_2193 = arith.mulf %broadcast_in_dim3A_2192, %get3A_113 : vector<16xf32>
      %add3A_2194 = arith.addf %add3A_2189, %mul3A_2193 : vector<16xf32>
      %slice3A_2195 = vector.extract_strided_slice %add3A_1956 {offsets = [12], sizes = [1], strides = [1]} : vector<16xf32> to vector<1xf32>
      %squeeze3A_2196 = vector.extract %slice3A_2195[0] : f32 from vector<1xf32>
      %broadcast_in_dim3A_2197 = vector.broadcast %squeeze3A_2196 : f32 to vector<16xf32>
      %mul3A_2198 = arith.mulf %broadcast_in_dim3A_2197, %get3A_117 : vector<16xf32>
      %add3A_2199 = arith.addf %add3A_2194, %mul3A_2198 : vector<16xf32>
      %slice3A_2200 = vector.extract_strided_slice %add3A_1956 {offsets = [13], sizes = [1], strides = [1]} : vector<16xf32> to vector<1xf32>
      %squeeze3A_2201 = vector.extract %slice3A_2200[0] : f32 from vector<1xf32>
      %broadcast_in_dim3A_2202 = vector.broadcast %squeeze3A_2201 : f32 to vector<16xf32>
      %mul3A_2203 = arith.mulf %broadcast_in_dim3A_2202, %get3A_121 : vector<16xf32>
      %add3A_2204 = arith.addf %add3A_2199, %mul3A_2203 : vector<16xf32>
      %slice3A_2205 = vector.extract_strided_slice %add3A_1956 {offsets = [14], sizes = [1], strides = [1]} : vector<16xf32> to vector<1xf32>
      %squeeze3A_2206 = vector.extract %slice3A_2205[0] : f32 from vector<1xf32>
      %broadcast_in_dim3A_2207 = vector.broadcast %squeeze3A_2206 : f32 to vector<16xf32>
      %mul3A_2208 = arith.mulf %broadcast_in_dim3A_2207, %get3A_125 : vector<16xf32>
      %add3A_2209 = arith.addf %add3A_2204, %mul3A_2208 : vector<16xf32>
      %slice3A_2210 = vector.extract_strided_slice %add3A_1956 {offsets = [15], sizes = [1], strides = [1]} : vector<16xf32> to vector<1xf32>
      %squeeze3A_2211 = vector.extract %slice3A_2210[0] : f32 from vector<1xf32>
      %broadcast_in_dim3A_2212 = vector.broadcast %squeeze3A_2211 : f32 to vector<16xf32>
      %mul3A_2213 = arith.mulf %broadcast_in_dim3A_2212, %get3A_129 : vector<16xf32>
      %add3A_2214 = arith.addf %add3A_2209, %mul3A_2213 : vector<16xf32>
      %add3A_2215 = arith.constant 0 : i32
      %add3A_2216 = arith.addi %add3A_138, %add3A_2215 : i32
      %swap3A_2217 = arith.index_cast %add3A_2216 : i32 to index
      %swap3A_2218 = arith.constant 32 : index
      %swap3A_2219 = tpu.vector_load %arg11[%swap3A_2217, %swap3A_2218] {strides = array<i32>} : memref<256x48xf32, #tpu.memory_space<vmem>>, vector<16xf32>,
      tpu.vector_store %arg11[%swap3A_2217, %swap3A_2218], %add3A_2214 {strides = array<i32>} : memref<256x48xf32, #tpu.memory_space<vmem>>, vector<16xf32>,
      %slice3A_2220 = vector.extract_strided_slice %add3A_1962 {offsets = [0], sizes = [1], strides = [1]} : vector<16xf32> to vector<1xf32>
      %squeeze3A_2221 = vector.extract %slice3A_2220[0] : f32 from vector<1xf32>
      %broadcast_in_dim3A_2222 = vector.broadcast %squeeze3A_2221 : f32 to vector<16xf32>
      %mul3A_2223 = arith.mulf %broadcast_in_dim3A_2222, %get3A_69 : vector<16xf32>
      %slice3A_2224 = vector.extract_strided_slice %add3A_1962 {offsets = [1], sizes = [1], strides = [1]} : vector<16xf32> to vector<1xf32>
      %squeeze3A_2225 = vector.extract %slice3A_2224[0] : f32 from vector<1xf32>
      %broadcast_in_dim3A_2226 = vector.broadcast %squeeze3A_2225 : f32 to vector<16xf32>
      %mul3A_2227 = arith.mulf %broadcast_in_dim3A_2226, %get3A_73 : vector<16xf32>
      %add3A_2228 = arith.addf %mul3A_2223, %mul3A_2227 : vector<16xf32>
      %slice3A_2229 = vector.extract_strided_slice %add3A_1962 {offsets = [2], sizes = [1], strides = [1]} : vector<16xf32> to vector<1xf32>
      %squeeze3A_2230 = vector.extract %slice3A_2229[0] : f32 from vector<1xf32>
      %broadcast_in_dim3A_2231 = vector.broadcast %squeeze3A_2230 : f32 to vector<16xf32>
      %mul3A_2232 = arith.mulf %broadcast_in_dim3A_2231, %get3A_77 : vector<16xf32>
      %add3A_2233 = arith.addf %add3A_2228, %mul3A_2232 : vector<16xf32>
      %slice3A_2234 = vector.extract_strided_slice %add3A_1962 {offsets = [3], sizes = [1], strides = [1]} : vector<16xf32> to vector<1xf32>
      %squeeze3A_2235 = vector.extract %slice3A_2234[0] : f32 from vector<1xf32>
      %broadcast_in_dim3A_2236 = vector.broadcast %squeeze3A_2235 : f32 to vector<16xf32>
      %mul3A_2237 = arith.mulf %broadcast_in_dim3A_2236, %get3A_81 : vector<16xf32>
      %add3A_2238 = arith.addf %add3A_2233, %mul3A_2237 : vector<16xf32>
      %slice3A_2239 = vector.extract_strided_slice %add3A_1962 {offsets = [4], sizes = [1], strides = [1]} : vector<16xf32> to vector<1xf32>
      %squeeze3A_2240 = vector.extract %slice3A_2239[0] : f32 from vector<1xf32>
      %broadcast_in_dim3A_2241 = vector.broadcast %squeeze3A_2240 : f32 to vector<16xf32>
      %mul3A_2242 = arith.mulf %broadcast_in_dim3A_2241, %get3A_85 : vector<16xf32>
      %add3A_2243 = arith.addf %add3A_2238, %mul3A_2242 : vector<16xf32>
      %slice3A_2244 = vector.extract_strided_slice %add3A_1962 {offsets = [5], sizes = [1], strides = [1]} : vector<16xf32> to vector<1xf32>
      %squeeze3A_2245 = vector.extract %slice3A_2244[0] : f32 from vector<1xf32>
      %broadcast_in_dim3A_2246 = vector.broadcast %squeeze3A_2245 : f32 to vector<16xf32>
      %mul3A_2247 = arith.mulf %broadcast_in_dim3A_2246, %get3A_89 : vector<16xf32>
      %add3A_2248 = arith.addf %add3A_2243, %mul3A_2247 : vector<16xf32>
      %slice3A_2249 = vector.extract_strided_slice %add3A_1962 {offsets = [6], sizes = [1], strides = [1]} : vector<16xf32> to vector<1xf32>
      %squeeze3A_2250 = vector.extract %slice3A_2249[0] : f32 from vector<1xf32>
      %broadcast_in_dim3A_2251 = vector.broadcast %squeeze3A_2250 : f32 to vector<16xf32>
      %mul3A_2252 = arith.mulf %broadcast_in_dim3A_2251, %get3A_93 : vector<16xf32>
      %add3A_2253 = arith.addf %add3A_2248, %mul3A_2252 : vector<16xf32>
      %slice3A_2254 = vector.extract_strided_slice %add3A_1962 {offsets = [7], sizes = [1], strides = [1]} : vector<16xf32> to vector<1xf32>
      %squeeze3A_2255 = vector.extract %slice3A_2254[0] : f32 from vector<1xf32>
      %broadcast_in_dim3A_2256 = vector.broadcast %squeeze3A_2255 : f32 to vector<16xf32>
      %mul3A_2257 = arith.mulf %broadcast_in_dim3A_2256, %get3A_97 : vector<16xf32>
      %add3A_2258 = arith.addf %add3A_2253, %mul3A_2257 : vector<16xf32>
      %slice3A_2259 = vector.extract_strided_slice %add3A_1962 {offsets = [8], sizes = [1], strides = [1]} : vector<16xf32> to vector<1xf32>
      %squeeze3A_2260 = vector.extract %slice3A_2259[0] : f32 from vector<1xf32>
      %broadcast_in_dim3A_2261 = vector.broadcast %squeeze3A_2260 : f32 to vector<16xf32>
      %mul3A_2262 = arith.mulf %broadcast_in_dim3A_2261, %get3A_101 : vector<16xf32>
      %add3A_2263 = arith.addf %add3A_2258, %mul3A_2262 : vector<16xf32>
      %slice3A_2264 = vector.extract_strided_slice %add3A_1962 {offsets = [9], sizes = [1], strides = [1]} : vector<16xf32> to vector<1xf32>
      %squeeze3A_2265 = vector.extract %slice3A_2264[0] : f32 from vector<1xf32>
      %broadcast_in_dim3A_2266 = vector.broadcast %squeeze3A_2265 : f32 to vector<16xf32>
      %mul3A_2267 = arith.mulf %broadcast_in_dim3A_2266, %get3A_105 : vector<16xf32>
      %add3A_2268 = arith.addf %add3A_2263, %mul3A_2267 : vector<16xf32>
      %slice3A_2269 = vector.extract_strided_slice %add3A_1962 {offsets = [10], sizes = [1], strides = [1]} : vector<16xf32> to vector<1xf32>
      %squeeze3A_2270 = vector.extract %slice3A_2269[0] : f32 from vector<1xf32>
      %broadcast_in_dim3A_2271 = vector.broadcast %squeeze3A_2270 : f32 to vector<16xf32>
      %mul3A_2272 = arith.mulf %broadcast_in_dim3A_2271, %get3A_109 : vector<16xf32>
      %add3A_2273 = arith.addf %add3A_2268, %mul3A_2272 : vector<16xf32>
      %slice3A_2274 = vector.extract_strided_slice %add3A_1962 {offsets = [11], sizes = [1], strides = [1]} : vector<16xf32> to vector<1xf32>
      %squeeze3A_2275 = vector.extract %slice3A_2274[0] : f32 from vector<1xf32>
      %broadcast_in_dim3A_2276 = vector.broadcast %squeeze3A_2275 : f32 to vector<16xf32>
      %mul3A_2277 = arith.mulf %broadcast_in_dim3A_2276, %get3A_113 : vector<16xf32>
      %add3A_2278 = arith.addf %add3A_2273, %mul3A_2277 : vector<16xf32>
      %slice3A_2279 = vector.extract_strided_slice %add3A_1962 {offsets = [12], sizes = [1], strides = [1]} : vector<16xf32> to vector<1xf32>
      %squeeze3A_2280 = vector.extract %slice3A_2279[0] : f32 from vector<1xf32>
      %broadcast_in_dim3A_2281 = vector.broadcast %squeeze3A_2280 : f32 to vector<16xf32>
      %mul3A_2282 = arith.mulf %broadcast_in_dim3A_2281, %get3A_117 : vector<16xf32>
      %add3A_2283 = arith.addf %add3A_2278, %mul3A_2282 : vector<16xf32>
      %slice3A_2284 = vector.extract_strided_slice %add3A_1962 {offsets = [13], sizes = [1], strides = [1]} : vector<16xf32> to vector<1xf32>
      %squeeze3A_2285 = vector.extract %slice3A_2284[0] : f32 from vector<1xf32>
      %broadcast_in_dim3A_2286 = vector.broadcast %squeeze3A_2285 : f32 to vector<16xf32>
      %mul3A_2287 = arith.mulf %broadcast_in_dim3A_2286, %get3A_121 : vector<16xf32>
      %add3A_2288 = arith.addf %add3A_2283, %mul3A_2287 : vector<16xf32>
      %slice3A_2289 = vector.extract_strided_slice %add3A_1962 {offsets = [14], sizes = [1], strides = [1]} : vector<16xf32> to vector<1xf32>
      %squeeze3A_2290 = vector.extract %slice3A_2289[0] : f32 from vector<1xf32>
      %broadcast_in_dim3A_2291 = vector.broadcast %squeeze3A_2290 : f32 to vector<16xf32>
      %mul3A_2292 = arith.mulf %broadcast_in_dim3A_2291, %get3A_125 : vector<16xf32>
      %add3A_2293 = arith.addf %add3A_2288, %mul3A_2292 : vector<16xf32>
      %slice3A_2294 = vector.extract_strided_slice %add3A_1962 {offsets = [15], sizes = [1], strides = [1]} : vector<16xf32> to vector<1xf32>
      %squeeze3A_2295 = vector.extract %slice3A_2294[0] : f32 from vector<1xf32>
      %broadcast_in_dim3A_2296 = vector.broadcast %squeeze3A_2295 : f32 to vector<16xf32>
      %mul3A_2297 = arith.mulf %broadcast_in_dim3A_2296, %get3A_129 : vector<16xf32>
      %add3A_2298 = arith.addf %add3A_2293, %mul3A_2297 : vector<16xf32>
      %add3A_2299 = arith.constant 1 : i32
      %add3A_2300 = arith.addi %add3A_138, %add3A_2299 : i32
      %swap3A_2301 = arith.index_cast %add3A_2300 : i32 to index
      %swap3A_2302 = arith.constant 0 : index
      %swap3A_2303 = tpu.vector_load %arg11[%swap3A_2301, %swap3A_2302] {strides = array<i32>} : memref<256x48xf32, #tpu.memory_space<vmem>>, vector<16xf32>,
      tpu.vector_store %arg11[%swap3A_2301, %swap3A_2302], %add3A_2298 {strides = array<i32>} : memref<256x48xf32, #tpu.memory_space<vmem>>, vector<16xf32>,
      %slice3A_2304 = vector.extract_strided_slice %add3A_1965 {offsets = [0], sizes = [1], strides = [1]} : vector<16xf32> to vector<1xf32>
      %squeeze3A_2305 = vector.extract %slice3A_2304[0] : f32 from vector<1xf32>
      %broadcast_in_dim3A_2306 = vector.broadcast %squeeze3A_2305 : f32 to vector<16xf32>
      %mul3A_2307 = arith.mulf %broadcast_in_dim3A_2306, %get3A_69 : vector<16xf32>
      %slice3A_2308 = vector.extract_strided_slice %add3A_1965 {offsets = [1], sizes = [1], strides = [1]} : vector<16xf32> to vector<1xf32>
      %squeeze3A_2309 = vector.extract %slice3A_2308[0] : f32 from vector<1xf32>
      %broadcast_in_dim3A_2310 = vector.broadcast %squeeze3A_2309 : f32 to vector<16xf32>
      %mul3A_2311 = arith.mulf %broadcast_in_dim3A_2310, %get3A_73 : vector<16xf32>
      %add3A_2312 = arith.addf %mul3A_2307, %mul3A_2311 : vector<16xf32>
      %slice3A_2313 = vector.extract_strided_slice %add3A_1965 {offsets = [2], sizes = [1], strides = [1]} : vector<16xf32> to vector<1xf32>
      %squeeze3A_2314 = vector.extract %slice3A_2313[0] : f32 from vector<1xf32>
      %broadcast_in_dim3A_2315 = vector.broadcast %squeeze3A_2314 : f32 to vector<16xf32>
      %mul3A_2316 = arith.mulf %broadcast_in_dim3A_2315, %get3A_77 : vector<16xf32>
      %add3A_2317 = arith.addf %add3A_2312, %mul3A_2316 : vector<16xf32>
      %slice3A_2318 = vector.extract_strided_slice %add3A_1965 {offsets = [3], sizes = [1], strides = [1]} : vector<16xf32> to vector<1xf32>
      %squeeze3A_2319 = vector.extract %slice3A_2318[0] : f32 from vector<1xf32>
      %broadcast_in_dim3A_2320 = vector.broadcast %squeeze3A_2319 : f32 to vector<16xf32>
      %mul3A_2321 = arith.mulf %broadcast_in_dim3A_2320, %get3A_81 : vector<16xf32>
      %add3A_2322 = arith.addf %add3A_2317, %mul3A_2321 : vector<16xf32>
      %slice3A_2323 = vector.extract_strided_slice %add3A_1965 {offsets = [4], sizes = [1], strides = [1]} : vector<16xf32> to vector<1xf32>
      %squeeze3A_2324 = vector.extract %slice3A_2323[0] : f32 from vector<1xf32>
      %broadcast_in_dim3A_2325 = vector.broadcast %squeeze3A_2324 : f32 to vector<16xf32>
      %mul3A_2326 = arith.mulf %broadcast_in_dim3A_2325, %get3A_85 : vector<16xf32>
      %add3A_2327 = arith.addf %add3A_2322, %mul3A_2326 : vector<16xf32>
      %slice3A_2328 = vector.extract_strided_slice %add3A_1965 {offsets = [5], sizes = [1], strides = [1]} : vector<16xf32> to vector<1xf32>
      %squeeze3A_2329 = vector.extract %slice3A_2328[0] : f32 from vector<1xf32>
      %broadcast_in_dim3A_2330 = vector.broadcast %squeeze3A_2329 : f32 to vector<16xf32>
      %mul3A_2331 = arith.mulf %broadcast_in_dim3A_2330, %get3A_89 : vector<16xf32>
      %add3A_2332 = arith.addf %add3A_2327, %mul3A_2331 : vector<16xf32>
      %slice3A_2333 = vector.extract_strided_slice %add3A_1965 {offsets = [6], sizes = [1], strides = [1]} : vector<16xf32> to vector<1xf32>
      %squeeze3A_2334 = vector.extract %slice3A_2333[0] : f32 from vector<1xf32>
      %broadcast_in_dim3A_2335 = vector.broadcast %squeeze3A_2334 : f32 to vector<16xf32>
      %mul3A_2336 = arith.mulf %broadcast_in_dim3A_2335, %get3A_93 : vector<16xf32>
      %add3A_2337 = arith.addf %add3A_2332, %mul3A_2336 : vector<16xf32>
      %slice3A_2338 = vector.extract_strided_slice %add3A_1965 {offsets = [7], sizes = [1], strides = [1]} : vector<16xf32> to vector<1xf32>
      %squeeze3A_2339 = vector.extract %slice3A_2338[0] : f32 from vector<1xf32>
      %broadcast_in_dim3A_2340 = vector.broadcast %squeeze3A_2339 : f32 to vector<16xf32>
      %mul3A_2341 = arith.mulf %broadcast_in_dim3A_2340, %get3A_97 : vector<16xf32>
      %add3A_2342 = arith.addf %add3A_2337, %mul3A_2341 : vector<16xf32>
      %slice3A_2343 = vector.extract_strided_slice %add3A_1965 {offsets = [8], sizes = [1], strides = [1]} : vector<16xf32> to vector<1xf32>
      %squeeze3A_2344 = vector.extract %slice3A_2343[0] : f32 from vector<1xf32>
      %broadcast_in_dim3A_2345 = vector.broadcast %squeeze3A_2344 : f32 to vector<16xf32>
      %mul3A_2346 = arith.mulf %broadcast_in_dim3A_2345, %get3A_101 : vector<16xf32>
      %add3A_2347 = arith.addf %add3A_2342, %mul3A_2346 : vector<16xf32>
      %slice3A_2348 = vector.extract_strided_slice %add3A_1965 {offsets = [9], sizes = [1], strides = [1]} : vector<16xf32> to vector<1xf32>
      %squeeze3A_2349 = vector.extract %slice3A_2348[0] : f32 from vector<1xf32>
      %broadcast_in_dim3A_2350 = vector.broadcast %squeeze3A_2349 : f32 to vector<16xf32>
      %mul3A_2351 = arith.mulf %broadcast_in_dim3A_2350, %get3A_105 : vector<16xf32>
      %add3A_2352 = arith.addf %add3A_2347, %mul3A_2351 : vector<16xf32>
      %slice3A_2353 = vector.extract_strided_slice %add3A_1965 {offsets = [10], sizes = [1], strides = [1]} : vector<16xf32> to vector<1xf32>
      %squeeze3A_2354 = vector.extract %slice3A_2353[0] : f32 from vector<1xf32>
      %broadcast_in_dim3A_2355 = vector.broadcast %squeeze3A_2354 : f32 to vector<16xf32>
      %mul3A_2356 = arith.mulf %broadcast_in_dim3A_2355, %get3A_109 : vector<16xf32>
      %add3A_2357 = arith.addf %add3A_2352, %mul3A_2356 : vector<16xf32>
      %slice3A_2358 = vector.extract_strided_slice %add3A_1965 {offsets = [11], sizes = [1], strides = [1]} : vector<16xf32> to vector<1xf32>
      %squeeze3A_2359 = vector.extract %slice3A_2358[0] : f32 from vector<1xf32>
      %broadcast_in_dim3A_2360 = vector.broadcast %squeeze3A_2359 : f32 to vector<16xf32>
      %mul3A_2361 = arith.mulf %broadcast_in_dim3A_2360, %get3A_113 : vector<16xf32>
      %add3A_2362 = arith.addf %add3A_2357, %mul3A_2361 : vector<16xf32>
      %slice3A_2363 = vector.extract_strided_slice %add3A_1965 {offsets = [12], sizes = [1], strides = [1]} : vector<16xf32> to vector<1xf32>
      %squeeze3A_2364 = vector.extract %slice3A_2363[0] : f32 from vector<1xf32>
      %broadcast_in_dim3A_2365 = vector.broadcast %squeeze3A_2364 : f32 to vector<16xf32>
      %mul3A_2366 = arith.mulf %broadcast_in_dim3A_2365, %get3A_117 : vector<16xf32>
      %add3A_2367 = arith.addf %add3A_2362, %mul3A_2366 : vector<16xf32>
      %slice3A_2368 = vector.extract_strided_slice %add3A_1965 {offsets = [13], sizes = [1], strides = [1]} : vector<16xf32> to vector<1xf32>
      %squeeze3A_2369 = vector.extract %slice3A_2368[0] : f32 from vector<1xf32>
      %broadcast_in_dim3A_2370 = vector.broadcast %squeeze3A_2369 : f32 to vector<16xf32>
      %mul3A_2371 = arith.mulf %broadcast_in_dim3A_2370, %get3A_121 : vector<16xf32>
      %add3A_2372 = arith.addf %add3A_2367, %mul3A_2371 : vector<16xf32>
      %slice3A_2373 = vector.extract_strided_slice %add3A_1965 {offsets = [14], sizes = [1], strides = [1]} : vector<16xf32> to vector<1xf32>
      %squeeze3A_2374 = vector.extract %slice3A_2373[0] : f32 from vector<1xf32>
      %broadcast_in_dim3A_2375 = vector.broadcast %squeeze3A_2374 : f32 to vector<16xf32>
      %mul3A_2376 = arith.mulf %broadcast_in_dim3A_2375, %get3A_125 : vector<16xf32>
      %add3A_2377 = arith.addf %add3A_2372, %mul3A_2376 : vector<16xf32>
      %slice3A_2378 = vector.extract_strided_slice %add3A_1965 {offsets = [15], sizes = [1], strides = [1]} : vector<16xf32> to vector<1xf32>
      %squeeze3A_2379 = vector.extract %slice3A_2378[0] : f32 from vector<1xf32>
      %broadcast_in_dim3A_2380 = vector.broadcast %squeeze3A_2379 : f32 to vector<16xf32>
      %mul3A_2381 = arith.mulf %broadcast_in_dim3A_2380, %get3A_129 : vector<16xf32>
      %add3A_2382 = arith.addf %add3A_2377, %mul3A_2381 : vector<16xf32>
      %add3A_2383 = arith.constant 1 : i32
      %add3A_2384 = arith.addi %add3A_138, %add3A_2383 : i32
      %swap3A_2385 = arith.index_cast %add3A_2384 : i32 to index
      %swap3A_2386 = arith.constant 16 : index
      %swap3A_2387 = tpu.vector_load %arg11[%swap3A_2385, %swap3A_2386] {strides = array<i32>} : memref<256x48xf32, #tpu.memory_space<vmem>>, vector<16xf32>,
      tpu.vector_store %arg11[%swap3A_2385, %swap3A_2386], %add3A_2382 {strides = array<i32>} : memref<256x48xf32, #tpu.memory_space<vmem>>, vector<16xf32>,
      %slice3A_2388 = vector.extract_strided_slice %add3A_1968 {offsets = [0], sizes = [1], strides = [1]} : vector<16xf32> to vector<1xf32>
      %squeeze3A_2389 = vector.extract %slice3A_2388[0] : f32 from vector<1xf32>
      %broadcast_in_dim3A_2390 = vector.broadcast %squeeze3A_2389 : f32 to vector<16xf32>
      %mul3A_2391 = arith.mulf %broadcast_in_dim3A_2390, %get3A_69 : vector<16xf32>
      %slice3A_2392 = vector.extract_strided_slice %add3A_1968 {offsets = [1], sizes = [1], strides = [1]} : vector<16xf32> to vector<1xf32>
      %squeeze3A_2393 = vector.extract %slice3A_2392[0] : f32 from vector<1xf32>
      %broadcast_in_dim3A_2394 = vector.broadcast %squeeze3A_2393 : f32 to vector<16xf32>
      %mul3A_2395 = arith.mulf %broadcast_in_dim3A_2394, %get3A_73 : vector<16xf32>
      %add3A_2396 = arith.addf %mul3A_2391, %mul3A_2395 : vector<16xf32>
      %slice3A_2397 = vector.extract_strided_slice %add3A_1968 {offsets = [2], sizes = [1], strides = [1]} : vector<16xf32> to vector<1xf32>
      %squeeze3A_2398 = vector.extract %slice3A_2397[0] : f32 from vector<1xf32>
      %broadcast_in_dim3A_2399 = vector.broadcast %squeeze3A_2398 : f32 to vector<16xf32>
      %mul3A_2400 = arith.mulf %broadcast_in_dim3A_2399, %get3A_77 : vector<16xf32>
      %add3A_2401 = arith.addf %add3A_2396, %mul3A_2400 : vector<16xf32>
      %slice3A_2402 = vector.extract_strided_slice %add3A_1968 {offsets = [3], sizes = [1], strides = [1]} : vector<16xf32> to vector<1xf32>
      %squeeze3A_2403 = vector.extract %slice3A_2402[0] : f32 from vector<1xf32>
      %broadcast_in_dim3A_2404 = vector.broadcast %squeeze3A_2403 : f32 to vector<16xf32>
      %mul3A_2405 = arith.mulf %broadcast_in_dim3A_2404, %get3A_81 : vector<16xf32>
      %add3A_2406 = arith.addf %add3A_2401, %mul3A_2405 : vector<16xf32>
      %slice3A_2407 = vector.extract_strided_slice %add3A_1968 {offsets = [4], sizes = [1], strides = [1]} : vector<16xf32> to vector<1xf32>
      %squeeze3A_2408 = vector.extract %slice3A_2407[0] : f32 from vector<1xf32>
      %broadcast_in_dim3A_2409 = vector.broadcast %squeeze3A_2408 : f32 to vector<16xf32>
      %mul3A_2410 = arith.mulf %broadcast_in_dim3A_2409, %get3A_85 : vector<16xf32>
      %add3A_2411 = arith.addf %add3A_2406, %mul3A_2410 : vector<16xf32>
      %slice3A_2412 = vector.extract_strided_slice %add3A_1968 {offsets = [5], sizes = [1], strides = [1]} : vector<16xf32> to vector<1xf32>
      %squeeze3A_2413 = vector.extract %slice3A_2412[0] : f32 from vector<1xf32>
      %broadcast_in_dim3A_2414 = vector.broadcast %squeeze3A_2413 : f32 to vector<16xf32>
      %mul3A_2415 = arith.mulf %broadcast_in_dim3A_2414, %get3A_89 : vector<16xf32>
      %add3A_2416 = arith.addf %add3A_2411, %mul3A_2415 : vector<16xf32>
      %slice3A_2417 = vector.extract_strided_slice %add3A_1968 {offsets = [6], sizes = [1], strides = [1]} : vector<16xf32> to vector<1xf32>
      %squeeze3A_2418 = vector.extract %slice3A_2417[0] : f32 from vector<1xf32>
      %broadcast_in_dim3A_2419 = vector.broadcast %squeeze3A_2418 : f32 to vector<16xf32>
      %mul3A_2420 = arith.mulf %broadcast_in_dim3A_2419, %get3A_93 : vector<16xf32>
      %add3A_2421 = arith.addf %add3A_2416, %mul3A_2420 : vector<16xf32>
      %slice3A_2422 = vector.extract_strided_slice %add3A_1968 {offsets = [7], sizes = [1], strides = [1]} : vector<16xf32> to vector<1xf32>
      %squeeze3A_2423 = vector.extract %slice3A_2422[0] : f32 from vector<1xf32>
      %broadcast_in_dim3A_2424 = vector.broadcast %squeeze3A_2423 : f32 to vector<16xf32>
      %mul3A_2425 = arith.mulf %broadcast_in_dim3A_2424, %get3A_97 : vector<16xf32>
      %add3A_2426 = arith.addf %add3A_2421, %mul3A_2425 : vector<16xf32>
      %slice3A_2427 = vector.extract_strided_slice %add3A_1968 {offsets = [8], sizes = [1], strides = [1]} : vector<16xf32> to vector<1xf32>
      %squeeze3A_2428 = vector.extract %slice3A_2427[0] : f32 from vector<1xf32>
      %broadcast_in_dim3A_2429 = vector.broadcast %squeeze3A_2428 : f32 to vector<16xf32>
      %mul3A_2430 = arith.mulf %broadcast_in_dim3A_2429, %get3A_101 : vector<16xf32>
      %add3A_2431 = arith.addf %add3A_2426, %mul3A_2430 : vector<16xf32>
      %slice3A_2432 = vector.extract_strided_slice %add3A_1968 {offsets = [9], sizes = [1], strides = [1]} : vector<16xf32> to vector<1xf32>
      %squeeze3A_2433 = vector.extract %slice3A_2432[0] : f32 from vector<1xf32>
      %broadcast_in_dim3A_2434 = vector.broadcast %squeeze3A_2433 : f32 to vector<16xf32>
      %mul3A_2435 = arith.mulf %broadcast_in_dim3A_2434, %get3A_105 : vector<16xf32>
      %add3A_2436 = arith.addf %add3A_2431, %mul3A_2435 : vector<16xf32>
      %slice3A_2437 = vector.extract_strided_slice %add3A_1968 {offsets = [10], sizes = [1], strides = [1]} : vector<16xf32> to vector<1xf32>
      %squeeze3A_2438 = vector.extract %slice3A_2437[0] : f32 from vector<1xf32>
      %broadcast_in_dim3A_2439 = vector.broadcast %squeeze3A_2438 : f32 to vector<16xf32>
      %mul3A_2440 = arith.mulf %broadcast_in_dim3A_2439, %get3A_109 : vector<16xf32>
      %add3A_2441 = arith.addf %add3A_2436, %mul3A_2440 : vector<16xf32>
      %slice3A_2442 = vector.extract_strided_slice %add3A_1968 {offsets = [11], sizes = [1], strides = [1]} : vector<16xf32> to vector<1xf32>
      %squeeze3A_2443 = vector.extract %slice3A_2442[0] : f32 from vector<1xf32>
      %broadcast_in_dim3A_2444 = vector.broadcast %squeeze3A_2443 : f32 to vector<16xf32>
      %mul3A_2445 = arith.mulf %broadcast_in_dim3A_2444, %get3A_113 : vector<16xf32>
      %add3A_2446 = arith.addf %add3A_2441, %mul3A_2445 : vector<16xf32>
      %slice3A_2447 = vector.extract_strided_slice %add3A_1968 {offsets = [12], sizes = [1], strides = [1]} : vector<16xf32> to vector<1xf32>
      %squeeze3A_2448 = vector.extract %slice3A_2447[0] : f32 from vector<1xf32>
      %broadcast_in_dim3A_2449 = vector.broadcast %squeeze3A_2448 : f32 to vector<16xf32>
      %mul3A_2450 = arith.mulf %broadcast_in_dim3A_2449, %get3A_117 : vector<16xf32>
      %add3A_2451 = arith.addf %add3A_2446, %mul3A_2450 : vector<16xf32>
      %slice3A_2452 = vector.extract_strided_slice %add3A_1968 {offsets = [13], sizes = [1], strides = [1]} : vector<16xf32> to vector<1xf32>
      %squeeze3A_2453 = vector.extract %slice3A_2452[0] : f32 from vector<1xf32>
      %broadcast_in_dim3A_2454 = vector.broadcast %squeeze3A_2453 : f32 to vector<16xf32>
      %mul3A_2455 = arith.mulf %broadcast_in_dim3A_2454, %get3A_121 : vector<16xf32>
      %add3A_2456 = arith.addf %add3A_2451, %mul3A_2455 : vector<16xf32>
      %slice3A_2457 = vector.extract_strided_slice %add3A_1968 {offsets = [14], sizes = [1], strides = [1]} : vector<16xf32> to vector<1xf32>
      %squeeze3A_2458 = vector.extract %slice3A_2457[0] : f32 from vector<1xf32>
      %broadcast_in_dim3A_2459 = vector.broadcast %squeeze3A_2458 : f32 to vector<16xf32>
      %mul3A_2460 = arith.mulf %broadcast_in_dim3A_2459, %get3A_125 : vector<16xf32>
      %add3A_2461 = arith.addf %add3A_2456, %mul3A_2460 : vector<16xf32>
      %slice3A_2462 = vector.extract_strided_slice %add3A_1968 {offsets = [15], sizes = [1], strides = [1]} : vector<16xf32> to vector<1xf32>
      %squeeze3A_2463 = vector.extract %slice3A_2462[0] : f32 from vector<1xf32>
      %broadcast_in_dim3A_2464 = vector.broadcast %squeeze3A_2463 : f32 to vector<16xf32>
      %mul3A_2465 = arith.mulf %broadcast_in_dim3A_2464, %get3A_129 : vector<16xf32>
      %add3A_2466 = arith.addf %add3A_2461, %mul3A_2465 : vector<16xf32>
      %add3A_2467 = arith.constant 1 : i32
      %add3A_2468 = arith.addi %add3A_138, %add3A_2467 : i32
      %swap3A_2469 = arith.index_cast %add3A_2468 : i32 to index
      %swap3A_2470 = arith.constant 32 : index
      %swap3A_2471 = tpu.vector_load %arg11[%swap3A_2469, %swap3A_2470] {strides = array<i32>} : memref<256x48xf32, #tpu.memory_space<vmem>>, vector<16xf32>,
      tpu.vector_store %arg11[%swap3A_2469, %swap3A_2470], %add3A_2466 {strides = array<i32>} : memref<256x48xf32, #tpu.memory_space<vmem>>, vector<16xf32>,
    }
    %scan3A_133 = arith.constant 128 : i32
    "tpu.region"() ({
      %run_scoped3A = tpu.sem_alloc : memref<!tpu.dma_semaphore, #tpu.memory_space<semaphore_mem>>
      %dma_start3A_134 = arith.constant 0 : i32
      %dma_start3A_135 = tpu.memref_slice %arg6[%select_n3A, %mul3A_34, %dma_start3A_134] : memref<16x512x48xf32, #tpu.memory_space<hbm>> -> memref<1x256x48xf32, #tpu.memory_space<hbm>>
      %dma_start3A_136 = tpu.memref_squeeze %dma_start3A_135 : memref<1x256x48xf32, #tpu.memory_space<hbm>> -> memref<256x48xf32, #tpu.memory_space<hbm>>
      %dma_start3A_137 = arith.constant 0 : i32
      %dma_start3A_138 = tpu.memref_slice %arg6[%select_n3A, %mul3A_34, %dma_start3A_137] : memref<16x512x48xf32, #tpu.memory_space<hbm>> -> memref<1x256x48xf32, #tpu.memory_space<hbm>>
      %dma_start3A_139 = tpu.memref_squeeze %dma_start3A_138 : memref<1x256x48xf32, #tpu.memory_space<hbm>> -> memref<256x48xf32, #tpu.memory_space<hbm>>
      tpu.enqueue_dma source(%arg11 : memref<256x48xf32, #tpu.memory_space<vmem>>) target(%dma_start3A_139 : memref<256x48xf32, #tpu.memory_space<hbm>>) target_semaphore(%run_scoped3A : memref<!tpu.dma_semaphore, #tpu.memory_space<semaphore_mem>>)
      %dma_wait3A_140 = arith.constant 0 : i32
      %dma_wait3A_141 = tpu.memref_slice %arg6[%select_n3A, %mul3A_34, %dma_wait3A_140] : memref<16x512x48xf32, #tpu.memory_space<hbm>> -> memref<1x256x48xf32, #tpu.memory_space<hbm>>
      %dma_wait3A_142 = tpu.memref_squeeze %dma_wait3A_141 : memref<1x256x48xf32, #tpu.memory_space<hbm>> -> memref<256x48xf32, #tpu.memory_space<hbm>>
      %dma_wait3A_143 = arith.constant 0 : i32
      %dma_wait3A_144 = tpu.memref_slice %arg6[%select_n3A, %mul3A_34, %dma_wait3A_143] : memref<16x512x48xf32, #tpu.memory_space<hbm>> -> memref<1x256x48xf32, #tpu.memory_space<hbm>>
      %dma_wait3A_145 = tpu.memref_squeeze %dma_wait3A_144 : memref<1x256x48xf32, #tpu.memory_space<hbm>> -> memref<256x48xf32, #tpu.memory_space<hbm>>
      tpu.wait_dma2 semaphore(%run_scoped3A : memref<!tpu.dma_semaphore, #tpu.memory_space<semaphore_mem>>) src(%arg11 : memref<256x48xf32, #tpu.memory_space<vmem>>) dst(%dma_wait3A_145 : memref<256x48xf32, #tpu.memory_space<hbm>>)
      tpu.yield
    }) : () -> ()
    return
  }
}

module attributes {stable_mosaic.version = 14 : i64} {
  func.func @body(%arg0: memref<16x64xf32, #tpu.memory_space<vmem>>, %arg1: memref<16x16xf32, #tpu.memory_space<vmem>>, %arg2: memref<64x16xf32, #tpu.memory_space<vmem>>, %arg3: memref<16x16xf32, #tpu.memory_space<vmem>>) attributes {dimension_semantics = [], scalar_prefetch = 0 : i64, scratch_operands = 0 : i64, tpu.core_type = #tpu.core_type<tc>} {
    %get3A = arith.constant 0 : index
    %get3A_0 = arith.constant 0 : index
    %get3A_1 = vector.load %arg0[%get3A, %get3A_0] : memref<16x64xf32, #tpu.memory_space<vmem>>, vector<16x64xf32>
    %transpose3A = tpu.transpose %get3A_1, [1, 0] : vector<16x64xf32> -> vector<64x16xf32>
    %swap3A = arith.constant 0 : index
    %swap3A_2 = arith.constant 0 : index
    %swap3A_3 = vector.load %arg2[%swap3A, %swap3A_2] : memref<64x16xf32, #tpu.memory_space<vmem>>, vector<64x16xf32>
    tpu.vector_store %arg2[%swap3A, %swap3A_2], %transpose3A {strides = array<i32>} : memref<64x16xf32, #tpu.memory_space<vmem>>, vector<64x16xf32>,
    %mul3A = arith.mulf %get3A_1, %get3A_1 : vector<16x64xf32>
    %reduce_sum3A = arith.constant dense<0.000000e+00> : vector<16xf32>
    %reduce_sum3A_4 = vector.multi_reduction <add>, %mul3A, %reduce_sum3A [1] : vector<16x64xf32> to vector<16xf32>
    %broadcast_in_dim3A = vector.shape_cast %reduce_sum3A_4 : vector<16xf32> to vector<16x1xf32>
    %sqrt3A = math.sqrt %broadcast_in_dim3A : vector<16x1xf32>
    %max3A = arith.constant 9.99999996E-13 : f32
    %max3A_5 = vector.broadcast %max3A : f32 to vector<16x1xf32>
    %max3A_6 = arith.maximumf %sqrt3A, %max3A_5 : vector<16x1xf32>
    %div3A = arith.constant 1.000000e+00 : f32
    %div3A_7 = vector.broadcast %div3A : f32 to vector<16x1xf32>
    %div3A_8 = arith.divf %div3A_7, %max3A_6 : vector<16x1xf32>
    %get3A_9 = arith.constant 0 : index
    %get3A_10 = arith.constant 0 : index
    %get3A_11 = vector.load %arg1[%get3A_9, %get3A_10] : memref<16x16xf32, #tpu.memory_space<vmem>>, vector<16x16xf32>
    %mul3A_12 = arith.mulf %get3A_11, %get3A_11 : vector<16x16xf32>
    %reduce_sum3A_13 = arith.constant dense<0.000000e+00> : vector<16xf32>
    %reduce_sum3A_14 = vector.multi_reduction <add>, %mul3A_12, %reduce_sum3A_13 [0] : vector<16x16xf32> to vector<16xf32>
    %broadcast_in_dim3A_15 = vector.shape_cast %reduce_sum3A_14 : vector<16xf32> to vector<1x16xf32>
    %sqrt3A_16 = math.sqrt %broadcast_in_dim3A_15 : vector<1x16xf32>
    %max3A_17 = arith.constant 9.99999996E-13 : f32
    %max3A_18 = vector.broadcast %max3A_17 : f32 to vector<1x16xf32>
    %max3A_19 = arith.maximumf %sqrt3A_16, %max3A_18 : vector<1x16xf32>
    %div3A_20 = arith.constant 1.000000e+00 : f32
    %div3A_21 = vector.broadcast %div3A_20 : f32 to vector<1x16xf32>
    %div3A_22 = arith.divf %div3A_21, %max3A_19 : vector<1x16xf32>
    %mul3A_23 = vector.broadcast %div3A_22 : vector<1x16xf32> to vector<16x16xf32>
    %mul3A_24 = arith.mulf %get3A_11, %mul3A_23 : vector<16x16xf32>
    %mul3A_25 = vector.broadcast %div3A_8 : vector<16x1xf32> to vector<16x16xf32>
    %mul3A_26 = arith.mulf %mul3A_24, %mul3A_25 : vector<16x16xf32>
    %swap3A_27 = arith.constant 0 : index
    %swap3A_28 = arith.constant 0 : index
    %swap3A_29 = vector.load %arg3[%swap3A_27, %swap3A_28] : memref<16x16xf32, #tpu.memory_space<vmem>>, vector<16x16xf32>
    tpu.vector_store %arg3[%swap3A_27, %swap3A_28], %mul3A_26 {strides = array<i32>} : memref<16x16xf32, #tpu.memory_space<vmem>>, vector<16x16xf32>,
    return
  }
}

</mosaic_0001>

<sc_bundles>
// kernel: kernel.4.cloned.1.call-start
scs
__scs_entry_jumppad:
0x0: {  	(pc) =	sbr.rel $0x88, $3  }
0x1: {  	(tag) =	ssettag $0x0;
	lr =	simm.s32 $0x1  }
0x2: {  	[smem:$0x3F9D] =	sst lr;
	_ =	strace $0xD0000000  }
0x3: {  	_ = 	snop  }
0x4: {  	_ = 	snop  }
0x5: {  	_ = 	snop  }
0x6: {  	_ = 	snop  }
0x7: {  	_ = 	snop  }
__scs_overlays_trampoline_lowered:
0x8: {  	[smem:$0x3FAC] =	sst s0  }
0x9: {  	[smem:$0x3FAD] =	sst s1  }
0xa: {  	[smem:$0x3FAE] =	sst s2  }
0xb: {  	[smem:$0x3FAF] =	sst s3  }
0xc: {  	[smem:$0x3FB0] =	sst s4  }
0xd: {  	[smem:$0x3FB1] =	sst s5  }
0xe: {  	[smem:$0x3FB2] =	sst s6  }
0xf: {  	[smem:$0x3FB3] =	sst s7  }
0x10: {  	[smem:$0x3FB4] =	sst s8  }
0x11: {  	[smem:$0x3FB5] =	sst s9;
	s0 =	simm.s32 @!p0 $0x0  }
0x12: {  	s1 =	sld [smem:$0x3F9B];
	s0 =	simm.s32 @p0 $0x1  }
0x13: {  	[smem:$0x3FB6] =	sst s0;
	s0 =	simm.s32 @!p1 $0x0  }
0x14: {  	s2 =	sld [smem:$0x3F9A];
	s0 =	simm.s32 @p1 $0x1  }
0x15: {  	[smem:$0x3FB7] =	sst s0;
	s0 =	simm.s32 @!p2 $0x0  }
0x16: {  	s3 =	sld [smem:$0x3FDB];
	s0 =	simm.s32 @p2 $0x1  }
0x17: {  	s4 =	simm.s32 $0x1BF5;
	[smem:$0x3FB9] =	sst s0  }
0x18: {  	s0 =	sld [smem:$0x3F9C];
	_ =	swait.ge [sflag:s4], $0x0  }
0x19: {  	s7 =	sld [smem:$0x3F9D]  }
0x1a: {  	s8 =	sadd.s32 $0xFFFFE003, lr  }
0x1b: {  	s9 =	sadd.s32 $0xFFFFFEF7, lr;
	s5 =	simm.s32 $0xFFFFFFFF;
	p2 =	slt.u32 s8, $0xFFFFF086  }
0x1c: {  	p1 =	slt.u32 s9, $0xF7A;
	s5 =	simm.s32 @!p2 $0x0  }
0x1d: {  	s5 =	simm.s32 @p1 $0x1;
	p0 =	seq.s32 s7, s2  }
0x1e: {  	s7 =	smul.u32 @!p0 $0xF7A, s2;
	p2 =	seq.s32 @!p0 s5, $0x0  }
0x1f: {  	s9 =	smul.u32 $0xF7A, s1;
	s8 =	simm.s32 @!p0 $0x1BF5;
	p2 =	por !p2, p0  }
0x20: {  	[sflag:s8] =	ssyncset.s32 @!p0 $0xFFFFF086;
	s6 =	sadd.s32 @!p0 s3, s7;
	s7 =	simm.s32 @!p0 $0x108  }
0x21: {  	s3 =	sadd.s32 s3, s9;
	s6 =	sadd.s32 @!p0 $0x88, s6;
	s7 =	simm.s32 @p2 $0x1082  }
0x22: {  	[simem:s7], [sflag:s8] =	dma.local @!p0 [hbm:s6], $0xF7A  }
0x23: {  	s9 =	sor.u32 $0xD0000000, s2;
	s6 =	simm.s32 $0x108;
	_ =	swait.ge @!p0 [sflag:s8], $0x0  }
0x24: {  	s3 =	sadd.s32 $0x88, s3;
	s6 =	simm.s32 @!p1 $0x1082;
	[sflag:s4] =	ssyncset.s32 $0xFFFFF086  }
0x25: {  	[simem:s6], [sflag:s4] =	dma.local [hbm:s3], $0xF7A  }
0x26: {  	[smem:$0x3F9D] =	sst s1;
	(tag) =	ssettag s2;
	_ =	strace s9  }
0x27: {  	s1 =	sld [smem:$0x3FAD]  }
0x28: {  	s2 =	sld [smem:$0x3FAE]  }
0x29: {  	s4 =	sld [smem:$0x3FB0]  }
0x2a: {  	p0 =	seq.s32 s5, $0x0;
	s5 =	sld [smem:$0x3FB1]  }
0x2b: {  	s6 =	sld [smem:$0x3FB2]  }
0x2c: {  	s7 =	sld [smem:$0x3FB3]  }
0x2d: {  	s3 =	simm.s32 $0x108;
	s8 =	sld [smem:$0x3FB4]  }
0x2e: {  	s3 =	simm.s32 @!p0 $0x1082;
	s9 =	sld [smem:$0x3FB5]  }
0x2f: {  	lr =	sadd.s32 s0, s3;
	s0 =	sld [smem:$0x3FAC]  }
0x30: {  	s3 =	sld [smem:$0x3FAF]  }
0x31: {  	[smem:$0x3FB8] =	sst s10  }
0x32: {  	s10 =	sld [smem:$0x3FB6];
	_ =	sdelay $0x3  }
0x33: {  	p0 =	seq.s32 s10, $0x1;
	s10 =	sld [smem:$0x3FB8];
	_ =	sdelay $0x3  }
0x34: {  	[smem:$0x3FB8] =	sst s10  }
0x35: {  	s10 =	sld [smem:$0x3FB7];
	_ =	sdelay $0x3  }
0x36: {  	p1 =	seq.s32 s10, $0x1;
	s10 =	sld [smem:$0x3FB8];
	_ =	sdelay $0x3  }
0x37: {  	[smem:$0x3FB8] =	sst s10  }
0x38: {  	s10 =	sld [smem:$0x3FB9]  }
0x39: {  	_ = 	snop;
	(pc) =	sbr.ind lr, $3  }
0x3a: {  	_ = 	snop  }
0x3b: {  	_ = 	snop  }
0x3c: {  	p2 =	seq.s32 s10, $0x1;
	s10 =	sld [smem:$0x3FB8]  }
0x3d: {  	_ =	shalt  }
0x3e: {  	_ =	shalt  }
0x3f: {  	_ =	shalt  }
0x40: {  	_ =	shalt  }
0x41: {  	_ =	shalt  }
0x42: {  	_ =	shalt  }
0x43: {  	_ =	shalt  }
0x44: {  	_ =	shalt  }
0x45: {  	_ =	shalt  }
0x46: {  	_ =	shalt  }
0x47: {  	_ =	shalt  }
0x48: {  	_ =	shalt  }
0x49: {  	_ =	shalt  }
0x4a: {  	_ =	shalt  }
0x4b: {  	_ =	shalt  }
0x4c: {  	_ =	shalt  }
0x4d: {  	_ =	shalt  }
0x4e: {  	_ =	shalt  }
0x4f: {  	_ =	shalt  }
0x50: {  	_ =	shalt  }
0x51: {  	_ =	shalt  }
0x52: {  	_ =	shalt  }
0x53: {  	_ =	shalt  }
0x54: {  	_ =	shalt  }
0x55: {  	_ =	shalt  }
0x56: {  	_ =	shalt  }
0x57: {  	_ =	shalt  }
0x58: {  	_ =	shalt  }
0x59: {  	_ =	shalt  }
0x5a: {  	_ =	shalt  }
0x5b: {  	_ =	shalt  }
0x5c: {  	_ =	shalt  }
0x5d: {  	_ =	shalt  }
0x5e: {  	_ =	shalt  }
0x5f: {  	_ =	shalt  }
0x60: {  	_ =	shalt  }
0x61: {  	_ =	shalt  }
0x62: {  	_ =	shalt  }
0x63: {  	_ =	shalt  }
0x64: {  	_ =	shalt  }
0x65: {  	_ =	shalt  }
0x66: {  	_ =	shalt  }
0x67: {  	_ =	shalt  }
0x68: {  	_ =	shalt  }
0x69: {  	_ =	shalt  }
0x6a: {  	_ =	shalt  }
0x6b: {  	_ =	shalt  }
0x6c: {  	_ =	shalt  }
0x6d: {  	_ =	shalt  }
0x6e: {  	_ =	shalt  }
0x6f: {  	_ =	shalt  }
0x70: {  	_ =	shalt  }
0x71: {  	_ =	shalt  }
0x72: {  	_ =	shalt  }
0x73: {  	_ =	shalt  }
0x74: {  	_ =	shalt  }
0x75: {  	_ =	shalt  }
0x76: {  	_ =	shalt  }
0x77: {  	_ =	shalt  }
0x78: {  	_ =	shalt  }
0x79: {  	_ =	shalt  }
0x7a: {  	_ =	shalt  }
0x7b: {  	_ =	shalt  }
0x7c: {  	_ =	shalt  }
0x7d: {  	_ =	shalt  }
0x7e: {  	_ =	shalt  }
0x7f: {  	_ =	shalt  }
0x80: {  	_ =	shalt  }
0x81: {  	_ =	shalt  }
0x82: {  	_ =	shalt  }
0x83: {  	_ =	shalt  }
0x84: {  	_ =	shalt  }
0x85: {  	_ =	shalt  }
0x86: {  	_ =	shalt  }
0x87: {  	_ =	shalt  }
.Lfunc_end0:
.L_simem_size_0:
called_computation_lowered:
.L_overlay_start_0:
0x88: {  	s2 =	sld [smem:$0x3FD9]  }
0x89: {  	s3 =	sld [smem:$0x3FFE];
	_ =	sdelay $0x1  }
0x8a: {  	s1 =	srdreg.scid  }
0x8b: {  	s0 =	sand.u32 $0x1, s1  }
0x8c: {  	s17 =	sshll.u32 s0, $0xA;
	s2 =	sadd.s32 s3, s2  }
0x8d: {  	s2 =	sadd.s32 s2, s17  }
0x8e: {  	[smem:$0x3FC4] =	sst s2  }
0x8f: {  	_ = 	snop  }
0x90: {  	s2 =	sld [smem:$0x3FD0];
	(tm) =	ssettm $0x1  }
0x91: {  	s18 =	sld [smem:$0x3FFB];
	_ =	sdelay $0x3  }
0x92: {  	_ =	strace s18  }
0x93: {  	s3 =	sld [smem:$0x3FFC];
	_ =	sdelay $0x3  }
0x94: {  	_ =	strace s3  }
0x95: {  	s3 =	sld [smem:$0x3FFD];
	_ =	sdelay $0x3  }
0x96: {  	_ =	strace s3  }
0x97: {  	_ =	strace $0x8FFFFFFF  }
0x98: {  	s19 =	sld [smem:$0x3FDB];
	_ =	sdelay $0x1  }
0x99: {  	s4 =	simm.s32 $_scs_section_size  }
0x9a: {  	s5 =	simm.s32 $_size__tile_overlayer_lowered;
	s6 =	simm.s32 $_tile_overlayer_lowered  }
0x9b: {  	s22 =	simm.s32 $0x1BFF;
	s21 =	sshll.u32 s6, $0x1;
	s3 =	sadd.s32 s4, s19  }
0x9c: {  	s7 =	simm.s32 $0x0;
	s20 =	sshll.u32 s5, $0x1;
	s5 =	sadd.s32 s21, s3  }
0x9d: {  	[timem:s7], [sflag:s22] =	dma.local [hbm:s5], s20  }
0x9e: {  	_ =	swait.ge [sflag:s22], s20  }
0x9f: {  	s4 =	ssub.s32 $0x0, s20;
	[sflag:s22] =	ssyncset.done $0x0  }
0xa0: {  	[sflag:s22] =	ssyncadd.s32 s4;
	_ =	sdelay $0x1  }
0xa1: {  	s23 =	simm.s32 $0x1B8B  }
0xa2: {  	_ =	swait.ge [sflag:s23], $0x1  }
0xa3: {  	[sflag:s23] =	ssyncset.done $0x0  }
0xa4: {  	s25 =	simm.s32 $0x1B8E;
	s24 =	sld [smem:$0x3FFE];
	[sflag:s23] =	ssyncadd.s32 $0xFFFFFFFF  }
0xa5: {  	s26 =	simm.s32 $execute0_lowered;
	[smem:$0x3FD2] =	sst s25  }
0xa6: {  	s5 =	sshll.u32 s26, $0x1;
	_ =	strace $0x80000046;
	[dreg:$0x1] =	wrdreg $0xFFFFFFFF  }
0xa7: {  	s28 =	simm.s32 $_size_execute0_lowered;
	s3 =	sadd.s32 s3, s5;
	[dreg:$0x0] =	wrdreg $0x0  }
0xa8: {  	s5 =	sshll.u32 s28, $0x1;
	[dreg:$0x2] =	wrdreg s3  }
0xa9: {  	[dreg:$0x3] =	wrdreg s5  }
0xaa: {  	[dreg:$0x4] =	wrdreg $0xC0  }
0xab: {  	_ =	task [dreg:s7], $0x5FFFF  }
0xac: {  	[dreg:$0x1] =	wrdreg $0xFFFFFFFF  }
0xad: {  	[dreg:$0x0] =	wrdreg $0x60  }
0xae: {  	[dreg:$0x2] =	wrdreg s2  }
0xaf: {  	[dreg:$0x3] =	wrdreg s24  }
0xb0: {  	[dreg:$0x4] =	wrdreg $0x9  }
0xb1: {  	_ =	task.clear_ibuf [dreg:s7], $0x5FFFF;
	_ =	strace $0x90000046  }
0xb2: {  	s29 =	simm.s32 $0x9;
	_ =	strace $0x80000048  }
0xb3: {  	_ =	swait.ge [sflag:s29], $0x1  }
0xb4: {  	[sflag:s29] =	ssyncadd.s32 $0xFFFFFFFF  }
0xb5: {  	_ =	strace $0x90000048  }
0xb6: {  	_ =	sfence  }
0xb7: {  	s30 =	sld [smem:$0x0];
	_ =	sdelay $0x2  }
0xb8: {  	s31 =	sshll.u32 s1, $0xD;
	s1 =	sshrl.u32 s1, $0x2  }
0xb9: {  	s3 =	sand.u32 $0x4000, s31;
	s1 =	sadd.s32 s1, s30  }
0xba: {  	s0 =	sor.u32 s3, s0;
	s1 =	sshll.u32 s1, $0x11  }
0xbb: {  	s0 =	sor.u32 s1, s0  }
0xbc: {  	s0 =	sadd.s32 $0x8F2B, s0  }
0xbd: {  	[sflag:s0] =	ssyncadd.remote.s32 $0x1  }
0xbe: {  	_ =	sfence.sel $0xFFFF  }
0xbf: {  	[dreg:$0x0] =	wrdreg $0xFFFFFFFF;
	(pc) =	sbr.abs _section_cstart, $3  }
0xc0: {  	[dreg:$0x1] =	wrdreg $0xFFFFFFFF  }
0xc1: {  	_ =	task.clear_ibuf [dreg:s7], $0x2FFFF;
	_ =	strace $0x9FFFFFFF  }
0xc2: {  	(tm) =	ssettm $0x7FFFFFFF  }
0xc3: {  	_ =	shalt  }
tec
execute0_lowered:
.L_overlay_start_1:
0x0: {  	(tag) =	ssettag $0x1  }
0x1: {  	s1 =	srdreg.scid;
	s0 =	stileid.u32  }
0x2: {  	s7 =	rddreg [dreg:$0x0];
	s2 =	simm.s32 $0x1;
	s6 =	sand.u32 $0x1, s1  }
0x3: {  	s8 =	rddreg [dreg:$0x1];
	s13 =	simm.s32 $0xA500;
	s1 =	sor.u32 s6, s0  }
0x4: {  	s14 =	simm.s32 $0x2;
	p1 =	seq.s32 s6, $0x1;
	p0 =	seq.s32 s1, $0x0  }
0x5: {  	s15 =	simm.s32 $0x0;
	s5 =	sshll.u32 s6, $0xE;
	p0 =	por !p0, !p1  }
0x6: {  	s10 =	smul.u32 $0x3000, s6;
	s6 =	ssub.s32 $0x2, s6;
	p0 =	por !p0, !p0  }
0x7: {  	s1 =	rddreg [dreg:$0x2];
	s12 =	sshrl.u32 s6, $0x1;
	s2 =	simm.s32 @!p0 $0x0  }
0x8: {  	s31 =	ssub.s32 s6, s12;
	s3 =	ssub.s32 s0, s2;
	s2 =	simm.s32 $0x0  }
0x9: {  	s12 =	simm.s32 $0xA400;
	s4 =	sshll.u32 s3, $0xF;
	[smem:$0x7FF] =	sst s2  }
0xa: {  	s9 =	smul.u32 $0x6000, s3;
	s3 =	simm.s32 $0x1;
	s4 =	sor.u32 s5, s4  }
0xb: {  	_ =	strace $0x80000047;
	s5 =	sadd.s32 $0x10E00, s8;
	s4 =	sshrl.u32 s4, $0x3  }
0xc: {  	s10 =	sadd.s32 s10, s9;
	s9 =	sshrl.u32 s9, $0x3;
	s11 =	sadd.s32 s4, s8  }
0xd: {  	s4 =	sadd.s32 $0x10C00, s8;
	s10 =	sshrl.u32 s10, $0x3;
	s6 =	sadd.s32 s7, s9  }
0xe: {  	v0 =	vlaneseq.u32;
	s9 =	smax.u32 s31, $0x1;
	s8 =	sadd.s32 s10, s8;
	s7 =	sadd.s32 $0xC00, s11  }
0xf: {  	v1 =	vor.u32 $0x10, v0;
	v2 =	vor.u32 $0x20, v0;
	s10 =	simm.s32 $0x6000;
	s11 =	simm.s32 $0xA000;
	s8 =	sadd.s32 $0x11000, s8  }
.LBB2_1:
0x10: {  	[tilespmem:s2], [sflag:$0x1] =	stream.linear.gather [hbm4b:s6+s2], $0x6000, $0x38;
	[tilespmem:$0xD500] =	vst v63  }
0x11: {  	_ = 	snop  }
0x12: {  	[tilespmem:s10], [sflag:$0x1] =	stream.linear.gather [hbm4b:s7+s2], $0x4000, $0x38;
	[tilespmem:$0xD500] =	vst v63  }
0x13: {  	_ = 	snop  }
0x14: {  	[tilespmem:s11], [sflag:$0x1] =	stream.linear.gather [hbm4b:s4+s2], $0x400, $0x38;
	[tilespmem:$0xD500] =	vst v63  }
0x15: {  	_ = 	snop  }
0x16: {  	[tilespmem:s12], [sflag:$0x1] =	stream.linear.gather [hbm4b:s5+s2], $0x100, $0x38;
	[tilespmem:$0xD500] =	vst v63  }
0x17: {  	_ =	swait.ge [sflag:s3], $0x6000  }
0x18: {  	[sflag:s3] =	ssyncset.done $0x0  }
0x19: {  	[sflag:s3] =	ssyncadd.s32 $0xFFFFA000  }
0x1a: {  	_ =	swait.ge [sflag:s3], $0x4000  }
0x1b: {  	[sflag:s3] =	ssyncset.done $0x0  }
0x1c: {  	[sflag:s3] =	ssyncadd.s32 $0xFFFFC000  }
0x1d: {  	_ =	swait.ge [sflag:s3], $0x400  }
0x1e: {  	[sflag:s3] =	ssyncset.done $0x0  }
0x1f: {  	[sflag:s3] =	ssyncadd.s32 $0xFFFFFC00  }
0x20: {  	_ =	swait.ge [sflag:s3], $0x100  }
0x21: {  	[sflag:s3] =	ssyncset.done $0x0  }
0x22: {  	[sflag:s3] =	ssyncadd.s32 $0xFFFFFF00  }
0x23: {  	v3 =	vld [tilespmem:$0xA400]  }
0x24: {  	v6 =	vld [tilespmem:$0xA430]  }
0x25: {  	v7 =	vld [tilespmem:$0xA440]  }
0x26: {  	v8 =	vld [tilespmem:$0xA450]  }
0x27: {  	v9 =	vld [tilespmem:$0xA460]  }
0x28: {  	[tilespmem:$0x1FFD0] =	vst v3;
	v3 =	vld [tilespmem:$0xA410]  }
0x29: {  	v10 =	vld [tilespmem:$0xA470]  }
0x2a: {  	v11 =	vld [tilespmem:$0xA480]  }
0x2b: {  	v12 =	vld [tilespmem:$0xA490]  }
0x2c: {  	v13 =	vld [tilespmem:$0xA4A0]  }
0x2d: {  	[tilespmem:$0x1FFE0] =	vst v3;
	v3 =	vld [tilespmem:$0xA420]  }
0x2e: {  	v14 =	vld [tilespmem:$0xA4B0]  }
0x2f: {  	v15 =	vld [tilespmem:$0xA4C0]  }
0x30: {  	v16 =	vld [tilespmem:$0xA4D0]  }
0x31: {  	v17 =	vld [tilespmem:$0xA4E0]  }
0x32: {  	s16 =	simm.s32 $0x140;
	s17 =	simm.s32 $0x6040;
	v18 =	vld [tilespmem:$0xA4F0];
	[tilespmem:$0x1FFF0] =	vst v3  }
.LBB2_2:
0x33: {  	v19 =	vld [tilespmem:s17+$0xFFFFFFC0];
	_ =	sdelay $0x2  }
0x34: {  	v21 =	vld [tilespmem:s17+$0x0];
	_ =	sdelay $0x1  }
0x35: {  	v20 =	vmul.u32 $0x30, v19;
	_ =	sdelay $0x1  }
0x36: {  	v22 =	vbroadcast v20, $0x0  }
0x37: {  	v19 =	vmul.u32 $0x30, v21  }
0x38: {  	v57 =	vor.u32 v0, v22  }
0x39: {  	v26 =	vld [tilespmem:$0xA000];
	v24 =	vbroadcast v19, $0x0;
	v23 =	vadd.s32 v1, v22  }
0x3a: {  	v33 =	vld [tilespmem:$0xA010];
	v22 =	vadd.s32 v2, v22  }
0x3b: {  	v40 =	vld [tilespmem:$0xA020];
	v25 =	vor.u32 v0, v24  }
0x3c: {  	v47 =	vld [tilespmem:$0xA030];
	v28 =	vbroadcast v20, $0x1;
	v27 =	vadd.s32 v1, v24  }
0x3d: {  	v24 =	vadd.s32 v2, v24;
	v21 =	vld.idx.msk [tilespmem:v57+s2+$0x0], $0xffff  }
0x3e: {  	v29 =	vor.u32 v0, v28;
	v23 =	vld.idx.msk [tilespmem:v23+s2+$0x0], $0xffff  }
0x3f: {  	v31 =	vbroadcast v19, $0x1;
	v30 =	vadd.s32 v1, v28;
	v22 =	vld.idx.msk [tilespmem:v22+s2+$0x0], $0xffff  }
0x40: {  	v28 =	vadd.s32 v2, v28;
	v25 =	vld.idx.msk [tilespmem:v25+s2+$0x0], $0xffff  }
0x41: {  	v58 =	vor.u32 v0, v31;
	v27 =	vld.idx.msk [tilespmem:v27+s2+$0x0], $0xffff  }
0x42: {  	v35 =	vbroadcast v20, $0x2;
	v34 =	vadd.s32 v1, v31;
	v32 =	vld.idx.msk [tilespmem:v24+s2+$0x0], $0xffff  }
0x43: {  	v31 =	vadd.s32 v2, v31;
	v29 =	vld.idx.msk [tilespmem:v29+s2+$0x0], $0xffff  }
0x44: {  	v36 =	vor.u32 v0, v35;
	v30 =	vld.idx.msk [tilespmem:v30+s2+$0x0], $0xffff  }
0x45: {  	v38 =	vbroadcast v19, $0x2;
	v59 =	vadd.s32 v1, v35;
	v28 =	vld.idx.msk [tilespmem:v28+s2+$0x0], $0xffff  }
0x46: {  	v35 =	vadd.s32 v2, v35;
	v37 =	vld.idx.msk [tilespmem:v58+s2+$0x0], $0xffff  }
0x47: {  	v39 =	vor.u32 v0, v38;
	v34 =	vld.idx.msk [tilespmem:v34+s2+$0x0], $0xffff  }
0x48: {  	v42 =	vbroadcast v20, $0x3;
	v41 =	vadd.s32 v1, v38;
	v31 =	vld.idx.msk [tilespmem:v31+s2+$0x0], $0xffff  }
0x49: {  	v38 =	vadd.s32 v2, v38;
	v36 =	vld.idx.msk [tilespmem:v36+s2+$0x0], $0xffff  }
0x4a: {  	v60 =	vor.u32 v0, v42;
	v43 =	vld.idx.msk [tilespmem:v59+s2+$0x0], $0xffff  }
0x4b: {  	v45 =	vbroadcast v19, $0x3;
	v44 =	vadd.s32 v1, v42;
	v35 =	vld.idx.msk [tilespmem:v35+s2+$0x0], $0xffff  }
0x4c: {  	v42 =	vadd.s32 v2, v42;
	v39 =	vld.idx.msk [tilespmem:v39+s2+$0x0], $0xffff  }
0x4d: {  	v46 =	vor.u32 v0, v45;
	v41 =	vld.idx.msk [tilespmem:v41+s2+$0x0], $0xffff  }
0x4e: {  	v62 =	vbroadcast v20, $0x4;
	v48 =	vadd.s32 v1, v45;
	v38 =	vld.idx.msk [tilespmem:v38+s2+$0x0], $0xffff  }
0x4f: {  	v52 =	vbroadcast v19, $0x4;
	v56 =	vbroadcast v20, $0x5;
	v49 =	vld.idx.msk [tilespmem:v60+s2+$0x0], $0xffff  }
0x50: {  	v4 =	vbroadcast v19, $0x6;
	v61 =	vadd.s32 v2, v45;
	v51 =	vadd.s32 v1, v62;
	v44 =	vld.idx.msk [tilespmem:v44+s2+$0x0], $0xffff  }
0x51: {  	v45 =	vadd.s32 v2, v62;
	v42 =	vld.idx.msk [tilespmem:v42+s2+$0x0], $0xffff;
	v59 =	vbroadcast v19, $0x5;
	v21 =	vmul.f32 v21, v26  }
0x52: {  	v54 =	vor.u32 v0, v52;
	v46 =	vld.idx.msk [tilespmem:v46+s2+$0x0], $0xffff;
	v23 =	vmul.f32 v23, v26;
	v22 =	vmul.f32 v22, v26  }
0x53: {  	v50 =	vor.u32 v0, v62;
	v48 =	vld.idx.msk [tilespmem:v48+s2+$0x0], $0xffff;
	v25 =	vmul.f32 v25, v26;
	v27 =	vmul.f32 v27, v26  }
0x54: {  	v55 =	vadd.s32 v1, v52;
	v24 =	vld [tilespmem:$0xA040];
	v26 =	vmul.f32 v32, v26;
	v29 =	vmul.f32 v29, v33  }
0x55: {  	v52 =	vadd.s32 v2, v52;
	v51 =	vld.idx.msk [tilespmem:v51+s2+$0x0], $0xffff;
	v30 =	vmul.f32 v30, v33;
	v28 =	vmul.f32 v28, v33  }
0x56: {  	v5 =	vadd.s32 v1, v4;
	v45 =	vld.idx.msk [tilespmem:v45+s2+$0x0], $0xffff;
	v37 =	vmul.f32 v37, v33;
	v34 =	vmul.f32 v34, v33  }
0x57: {  	v57 =	vor.u32 v0, v56;
	v54 =	vld.idx.msk [tilespmem:v54+s2+$0x0], $0xffff;
	v31 =	vmul.f32 v31, v33;
	v33 =	vmul.f32 v36, v40  }
0x58: {  	v53 =	vld.idx.msk [tilespmem:v61+s2+$0x0], $0xffff;
	v58 =	vadd.s32 v1, v56;
	v35 =	vmul.f32 v35, v40;
	v39 =	vmul.f32 v39, v40  }
0x59: {  	v55 =	vld.idx.msk [tilespmem:v55+s2+$0x0], $0xffff;
	v56 =	vadd.s32 v2, v56;
	v41 =	vmul.f32 v41, v40;
	v44 =	vmul.f32 v44, v47  }
0x5a: {  	v50 =	vld.idx.msk [tilespmem:v50+s2+$0x0], $0xffff;
	v61 =	vor.u32 v0, v59;
	v42 =	vmul.f32 v42, v47;
	v46 =	vmul.f32 v46, v47  }
0x5b: {  	v52 =	vld.idx.msk [tilespmem:v52+s2+$0x0], $0xffff;
	v62 =	vadd.s32 v1, v59;
	v48 =	vmul.f32 v48, v47;
	v51 =	vmul.f32 v51, v24  }
0x5c: {  	v5 =	vld.idx.msk [tilespmem:v5+s2+$0x0], $0xffff;
	v45 =	vmul.f32 v45, v24;
	v54 =	vmul.f32 v54, v24;
	v60 =	vadd.f32 $0.0e+00, v21  }
0x5d: {  	v57 =	vld.idx.msk [tilespmem:v57+s2+$0x0], $0xffff;
	v63 =	vadd.f32 $0.0e+00, v22;
	v22 =	vadd.s32 v2, v59;
	v59 =	vbroadcast v20, $0x6  }
0x5e: {  	v58 =	vld.idx.msk [tilespmem:v58+s2+$0x0], $0xffff;
	v55 =	vmul.f32 v55, v24;
	v23 =	vadd.f32 $0.0e+00, v23;
	v25 =	vadd.f32 $0.0e+00, v25  }
0x5f: {  	v32 =	vld.idx.msk [tilespmem:v56+s2+$0x0], $0xffff;
	v27 =	vadd.f32 $0.0e+00, v27;
	v26 =	vadd.f32 $0.0e+00, v26;
	v56 =	vor.u32 v0, v59  }
0x60: {  	v21 =	vld [tilespmem:$0xA050];
	v3 =	vadd.s32 v1, v59;
	v29 =	vadd.f32 v29, v60;
	v59 =	vadd.s32 v2, v59  }
0x61: {  	v61 =	vld.idx.msk [tilespmem:v61+s2+$0x0], $0xffff;
	v23 =	vadd.f32 v30, v23;
	v25 =	vadd.f32 v37, v25;
	v37 =	vmul.f32 v43, v40  }
0x62: {  	v60 =	vld.idx.msk [tilespmem:v62+s2+$0x0], $0xffff;
	v62 =	vor.u32 v0, v4;
	v28 =	vadd.f32 v28, v63;
	v4 =	vadd.s32 v2, v4  }
0x63: {  	v63 =	vbroadcast v20, $0x7;
	v29 =	vadd.f32 v33, v29;
	v33 =	vadd.f32 v37, v23;
	v23 =	vld [tilespmem:$0xA070]  }
0x64: {  	v26 =	vadd.f32 v31, v26;
	v39 =	vadd.f32 v39, v25;
	v25 =	vmul.f32 v38, v40;
	v30 =	vld.idx.msk [tilespmem:v22+s2+$0x0], $0xffff  }
0x65: {  	v27 =	vadd.f32 v34, v27;
	v36 =	vor.u32 v0, v63;
	v31 =	vadd.s32 v2, v63;
	v22 =	vld [tilespmem:$0xA060]  }
0x66: {  	v28 =	vadd.f32 v35, v28;
	v38 =	vmul.f32 v49, v47;
	v26 =	vadd.f32 v25, v26;
	v25 =	vld [tilespmem:$0xA080]  }
0x67: {  	v27 =	vadd.f32 v41, v27;
	v47 =	vmul.f32 v53, v47;
	v32 =	vmul.f32 v32, v21;
	v56 =	vld.idx.msk [tilespmem:v56+s2+$0x0], $0xffff  }
0x68: {  	v61 =	vmul.f32 v61, v21;
	v29 =	vadd.f32 v38, v29;
	v33 =	vadd.f32 v44, v33;
	v3 =	vld.idx.msk [tilespmem:v3+s2+$0x0], $0xffff  }
0x69: {  	v28 =	vadd.f32 v42, v28;
	v27 =	vadd.f32 v48, v27;
	v48 =	vmul.f32 v50, v24;
	v34 =	vld.idx.msk [tilespmem:v59+s2+$0x0], $0xffff  }
0x6a: {  	v39 =	vadd.f32 v46, v39;
	v24 =	vmul.f32 v52, v24;
	v43 =	vld.idx.msk [tilespmem:v62+s2+$0x0], $0xffff;
	v59 =	vadd.s32 v1, v63  }
0x6b: {  	v62 =	vbroadcast v19, $0x7;
	v4 =	vld.idx.msk [tilespmem:v4+s2+$0x0], $0xffff;
	v47 =	vadd.f32 v47, v26;
	v29 =	vadd.f32 v48, v29  }
0x6c: {  	v60 =	vmul.f32 v60, v21;
	v26 =	vld [tilespmem:$0xA090];
	v39 =	vadd.f32 v54, v39;
	v54 =	vadd.f32 v55, v27  }
0x6d: {  	v27 =	vmul.f32 v57, v21;
	v57 =	vmul.f32 v58, v21;
	v37 =	vor.u32 v0, v62;
	v35 =	vld.idx.msk [tilespmem:v36+s2+$0x0], $0xffff  }
0x6e: {  	v63 =	vadd.s32 v1, v62;
	v36 =	vadd.s32 v2, v62;
	v62 =	vbroadcast v20, $0x8;
	v31 =	vld.idx.msk [tilespmem:v31+s2+$0x0], $0xffff  }
0x6f: {  	v24 =	vadd.f32 v24, v47;
	v29 =	vadd.f32 v27, v29;
	v27 =	vld [tilespmem:$0xA0A0];
	v21 =	vmul.f32 v30, v21  }
0x70: {  	v33 =	vadd.f32 v51, v33;
	v40 =	vor.u32 v0, v62;
	v41 =	vld.idx.msk [tilespmem:v59+s2+$0x0], $0xffff;
	v59 =	vbroadcast v19, $0x8  }
0x71: {  	v5 =	vmul.f32 v5, v22;
	v49 =	vadd.s32 v1, v62;
	v24 =	vadd.f32 v21, v24;
	v21 =	vld [tilespmem:$0xA0B0]  }
0x72: {  	v62 =	vadd.s32 v2, v62;
	v30 =	vmul.f32 v56, v22;
	v37 =	vld.idx.msk [tilespmem:v37+s2+$0x0], $0xffff;
	v44 =	vor.u32 v0, v59  }
0x73: {  	v38 =	vld.idx.msk [tilespmem:v63+s2+$0x0], $0xffff;
	v63 =	vadd.s32 v1, v59;
	v42 =	vadd.s32 v2, v59;
	v59 =	vbroadcast v20, $0x9  }
0x74: {  	v33 =	vadd.f32 v57, v33;
	v3 =	vmul.f32 v3, v22;
	v43 =	vmul.f32 v43, v22;
	v36 =	vld.idx.msk [tilespmem:v36+s2+$0x0], $0xffff  }
0x75: {  	v4 =	vmul.f32 v4, v22;
	v29 =	vadd.f32 v30, v29;
	v40 =	vld.idx.msk [tilespmem:v40+s2+$0x0], $0xffff;
	v50 =	vor.u32 v0, v59  }
0x76: {  	v3 =	vadd.f32 v3, v33;
	v33 =	vmul.f32 v34, v22;
	v22 =	vmul.f32 v35, v23;
	v46 =	vld.idx.msk [tilespmem:v49+s2+$0x0], $0xffff  }
0x77: {  	v49 =	vld.idx.msk [tilespmem:v62+s2+$0x0], $0xffff;
	v62 =	vbroadcast v19, $0x9  }
0x78: {  	v4 =	vadd.f32 v4, v24;
	v53 =	vadd.s32 v1, v59;
	v24 =	vadd.f32 v22, v29;
	v22 =	vld [tilespmem:$0xA0C0]  }
0x79: {  	v28 =	vadd.f32 v45, v28;
	v59 =	vadd.s32 v2, v59;
	v51 =	vor.u32 v0, v62;
	v48 =	vld.idx.msk [tilespmem:v63+s2+$0x0], $0xffff  }
0x7a: {  	v63 =	vadd.s32 v1, v62;
	v45 =	vld.idx.msk [tilespmem:v50+s2+$0x0], $0xffff;
	v50 =	vadd.s32 v2, v62;
	v62 =	vbroadcast v20, $0xA  }
0x7b: {  	v31 =	vmul.f32 v31, v23;
	v44 =	vld.idx.msk [tilespmem:v44+s2+$0x0], $0xffff  }
0x7c: {  	v41 =	vmul.f32 v41, v23;
	v42 =	vld.idx.msk [tilespmem:v42+s2+$0x0], $0xffff;
	v37 =	vmul.f32 v37, v23;
	v55 =	vor.u32 v0, v62  }
0x7d: {  	v38 =	vmul.f32 v38, v23;
	v23 =	vmul.f32 v36, v23;
	v53 =	vld.idx.msk [tilespmem:v53+s2+$0x0], $0xffff  }
0x7e: {  	v52 =	vld.idx.msk [tilespmem:v59+s2+$0x0], $0xffff;
	v59 =	vbroadcast v19, $0xA  }
0x7f: {  	v4 =	vadd.f32 v23, v4;
	v23 =	vld [tilespmem:$0xA0D0];
	v58 =	vadd.s32 v1, v62  }
0x80: {  	v28 =	vadd.f32 v32, v28;
	v62 =	vadd.s32 v2, v62;
	v57 =	vor.u32 v0, v59;
	v47 =	vld.idx.msk [tilespmem:v63+s2+$0x0], $0xffff  }
0x81: {  	v63 =	vadd.s32 v1, v59;
	v32 =	vld.idx.msk [tilespmem:v55+s2+$0x0], $0xffff;
	v55 =	vadd.s32 v2, v59;
	v59 =	vbroadcast v20, $0xB  }
0x82: {  	v51 =	vld.idx.msk [tilespmem:v51+s2+$0x0], $0xffff  }
0x83: {  	v54 =	vadd.f32 v60, v54;
	v50 =	vld.idx.msk [tilespmem:v50+s2+$0x0], $0xffff;
	v60 =	vor.u32 v0, v59  }
0x84: {  	v58 =	vld.idx.msk [tilespmem:v58+s2+$0x0], $0xffff  }
0x85: {  	v39 =	vadd.f32 v61, v39;
	v56 =	vld.idx.msk [tilespmem:v62+s2+$0x0], $0xffff;
	v62 =	vbroadcast v19, $0xB;
	v61 =	vadd.s32 v1, v59  }
0x86: {  	v30 =	vld.idx.msk [tilespmem:v63+s2+$0x0], $0xffff;
	v59 =	vadd.s32 v2, v59  }
0x87: {  	v28 =	vadd.f32 v33, v28;
	v63 =	vadd.s32 v1, v62;
	v34 =	vld.idx.msk [tilespmem:v55+s2+$0x0], $0xffff  }
0x88: {  	v55 =	vor.u32 v0, v62;
	v33 =	vld.idx.msk [tilespmem:v60+s2+$0x0], $0xffff;
	v60 =	vadd.s32 v2, v62;
	v62 =	vbroadcast v20, $0xC  }
0x89: {  	v57 =	vld.idx.msk [tilespmem:v57+s2+$0x0], $0xffff  }
0x8a: {  	v5 =	vadd.f32 v5, v54;
	v39 =	vadd.f32 v43, v39;
	v43 =	vld.idx.msk [tilespmem:v61+s2+$0x0], $0xffff;
	v54 =	vor.u32 v0, v62  }
0x8b: {  	v35 =	vld.idx.msk [tilespmem:v59+s2+$0x0], $0xffff;
	v61 =	vbroadcast v19, $0xC;
	v59 =	vadd.s32 v1, v62;
	v62 =	vadd.s32 v2, v62  }
0x8c: {  	v28 =	vadd.f32 v31, v28;
	v29 =	vld.idx.msk [tilespmem:v63+s2+$0x0], $0xffff  }
0x8d: {  	v3 =	vadd.f32 v41, v3;
	v37 =	vadd.f32 v37, v39;
	v63 =	vadd.s32 v1, v61;
	v55 =	vld.idx.msk [tilespmem:v55+s2+$0x0], $0xffff  }
0x8e: {  	v5 =	vadd.f32 v38, v5;
	v38 =	vmul.f32 v40, v25;
	v41 =	vld.idx.msk [tilespmem:v60+s2+$0x0], $0xffff;
	v60 =	vor.u32 v0, v61  }
0x8f: {  	v39 =	vmul.f32 v46, v25;
	v31 =	vld.idx.msk [tilespmem:v54+s2+$0x0], $0xffff;
	v54 =	vadd.s32 v2, v61;
	v61 =	vbroadcast v20, $0xD  }
0x90: {  	v49 =	vmul.f32 v49, v25;
	v24 =	vadd.f32 v38, v24;
	v40 =	vld.idx.msk [tilespmem:v62+s2+$0x0], $0xffff;
	v62 =	vbroadcast v19, $0xD  }
0x91: {  	v44 =	vmul.f32 v44, v25;
	v48 =	vmul.f32 v48, v25;
	v36 =	vld.idx.msk [tilespmem:v59+s2+$0x0], $0xffff;
	v46 =	vor.u32 v0, v61  }
0x92: {  	v28 =	vadd.f32 v49, v28;
	v38 =	vld.idx.msk [tilespmem:v63+s2+$0x0], $0xffff;
	v63 =	vmul.f32 v45, v26;
	v49 =	vor.u32 v0, v62  }
0x93: {  	v37 =	vadd.f32 v44, v37;
	v5 =	vadd.f32 v48, v5;
	v59 =	vld.idx.msk [tilespmem:v60+s2+$0x0], $0xffff;
	v60 =	vadd.s32 v1, v61  }
0x94: {  	v47 =	vmul.f32 v47, v26;
	v44 =	vadd.f32 v63, v24;
	v24 =	vld [tilespmem:$0xA0E0];
	v61 =	vadd.s32 v2, v61  }
0x95: {  	v3 =	vadd.f32 v39, v3;
	v25 =	vmul.f32 v42, v25;
	v39 =	vld.idx.msk [tilespmem:v54+s2+$0x0], $0xffff;
	v54 =	vadd.s32 v1, v62  }
0x96: {  	v5 =	vadd.f32 v47, v5;
	v30 =	vmul.f32 v30, v27;
	v63 =	vmul.f32 v52, v26;
	v42 =	vld.idx.msk [tilespmem:v46+s2+$0x0], $0xffff  }
0x97: {  	v4 =	vadd.f32 v25, v4;
	v46 =	vadd.s32 v2, v62;
	v62 =	vbroadcast v20, $0xE;
	v49 =	vld.idx.msk [tilespmem:v49+s2+$0x0], $0xffff  }
0x98: {  	v5 =	vadd.f32 v30, v5;
	v28 =	vadd.f32 v63, v28;
	v45 =	vld.idx.msk [tilespmem:v60+s2+$0x0], $0xffff;
	v60 =	vmul.f32 v53, v26  }
0x99: {  	v20 =	vbroadcast v20, $0xF;
	v48 =	vld.idx.msk [tilespmem:v61+s2+$0x0], $0xffff;
	v61 =	vbroadcast v19, $0xE;
	v53 =	vor.u32 v0, v62  }
0x9a: {  	v52 =	vadd.s32 v1, v62;
	v3 =	vadd.f32 v60, v3;
	v60 =	vmul.f32 v51, v26;
	v51 =	vld.idx.msk [tilespmem:v54+s2+$0x0], $0xffff  }
0x9b: {  	v26 =	vmul.f32 v50, v26;
	v50 =	vadd.s32 v2, v62;
	v62 =	vmul.f32 v32, v27;
	v54 =	vld [tilespmem:s17+$0xFFFFFFD0]  }
0x9c: {  	v30 =	vadd.s32 v2, v20;
	v46 =	vld.idx.msk [tilespmem:v46+s2+$0x0], $0xffff;
	v25 =	vadd.f32 v60, v37;
	v37 =	vor.u32 v0, v61  }
0x9d: {  	v4 =	vadd.f32 v26, v4;
	v26 =	vadd.f32 v62, v44;
	v62 =	vmul.f32 v57, v27;
	v57 =	vld [tilespmem:$0xA120]  }
0x9e: {  	v60 =	vmul.f32 v56, v27;
	v56 =	vadd.s32 v1, v61;
	v61 =	vadd.s32 v2, v61;
	v32 =	vld.idx.msk [tilespmem:v53+s2+$0x0], $0xffff  }
0x9f: {  	v43 =	vmul.f32 v43, v21;
	v63 =	vmul.f32 v58, v27;
	v52 =	vld.idx.msk [tilespmem:v52+s2+$0x0], $0xffff  }
0xa0: {  	v35 =	vmul.f32 v35, v21;
	v29 =	vmul.f32 v29, v21;
	v28 =	vadd.f32 v60, v28;
	v60 =	vld [tilespmem:s17+$0x10]  }
0xa1: {  	v47 =	vadd.s32 v1, v20;
	v3 =	vadd.f32 v63, v3;
	v63 =	vbroadcast v19, $0xF;
	v30 =	vld.idx.msk [tilespmem:v30+s2+$0x0], $0xffff  }
0xa2: {  	v5 =	vadd.f32 v29, v5;
	v36 =	vmul.f32 v36, v22;
	v27 =	vmul.f32 v34, v27;
	v34 =	vld.idx.msk [tilespmem:v37+s2+$0x0], $0xffff  }
0xa3: {  	v37 =	vor.u32 v0, v20;
	v20 =	vmul.f32 v33, v21;
	v33 =	vld.idx.msk [tilespmem:v61+s2+$0x0], $0xffff;
	v61 =	vor.u32 v0, v63  }
0xa4: {  	v40 =	vmul.f32 v40, v22;
	v25 =	vadd.f32 v62, v25;
	v50 =	vld.idx.msk [tilespmem:v50+s2+$0x0], $0xffff;
	v19 =	vmul.u32 $0x30, v54  }
0xa5: {  	v62 =	vadd.s32 v1, v63;
	v53 =	vadd.s32 v2, v63;
	v54 =	vld [tilespmem:$0xA0F0];
	v28 =	vadd.f32 v35, v28  }
0xa6: {  	v35 =	vld.idx.msk [tilespmem:v47+s2+$0x0], $0xffff;
	v63 =	vbroadcast v19, $0x0;
	v26 =	vadd.f32 v20, v26;
	v20 =	vmul.u32 $0x30, v60  }
0xa7: {  	v4 =	vadd.f32 v27, v4;
	v3 =	vadd.f32 v43, v3;
	v27 =	vld.idx.msk [tilespmem:v56+s2+$0x0], $0xffff;
	v60 =	vmul.f32 v55, v21  }
0xa8: {  	v47 =	vor.u32 v0, v63;
	v21 =	vmul.f32 v41, v21;
	v41 =	vld.idx.msk [tilespmem:v61+s2+$0x0], $0xffff;
	v61 =	vbroadcast v20, $0x0  }
0xa9: {  	v45 =	vmul.f32 v45, v23;
	v3 =	vadd.f32 v36, v3;
	v56 =	vld [tilespmem:$0xA100];
	v44 =	vadd.s32 v1, v63  }
0xaa: {  	v38 =	vmul.f32 v38, v22;
	v29 =	vld.idx.msk [tilespmem:v62+s2+$0x0], $0xffff;
	v43 =	vadd.s32 v2, v63;
	v63 =	vor.u32 v0, v61  }
0xab: {  	v48 =	vmul.f32 v48, v23;
	v3 =	vadd.f32 v45, v3;
	v62 =	vmul.f32 v31, v22;
	v31 =	vld.idx.msk [tilespmem:v53+s2+$0x0], $0xffff  }
0xac: {  	v55 =	vld [tilespmem:$0xA110];
	v52 =	vmul.f32 v52, v24;
	v50 =	vmul.f32 v50, v24;
	v25 =	vadd.f32 v60, v25  }
0xad: {  	v4 =	vadd.f32 v21, v4;
	v21 =	vadd.f32 v62, v26;
	v60 =	vadd.s32 v1, v61;
	v26 =	vld.idx.msk [tilespmem:v47+s2+$0x0], $0xffff  }
0xae: {  	v62 =	vmul.f32 v59, v22;
	v47 =	vadd.s32 v2, v61;
	v61 =	vbroadcast v19, $0x1;
	v36 =	vld.idx.msk [tilespmem:v44+s2+$0x0], $0xffff  }
0xaf: {  	v28 =	vadd.f32 v40, v28;
	v22 =	vmul.f32 v39, v22;
	v39 =	vld.idx.msk [tilespmem:v63+s2+$0x0], $0xffff;
	v63 =	vbroadcast v20, $0x1  }
0xb0: {  	v30 =	vmul.f32 v30, v54;
	v3 =	vadd.f32 v52, v3;
	v52 =	vld [tilespmem:$0xA140];
	v44 =	vor.u32 v0, v61  }
0xb1: {  	v43 =	vld.idx.msk [tilespmem:v43+s2+$0x0], $0xffff;
	v53 =	vadd.s32 v1, v61;
	v40 =	vadd.s32 v2, v61;
	v61 =	vor.u32 v0, v63  }
0xb2: {  	v5 =	vadd.f32 v38, v5;
	v59 =	vmul.f32 v49, v23;
	v38 =	vld.idx.msk [tilespmem:v60+s2+$0x0], $0xffff;
	v60 =	vmul.f32 v42, v23  }
0xb3: {  	v37 =	vld.idx.msk [tilespmem:v37+s2+$0x0], $0xffff;
	v25 =	vadd.f32 v62, v25;
	v4 =	vadd.f32 v22, v4;
	v62 =	vadd.s32 v1, v63  }
0xb4: {  	v42 =	vld.idx.msk [tilespmem:v47+s2+$0x0], $0xffff;
	v26 =	vmul.f32 v26, v56;
	v36 =	vmul.f32 v36, v56;
	v21 =	vadd.f32 v60, v21  }
0xb5: {  	v22 =	vld.idx.msk [tilespmem:v44+s2+$0x0], $0xffff;
	v44 =	vadd.s32 v2, v63;
	v63 =	vbroadcast v19, $0x2;
	v60 =	vmul.f32 v51, v23  }
0xb6: {  	v28 =	vadd.f32 v48, v28;
	v23 =	vmul.f32 v46, v23;
	v46 =	vld.idx.msk [tilespmem:v61+s2+$0x0], $0xffff;
	v61 =	vbroadcast v20, $0x2  }
0xb7: {  	v43 =	vmul.f32 v43, v56;
	v45 =	vld.idx.msk [tilespmem:v53+s2+$0x0], $0xffff;
	v51 =	vor.u32 v0, v63;
	v47 =	vadd.s32 v1, v63  }
0xb8: {  	v49 =	vadd.s32 v2, v63;
	v48 =	vld.idx.msk [tilespmem:v62+s2+$0x0], $0xffff;
	v62 =	vmul.f32 v32, v24;
	v63 =	vor.u32 v0, v61  }
0xb9: {  	v40 =	vld.idx.msk [tilespmem:v40+s2+$0x0], $0xffff;
	v5 =	vadd.f32 v60, v5;
	v39 =	vmul.f32 v39, v56;
	v60 =	vadd.s32 v1, v61  }
0xba: {  	v53 =	vld [tilespmem:$0xA130];
	v21 =	vadd.f32 v62, v21;
	v61 =	vadd.s32 v2, v61;
	v62 =	vbroadcast v19, $0x3  }
0xbb: {  	v28 =	vadd.f32 v50, v28;
	v38 =	vmul.f32 v38, v56;
	v42 =	vmul.f32 v42, v56;
	v56 =	vld [tilespmem:$0xA160]  }
0xbc: {  	v34 =	vmul.f32 v34, v24;
	v27 =	vmul.f32 v27, v24;
	v32 =	vld.idx.msk [tilespmem:v44+s2+$0x0], $0xffff;
	v50 =	vor.u32 v0, v62  }
0xbd: {  	v24 =	vmul.f32 v33, v24;
	v33 =	vld.idx.msk [tilespmem:v63+s2+$0x0], $0xffff;
	v63 =	vbroadcast v20, $0x3  }
0xbe: {  	v25 =	vadd.f32 v59, v25;
	v5 =	vadd.f32 v27, v5;
	v44 =	vadd.s32 v1, v62;
	v27 =	vld.idx.msk [tilespmem:v60+s2+$0x0], $0xffff  }
0xbf: {  	v4 =	vadd.f32 v23, v4;
	v60 =	vmul.f32 v37, v54;
	v37 =	vld.idx.msk [tilespmem:v61+s2+$0x0], $0xffff;
	v61 =	vor.u32 v0, v63  }
0xc0: {  	v25 =	vadd.f32 v34, v25;
	v23 =	vld.idx.msk [tilespmem:v51+s2+$0x0], $0xffff;
	v34 =	vadd.s32 v2, v62;
	v62 =	vadd.s32 v1, v63  }
0xc1: {  	v4 =	vadd.f32 v24, v4;
	v24 =	vld.idx.msk [tilespmem:v50+s2+$0x0], $0xffff;
	v50 =	vadd.s32 v2, v63;
	v63 =	vbroadcast v19, $0x4  }
0xc2: {  	v28 =	vadd.f32 v30, v28;
	v47 =	vld.idx.msk [tilespmem:v47+s2+$0x0], $0xffff  }
0xc3: {  	v29 =	vmul.f32 v29, v54;
	v21 =	vadd.f32 v60, v21;
	v30 =	vld.idx.msk [tilespmem:v44+s2+$0x0], $0xffff;
	v60 =	vor.u32 v0, v63  }
0xc4: {  	v35 =	vmul.f32 v35, v54;
	v44 =	vld.idx.msk [tilespmem:v61+s2+$0x0], $0xffff;
	v61 =	vbroadcast v20, $0x4  }
0xc5: {  	v59 =	vmul.f32 v41, v54;
	v5 =	vadd.f32 v29, v5;
	v29 =	vld.idx.msk [tilespmem:v62+s2+$0x0], $0xffff;
	v62 =	vadd.s32 v2, v63  }
0xc6: {  	v3 =	vadd.f32 v35, v3;
	v49 =	vld.idx.msk [tilespmem:v49+s2+$0x0], $0xffff;
	v51 =	vadd.s32 v1, v63;
	v63 =	vor.u32 v0, v61  }
0xc7: {  	v31 =	vmul.f32 v31, v54;
	v25 =	vadd.f32 v59, v25;
	v54 =	vld [tilespmem:$0xA150]  }
0xc8: {  	v3 =	vadd.f32 v36, v3;
	v21 =	vadd.f32 v26, v21;
	v26 =	vld.idx.msk [tilespmem:v60+s2+$0x0], $0xffff;
	v60 =	vadd.s32 v2, v61  }
0xc9: {  	v4 =	vadd.f32 v31, v4;
	v31 =	vld.idx.msk [tilespmem:v50+s2+$0x0], $0xffff;
	v58 =	vadd.s32 v1, v61;
	v61 =	vbroadcast v19, $0x5  }
0xca: {  	v28 =	vadd.f32 v43, v28;
	v22 =	vmul.f32 v22, v55;
	v45 =	vmul.f32 v45, v55;
	v35 =	vld.idx.msk [tilespmem:v62+s2+$0x0], $0xffff  }
0xcb: {  	v40 =	vmul.f32 v40, v55;
	v62 =	vor.u32 v0, v61;
	v50 =	vld.idx.msk [tilespmem:v63+s2+$0x0], $0xffff;
	v63 =	vbroadcast v20, $0x5  }
0xcc: {  	v25 =	vadd.f32 v39, v25;
	v23 =	vmul.f32 v23, v57;
	v47 =	vmul.f32 v47, v57;
	v34 =	vld.idx.msk [tilespmem:v34+s2+$0x0], $0xffff  }
0xcd: {  	v49 =	vmul.f32 v49, v57;
	v33 =	vmul.f32 v33, v57;
	v41 =	vld.idx.msk [tilespmem:v60+s2+$0x0], $0xffff;
	v60 =	vor.u32 v0, v63  }
0xce: {  	v36 =	vld.idx.msk [tilespmem:v51+s2+$0x0], $0xffff;
	v51 =	vadd.s32 v1, v61;
	v39 =	vadd.s32 v2, v61;
	v61 =	vadd.s32 v1, v63  }
0xcf: {  	v3 =	vadd.f32 v45, v3;
	v27 =	vmul.f32 v27, v57;
	v37 =	vmul.f32 v37, v57;
	v57 =	vld [tilespmem:$0xA180]  }
0xd0: {  	v28 =	vadd.f32 v40, v28;
	v21 =	vadd.f32 v22, v21;
	v22 =	vld.idx.msk [tilespmem:v62+s2+$0x0], $0xffff;
	v62 =	vbroadcast v19, $0x6  }
0xd1: {  	v5 =	vadd.f32 v38, v5;
	v59 =	vmul.f32 v48, v55;
	v38 =	vld.idx.msk [tilespmem:v58+s2+$0x0], $0xffff;
	v43 =	vadd.s32 v2, v63  }
0xd2: {  	v4 =	vadd.f32 v42, v4;
	v48 =	vor.u32 v0, v62;
	v42 =	vld.idx.msk [tilespmem:v60+s2+$0x0], $0xffff;
	v60 =	vbroadcast v20, $0x6  }
0xd3: {  	v32 =	vmul.f32 v32, v55;
	v63 =	vmul.f32 v46, v55;
	v45 =	vld.idx.msk [tilespmem:v61+s2+$0x0], $0xffff;
	v61 =	vadd.s32 v2, v62  }
0xd4: {  	v5 =	vadd.f32 v59, v5;
	v40 =	vld.idx.msk [tilespmem:v51+s2+$0x0], $0xffff;
	v51 =	vadd.s32 v1, v62;
	v62 =	vor.u32 v0, v60  }
0xd5: {  	v4 =	vadd.f32 v32, v4;
	v39 =	vld.idx.msk [tilespmem:v39+s2+$0x0], $0xffff;
	v25 =	vadd.f32 v63, v25;
	v63 =	vadd.s32 v1, v60  }
0xd6: {  	v3 =	vadd.f32 v47, v3;
	v28 =	vadd.f32 v49, v28;
	v32 =	vld.idx.msk [tilespmem:v43+s2+$0x0], $0xffff  }
0xd7: {  	v21 =	vadd.f32 v23, v21;
	v23 =	vld.idx.msk [tilespmem:v48+s2+$0x0], $0xffff;
	v48 =	vadd.s32 v2, v60;
	v60 =	vbroadcast v19, $0x7  }
0xd8: {  	v5 =	vadd.f32 v27, v5;
	v4 =	vadd.f32 v37, v4;
	v46 =	vld.idx.msk [tilespmem:v61+s2+$0x0], $0xffff  }
0xd9: {  	v24 =	vmul.f32 v24, v53;
	v61 =	vor.u32 v0, v60;
	v43 =	vld.idx.msk [tilespmem:v62+s2+$0x0], $0xffff;
	v62 =	vbroadcast v20, $0x7  }
0xda: {  	v30 =	vmul.f32 v30, v53;
	v34 =	vmul.f32 v34, v53;
	v27 =	vld.idx.msk [tilespmem:v63+s2+$0x0], $0xffff;
	v63 =	vadd.s32 v2, v60  }
0xdb: {  	v29 =	vmul.f32 v29, v53;
	v47 =	vld.idx.msk [tilespmem:v51+s2+$0x0], $0xffff;
	v51 =	vadd.s32 v1, v60;
	v60 =	vor.u32 v0, v62  }
0xdc: {  	v3 =	vadd.f32 v30, v3;
	v31 =	vmul.f32 v31, v53;
	v26 =	vmul.f32 v26, v52;
	v55 =	vld [tilespmem:$0xA170]  }
0xdd: {  	v28 =	vadd.f32 v34, v28;
	v36 =	vmul.f32 v36, v52;
	v35 =	vmul.f32 v35, v52;
	v37 =	vld.idx.msk [tilespmem:v48+s2+$0x0], $0xffff  }
0xde: {  	v21 =	vadd.f32 v24, v21;
	v59 =	vmul.f32 v50, v52;
	v24 =	vld.idx.msk [tilespmem:v61+s2+$0x0], $0xffff;
	v61 =	vbroadcast v19, $0x8  }
0xdf: {  	v25 =	vadd.f32 v33, v25;
	v58 =	vadd.s32 v1, v62;
	v49 =	vadd.s32 v2, v62;
	v33 =	vld.idx.msk [tilespmem:v63+s2+$0x0], $0xffff  }
0xe0: {  	v62 =	vmul.f32 v44, v53;
	v63 =	vor.u32 v0, v61;
	v48 =	vld.idx.msk [tilespmem:v60+s2+$0x0], $0xffff;
	v60 =	vbroadcast v20, $0x8  }
0xe1: {  	v5 =	vadd.f32 v29, v5;
	v38 =	vmul.f32 v38, v52;
	v41 =	vmul.f32 v41, v52;
	v52 =	vld [tilespmem:$0xA1A0]  }
0xe2: {  	v4 =	vadd.f32 v31, v4;
	v53 =	vld [tilespmem:$0xA190];
	v25 =	vadd.f32 v62, v25;
	v62 =	vor.u32 v0, v60  }
0xe3: {  	v21 =	vadd.f32 v26, v21;
	v30 =	vld.idx.msk [tilespmem:v51+s2+$0x0], $0xffff;
	v51 =	vadd.s32 v1, v61;
	v61 =	vadd.s32 v2, v61  }
0xe4: {  	v28 =	vadd.f32 v35, v28;
	v5 =	vadd.f32 v38, v5;
	v29 =	vld.idx.msk [tilespmem:v58+s2+$0x0], $0xffff  }
0xe5: {  	v39 =	vmul.f32 v39, v54;
	v58 =	vadd.s32 v1, v60;
	v26 =	vld.idx.msk [tilespmem:v63+s2+$0x0], $0xffff;
	v63 =	vbroadcast v19, $0x9  }
0xe6: {  	v23 =	vmul.f32 v23, v56;
	v47 =	vmul.f32 v47, v56;
	v31 =	vld.idx.msk [tilespmem:v49+s2+$0x0], $0xffff;
	v44 =	vadd.s32 v2, v60  }
0xe7: {  	v46 =	vmul.f32 v46, v56;
	v60 =	vor.u32 v0, v63;
	v49 =	vld.idx.msk [tilespmem:v62+s2+$0x0], $0xffff;
	v62 =	vbroadcast v20, $0x9  }
0xe8: {  	v43 =	vmul.f32 v43, v56;
	v27 =	vmul.f32 v27, v56;
	v34 =	vld.idx.msk [tilespmem:v61+s2+$0x0], $0xffff;
	v61 =	vadd.s32 v1, v63  }
0xe9: {  	v37 =	vmul.f32 v37, v56;
	v56 =	vld [tilespmem:$0xA1C0];
	v38 =	vadd.s32 v2, v63;
	v63 =	vor.u32 v0, v62  }
0xea: {  	v3 =	vadd.f32 v36, v3;
	v22 =	vmul.f32 v22, v54;
	v36 =	vld.idx.msk [tilespmem:v58+s2+$0x0], $0xffff  }
0xeb: {  	v4 =	vadd.f32 v41, v4;
	v28 =	vadd.f32 v39, v28;
	v41 =	vld.idx.msk [tilespmem:v44+s2+$0x0], $0xffff  }
0xec: {  	v21 =	vadd.f32 v22, v21;
	v25 =	vadd.f32 v59, v25;
	v22 =	vld.idx.msk [tilespmem:v60+s2+$0x0], $0xffff;
	v60 =	vbroadcast v19, $0xA  }
0xed: {  	v58 =	vadd.s32 v1, v62;
	v59 =	vadd.s32 v2, v62;
	v62 =	vmul.f32 v45, v54;
	v39 =	vld.idx.msk [tilespmem:v61+s2+$0x0], $0xffff  }
0xee: {  	v61 =	vmul.f32 v42, v54;
	v45 =	vor.u32 v0, v60;
	v44 =	vld.idx.msk [tilespmem:v63+s2+$0x0], $0xffff;
	v63 =	vbroadcast v20, $0xA  }
0xef: {  	v40 =	vmul.f32 v40, v54;
	v35 =	vld.idx.msk [tilespmem:v51+s2+$0x0], $0xffff;
	v51 =	vadd.s32 v1, v60;
	v60 =	vadd.s32 v2, v60  }
0xf0: {  	v32 =	vmul.f32 v32, v54;
	v38 =	vld.idx.msk [tilespmem:v38+s2+$0x0], $0xffff;
	v25 =	vadd.f32 v61, v25;
	v61 =	vor.u32 v0, v63  }
0xf1: {  	v3 =	vadd.f32 v40, v3;
	v54 =	vld [tilespmem:$0xA1B0];
	v5 =	vadd.f32 v62, v5;
	v62 =	vadd.s32 v1, v63  }
0xf2: {  	v4 =	vadd.f32 v32, v4;
	v21 =	vadd.f32 v23, v21;
	v40 =	vld.idx.msk [tilespmem:v58+s2+$0x0], $0xffff  }
0xf3: {  	v3 =	vadd.f32 v47, v3;
	v23 =	vld.idx.msk [tilespmem:v45+s2+$0x0], $0xffff;
	v45 =	vadd.s32 v2, v63;
	v63 =	vbroadcast v19, $0xB  }
0xf4: {  	v28 =	vadd.f32 v46, v28;
	v24 =	vmul.f32 v24, v55;
	v30 =	vmul.f32 v30, v55;
	v42 =	vld.idx.msk [tilespmem:v60+s2+$0x0], $0xffff  }
0xf5: {  	v33 =	vmul.f32 v33, v55;
	v60 =	vor.u32 v0, v63;
	v50 =	vld.idx.msk [tilespmem:v61+s2+$0x0], $0xffff;
	v61 =	vbroadcast v20, $0xB  }
0xf6: {  	v21 =	vadd.f32 v24, v21;
	v5 =	vadd.f32 v27, v5;
	v27 =	vld.idx.msk [tilespmem:v62+s2+$0x0], $0xffff;
	v62 =	vadd.s32 v2, v63  }
0xf7: {  	v26 =	vmul.f32 v26, v57;
	v46 =	vld.idx.msk [tilespmem:v51+s2+$0x0], $0xffff;
	v51 =	vadd.s32 v1, v63;
	v63 =	vor.u32 v0, v61  }
0xf8: {  	v4 =	vadd.f32 v37, v4;
	v3 =	vadd.f32 v30, v3;
	v32 =	vld.idx.msk [tilespmem:v59+s2+$0x0], $0xffff  }
0xf9: {  	v28 =	vadd.f32 v33, v28;
	v21 =	vadd.f32 v26, v21;
	v22 =	vmul.f32 v22, v53;
	v37 =	vld.idx.msk [tilespmem:v45+s2+$0x0], $0xffff  }
0xfa: {  	v29 =	vmul.f32 v29, v55;
	v58 =	vadd.s32 v1, v61;
	v24 =	vld.idx.msk [tilespmem:v60+s2+$0x0], $0xffff;
	v60 =	vbroadcast v19, $0xC  }
0xfb: {  	v25 =	vadd.f32 v43, v25;
	v21 =	vadd.f32 v22, v21;
	v47 =	vadd.s32 v2, v61;
	v43 =	vld.idx.msk [tilespmem:v62+s2+$0x0], $0xffff  }
0xfc: {  	v23 =	vmul.f32 v23, v52;
	v62 =	vor.u32 v0, v60;
	v45 =	vld.idx.msk [tilespmem:v63+s2+$0x0], $0xffff;
	v63 =	vbroadcast v20, $0xC  }
0xfd: {  	v31 =	vmul.f32 v31, v55;
	v61 =	vmul.f32 v48, v55;
	v30 =	vld.idx.msk [tilespmem:v51+s2+$0x0], $0xffff;
	v51 =	vadd.s32 v1, v60  }
0xfe: {  	v21 =	vadd.f32 v23, v21;
	v23 =	vld [tilespmem:$0xA1E0];
	v33 =	vadd.s32 v2, v60;
	v60 =	vor.u32 v0, v63  }
0xff: {  	v5 =	vadd.f32 v29, v5;
	v25 =	vadd.f32 v61, v25;
	v29 =	vld.idx.msk [tilespmem:v58+s2+$0x0], $0xffff;
	v61 =	vadd.s32 v1, v63  }
0x100: {  	v4 =	vadd.f32 v31, v4;
	v35 =	vmul.f32 v35, v57;
	v31 =	vld.idx.msk [tilespmem:v47+s2+$0x0], $0xffff  }
0x101: {  	v34 =	vmul.f32 v34, v57;
	v48 =	vadd.s32 v2, v63;
	v26 =	vld.idx.msk [tilespmem:v62+s2+$0x0], $0xffff;
	v62 =	vbroadcast v19, $0xD  }
0x102: {  	v3 =	vadd.f32 v35, v3;
	v35 =	vld.idx.msk [tilespmem:v51+s2+$0x0], $0xffff  }
0x103: {  	v28 =	vadd.f32 v34, v28;
	v63 =	vmul.f32 v49, v57;
	v49 =	vor.u32 v0, v62;
	v47 =	vld.idx.msk [tilespmem:v60+s2+$0x0], $0xffff  }
0x104: {  	v41 =	vmul.f32 v41, v57;
	v60 =	vbroadcast v20, $0xD;
	v34 =	vld.idx.msk [tilespmem:v61+s2+$0x0], $0xffff;
	v61 =	vadd.s32 v2, v62  }
0x105: {  	v36 =	vmul.f32 v36, v57;
	v33 =	vld.idx.msk [tilespmem:v33+s2+$0x0], $0xffff;
	v51 =	vadd.s32 v1, v62  }
0x106: {  	v4 =	vadd.f32 v41, v4;
	v25 =	vadd.f32 v63, v25;
	v22 =	vld.idx.msk [tilespmem:v48+s2+$0x0], $0xffff;
	v63 =	vadd.s32 v1, v60  }
0x107: {  	v39 =	vmul.f32 v39, v53;
	v58 =	vbroadcast v19, $0xE;
	v48 =	vld [tilespmem:$0xA1D0];
	v62 =	vor.u32 v0, v60  }
0x108: {  	v38 =	vmul.f32 v38, v53;
	v44 =	vmul.f32 v44, v53;
	v57 =	vadd.s32 v2, v60;
	v49 =	vld.idx.msk [tilespmem:v49+s2+$0x0], $0xffff  }
0x109: {  	v5 =	vadd.f32 v36, v5;
	v3 =	vadd.f32 v39, v3;
	v36 =	vld.idx.msk [tilespmem:v61+s2+$0x0], $0xffff;
	v61 =	vadd.s32 v1, v58  }
0x10a: {  	v28 =	vadd.f32 v38, v28;
	v32 =	vmul.f32 v32, v53;
	v25 =	vadd.f32 v44, v25;
	v39 =	vld.idx.msk [tilespmem:v51+s2+$0x0], $0xffff  }
0x10b: {  	v60 =	vmul.f32 v40, v53;
	v40 =	vor.u32 v0, v58;
	v44 =	vld.idx.msk [tilespmem:v63+s2+$0x0], $0xffff;
	v63 =	vbroadcast v20, $0xE  }
0x10c: {  	v42 =	vmul.f32 v42, v52;
	v50 =	vmul.f32 v50, v52;
	v59 =	vadd.s32 v2, v58;
	v38 =	vld.idx.msk [tilespmem:v62+s2+$0x0], $0xffff  }
0x10d: {  	v5 =	vadd.f32 v60, v5;
	v62 =	vmul.f32 v46, v52;
	v51 =	vld.idx.msk [tilespmem:v57+s2+$0x0], $0xffff;
	v60 =	vor.u32 v0, v63  }
0x10e: {  	v4 =	vadd.f32 v32, v4;
	v37 =	vmul.f32 v37, v52;
	v24 =	vmul.f32 v24, v54;
	v41 =	vld.idx.msk [tilespmem:v61+s2+$0x0], $0xffff  }
0x10f: {  	v3 =	vadd.f32 v62, v3;
	v62 =	vadd.s32 v2, v63;
	v61 =	vadd.s32 v1, v63;
	v63 =	vld [tilespmem:s17+$0xFFFFFFE0]  }
0x110: {  	v28 =	vadd.f32 v42, v28;
	v27 =	vmul.f32 v27, v52;
	v19 =	vbroadcast v19, $0xF;
	v40 =	vld.idx.msk [tilespmem:v40+s2+$0x0], $0xffff  }
0x111: {  	v4 =	vadd.f32 v37, v4;
	v21 =	vadd.f32 v24, v21;
	v52 =	vmul.f32 v30, v54;
	v30 =	vld.idx.msk [tilespmem:v59+s2+$0x0], $0xffff  }
0x112: {  	v55 =	vmul.f32 v43, v54;
	v29 =	vmul.f32 v29, v54;
	v58 =	vor.u32 v0, v19;
	v32 =	vld.idx.msk [tilespmem:v60+s2+$0x0], $0xffff  }
0x113: {  	v25 =	vadd.f32 v50, v25;
	v57 =	vmul.f32 v45, v54;
	v20 =	vbroadcast v20, $0xF;
	v60 =	vld [tilespmem:s17+$0x20]  }
0x114: {  	v59 =	vadd.s32 v1, v19;
	v37 =	vld.idx.msk [tilespmem:v61+s2+$0x0], $0xffff;
	v61 =	vadd.s32 v2, v19;
	v19 =	vmul.u32 $0x30, v63  }
0x115: {  	v31 =	vmul.f32 v31, v54;
	v5 =	vadd.f32 v27, v5;
	v27 =	vld.idx.msk [tilespmem:v62+s2+$0x0], $0xffff;
	v62 =	vor.u32 v0, v20  }
0x116: {  	v26 =	vmul.f32 v26, v56;
	v46 =	vld [tilespmem:$0xA1F0];
	v25 =	vadd.f32 v57, v25;
	v57 =	vbroadcast v19, $0x0  }
0x117: {  	v5 =	vadd.f32 v29, v5;
	v45 =	vadd.s32 v2, v20;
	v29 =	vld.idx.msk [tilespmem:v58+s2+$0x0], $0xffff;
	v63 =	vadd.s32 v1, v20  }
0x118: {  	v3 =	vadd.f32 v52, v3;
	v52 =	vld [tilespmem:$0xA200];
	v20 =	vmul.u32 $0x30, v60;
	v60 =	vor.u32 v0, v57  }
0x119: {  	v28 =	vadd.f32 v55, v28;
	v4 =	vadd.f32 v31, v4;
	v34 =	vmul.f32 v34, v56;
	v24 =	vld.idx.msk [tilespmem:v59+s2+$0x0], $0xffff  }
0x11a: {  	v21 =	vadd.f32 v26, v21;
	v22 =	vmul.f32 v22, v56;
	v59 =	vmul.f32 v33, v56;
	v43 =	vld.idx.msk [tilespmem:v62+s2+$0x0], $0xffff  }
0x11b: {  	v58 =	vmul.f32 v35, v56;
	v62 =	vadd.s32 v1, v57;
	v33 =	vld.idx.msk [tilespmem:v61+s2+$0x0], $0xffff;
	v50 =	vbroadcast v20, $0x0  }
0x11c: {  	v5 =	vadd.f32 v34, v5;
	v26 =	vadd.f32 v59, v28;
	v28 =	vld.idx.msk [tilespmem:v63+s2+$0x0], $0xffff;
	v63 =	vadd.s32 v2, v57  }
0x11d: {  	v61 =	vmul.f32 v47, v56;
	v57 =	vor.u32 v0, v50;
	v34 =	vld.idx.msk [tilespmem:v60+s2+$0x0], $0xffff;
	v60 =	vbroadcast v19, $0x1  }
0x11e: {  	v49 =	vmul.f32 v49, v48;
	v3 =	vadd.f32 v58, v3;
	v42 =	vld.idx.msk [tilespmem:v45+s2+$0x0], $0xffff;
	v58 =	vadd.s32 v1, v50  }
0x11f: {  	v25 =	vadd.f32 v61, v25;
	v59 =	vadd.s32 v2, v50;
	v50 =	vld [tilespmem:$0xA210];
	v61 =	vor.u32 v0, v60  }
0x120: {  	v4 =	vadd.f32 v22, v4;
	v39 =	vmul.f32 v39, v48;
	v21 =	vadd.f32 v49, v21;
	v22 =	vld.idx.msk [tilespmem:v62+s2+$0x0], $0xffff  }
0x121: {  	v36 =	vmul.f32 v36, v48;
	v38 =	vmul.f32 v38, v48;
	v31 =	vld.idx.msk [tilespmem:v63+s2+$0x0], $0xffff;
	v62 =	vadd.s32 v1, v60  }
0x122: {  	v40 =	vmul.f32 v40, v23;
	v3 =	vadd.f32 v39, v3;
	v63 =	vbroadcast v20, $0x1;
	v45 =	vld.idx.msk [tilespmem:v57+s2+$0x0], $0xffff  }
0x123: {  	v41 =	vmul.f32 v41, v23;
	v26 =	vadd.f32 v36, v26;
	v56 =	vadd.s32 v2, v60;
	v36 =	vld.idx.msk [tilespmem:v58+s2+$0x0], $0xffff  }
0x124: {  	v25 =	vadd.f32 v38, v25;
	v60 =	vadd.s32 v2, v63;
	v38 =	vld.idx.msk [tilespmem:v61+s2+$0x0], $0xffff;
	v61 =	vbroadcast v19, $0x2  }
0x125: {  	v30 =	vmul.f32 v30, v23;
	v21 =	vadd.f32 v40, v21;
	v35 =	vld.idx.msk [tilespmem:v59+s2+$0x0], $0xffff;
	v58 =	vor.u32 v0, v63  }
0x126: {  	v3 =	vadd.f32 v41, v3;
	v57 =	vmul.f32 v44, v48;
	v40 =	vld.idx.msk [tilespmem:v62+s2+$0x0], $0xffff;
	v62 =	vor.u32 v0, v61  }
0x127: {  	v48 =	vmul.f32 v51, v48;
	v59 =	vadd.s32 v1, v63;
	v63 =	vbroadcast v20, $0x2;
	v51 =	vld [tilespmem:$0xA240]  }
0x128: {  	v24 =	vmul.f32 v24, v46;
	v26 =	vadd.f32 v30, v26;
	v32 =	vmul.f32 v32, v23;
	v39 =	vld.idx.msk [tilespmem:v56+s2+$0x0], $0xffff  }
0x129: {  	v5 =	vadd.f32 v57, v5;
	v57 =	vmul.f32 v37, v23;
	v37 =	vld.idx.msk [tilespmem:v60+s2+$0x0], $0xffff;
	v60 =	vadd.s32 v1, v63  }
0x12a: {  	v3 =	vadd.f32 v24, v3;
	v43 =	vmul.f32 v43, v46;
	v44 =	vld.idx.msk [tilespmem:v58+s2+$0x0], $0xffff;
	v58 =	vor.u32 v0, v63  }
0x12b: {  	v25 =	vadd.f32 v32, v25;
	v49 =	vadd.s32 v1, v61;
	v32 =	vld.idx.msk [tilespmem:v62+s2+$0x0], $0xffff;
	v62 =	vbroadcast v19, $0x3  }
0x12c: {  	v30 =	vld.idx.msk [tilespmem:v59+s2+$0x0], $0xffff;
	v56 =	vadd.s32 v2, v61;
	v61 =	vadd.s32 v2, v63;
	v63 =	vmul.f32 v33, v46  }
0x12d: {  	v5 =	vadd.f32 v57, v5;
	v59 =	vmul.f32 v29, v46;
	v29 =	vld [tilespmem:$0xA220];
	v57 =	vor.u32 v0, v62  }
0x12e: {  	v4 =	vadd.f32 v48, v4;
	v23 =	vmul.f32 v27, v23;
	v24 =	vadd.f32 v63, v26;
	v26 =	vld.idx.msk [tilespmem:v60+s2+$0x0], $0xffff  }
0x12f: {  	v21 =	vadd.f32 v59, v21;
	v59 =	vbroadcast v20, $0x3;
	v47 =	vld.idx.msk [tilespmem:v58+s2+$0x0], $0xffff;
	v58 =	vadd.s32 v1, v62  }
0x130: {  	v28 =	vmul.f32 v28, v46;
	v4 =	vadd.f32 v23, v4;
	v23 =	vld.idx.msk [tilespmem:v49+s2+$0x0], $0xffff;
	v60 =	vadd.s32 v2, v62  }
0x131: {  	v25 =	vadd.f32 v43, v25;
	v34 =	vmul.f32 v34, v52;
	v43 =	vld.idx.msk [tilespmem:v61+s2+$0x0], $0xffff;
	v61 =	vor.u32 v0, v59  }
0x132: {  	v5 =	vadd.f32 v28, v5;
	v62 =	vadd.s32 v1, v59;
	v28 =	vld.idx.msk [tilespmem:v57+s2+$0x0], $0xffff;
	v57 =	vbroadcast v19, $0x4  }
0x133: {  	v42 =	vmul.f32 v42, v46;
	v22 =	vmul.f32 v22, v52;
	v63 =	vadd.s32 v2, v59;
	v33 =	vld.idx.msk [tilespmem:v56+s2+$0x0], $0xffff  }
0x134: {  	v31 =	vmul.f32 v31, v52;
	v21 =	vadd.f32 v34, v21;
	v34 =	vld.idx.msk [tilespmem:v58+s2+$0x0], $0xffff;
	v58 =	vor.u32 v0, v57  }
0x135: {  	v3 =	vadd.f32 v22, v3;
	v27 =	vld.idx.msk [tilespmem:v60+s2+$0x0], $0xffff;
	v60 =	vbroadcast v20, $0x4;
	v59 =	vadd.s32 v1, v57  }
0x136: {  	v45 =	vmul.f32 v45, v52;
	v36 =	vmul.f32 v36, v52;
	v48 =	vld.idx.msk [tilespmem:v61+s2+$0x0], $0xffff;
	v61 =	vadd.s32 v2, v57  }
0x137: {  	v35 =	vmul.f32 v35, v52;
	v22 =	vadd.f32 v31, v24;
	v24 =	vld.idx.msk [tilespmem:v62+s2+$0x0], $0xffff;
	v62 =	vor.u32 v0, v60  }
0x138: {  	v4 =	vadd.f32 v42, v4;
	v38 =	vmul.f32 v38, v50;
	v41 =	vld.idx.msk [tilespmem:v63+s2+$0x0], $0xffff;
	v63 =	vadd.s32 v1, v60  }
0x139: {  	v5 =	vadd.f32 v36, v5;
	v39 =	vmul.f32 v39, v50;
	v57 =	vadd.s32 v2, v60;
	v36 =	vld.idx.msk [tilespmem:v58+s2+$0x0], $0xffff  }
0x13a: {  	v4 =	vadd.f32 v35, v4;
	v37 =	vmul.f32 v37, v50;
	v44 =	vmul.f32 v44, v50;
	v35 =	vld.idx.msk [tilespmem:v59+s2+$0x0], $0xffff  }
0x13b: {  	v30 =	vmul.f32 v30, v50;
	v26 =	vmul.f32 v26, v29;
	v31 =	vld.idx.msk [tilespmem:v61+s2+$0x0], $0xffff  }
0x13c: {  	v25 =	vadd.f32 v45, v25;
	v32 =	vmul.f32 v32, v29;
	v23 =	vmul.f32 v23, v29;
	v45 =	vld.idx.msk [tilespmem:v62+s2+$0x0], $0xffff  }
0x13d: {  	v21 =	vadd.f32 v38, v21;
	v33 =	vmul.f32 v33, v29;
	v58 =	vbroadcast v19, $0x5;
	v38 =	vld.idx.msk [tilespmem:v63+s2+$0x0], $0xffff  }
0x13e: {  	v47 =	vmul.f32 v47, v29;
	v59 =	vmul.f32 v40, v50;
	v42 =	vld.idx.msk [tilespmem:v57+s2+$0x0], $0xffff  }
0x13f: {  	v29 =	vmul.f32 v43, v29;
	v62 =	vbroadcast v20, $0x5;
	v60 =	vor.u32 v0, v58  }
0x140: {  	v46 =	vld [tilespmem:$0xA230];
	v61 =	vadd.s32 v1, v58;
	v3 =	vadd.f32 v59, v3;
	v59 =	vbroadcast v19, $0x6  }
0x141: {  	v43 =	vld [tilespmem:$0xA260];
	v63 =	vadd.s32 v2, v58;
	v36 =	vmul.f32 v36, v51;
	v35 =	vmul.f32 v35, v51  }
0x142: {  	v50 =	vld [tilespmem:$0xA250];
	v56 =	vor.u32 v0, v62;
	v31 =	vmul.f32 v31, v51;
	v45 =	vmul.f32 v45, v51  }
0x143: {  	v57 =	vadd.s32 v1, v62;
	v38 =	vmul.f32 v38, v51;
	v42 =	vmul.f32 v42, v51;
	v51 =	vld [tilespmem:$0xA280]  }
0x144: {  	v5 =	vadd.f32 v30, v5;
	v58 =	vadd.s32 v2, v62;
	v30 =	vld.idx.msk [tilespmem:v60+s2+$0x0], $0xffff  }
0x145: {  	v22 =	vadd.f32 v39, v22;
	v21 =	vadd.f32 v32, v21;
	v32 =	vld.idx.msk [tilespmem:v61+s2+$0x0], $0xffff;
	v60 =	vor.u32 v0, v59  }
0x146: {  	v4 =	vadd.f32 v37, v4;
	v62 =	vbroadcast v20, $0x6;
	v37 =	vld.idx.msk [tilespmem:v63+s2+$0x0], $0xffff;
	v61 =	vadd.s32 v1, v59  }
0x147: {  	v25 =	vadd.f32 v44, v25;
	v5 =	vadd.f32 v26, v5;
	v44 =	vld.idx.msk [tilespmem:v56+s2+$0x0], $0xffff;
	v63 =	vadd.s32 v2, v59  }
0x148: {  	v22 =	vadd.f32 v33, v22;
	v3 =	vadd.f32 v23, v3;
	v23 =	vld.idx.msk [tilespmem:v57+s2+$0x0], $0xffff;
	v56 =	vor.u32 v0, v62  }
0x149: {  	v25 =	vadd.f32 v47, v25;
	v28 =	vmul.f32 v28, v46;
	v40 =	vld.idx.msk [tilespmem:v58+s2+$0x0], $0xffff;
	v57 =	vadd.s32 v1, v62  }
0x14a: {  	v4 =	vadd.f32 v29, v4;
	v27 =	vmul.f32 v27, v46;
	v58 =	vadd.s32 v2, v62;
	v26 =	vld.idx.msk [tilespmem:v60+s2+$0x0], $0xffff  }
0x14b: {  	v41 =	vmul.f32 v41, v46;
	v21 =	vadd.f32 v28, v21;
	v59 =	vbroadcast v19, $0x7;
	v28 =	vld.idx.msk [tilespmem:v61+s2+$0x0], $0xffff  }
0x14c: {  	v48 =	vmul.f32 v48, v46;
	v24 =	vmul.f32 v24, v46;
	v22 =	vadd.f32 v27, v22;
	v33 =	vld.idx.msk [tilespmem:v63+s2+$0x0], $0xffff  }
0x14d: {  	v62 =	vadd.s32 v1, v59;
	v60 =	vmul.f32 v34, v46;
	v47 =	vld.idx.msk [tilespmem:v56+s2+$0x0], $0xffff;
	v63 =	vbroadcast v20, $0x7  }
0x14e: {  	v61 =	vor.u32 v0, v59;
	v27 =	vld.idx.msk [tilespmem:v57+s2+$0x0], $0xffff;
	v30 =	vmul.f32 v30, v50;
	v32 =	vmul.f32 v32, v50  }
0x14f: {  	v56 =	vadd.s32 v2, v59;
	v39 =	vld.idx.msk [tilespmem:v58+s2+$0x0], $0xffff;
	v37 =	vmul.f32 v37, v50;
	v44 =	vmul.f32 v44, v50  }
0x150: {  	v21 =	vadd.f32 v36, v21;
	v46 =	vld [tilespmem:$0xA270];
	v23 =	vmul.f32 v23, v50;
	v40 =	vmul.f32 v40, v50  }
0x151: {  	v50 =	vld [tilespmem:$0xA290];
	v3 =	vadd.f32 v60, v3;
	v57 =	vor.u32 v0, v63;
	v58 =	vadd.s32 v1, v63  }
0x152: {  	v59 =	vadd.s32 v2, v63;
	v60 =	vbroadcast v19, $0x8;
	v36 =	vld.idx.msk [tilespmem:v62+s2+$0x0], $0xffff;
	v63 =	vbroadcast v20, $0x8  }
0x153: {  	v5 =	vadd.f32 v24, v5;
	v24 =	vld.idx.msk [tilespmem:v61+s2+$0x0], $0xffff;
	v26 =	vmul.f32 v26, v43;
	v28 =	vmul.f32 v28, v43  }
0x154: {  	v62 =	vadd.s32 v1, v60;
	v29 =	vld.idx.msk [tilespmem:v56+s2+$0x0], $0xffff;
	v33 =	vmul.f32 v33, v43;
	v47 =	vmul.f32 v47, v43  }
0x155: {  	v61 =	vor.u32 v0, v60;
	v27 =	vmul.f32 v27, v43;
	v39 =	vmul.f32 v39, v43;
	v43 =	vld [tilespmem:$0xA2A0]  }
0x156: {  	v25 =	vadd.f32 v48, v25;
	v56 =	vadd.s32 v2, v60;
	v48 =	vld.idx.msk [tilespmem:v57+s2+$0x0], $0xffff  }
0x157: {  	v22 =	vadd.f32 v31, v22;
	v31 =	vld.idx.msk [tilespmem:v58+s2+$0x0], $0xffff;
	v57 =	vor.u32 v0, v63  }
0x158: {  	v4 =	vadd.f32 v41, v4;
	v34 =	vld.idx.msk [tilespmem:v59+s2+$0x0], $0xffff;
	v58 =	vadd.s32 v1, v63  }
0x159: {  	v21 =	vadd.f32 v30, v21;
	v60 =	vbroadcast v19, $0x9;
	v59 =	vadd.s32 v2, v63;
	v30 =	vld.idx.msk [tilespmem:v62+s2+$0x0], $0xffff  }
0x15a: {  	v5 =	vadd.f32 v38, v5;
	v3 =	vadd.f32 v35, v3;
	v38 =	vld.idx.msk [tilespmem:v61+s2+$0x0], $0xffff  }
0x15b: {  	v25 =	vadd.f32 v45, v25;
	v4 =	vadd.f32 v42, v4;
	v62 =	vadd.s32 v1, v60;
	v35 =	vld.idx.msk [tilespmem:v56+s2+$0x0], $0xffff  }
0x15c: {  	v3 =	vadd.f32 v32, v3;
	v63 =	vbroadcast v20, $0x9;
	v61 =	vor.u32 v0, v60;
	v45 =	vld.idx.msk [tilespmem:v57+s2+$0x0], $0xffff  }
0x15d: {  	v36 =	vmul.f32 v36, v46;
	v56 =	vadd.s32 v2, v60;
	v24 =	vmul.f32 v24, v46;
	v32 =	vld.idx.msk [tilespmem:v58+s2+$0x0], $0xffff  }
0x15e: {  	v29 =	vmul.f32 v29, v46;
	v41 =	vld.idx.msk [tilespmem:v59+s2+$0x0], $0xffff;
	v57 =	vor.u32 v0, v63;
	v48 =	vmul.f32 v48, v46  }
0x15f: {  	v58 =	vadd.s32 v1, v63;
	v31 =	vmul.f32 v31, v46;
	v34 =	vmul.f32 v34, v46;
	v46 =	vld [tilespmem:$0xA2B0]  }
0x160: {  	v21 =	vadd.f32 v26, v21;
	v60 =	vbroadcast v19, $0xA;
	v59 =	vadd.s32 v2, v63;
	v26 =	vld.idx.msk [tilespmem:v62+s2+$0x0], $0xffff  }
0x161: {  	v22 =	vadd.f32 v37, v22;
	v5 =	vadd.f32 v23, v5;
	v23 =	vld.idx.msk [tilespmem:v61+s2+$0x0], $0xffff  }
0x162: {  	v25 =	vadd.f32 v44, v25;
	v3 =	vadd.f32 v28, v3;
	v62 =	vadd.s32 v1, v60;
	v37 =	vld.idx.msk [tilespmem:v56+s2+$0x0], $0xffff  }
0x163: {  	v63 =	vbroadcast v20, $0xA;
	v30 =	vmul.f32 v30, v51;
	v61 =	vor.u32 v0, v60;
	v44 =	vld.idx.msk [tilespmem:v57+s2+$0x0], $0xffff  }
0x164: {  	v56 =	vadd.s32 v2, v60;
	v60 =	vbroadcast v19, $0xB;
	v38 =	vmul.f32 v38, v51;
	v28 =	vld.idx.msk [tilespmem:v58+s2+$0x0], $0xffff  }
0x165: {  	v35 =	vmul.f32 v35, v51;
	v42 =	vld.idx.msk [tilespmem:v59+s2+$0x0], $0xffff;
	v57 =	vor.u32 v0, v63;
	v45 =	vmul.f32 v45, v51  }
0x166: {  	v58 =	vadd.s32 v1, v63;
	v32 =	vmul.f32 v32, v51;
	v41 =	vmul.f32 v41, v51;
	v51 =	vld [tilespmem:$0xA2C0]  }
0x167: {  	v21 =	vadd.f32 v24, v21;
	v59 =	vadd.s32 v2, v63;
	v24 =	vld.idx.msk [tilespmem:v62+s2+$0x0], $0xffff  }
0x168: {  	v4 =	vadd.f32 v40, v4;
	v5 =	vadd.f32 v27, v5;
	v62 =	vadd.s32 v1, v60;
	v27 =	vld.idx.msk [tilespmem:v61+s2+$0x0], $0xffff  }
0x169: {  	v22 =	vadd.f32 v33, v22;
	v63 =	vbroadcast v20, $0xB;
	v33 =	vld.idx.msk [tilespmem:v56+s2+$0x0], $0xffff;
	v61 =	vor.u32 v0, v60  }
0x16a: {  	v25 =	vadd.f32 v47, v25;
	v56 =	vadd.s32 v2, v60;
	v47 =	vld.idx.msk [tilespmem:v57+s2+$0x0], $0xffff  }
0x16b: {  	v4 =	vadd.f32 v39, v4;
	v22 =	vadd.f32 v29, v22;
	v29 =	vld.idx.msk [tilespmem:v58+s2+$0x0], $0xffff;
	v57 =	vor.u32 v0, v63  }
0x16c: {  	v40 =	vld.idx.msk [tilespmem:v59+s2+$0x0], $0xffff;
	v58 =	vadd.s32 v1, v63;
	v59 =	vadd.s32 v2, v63;
	v63 =	vbroadcast v20, $0xC  }
0x16d: {  	v3 =	vadd.f32 v36, v3;
	v4 =	vadd.f32 v34, v4;
	v60 =	vbroadcast v19, $0xC;
	v34 =	vld.idx.msk [tilespmem:v62+s2+$0x0], $0xffff  }
0x16e: {  	v5 =	vadd.f32 v31, v5;
	v21 =	vadd.f32 v38, v21;
	v38 =	vadd.s32 v2, v63;
	v31 =	vld.idx.msk [tilespmem:v61+s2+$0x0], $0xffff  }
0x16f: {  	v36 =	vld.idx.msk [tilespmem:v56+s2+$0x0], $0xffff;
	v61 =	vor.u32 v0, v60  }
0x170: {  	v25 =	vadd.f32 v48, v25;
	v3 =	vadd.f32 v30, v3;
	v62 =	vadd.s32 v1, v60;
	v48 =	vld.idx.msk [tilespmem:v57+s2+$0x0], $0xffff  }
0x171: {  	v5 =	vadd.f32 v32, v5;
	v28 =	vmul.f32 v28, v50;
	v30 =	vld.idx.msk [tilespmem:v58+s2+$0x0], $0xffff;
	v57 =	vadd.s32 v2, v60  }
0x172: {  	v39 =	vld.idx.msk [tilespmem:v59+s2+$0x0], $0xffff;
	v58 =	vor.u32 v0, v63  }
0x173: {  	v5 =	vadd.f32 v28, v5;
	v59 =	vadd.s32 v1, v63;
	v28 =	vld.idx.msk [tilespmem:v38+s2+$0x0], $0xffff  }
0x174: {  	v60 =	vbroadcast v19, $0xD;
	v32 =	vld.idx.msk [tilespmem:v61+s2+$0x0], $0xffff  }
0x175: {  	v23 =	vmul.f32 v23, v50;
	v61 =	vmul.f32 v26, v50;
	v26 =	vld.idx.msk [tilespmem:v62+s2+$0x0], $0xffff  }
0x176: {  	v22 =	vadd.f32 v35, v22;
	v25 =	vadd.f32 v45, v25;
	v63 =	vor.u32 v0, v60;
	v35 =	vld.idx.msk [tilespmem:v57+s2+$0x0], $0xffff  }
0x177: {  	v4 =	vadd.f32 v41, v4;
	v21 =	vadd.f32 v23, v21;
	v45 =	vld.idx.msk [tilespmem:v58+s2+$0x0], $0xffff;
	v57 =	vadd.s32 v1, v60  }
0x178: {  	v58 =	vbroadcast v20, $0xD;
	v3 =	vadd.f32 v61, v3;
	v23 =	vld.idx.msk [tilespmem:v59+s2+$0x0], $0xffff;
	v61 =	vmul.f32 v42, v50  }
0x179: {  	v62 =	vmul.f32 v44, v50;
	v59 =	vadd.s32 v2, v60;
	v42 =	vld [tilespmem:$0xA2D0];
	v54 =	vmul.f32 v48, v46  }
0x17a: {  	v48 =	vld [tilespmem:$0xA300];
	v60 =	vor.u32 v0, v58;
	v4 =	vadd.f32 v61, v4;
	v61 =	vmul.f32 v40, v43  }
0x17b: {  	v37 =	vmul.f32 v37, v50;
	v25 =	vadd.f32 v62, v25;
	v62 =	vadd.s32 v1, v58;
	v44 =	vld.idx.msk [tilespmem:v63+s2+$0x0], $0xffff  }
0x17c: {  	v27 =	vmul.f32 v27, v43;
	v52 =	vadd.s32 v2, v58;
	v4 =	vadd.f32 v61, v4;
	v61 =	vld [tilespmem:s17+$0x30]  }
0x17d: {  	v56 =	vmul.f32 v33, v43;
	v63 =	vbroadcast v19, $0xE;
	v33 =	vld.idx.msk [tilespmem:v57+s2+$0x0], $0xffff  }
0x17e: {  	v22 =	vadd.f32 v37, v22;
	v24 =	vmul.f32 v24, v43;
	v21 =	vadd.f32 v27, v21;
	v37 =	vld.idx.msk [tilespmem:v59+s2+$0x0], $0xffff  }
0x17f: {  	v34 =	vmul.f32 v34, v46;
	v58 =	vor.u32 v0, v63;
	v59 =	vmul.f32 v29, v43;
	v29 =	vld.idx.msk [tilespmem:v60+s2+$0x0], $0xffff  }
0x180: {  	v19 =	vbroadcast v19, $0xF;
	v57 =	vmul.f32 v47, v43;
	v60 =	vadd.s32 v1, v63;
	v40 =	vld.idx.msk [tilespmem:v62+s2+$0x0], $0xffff  }
0x181: {  	v3 =	vadd.f32 v24, v3;
	v62 =	vbroadcast v20, $0xE;
	v47 =	vld.idx.msk [tilespmem:v52+s2+$0x0], $0xffff;
	v63 =	vadd.s32 v2, v63  }
0x182: {  	v24 =	vadd.f32 v57, v25;
	v5 =	vadd.f32 v59, v5;
	v25 =	vld [tilespmem:$0xA2E0];
	v59 =	vor.u32 v0, v19  }
0x183: {  	v22 =	vadd.f32 v56, v22;
	v53 =	vmul.f32 v36, v46;
	v57 =	vld [tilespmem:s17+$0xFFFFFFF0];
	v52 =	vor.u32 v0, v62  }
0x184: {  	v31 =	vmul.f32 v31, v46;
	v3 =	vadd.f32 v34, v3;
	v34 =	vld.idx.msk [tilespmem:v58+s2+$0x0], $0xffff;
	v55 =	vadd.s32 v1, v62  }
0x185: {  	v22 =	vadd.f32 v53, v22;
	v35 =	vmul.f32 v35, v51;
	v56 =	vadd.s32 v2, v62;
	v38 =	vld.idx.msk [tilespmem:v60+s2+$0x0], $0xffff  }
0x186: {  	v21 =	vadd.f32 v31, v21;
	v32 =	vmul.f32 v32, v51;
	v20 =	vbroadcast v20, $0xF;
	v36 =	vld.idx.msk [tilespmem:v63+s2+$0x0], $0xffff  }
0x187: {  	v26 =	vmul.f32 v26, v51;
	v22 =	vadd.f32 v35, v22;
	v62 =	vadd.s32 v2, v19;
	v35 =	vld.idx.msk [tilespmem:v59+s2+$0x0], $0xffff  }
0x188: {  	v30 =	vmul.f32 v30, v46;
	v58 =	vmul.f32 v39, v46;
	v53 =	vadd.s32 v1, v20;
	v27 =	vld.idx.msk [tilespmem:v52+s2+$0x0], $0xffff  }
0x189: {  	v28 =	vmul.f32 v28, v51;
	v21 =	vadd.f32 v32, v21;
	v3 =	vadd.f32 v26, v3;
	v26 =	vld.idx.msk [tilespmem:v55+s2+$0x0], $0xffff  }
0x18a: {  	v23 =	vmul.f32 v23, v51;
	v24 =	vadd.f32 v54, v24;
	v4 =	vadd.f32 v58, v4;
	v31 =	vld.idx.msk [tilespmem:v56+s2+$0x0], $0xffff  }
0x18b: {  	v60 =	vadd.s32 v1, v19;
	v19 =	vmul.u32 $0x30, v57;
	v52 =	vmul.f32 v45, v51;
	v45 =	vld [tilespmem:$0xA2F0]  }
0x18c: {  	v5 =	vadd.f32 v30, v5;
	v54 =	vadd.s32 v2, v20;
	v63 =	vor.u32 v0, v20;
	v32 =	vld.idx.msk [tilespmem:v62+s2+$0x0], $0xffff  }
0x18d: {  	v33 =	vmul.f32 v33, v42;
	v4 =	vadd.f32 v28, v4;
	v55 =	vbroadcast v19, $0x0;
	v28 =	vld.idx.msk [tilespmem:v53+s2+$0x0], $0xffff  }
0x18e: {  	v5 =	vadd.f32 v23, v5;
	v20 =	vmul.u32 $0x30, v61;
	v51 =	vmul.f32 v47, v42;
	v47 =	vld [tilespmem:$0xA320]  }
0x18f: {  	v3 =	vadd.f32 v33, v3;
	v56 =	vmul.f32 v44, v42;
	v44 =	vld [tilespmem:$0xA330];
	v57 =	vor.u32 v0, v55  }
0x190: {  	v40 =	vmul.f32 v40, v42;
	v46 =	vbroadcast v20, $0x0;
	v58 =	vadd.s32 v1, v55;
	v23 =	vld.idx.msk [tilespmem:v60+s2+$0x0], $0xffff  }
0x191: {  	v29 =	vmul.f32 v29, v42;
	v50 =	vbroadcast v19, $0x1;
	v59 =	vadd.s32 v2, v55;
	v41 =	vld.idx.msk [tilespmem:v63+s2+$0x0], $0xffff  }
0x192: {  	v5 =	vadd.f32 v40, v5;
	v61 =	vor.u32 v0, v46;
	v60 =	vmul.f32 v37, v42;
	v37 =	vld.idx.msk [tilespmem:v54+s2+$0x0], $0xffff  }
0x193: {  	v24 =	vadd.f32 v52, v24;
	v62 =	vadd.s32 v1, v46;
	v63 =	vadd.s32 v2, v46;
	v46 =	vld [tilespmem:$0xA310]  }
0x194: {  	v34 =	vmul.f32 v34, v25;
	v21 =	vadd.f32 v56, v21;
	v52 =	vor.u32 v0, v50;
	v33 =	vld.idx.msk [tilespmem:v57+s2+$0x0], $0xffff  }
0x195: {  	v53 =	vadd.s32 v1, v50;
	v4 =	vadd.f32 v51, v4;
	v24 =	vadd.f32 v29, v24;
	v29 =	vld.idx.msk [tilespmem:v58+s2+$0x0], $0xffff  }
0x196: {  	v55 =	vadd.s32 v2, v50;
	v38 =	vmul.f32 v38, v25;
	v54 =	vbroadcast v20, $0x1;
	v30 =	vld.idx.msk [tilespmem:v59+s2+$0x0], $0xffff  }
0x197: {  	v36 =	vmul.f32 v36, v25;
	v21 =	vadd.f32 v34, v21;
	v22 =	vadd.f32 v60, v22;
	v39 =	vld.idx.msk [tilespmem:v61+s2+$0x0], $0xffff  }
0x198: {  	v3 =	vadd.f32 v38, v3;
	v56 =	vor.u32 v0, v54;
	v26 =	vmul.f32 v26, v25;
	v34 =	vld.idx.msk [tilespmem:v62+s2+$0x0], $0xffff  }
0x199: {  	v27 =	vmul.f32 v27, v25;
	v25 =	vmul.f32 v31, v25;
	v22 =	vadd.f32 v36, v22;
	v36 =	vld.idx.msk [tilespmem:v52+s2+$0x0], $0xffff  }
0x19a: {  	v57 =	vadd.s32 v1, v54;
	v59 =	vbroadcast v19, $0x2;
	v5 =	vadd.f32 v26, v5;
	v26 =	vld.idx.msk [tilespmem:v53+s2+$0x0], $0xffff  }
0x19b: {  	v60 =	vmul.f32 v35, v45;
	v28 =	vmul.f32 v28, v45;
	v58 =	vadd.s32 v2, v54;
	v31 =	vld.idx.msk [tilespmem:v55+s2+$0x0], $0xffff  }
0x19c: {  	v53 =	vmul.f32 v32, v45;
	v38 =	vld.idx.msk [tilespmem:v63+s2+$0x0], $0xffff;
	v23 =	vmul.f32 v23, v45;
	v61 =	vor.u32 v0, v59  }
0x19d: {  	v41 =	vmul.f32 v41, v45;
	v37 =	vmul.f32 v37, v45;
	v45 =	vld [tilespmem:$0xA340];
	v62 =	vadd.s32 v1, v59  }
0x19e: {  	v24 =	vadd.f32 v27, v24;
	v63 =	vbroadcast v20, $0x2;
	v52 =	vadd.s32 v2, v59;
	v40 =	vld.idx.msk [tilespmem:v56+s2+$0x0], $0xffff  }
0x19f: {  	v4 =	vadd.f32 v25, v4;
	v21 =	vadd.f32 v60, v21;
	v25 =	vld.idx.msk [tilespmem:v57+s2+$0x0], $0xffff  }
0x1a0: {  	v60 =	vbroadcast v20, $0x3;
	v5 =	vadd.f32 v28, v5;
	v54 =	vor.u32 v0, v63;
	v32 =	vld.idx.msk [tilespmem:v58+s2+$0x0], $0xffff  }
0x1a1: {  	v3 =	vadd.f32 v23, v3;
	v55 =	vadd.s32 v1, v63;
	v57 =	vbroadcast v19, $0x3;
	v23 =	vld.idx.msk [tilespmem:v61+s2+$0x0], $0xffff  }
0x1a2: {  	v56 =	vadd.s32 v2, v63;
	v33 =	vmul.f32 v33, v48;
	v29 =	vmul.f32 v29, v48;
	v28 =	vld.idx.msk [tilespmem:v62+s2+$0x0], $0xffff  }
0x1a3: {  	v63 =	vor.u32 v0, v60;
	v39 =	vmul.f32 v39, v48;
	v34 =	vmul.f32 v34, v48;
	v27 =	vld.idx.msk [tilespmem:v52+s2+$0x0], $0xffff  }
0x1a4: {  	v38 =	vmul.f32 v38, v48;
	v58 =	vor.u32 v0, v57;
	v62 =	vmul.f32 v30, v48;
	v48 =	vld [tilespmem:$0xA350]  }
0x1a5: {  	v22 =	vadd.f32 v53, v22;
	v53 =	vadd.s32 v2, v60;
	v59 =	vadd.s32 v1, v57;
	v42 =	vld.idx.msk [tilespmem:v54+s2+$0x0], $0xffff  }
0x1a6: {  	v24 =	vadd.f32 v41, v24;
	v21 =	vadd.f32 v33, v21;
	v61 =	vadd.s32 v2, v57;
	v33 =	vld.idx.msk [tilespmem:v55+s2+$0x0], $0xffff  }
0x1a7: {  	v4 =	vadd.f32 v37, v4;
	v36 =	vmul.f32 v36, v46;
	v52 =	vadd.s32 v1, v60;
	v30 =	vld.idx.msk [tilespmem:v56+s2+$0x0], $0xffff  }
0x1a8: {  	v26 =	vmul.f32 v26, v46;
	v3 =	vadd.f32 v29, v3;
	v57 =	vbroadcast v20, $0x4;
	v35 =	vld.idx.msk [tilespmem:v63+s2+$0x0], $0xffff  }
0x1a9: {  	v5 =	vadd.f32 v34, v5;
	v54 =	vbroadcast v19, $0x4;
	v40 =	vmul.f32 v40, v46;
	v29 =	vld.idx.msk [tilespmem:v58+s2+$0x0], $0xffff  }
0x1aa: {  	v63 =	vbroadcast v19, $0x5;
	v22 =	vadd.f32 v62, v22;
	v21 =	vadd.f32 v36, v21;
	v34 =	vld.idx.msk [tilespmem:v59+s2+$0x0], $0xffff  }
0x1ab: {  	v3 =	vadd.f32 v26, v3;
	v60 =	vor.u32 v0, v57;
	v25 =	vmul.f32 v25, v46;
	v37 =	vld.idx.msk [tilespmem:v61+s2+$0x0], $0xffff  }
0x1ac: {  	v62 =	vadd.s32 v2, v57;
	v32 =	vmul.f32 v32, v46;
	v36 =	vld.idx.msk [tilespmem:v52+s2+$0x0], $0xffff;
	v59 =	vmul.f32 v31, v46  }
0x1ad: {  	v55 =	vor.u32 v0, v54;
	v31 =	vld.idx.msk [tilespmem:v53+s2+$0x0], $0xffff;
	v23 =	vmul.f32 v23, v47;
	v28 =	vmul.f32 v28, v47  }
0x1ae: {  	v56 =	vadd.s32 v1, v54;
	v27 =	vmul.f32 v27, v47;
	v46 =	vld [tilespmem:$0xA360];
	v42 =	vmul.f32 v42, v47  }
0x1af: {  	v58 =	vadd.s32 v2, v54;
	v33 =	vmul.f32 v33, v47;
	v30 =	vmul.f32 v30, v47;
	v47 =	vld [tilespmem:$0xA370]  }
0x1b0: {  	v24 =	vadd.f32 v39, v24;
	v61 =	vadd.s32 v1, v57;
	v41 =	vld.idx.msk [tilespmem:v60+s2+$0x0], $0xffff  }
0x1b1: {  	v4 =	vadd.f32 v38, v4;
	v52 =	vor.u32 v0, v63;
	v3 =	vadd.f32 v28, v3;
	v28 =	vld.idx.msk [tilespmem:v62+s2+$0x0], $0xffff  }
0x1b2: {  	v24 =	vadd.f32 v40, v24;
	v53 =	vadd.s32 v1, v63;
	v54 =	vbroadcast v20, $0x5;
	v26 =	vld.idx.msk [tilespmem:v55+s2+$0x0], $0xffff  }
0x1b3: {  	v5 =	vadd.f32 v25, v5;
	v4 =	vadd.f32 v32, v4;
	v35 =	vmul.f32 v35, v44;
	v25 =	vld.idx.msk [tilespmem:v56+s2+$0x0], $0xffff  }
0x1b4: {  	v22 =	vadd.f32 v59, v22;
	v21 =	vadd.f32 v23, v21;
	v57 =	vadd.s32 v1, v54;
	v38 =	vld.idx.msk [tilespmem:v58+s2+$0x0], $0xffff  }
0x1b5: {  	v59 =	vbroadcast v19, $0x6;
	v55 =	vadd.s32 v2, v63;
	v56 =	vor.u32 v0, v54;
	v23 =	vld.idx.msk [tilespmem:v61+s2+$0x0], $0xffff  }
0x1b6: {  	v5 =	vadd.f32 v33, v5;
	v22 =	vadd.f32 v27, v22;
	v27 =	vld.idx.msk [tilespmem:v52+s2+$0x0], $0xffff;
	v29 =	vmul.f32 v29, v44  }
0x1b7: {  	v60 =	vor.u32 v0, v59;
	v33 =	vld.idx.msk [tilespmem:v53+s2+$0x0], $0xffff;
	v34 =	vmul.f32 v34, v44;
	v52 =	vmul.f32 v37, v44  }
0x1b8: {  	v63 =	vadd.s32 v2, v59;
	v36 =	vmul.f32 v36, v44;
	v31 =	vmul.f32 v31, v44;
	v44 =	vld [tilespmem:$0xA380]  }
0x1b9: {  	v62 =	vbroadcast v20, $0x6;
	v58 =	vadd.s32 v2, v54;
	v21 =	vadd.f32 v29, v21;
	v29 =	vld.idx.msk [tilespmem:v57+s2+$0x0], $0xffff  }
0x1ba: {  	v61 =	vadd.s32 v1, v59;
	v32 =	vld.idx.msk [tilespmem:v55+s2+$0x0], $0xffff  }
0x1bb: {  	v24 =	vadd.f32 v42, v24;
	v4 =	vadd.f32 v30, v4;
	v53 =	vor.u32 v0, v62;
	v39 =	vld.idx.msk [tilespmem:v56+s2+$0x0], $0xffff  }
0x1bc: {  	v54 =	vadd.s32 v1, v62;
	v59 =	vbroadcast v20, $0x7;
	v3 =	vadd.f32 v34, v3;
	v34 =	vld.idx.msk [tilespmem:v60+s2+$0x0], $0xffff  }
0x1bd: {  	v24 =	vadd.f32 v35, v24;
	v22 =	vadd.f32 v52, v22;
	v30 =	vld.idx.msk [tilespmem:v63+s2+$0x0], $0xffff  }
0x1be: {  	v41 =	vmul.f32 v41, v45;
	v52 =	vadd.s32 v2, v59;
	v28 =	vmul.f32 v28, v45;
	v37 =	vld.idx.msk [tilespmem:v58+s2+$0x0], $0xffff  }
0x1bf: {  	v55 =	vadd.s32 v2, v62;
	v26 =	vmul.f32 v26, v45;
	v25 =	vmul.f32 v25, v45;
	v35 =	vld.idx.msk [tilespmem:v61+s2+$0x0], $0xffff  }
0x1c0: {  	v56 =	vbroadcast v19, $0x7;
	v62 =	vor.u32 v0, v59;
	v63 =	vadd.s32 v1, v59;
	v40 =	vld.idx.msk [tilespmem:v53+s2+$0x0], $0xffff  }
0x1c1: {  	v21 =	vadd.f32 v26, v21;
	v26 =	vld.idx.msk [tilespmem:v54+s2+$0x0], $0xffff;
	v3 =	vadd.f32 v25, v3;
	v33 =	vmul.f32 v33, v48  }
0x1c2: {  	v57 =	vor.u32 v0, v56;
	v61 =	vmul.f32 v38, v45;
	v23 =	vmul.f32 v23, v45;
	v45 =	vld [tilespmem:$0xA390]  }
0x1c3: {  	v58 =	vadd.s32 v1, v56;
	v3 =	vadd.f32 v33, v3;
	v33 =	vld.idx.msk [tilespmem:v52+s2+$0x0], $0xffff  }
0x1c4: {  	v60 =	vadd.s32 v2, v56;
	v53 =	vbroadcast v19, $0x8;
	v27 =	vmul.f32 v27, v48;
	v38 =	vld.idx.msk [tilespmem:v55+s2+$0x0], $0xffff  }
0x1c5: {  	v5 =	vadd.f32 v36, v5;
	v4 =	vadd.f32 v31, v4;
	v56 =	vbroadcast v20, $0x8;
	v42 =	vld.idx.msk [tilespmem:v62+s2+$0x0], $0xffff  }
0x1c6: {  	v22 =	vadd.f32 v61, v22;
	v54 =	vor.u32 v0, v53;
	v21 =	vadd.f32 v27, v21;
	v27 =	vld.idx.msk [tilespmem:v63+s2+$0x0], $0xffff  }
0x1c7: {  	v5 =	vadd.f32 v23, v5;
	v29 =	vmul.f32 v29, v48;
	v59 =	vadd.s32 v1, v56;
	v25 =	vld.idx.msk [tilespmem:v57+s2+$0x0], $0xffff  }
0x1c8: {  	v61 =	vbroadcast v19, $0x9;
	v52 =	vbroadcast v20, $0x9;
	v55 =	vadd.s32 v1, v53;
	v23 =	vld.idx.msk [tilespmem:v58+s2+$0x0], $0xffff  }
0x1c9: {  	v24 =	vadd.f32 v41, v24;
	v32 =	vmul.f32 v32, v48;
	v39 =	vmul.f32 v39, v48;
	v31 =	vld.idx.msk [tilespmem:v60+s2+$0x0], $0xffff  }
0x1ca: {  	v34 =	vmul.f32 v34, v46;
	v62 =	vor.u32 v0, v61;
	v37 =	vmul.f32 v37, v48;
	v48 =	vld [tilespmem:$0xA3A0]  }
0x1cb: {  	v5 =	vadd.f32 v29, v5;
	v63 =	vadd.s32 v1, v61;
	v22 =	vadd.f32 v32, v22;
	v32 =	vld.idx.msk [tilespmem:v54+s2+$0x0], $0xffff  }
0x1cc: {  	v30 =	vmul.f32 v30, v46;
	v57 =	vadd.s32 v2, v53;
	v21 =	vadd.f32 v34, v21;
	v34 =	vld.idx.msk [tilespmem:v59+s2+$0x0], $0xffff  }
0x1cd: {  	v58 =	vor.u32 v0, v56;
	v35 =	vmul.f32 v35, v46;
	v40 =	vmul.f32 v40, v46;
	v29 =	vld.idx.msk [tilespmem:v55+s2+$0x0], $0xffff  }
0x1ce: {  	v60 =	vadd.s32 v2, v56;
	v26 =	vmul.f32 v26, v46;
	v38 =	vmul.f32 v38, v46;
	v46 =	vld [tilespmem:$0xA3B0]  }
0x1cf: {  	v4 =	vadd.f32 v28, v4;
	v53 =	vadd.s32 v2, v61;
	v22 =	vadd.f32 v30, v22;
	v30 =	vld.idx.msk [tilespmem:v62+s2+$0x0], $0xffff  }
0x1d0: {  	v56 =	vadd.s32 v2, v52;
	v5 =	vadd.f32 v26, v5;
	v26 =	vld.idx.msk [tilespmem:v63+s2+$0x0], $0xffff  }
0x1d1: {  	v24 =	vadd.f32 v39, v24;
	v4 =	vadd.f32 v37, v4;
	v54 =	vor.u32 v0, v52;
	v28 =	vld.idx.msk [tilespmem:v57+s2+$0x0], $0xffff  }
0x1d2: {  	v3 =	vadd.f32 v35, v3;
	v33 =	vmul.f32 v33, v47;
	v42 =	vmul.f32 v42, v47;
	v36 =	vld.idx.msk [tilespmem:v58+s2+$0x0], $0xffff  }
0x1d3: {  	v55 =	vadd.s32 v1, v52;
	v27 =	vmul.f32 v27, v47;
	v35 =	vld.idx.msk [tilespmem:v60+s2+$0x0], $0xffff;
	v57 =	vbroadcast v19, $0xA  }
0x1d4: {  	v24 =	vadd.f32 v40, v24;
	v25 =	vmul.f32 v25, v47;
	v37 =	vld.idx.msk [tilespmem:v53+s2+$0x0], $0xffff;
	v23 =	vmul.f32 v23, v47  }
0x1d5: {  	v60 =	vbroadcast v20, $0xA;
	v62 =	vmul.f32 v31, v47;
	v31 =	vld.idx.msk [tilespmem:v56+s2+$0x0], $0xffff;
	v58 =	vor.u32 v0, v57  }
0x1d6: {  	v41 =	vld.idx.msk [tilespmem:v54+s2+$0x0], $0xffff;
	v59 =	vadd.s32 v1, v57;
	v21 =	vadd.f32 v25, v21;
	v54 =	vbroadcast v19, $0xB  }
0x1d7: {  	v47 =	vld [tilespmem:$0xA3C0];
	v61 =	vadd.s32 v2, v57;
	v32 =	vmul.f32 v32, v44;
	v34 =	vmul.f32 v34, v44  }
0x1d8: {  	v63 =	vor.u32 v0, v60;
	v25 =	vld.idx.msk [tilespmem:v55+s2+$0x0], $0xffff;
	v29 =	vmul.f32 v29, v44;
	v28 =	vmul.f32 v28, v44  }
0x1d9: {  	v52 =	vadd.s32 v1, v60;
	v36 =	vmul.f32 v36, v44;
	v35 =	vmul.f32 v35, v44;
	v44 =	vld [tilespmem:$0xA3D0]  }
0x1da: {  	v4 =	vadd.f32 v38, v4;
	v3 =	vadd.f32 v23, v3;
	v53 =	vadd.s32 v2, v60;
	v23 =	vld.idx.msk [tilespmem:v58+s2+$0x0], $0xffff  }
0x1db: {  	v5 =	vadd.f32 v27, v5;
	v57 =	vbroadcast v20, $0xB;
	v55 =	vor.u32 v0, v54;
	v27 =	vld.idx.msk [tilespmem:v59+s2+$0x0], $0xffff  }
0x1dc: {  	v24 =	vadd.f32 v42, v24;
	v22 =	vadd.f32 v62, v22;
	v56 =	vadd.s32 v1, v54;
	v38 =	vld.idx.msk [tilespmem:v61+s2+$0x0], $0xffff  }
0x1dd: {  	v4 =	vadd.f32 v33, v4;
	v62 =	vbroadcast v19, $0xC;
	v60 =	vadd.s32 v1, v57;
	v39 =	vld.idx.msk [tilespmem:v63+s2+$0x0], $0xffff  }
0x1de: {  	v21 =	vadd.f32 v32, v21;
	v5 =	vadd.f32 v34, v5;
	v30 =	vmul.f32 v30, v45;
	v32 =	vld.idx.msk [tilespmem:v52+s2+$0x0], $0xffff  }
0x1df: {  	v26 =	vmul.f32 v26, v45;
	v3 =	vadd.f32 v29, v3;
	v58 =	vadd.s32 v2, v54;
	v29 =	vld.idx.msk [tilespmem:v53+s2+$0x0], $0xffff  }
0x1e0: {  	v31 =	vmul.f32 v31, v45;
	v59 =	vor.u32 v0, v57;
	v22 =	vadd.f32 v28, v22;
	v28 =	vld.idx.msk [tilespmem:v55+s2+$0x0], $0xffff  }
0x1e1: {  	v61 =	vadd.s32 v2, v57;
	v24 =	vadd.f32 v36, v24;
	v41 =	vmul.f32 v41, v45;
	v34 =	vld.idx.msk [tilespmem:v56+s2+$0x0], $0xffff  }
0x1e2: {  	v21 =	vadd.f32 v30, v21;
	v63 =	vor.u32 v0, v62;
	v52 =	vadd.s32 v1, v62;
	v30 =	vld.idx.msk [tilespmem:v60+s2+$0x0], $0xffff  }
0x1e3: {  	v53 =	vbroadcast v20, $0xC;
	v4 =	vadd.f32 v35, v4;
	v24 =	vadd.f32 v41, v24;
	v41 =	vld [tilespmem:$0xA3E0]  }
0x1e4: {  	v54 =	vadd.s32 v2, v62;
	v3 =	vadd.f32 v26, v3;
	v25 =	vmul.f32 v25, v45;
	v33 =	vld.idx.msk [tilespmem:v58+s2+$0x0], $0xffff  }
0x1e5: {  	v62 =	vbroadcast v20, $0xD;
	v55 =	vmul.f32 v37, v45;
	v56 =	vor.u32 v0, v53;
	v40 =	vld.idx.msk [tilespmem:v59+s2+$0x0], $0xffff  }
0x1e6: {  	v57 =	vadd.s32 v1, v53;
	v4 =	vadd.f32 v31, v4;
	v5 =	vadd.f32 v25, v5;
	v37 =	vld.idx.msk [tilespmem:v61+s2+$0x0], $0xffff  }
0x1e7: {  	v22 =	vadd.f32 v55, v22;
	v55 =	vadd.s32 v2, v62;
	v26 =	vld.idx.msk [tilespmem:v63+s2+$0x0], $0xffff;
	v58 =	vadd.s32 v2, v53  }
0x1e8: {  	v59 =	vbroadcast v19, $0xD;
	v25 =	vld.idx.msk [tilespmem:v52+s2+$0x0], $0xffff;
	v23 =	vmul.f32 v23, v48;
	v53 =	vor.u32 v0, v62  }
0x1e9: {  	v35 =	vld.idx.msk [tilespmem:v54+s2+$0x0], $0xffff;
	v27 =	vmul.f32 v27, v48;
	v52 =	vmul.f32 v38, v48;
	v54 =	vadd.s32 v1, v62  }
0x1ea: {  	v39 =	vmul.f32 v39, v48;
	v32 =	vmul.f32 v32, v48;
	v60 =	vor.u32 v0, v59;
	v42 =	vld.idx.msk [tilespmem:v56+s2+$0x0], $0xffff  }
0x1eb: {  	v29 =	vmul.f32 v29, v48;
	v61 =	vadd.s32 v1, v59;
	v21 =	vadd.f32 v23, v21;
	v23 =	vld.idx.msk [tilespmem:v57+s2+$0x0], $0xffff  }
0x1ec: {  	v63 =	vadd.s32 v2, v59;
	v3 =	vadd.f32 v27, v3;
	v28 =	vmul.f32 v28, v46;
	v36 =	vld.idx.msk [tilespmem:v58+s2+$0x0], $0xffff  }
0x1ed: {  	v22 =	vadd.f32 v52, v22;
	v56 =	vbroadcast v19, $0xE;
	v24 =	vadd.f32 v39, v24;
	v38 =	vld.idx.msk [tilespmem:v53+s2+$0x0], $0xffff  }
0x1ee: {  	v5 =	vadd.f32 v32, v5;
	v59 =	vbroadcast v20, $0xE;
	v21 =	vadd.f32 v28, v21;
	v28 =	vld.idx.msk [tilespmem:v54+s2+$0x0], $0xffff  }
0x1ef: {  	v34 =	vmul.f32 v34, v46;
	v19 =	vbroadcast v19, $0xF;
	v57 =	vor.u32 v0, v56;
	v27 =	vld.idx.msk [tilespmem:v60+s2+$0x0], $0xffff  }
0x1f0: {  	v4 =	vadd.f32 v29, v4;
	v62 =	vadd.s32 v1, v59;
	v33 =	vmul.f32 v33, v46;
	v32 =	vld.idx.msk [tilespmem:v61+s2+$0x0], $0xffff  }
0x1f1: {  	v20 =	vbroadcast v20, $0xF;
	v49 =	vor.u32 v0, v19;
	v26 =	vmul.f32 v26, v47;
	v31 =	vld.idx.msk [tilespmem:v63+s2+$0x0], $0xffff  }
0x1f2: {  	v50 =	vadd.s32 v1, v19;
	v19 =	vadd.s32 v2, v19;
	v22 =	vadd.f32 v33, v22;
	v33 =	vld.idx.msk [tilespmem:v55+s2+$0x0], $0xffff  }
0x1f3: {  	v30 =	vmul.f32 v30, v46;
	v58 =	vadd.s32 v1, v56;
	v21 =	vadd.f32 v26, v21;
	v26 =	vld [tilespmem:$0xA3F0]  }
0x1f4: {  	v3 =	vadd.f32 v34, v3;
	v40 =	vmul.f32 v40, v46;
	v54 =	vor.u32 v0, v20;
	v39 =	vld.idx.msk [tilespmem:v57+s2+$0x0], $0xffff  }
0x1f5: {  	v37 =	vmul.f32 v37, v46;
	v51 =	vmul.f32 v35, v47;
	v60 =	vadd.s32 v2, v56;
	v35 =	vld.idx.msk [tilespmem:v62+s2+$0x0], $0xffff  }
0x1f6: {  	v5 =	vadd.f32 v30, v5;
	v25 =	vmul.f32 v25, v47;
	v61 =	vor.u32 v0, v59;
	v57 =	vld.idx.msk [tilespmem:v49+s2+$0x0], $0xffff  }
0x1f7: {  	v63 =	vadd.s32 v2, v59;
	v24 =	vadd.f32 v40, v24;
	v4 =	vadd.f32 v37, v4;
	v19 =	vld.idx.msk [tilespmem:v19+s2+$0x0], $0xffff  }
0x1f8: {  	v3 =	vadd.f32 v25, v3;
	v52 =	vmul.f32 v42, v47;
	v23 =	vmul.f32 v23, v47;
	v48 =	vld.idx.msk [tilespmem:v58+s2+$0x0], $0xffff  }
0x1f9: {  	v55 =	vadd.s32 v1, v20;
	v20 =	vadd.s32 v2, v20;
	v22 =	vadd.f32 v51, v22;
	v46 =	vld.idx.msk [tilespmem:v54+s2+$0x0], $0xffff  }
0x1fa: {  	v24 =	vadd.f32 v52, v24;
	v56 =	vmul.f32 v36, v47;
	v62 =	vmul.f32 v38, v44;
	v29 =	vld.idx.msk [tilespmem:v60+s2+$0x0], $0xffff  }
0x1fb: {  	v5 =	vadd.f32 v23, v5;
	v34 =	vld.idx.msk [tilespmem:v61+s2+$0x0], $0xffff;
	v58 =	vmul.f32 v27, v44;
	v59 =	vmul.f32 v32, v44  }
0x1fc: {  	v53 =	vld.idx.msk [tilespmem:v63+s2+$0x0], $0xffff;
	v4 =	vadd.f32 v56, v4;
	v61 =	vmul.f32 v31, v44;
	v63 =	vmul.f32 v28, v44  }
0x1fd: {  	v60 =	vld.idx.msk [tilespmem:v50+s2+$0x0], $0xffff;
	v47 =	vmul.f32 v33, v44;
	v24 =	vadd.f32 v62, v24;
	v21 =	vadd.f32 v58, v21  }
0x1fe: {  	v40 =	vmul.f32 v39, v41;
	v3 =	vadd.f32 v59, v3;
	v30 =	vmul.f32 v48, v41;
	v48 =	vld.idx.msk [tilespmem:v55+s2+$0x0], $0xffff  }
0x1ff: {  	v20 =	vld.idx.msk [tilespmem:v20+s2+$0x0], $0xffff;
	v50 =	vmul.f32 v57, v26;
	v22 =	vadd.f32 v61, v22;
	v52 =	vmul.f32 v35, v41  }
0x200: {  	v19 =	vmul.f32 v19, v26;
	v5 =	vadd.f32 v63, v5;
	v21 =	vadd.f32 v40, v21  }
0x201: {  	v4 =	vadd.f32 v47, v4;
	v55 =	vmul.f32 v46, v26;
	v49 =	vmul.f32 v29, v41  }
0x202: {  	v51 =	vmul.f32 v34, v41;
	v53 =	vmul.f32 v53, v41;
	v21 =	vadd.f32 v50, v21  }
0x203: {  	v5 =	vadd.f32 v52, v5;
	v54 =	vmul.f32 v60, v26;
	v56 =	vmul.f32 v48, v26  }
0x204: {  	v3 =	vadd.f32 v30, v3;
	v57 =	vbroadcast v21, $0x0;
	v26 =	vmul.f32 v20, v26  }
0x205: {  	v22 =	vadd.f32 v49, v22;
	v20 =	vbroadcast v21, $0x1;
	v59 =	vbroadcast v21, $0x2  }
0x206: {  	v36 =	vld [tilespmem:$0x1FFD0];
	v3 =	vadd.f32 v54, v3;
	v62 =	vbroadcast v21, $0x4;
	v40 =	vbroadcast v21, $0x6  }
0x207: {  	v37 =	vld [tilespmem:$0x1FFE0];
	v25 =	vadd.f32 v51, v24;
	v47 =	vbroadcast v21, $0x9;
	v49 =	vbroadcast v21, $0xA  }
0x208: {  	v38 =	vld [tilespmem:$0x1FFF0];
	v52 =	vbroadcast v21, $0xB;
	v24 =	vadd.f32 v19, v22;
	v19 =	vbroadcast v3, $0x0  }
0x209: {  	v44 =	vbroadcast v3, $0x1;
	v46 =	vbroadcast v3, $0x2  }
0x20a: {  	v48 =	vbroadcast v3, $0x3;
	v51 =	vbroadcast v3, $0x4  }
0x20b: {  	v54 =	vbroadcast v3, $0x5;
	v58 =	vmul.f32 v57, v36  }
0x20c: {  	v60 =	vmul.f32 v20, v37;
	v20 =	vbroadcast v21, $0x3  }
0x20d: {  	v61 =	vmul.f32 v59, v38;
	v39 =	vmul.f32 v62, v7  }
0x20e: {  	v42 =	vmul.f32 v40, v9;
	v28 =	vmul.f32 v47, v12  }
0x20f: {  	v23 =	vadd.f32 v55, v25;
	v30 =	vmul.f32 v49, v13;
	v55 =	vmul.f32 v52, v14  }
0x210: {  	v4 =	vadd.f32 v53, v4;
	v59 =	vbroadcast v21, $0xD;
	v40 =	vbroadcast v3, $0x8  }
0x211: {  	v47 =	vbroadcast v3, $0xC;
	v49 =	vbroadcast v3, $0xD  }
0x212: {  	v45 =	vmul.f32 v19, v36;
	v19 =	vadd.f32 v26, v4;
	v4 =	vmul.f32 v44, v37  }
0x213: {  	v26 =	vmul.f32 v46, v38;
	v50 =	vmul.f32 v48, v6  }
0x214: {  	v53 =	vmul.f32 v51, v7;
	v57 =	vmul.f32 v54, v8  }
0x215: {  	v44 =	vbroadcast v3, $0xA;
	v46 =	vbroadcast v3, $0xB;
	v27 =	vadd.f32 v60, v58  }
0x216: {  	v54 =	vbroadcast v24, $0x1;
	v35 =	vbroadcast v24, $0x7;
	v4 =	vadd.f32 v4, v45  }
0x217: {  	v33 =	vbroadcast v23, $0xD;
	v63 =	vmul.f32 v20, v6;
	v27 =	vadd.f32 v27, v61  }
0x218: {  	v20 =	vbroadcast v21, $0x5;
	v58 =	vbroadcast v3, $0x6;
	v4 =	vadd.f32 v4, v26  }
0x219: {  	v62 =	vmul.f32 v59, v16;
	v51 =	vmul.f32 v49, v16;
	v27 =	vadd.f32 v27, v63  }
0x21a: {  	v59 =	vbroadcast v24, $0x5;
	v48 =	vmul.f32 v46, v14;
	v4 =	vadd.f32 v4, v50  }
0x21b: {  	v41 =	vmul.f32 v20, v8;
	v20 =	vbroadcast v21, $0x7;
	v27 =	vadd.f32 v27, v39  }
0x21c: {  	v60 =	vmul.f32 v58, v9;
	v61 =	vbroadcast v3, $0x7;
	v4 =	vadd.f32 v4, v53  }
0x21d: {  	v58 =	vbroadcast v24, $0x4;
	v26 =	vmul.f32 v54, v37;
	v27 =	vadd.f32 v27, v41  }
0x21e: {  	v54 =	vbroadcast v23, $0x8;
	v43 =	vmul.f32 v20, v10;
	v4 =	vadd.f32 v4, v57  }
0x21f: {  	v20 =	vadd.f32 v56, v5;
	v5 =	vbroadcast v21, $0x8;
	v22 =	vadd.f32 v27, v42  }
0x220: {  	v56 =	vbroadcast v21, $0xC;
	v39 =	vmul.f32 v61, v10;
	v4 =	vadd.f32 v4, v60  }
0x221: {  	v63 =	vbroadcast v21, $0xE;
	v5 =	vmul.f32 v5, v11;
	v22 =	vadd.f32 v22, v43  }
0x222: {  	v42 =	vmul.f32 v40, v11;
	v43 =	vbroadcast v3, $0x9;
	v4 =	vadd.f32 v4, v39  }
0x223: {  	v21 =	vbroadcast v21, $0xF;
	v50 =	vbroadcast v3, $0xE;
	v5 =	vadd.f32 v22, v5  }
0x224: {  	v32 =	vmul.f32 v56, v15;
	v45 =	vmul.f32 v43, v12;
	v4 =	vadd.f32 v4, v42  }
0x225: {  	v21 =	vmul.f32 v21, v18;
	v56 =	vbroadcast v24, $0x3;
	v5 =	vadd.f32 v5, v28  }
0x226: {  	v61 =	vbroadcast v23, $0x0;
	v22 =	vmul.f32 v44, v13;
	v4 =	vadd.f32 v4, v45  }
0x227: {  	v52 =	vmul.f32 v50, v17;
	v53 =	vbroadcast v24, $0x0;
	v5 =	vadd.f32 v5, v30  }
0x228: {  	v50 =	vbroadcast v24, $0xB;
	v41 =	vmul.f32 v63, v17;
	v4 =	vadd.f32 v4, v22  }
0x229: {  	v63 =	vbroadcast v23, $0x1;
	v31 =	vmul.f32 v61, v36;
	v5 =	vadd.f32 v5, v55  }
0x22a: {  	v40 =	vmul.f32 v35, v10;
	v28 =	vmul.f32 v47, v15;
	v4 =	vadd.f32 v4, v48  }
0x22b: {  	v35 =	vbroadcast v23, $0xE;
	v3 =	vbroadcast v3, $0xF;
	v5 =	vadd.f32 v5, v32  }
0x22c: {  	v60 =	vmul.f32 v58, v7;
	v44 =	vbroadcast v24, $0x9;
	v4 =	vadd.f32 v4, v28  }
0x22d: {  	v39 =	vbroadcast v23, $0x3;
	v3 =	vmul.f32 v3, v18;
	v5 =	vadd.f32 v5, v62  }
0x22e: {  	v42 =	vbroadcast v23, $0x4;
	v46 =	vmul.f32 v44, v12;
	v4 =	vadd.f32 v4, v51  }
0x22f: {  	v47 =	vbroadcast v24, $0xA;
	v44 =	vbroadcast v19, $0x1;
	v5 =	vadd.f32 v5, v41  }
0x230: {  	v45 =	vbroadcast v23, $0x5;
	v30 =	vmul.f32 v53, v36;
	v4 =	vadd.f32 v4, v52  }
0x231: {  	v49 =	vmul.f32 v47, v13;
	v53 =	vbroadcast v24, $0xC;
	v22 =	vadd.f32 v5, v21  }
0x232: {  	v21 =	vadd.f32 v4, v3;
	v3 =	vmul.f32 v63, v37;
	v4 =	vbroadcast v23, $0x2  }
0x233: {  	v47 =	vbroadcast v20, $0x3;
	v55 =	vbroadcast v24, $0x2  }
0x234: {  	v48 =	vbroadcast v23, $0x6;
	v3 =	vadd.f32 v3, v31;
	v4 =	vmul.f32 v4, v38  }
0x235: {  	v57 =	vmul.f32 v55, v38;
	v55 =	vmul.f32 v53, v15  }
0x236: {  	v32 =	vbroadcast v19, $0x7;
	v3 =	vadd.f32 v3, v4;
	v4 =	vmul.f32 v39, v6  }
0x237: {  	v26 =	vadd.f32 v26, v30;
	v28 =	vmul.f32 v56, v6;
	v56 =	vbroadcast v24, $0xD  }
0x238: {  	v62 =	vmul.f32 v59, v8;
	v3 =	vadd.f32 v3, v4;
	v4 =	vmul.f32 v42, v7  }
0x239: {  	v26 =	vadd.f32 v26, v57;
	v57 =	vbroadcast v23, $0x9;
	v59 =	vbroadcast v24, $0xE  }
0x23a: {  	v51 =	vbroadcast v23, $0x7;
	v3 =	vadd.f32 v3, v4;
	v4 =	vmul.f32 v45, v8  }
0x23b: {  	v58 =	vmul.f32 v56, v16;
	v56 =	vbroadcast v19, $0x5  }
0x23c: {  	v41 =	vbroadcast v24, $0x8;
	v3 =	vadd.f32 v3, v4;
	v4 =	vmul.f32 v48, v9  }
0x23d: {  	v61 =	vmul.f32 v59, v17;
	v52 =	vmul.f32 v50, v14  }
0x23e: {  	v50 =	vbroadcast v20, $0x4;
	v3 =	vadd.f32 v3, v4;
	v4 =	vmul.f32 v51, v10  }
0x23f: {  	v26 =	vadd.f32 v26, v28;
	v59 =	vmul.f32 v56, v8;
	v56 =	vbroadcast v19, $0xD  }
0x240: {  	v5 =	vbroadcast v24, $0x6;
	v3 =	vadd.f32 v3, v4;
	v4 =	vmul.f32 v54, v11  }
0x241: {  	v43 =	vmul.f32 v41, v11;
	v25 =	vadd.f32 v26, v60;
	v60 =	vbroadcast v23, $0xA  }
0x242: {  	v24 =	vbroadcast v24, $0xF;
	v3 =	vadd.f32 v3, v4;
	v4 =	vmul.f32 v57, v12  }
0x243: {  	v41 =	vbroadcast v20, $0x1;
	v5 =	vmul.f32 v5, v9;
	v25 =	vadd.f32 v25, v62  }
0x244: {  	v62 =	vbroadcast v23, $0xB;
	v3 =	vadd.f32 v3, v4;
	v4 =	vmul.f32 v60, v13  }
0x245: {  	v63 =	vbroadcast v23, $0xC;
	v53 =	vmul.f32 v50, v7;
	v5 =	vadd.f32 v25, v5  }
0x246: {  	v50 =	vbroadcast v20, $0xC;
	v3 =	vadd.f32 v3, v4;
	v4 =	vmul.f32 v62, v14  }
0x247: {  	v23 =	vbroadcast v23, $0xF;
	v5 =	vadd.f32 v5, v40;
	v40 =	vbroadcast v20, $0x0  }
0x248: {  	v34 =	vmul.f32 v63, v15;
	v25 =	vmul.f32 v44, v37;
	v3 =	vadd.f32 v3, v4  }
0x249: {  	v5 =	vadd.f32 v5, v43;
	v42 =	vmul.f32 v40, v36;
	v43 =	vbroadcast v19, $0x0  }
0x24a: {  	v45 =	vbroadcast v20, $0x2;
	v4 =	vmul.f32 v33, v16;
	v3 =	vadd.f32 v3, v34  }
0x24b: {  	v5 =	vadd.f32 v5, v46;
	v29 =	vmul.f32 v43, v36;
	v46 =	vbroadcast v19, $0x2  }
0x24c: {  	v48 =	vbroadcast v19, $0x3;
	v3 =	vadd.f32 v3, v4;
	v4 =	vmul.f32 v41, v37  }
0x24d: {  	v5 =	vadd.f32 v5, v49;
	v25 =	vadd.f32 v25, v29;
	v27 =	vmul.f32 v46, v38  }
0x24e: {  	v26 =	vmul.f32 v45, v38;
	v51 =	vmul.f32 v48, v6;
	v4 =	vadd.f32 v4, v42  }
0x24f: {  	v5 =	vadd.f32 v5, v52;
	v25 =	vadd.f32 v25, v27;
	v52 =	vbroadcast v19, $0x4  }
0x250: {  	v39 =	vmul.f32 v35, v17;
	v49 =	vmul.f32 v47, v6;
	v4 =	vadd.f32 v4, v26  }
0x251: {  	v5 =	vadd.f32 v5, v55;
	v25 =	vadd.f32 v25, v51;
	v55 =	vmul.f32 v52, v7  }
0x252: {  	v35 =	vmul.f32 v32, v10;
	v54 =	vbroadcast v20, $0x5;
	v4 =	vadd.f32 v4, v49  }
0x253: {  	v5 =	vadd.f32 v5, v58;
	v25 =	vadd.f32 v25, v55;
	v60 =	vbroadcast v19, $0x6  }
0x254: {  	v57 =	vmul.f32 v54, v8;
	v58 =	vbroadcast v20, $0x6;
	v4 =	vadd.f32 v4, v53  }
0x255: {  	v5 =	vadd.f32 v5, v61;
	v25 =	vadd.f32 v25, v59;
	v63 =	vmul.f32 v60, v9  }
0x256: {  	v61 =	vmul.f32 v58, v9;
	v62 =	vbroadcast v20, $0x7;
	v4 =	vadd.f32 v4, v57  }
0x257: {  	v40 =	vbroadcast v19, $0x9;
	v36 =	vbroadcast v19, $0x8;
	v25 =	vadd.f32 v25, v63  }
0x258: {  	v33 =	vmul.f32 v62, v10;
	v34 =	vbroadcast v20, $0x8;
	v4 =	vadd.f32 v4, v61  }
0x259: {  	v25 =	vadd.f32 v25, v35;
	v3 =	vadd.f32 v3, v39;
	v39 =	vmul.f32 v36, v11  }
0x25a: {  	v38 =	vbroadcast v20, $0x9;
	v37 =	vmul.f32 v34, v11;
	v4 =	vadd.f32 v4, v33  }
0x25b: {  	v44 =	vbroadcast v19, $0xA;
	v43 =	vmul.f32 v40, v12;
	v25 =	vadd.f32 v25, v39  }
0x25c: {  	v41 =	vmul.f32 v38, v12;
	v42 =	vbroadcast v20, $0xA;
	v4 =	vadd.f32 v4, v37  }
0x25d: {  	v47 =	vmul.f32 v44, v13;
	v48 =	vbroadcast v19, $0xB;
	v25 =	vadd.f32 v25, v43  }
0x25e: {  	v46 =	vbroadcast v20, $0xB;
	v45 =	vmul.f32 v42, v13;
	v4 =	vadd.f32 v4, v41  }
0x25f: {  	v51 =	vmul.f32 v48, v14;
	v52 =	vbroadcast v19, $0xC;
	v25 =	vadd.f32 v25, v47  }
0x260: {  	v24 =	vmul.f32 v24, v18;
	v49 =	vmul.f32 v46, v14;
	v4 =	vadd.f32 v4, v45  }
0x261: {  	v23 =	vmul.f32 v23, v18;
	v55 =	vmul.f32 v52, v15;
	v25 =	vadd.f32 v25, v51  }
0x262: {  	v54 =	vbroadcast v20, $0xD;
	v53 =	vmul.f32 v50, v15;
	v4 =	vadd.f32 v4, v49  }
0x263: {  	v59 =	vmul.f32 v56, v16;
	v60 =	vbroadcast v19, $0xE;
	v25 =	vadd.f32 v25, v55  }
0x264: {  	v58 =	vbroadcast v20, $0xE;
	v57 =	vmul.f32 v54, v16;
	v4 =	vadd.f32 v4, v53  }
0x265: {  	v19 =	vbroadcast v19, $0xF;
	v62 =	vmul.f32 v60, v17;
	v25 =	vadd.f32 v25, v59  }
0x266: {  	s18 =	sshra.s32 s16, $0x2;
	v20 =	vbroadcast v20, $0xF;
	v61 =	vmul.f32 v58, v17;
	v4 =	vadd.f32 v4, v57  }
0x267: {  	p0 =	sne.s32 s16, $0xBFC0;
	[tilespmem:s18+$0xA4B0] =	vst v22;
	v19 =	vmul.f32 v19, v18;
	v3 =	vadd.f32 v3, v23;
	v63 =	vadd.f32 v25, v62  }
.Ltmp0:
0x268: {  	[tilespmem:s18+$0xA4C0] =	vst v21;
	v5 =	vadd.f32 v5, v24;
	v20 =	vmul.f32 v20, v18;
	v4 =	vadd.f32 v4, v61;
	(pc) =	sbr.rel @p0 .LBB2_2-.Ltmp0, $4  }
0x269: {  	[tilespmem:s18+$0xA4E0] =	vst v3;
	v3 =	vadd.f32 v63, v19  }
0x26a: {  	[tilespmem:s18+$0xA4D0] =	vst v5;
	v4 =	vadd.f32 v4, v20  }
0x26b: {  	[tilespmem:s18+$0xA500] =	vst v3  }
0x26c: {  	s16 =	sadd.s32 $0x180, s16;
	s17 =	sadd.s32 $0x80, s17;
	[tilespmem:s18+$0xA4F0] =	vst v4  }
0x26d: {  	s15 =	sadd.s32 $0x1, s15  }
0x26e: {  	p0 =	sne.s32 s15, s9  }
.Ltmp1:
0x26f: {  	_ = 	snop;
	(pc) =	sbr.rel @p0 .LBB2_1-.Ltmp1, $4  }
0x270: {  	[hbm4b:s8+s2] =	stream.linear.scatter [tilespmem:s13], [sflag:$0x2], $0x3000, $0x38;
	[tilespmem:$0xD500] =	vst v63  }
0x271: {  	_ =	swait.ge [sflag:s14], $0x3000  }
0x272: {  	[sflag:s14] =	ssyncset.done $0x0  }
0x273: {  	[sflag:s14] =	ssyncadd.s32 $0xFFFFD000  }
0x274: {  	_ =	sfence.sel $0x180000  }
0x275: {  	[bflag:$0x0] =	sbarrier.arrive $0xFFFF  }
0x276: {  	p0 =	sne.s32 s0, $0x0;
	_ =	strace $0x90000047  }
0x277: {  	s0 =	sadd.s32 @!p0 $0x100000, s1;
	[bflag:$0x2] =	sbarrier.arrive $0xFFFF  }
0x278: {  	[sflag:s0] =	ssyncadd.tile.s32 @!p0 $0x1;
	_ =	shalt  }
.Lfunc_end2:
_tile_overlayer_lowered:
.L_overlay_start_2:
0x279: {  	(tag) =	ssettag $0x2  }
0x27a: {  	s0 =	rddreg [dreg:$0x0];
	s2 =	stileid.u32  }
0x27b: {  	s1 =	rddreg [dreg:$0x1];
	p0 =	sne.s32 s2, $0x0  }
0x27c: {  	s3 =	rddreg [dreg:$0x2];
	[bflag:$0x3] =	sbarrier.arrive $0xFFFF;
	s2 =	simm.s32 @!p0 $0x1C02  }
0x27d: {  	[timem:s3], [sflag:s2] =	dma.local @!p0 [hbm:s0], s1  }
0x27e: {  	s0 =	simm.s32 @!p0 $0x2  }
0x27f: {  	_ =	swait.ge @!p0 [sflag:s0], s1  }
0x280: {  	s1 =	ssub.s32 @!p0 $0x0, s1;
	[sflag:s0] =	ssyncset.done @!p0 $0x0  }
0x281: {  	[sflag:s0] =	ssyncadd.s32 @!p0 s1  }
0x282: {  	[bflag:$0x3] =	sbarrier.arrive $0xFFFF  }
0x283: {  	_ =	shalt  }

</sc_bundles>
